<compile_context>
chip_gen: v7x
topology: tpu7x:2x2x1
jax: 0.10.2.dev20260603
libtpu: 0.0.44.dev20260713+nightly
codegen_flags: <defaults>
</compile_context>

<pallas_src>
import functools

import jax
import jax.numpy as jnp
from jax import lax
from jax.experimental import pallas as pl
from jax.experimental.pallas import tpu as pltpu
from jax.experimental.pallas import tpu_sc as plsc

_TH = 0.7
_N = 5000
_B = 128
_NB = 40
_NP = _NB * _B
_P = 2048
_TOPN = 2000
_D = 16
_NW = 32
_RPW = _NP // _NW


def _nms_body(
    b_ref, x1_ref, y1_ref, x2_ref, y2_ref, xw_ref, yw_ref, xW_ref, yW_ref,
    out_ref, keep_ref,
):
    f32 = jnp.float32
    bf16 = jnp.bfloat16
    rth = _TH / (1.0 + _TH)

    keep_ref[:] = jnp.ones((_NB, 1, _B), f32)

    tri = (
        lax.broadcasted_iota(jnp.int32, (_B, _B), 1)
        > lax.broadcasted_iota(jnp.int32, (_B, _B), 0)
    )
    tx1w_full = xw_ref[:]
    ty1w_full = yw_ref[:]
    tx2w_full = xW_ref[:]
    ty2w_full = yW_ref[:]

    def make_blk_body(c0):
        tx1w = lax.slice(tx1w_full, (0, c0 * _B), (1, _NP))
        ty1w = lax.slice(ty1w_full, (0, c0 * _B), (1, _NP))
        tx2w = lax.slice(tx2w_full, (0, c0 * _B), (1, _NP))
        ty2w = lax.slice(ty2w_full, (0, c0 * _B), (1, _NP))
        rtaw = ((tx2w - tx1w) * (ty2w - ty1w) + 1e-8) * rth
        wcol = lax.broadcasted_iota(jnp.int32, (1, _NP - c0 * _B), 1) + c0 * _B

        def blk_body(blk, _):
            pb = b_ref[pl.ds(blk * _B, _B), :]
            px1 = pb[:, 0:1]
            py1 = pb[:, 1:2]
            px2 = pb[:, 2:3]
            py2 = pb[:, 3:4]
            rpa = (px2 - px1) * (py2 - py1) * rth

            tx1 = x1_ref[blk]
            ty1 = y1_ref[blk]
            tx2 = x2_ref[blk]
            ty2 = y2_ref[blk]
            rta = ((tx2 - tx1) * (ty2 - ty1) + 1e-8) * rth
            xx1 = jnp.maximum(px1, tx1)
            yy1 = jnp.maximum(py1, ty1)
            xx2 = jnp.minimum(px2, tx2)
            yy2 = jnp.minimum(py2, ty2)
            w = jnp.maximum(xx2 - xx1, 0.0)
            h = jnp.maximum(yy2 - yy1, 0.0)
            inter = w * h
            m = ((inter > rpa + rta) & tri).astype(f32)
            elig = keep_ref[blk]

            def fp_cond(carry):
                return carry[1]

            def fp_step(k):
                sup = lax.dot_general(
                    k, m, (((1,), (0,)), ((), ())), preferred_element_type=f32
                )
                return jnp.where(sup > 0.0, 0.0, elig)

            def fp_body(carry):
                k, _ = carry
                knew = fp_step(k)
                return knew, jnp.any(knew != k)

            k, _ = lax.while_loop(fp_cond, fp_body, (elig, jnp.array(True)))
            keep_ref[blk] = k

            wxx1 = jnp.maximum(px1, tx1w)
            wyy1 = jnp.maximum(py1, ty1w)
            wxx2 = jnp.minimum(px2, tx2w)
            wyy2 = jnp.minimum(py2, ty2w)
            ww = jnp.maximum(wxx2 - wxx1, 0.0)
            wh = jnp.maximum(wyy2 - wyy1, 0.0)
            winter = ww * wh
            mw = (winter > rpa + rtaw).astype(f32)
            sup = lax.dot_general(
                k, mw, (((1,), (0,)), ((), ())), preferred_element_type=f32
            )
            supm = (sup > 0.0) & (wcol >= (blk + 1) * _B)
            for c in range(c0, _NB):
                sc = lax.slice(
                    supm, (0, (c - c0) * _B), (1, (c - c0 + 1) * _B)
                )
                keep_ref[c] = jnp.where(sc, 0.0, keep_ref[c])
            return 0

        return blk_body

    _TIER = 5
    for t0 in range(0, _NB, _TIER):
        lax.fori_loop(t0, t0 + _TIER, make_blk_body(t0), 0)

    keep = keep_ref[:].reshape(_NB, _B)
    gidx = (
        lax.broadcasted_iota(jnp.int32, (_NB, _B), 0) * _B
        + lax.broadcasted_iota(jnp.int32, (_NB, _B), 1)
    )
    validf = (gidx < _N).astype(f32)
    kv = keep * validf
    nv = (1.0 - keep) * validf

    upper = (
        lax.broadcasted_iota(jnp.int32, (_B, _B), 0)
        <= lax.broadcasted_iota(jnp.int32, (_B, _B), 1)
    ).astype(f32)
    dot = functools.partial(
        lax.dot_general,
        dimension_numbers=(((1,), (0,)), ((), ())),
        preferred_element_type=f32,
    )
    kc = dot(kv, upper)
    nc = dot(nv, upper)
    rsk = kc[:, _B - 1 : _B]
    rsn = nc[:, _B - 1 : _B]
    lstrict = (
        lax.broadcasted_iota(jnp.int32, (_NB, _NB), 1)
        < lax.broadcasted_iota(jnp.int32, (_NB, _NB), 0)
    ).astype(f32)
    offk = dot(lstrict, rsk)
    offn = dot(lstrict, rsn)
    nk = jnp.sum(kv)
    posk = kc - 1.0 + offk
    posn = nc - 1.0 + offn + nk
    pos = jnp.where(kv > 0.0, posk, jnp.where(nv > 0.0, posn, 99999.0))
    pos = jnp.where(pos < float(_P), pos, float(_P))
    out_ref[:] = pos.astype(jnp.int32).reshape(_NB, 1, _B)


def _sc_scatter_body(
    b_hbm, pos_hbm, out_hbm, idx_a, idx_b, rows_a, rows_b, s1, s2, s3, s4
):
    wid = lax.axis_index("s") * 2 + lax.axis_index("c")
    base = wid * _RPW
    c1 = pltpu.async_copy(pos_hbm.at[pl.ds(base, 128)], idx_a, s1)
    c2 = pltpu.async_copy(pos_hbm.at[pl.ds(base + 128, 32)], idx_b, s2)
    c3 = pltpu.async_copy(b_hbm.at[pl.ds(base, 128)], rows_a, s3)
    c4 = pltpu.async_copy(b_hbm.at[pl.ds(base + 128, 32)], rows_b, s4)
    c1.wait()
    c3.wait()
    sc1 = pltpu.async_copy(rows_a, out_hbm.at[idx_a], s1)
    c2.wait()
    c4.wait()
    sc2 = pltpu.async_copy(rows_b, out_hbm.at[idx_b], s2)
    sc1.wait()
    sc2.wait()


_sc_scatter = functools.partial(
    pl.kernel,
    out_type=jax.ShapeDtypeStruct((_P + 8, _D), jnp.float32),
    mesh=plsc.VectorSubcoreMesh(core_axis_name="c", subcore_axis_name="s"),
    compiler_params=pltpu.CompilerParams(use_tc_tiling_on_sc=False),
    scratch_types=[
        pltpu.VMEM((128,), jnp.int32),
        pltpu.VMEM((32,), jnp.int32),
        pltpu.VMEM((128, _D), jnp.float32),
        pltpu.VMEM((32, _D), jnp.float32),
        pltpu.SemaphoreType.DMA,
        pltpu.SemaphoreType.DMA,
        pltpu.SemaphoreType.DMA,
        pltpu.SemaphoreType.DMA,
    ],
)(_sc_scatter_body)


def kernel(boxes, scores):
    _, x1s, y1s, x2s, y2s = lax.sort(
        (-scores, boxes[:, 0], boxes[:, 1], boxes[:, 2], boxes[:, 3]),
        num_keys=1,
    )
    pad0 = jnp.zeros((_NP - _N,), jnp.float32)
    x1s = jnp.concatenate([x1s, pad0])
    y1s = jnp.concatenate([y1s, pad0])
    x2s = jnp.concatenate([x2s, pad0])
    y2s = jnp.concatenate([y2s, pad0])
    bp = jnp.stack([x1s, y1s, x2s, y2s], axis=1)

    x1 = x1s.reshape(_NB, 1, _B)
    y1 = y1s.reshape(_NB, 1, _B)
    x2 = x2s.reshape(_NB, 1, _B)
    y2 = y2s.reshape(_NB, 1, _B)
    xw = x1s.reshape(1, _NP)
    yw = y1s.reshape(1, _NP)
    xW = x2s.reshape(1, _NP)
    yW = y2s.reshape(1, _NP)

    pos = pl.pallas_call(
        _nms_body,
        out_shape=jax.ShapeDtypeStruct((_NB, 1, _B), jnp.int32),
        scratch_shapes=[pltpu.VMEM((_NB, 1, _B), jnp.float32)],
    )(bp, x1, y1, x2, y2, xw, yw, xW, yW)

    bp16 = jnp.pad(bp, ((0, 0), (1, _D - 5)))
    out16 = _sc_scatter(bp16, pos.reshape(_NP))
    return out16[:_TOPN, :5]

# --- scband reference (transcript-rebuilt; emitter-appended) ---
"""Pipeline reference for scband-rpn-48129403519607 (READ-ONLY COPY).

The authoritative reference and input builder live on the scoring server;
editing this copy changes nothing except your own understanding.
"""

import jax, jax.numpy as jnp
import numpy as np

RPN_NMS_THRESH = 0.7
POST_NMS_TOP_N = 2000
IM_SIZE = 1024.0


def setup_inputs(seed: int = 0) -> dict:
    key = jax.random.key(seed)
    k1, k2 = jax.random.split(key, 2)
    N = 5000
    # boxes: fill=rand scaled to image coords; enforce x1<x2, y1<y2
    raw = jax.random.uniform(k1, (N, 4), dtype=jnp.float32) * IM_SIZE
    x1 = jnp.minimum(raw[:, 0], raw[:, 2])
    x2 = jnp.maximum(raw[:, 0], raw[:, 2])
    y1 = jnp.minimum(raw[:, 1], raw[:, 3])
    y2 = jnp.maximum(raw[:, 1], raw[:, 3])
    boxes = jnp.stack([x1, y1, x2, y2], axis=1)
    scores = jax.random.uniform(k2, (N,), dtype=jnp.float32)
    return {"boxes": boxes, "scores": scores}


def _iou_matrix(boxes):
    x1, y1, x2, y2 = boxes[:, 0], boxes[:, 1], boxes[:, 2], boxes[:, 3]
    area = (x2 - x1) * (y2 - y1)
    xx1 = jnp.maximum(x1[:, None], x1[None, :])
    yy1 = jnp.maximum(y1[:, None], y1[None, :])
    xx2 = jnp.minimum(x2[:, None], x2[None, :])
    yy2 = jnp.minimum(y2[:, None], y2[None, :])
    w = jnp.clip(xx2 - xx1, 0.0)
    h = jnp.clip(yy2 - yy1, 0.0)
    inter = w * h
    union = area[:, None] + area[None, :] - inter
    return inter / (union + 1e-8)


def reference(boxes, scores):
    # Mirrors RPN.forward post-proposal stage: concat proposals across FPN
    # levels (already aggregated into `boxes`/`scores`), greedy NMS at
    # cfg.RPN_NMS_THRESH, keep top POST_NMS_TOP_N, emit rois [M, 5] with
    # col 0 = batch index (batch_size=1 here), cols 1:5 = x1,y1,x2,y2.
    N = boxes.shape[0]
    order = jnp.argsort(-scores)
    b = jnp.take(boxes, order, axis=0)
    s = jnp.take(scores, order, axis=0)
    iou = _iou_matrix(b)
    idx = jnp.arange(N)

    def body(i, keep):
        suppress = keep[i] & (iou[i] > RPN_NMS_THRESH) & (idx > i)
        return keep & (~suppress)

    keep = jax.lax.fori_loop(0, N, body, jnp.ones((N,), dtype=bool))
    masked = jnp.where(keep, s, -jnp.inf)
    _, top_idx = jax.lax.top_k(masked, POST_NMS_TOP_N)
    sel = jnp.take(b, top_idx, axis=0)
    batch_col = jnp.zeros((POST_NMS_TOP_N, 1), dtype=sel.dtype)
    rois = jnp.concatenate([batch_col, sel], axis=1)
    return rois

if __name__ == "__main__":
    import jax
    _d = setup_inputs()
    print(jax.jit(kernel)(*tuple(_d.values())))

</pallas_src>

<mosaic_0001>
#map = affine_map<(d0, d1) -> (0, 0)>
#map1 = affine_map<(d0, d1) -> (0)>
module attributes {stable_mosaic.version = 14 : i64} {
  func.func @_sc_scatter_body(%arg0: i32, %arg1: i32, %arg2: memref<5120x16xf32, #tpu.memory_space<hbm>>, %arg3: memref<5120xi32, #tpu.memory_space<hbm>>, %arg4: memref<2056x16xf32, #tpu.memory_space<hbm>>, %arg5: memref<128xi32, #tpu.memory_space<vmem>>, %arg6: memref<32xi32, #tpu.memory_space<vmem>>, %arg7: memref<128x16xf32, #tpu.memory_space<vmem>>, %arg8: memref<32x16xf32, #tpu.memory_space<vmem>>, %arg9: memref<!tpu.dma_semaphore, #tpu.memory_space<semaphore_mem>>, %arg10: memref<!tpu.dma_semaphore, #tpu.memory_space<semaphore_mem>>, %arg11: memref<!tpu.dma_semaphore, #tpu.memory_space<semaphore_mem>>, %arg12: memref<!tpu.dma_semaphore, #tpu.memory_space<semaphore_mem>>) attributes {dimension_semantics = [#tpu.dimension_semantics<core_parallel>, #tpu.dimension_semantics<subcore_parallel>], iteration_bounds = array<i64: 2, 16>, scalar_prefetch = 0 : i64, scratch_operands = 8 : i64, tpu.core_type = #tpu.core_type<sc_vector_subcore>, window_params = [{transform_indices = #map}, {transform_indices = #map1}, {transform_indices = #map}]} {
    %mul3A = arith.constant 2 : i32
    %mul3A_0 = arith.muli %arg1, %mul3A : i32
    %add3A = arith.addi %mul3A_0, %arg0 : i32
    %mul3A_1 = arith.constant 160 : i32
    %mul3A_2 = arith.muli %add3A, %mul3A_1 : i32
    %dma_start3A = tpu.memref_slice %arg3[%mul3A_2] : memref<5120xi32, #tpu.memory_space<hbm>> -> memref<128xi32, #tpu.memory_space<hbm>>
    %dma_start3A_3 = tpu.memref_slice %arg3[%mul3A_2] : memref<5120xi32, #tpu.memory_space<hbm>> -> memref<128xi32, #tpu.memory_space<hbm>>
    tpu.enqueue_dma source(%dma_start3A_3 : memref<128xi32, #tpu.memory_space<hbm>>) target(%arg5 : memref<128xi32, #tpu.memory_space<vmem>>) target_semaphore(%arg9 : memref<!tpu.dma_semaphore, #tpu.memory_space<semaphore_mem>>)
    %add3A_4 = arith.constant 128 : i32
    %add3A_5 = arith.addi %mul3A_2, %add3A_4 : i32
    %dma_start3A_6 = tpu.memref_slice %arg3[%add3A_5] : memref<5120xi32, #tpu.memory_space<hbm>> -> memref<32xi32, #tpu.memory_space<hbm>>
    %dma_start3A_7 = tpu.memref_slice %arg3[%add3A_5] : memref<5120xi32, #tpu.memory_space<hbm>> -> memref<32xi32, #tpu.memory_space<hbm>>
    tpu.enqueue_dma source(%dma_start3A_7 : memref<32xi32, #tpu.memory_space<hbm>>) target(%arg6 : memref<32xi32, #tpu.memory_space<vmem>>) target_semaphore(%arg10 : memref<!tpu.dma_semaphore, #tpu.memory_space<semaphore_mem>>)
    %dma_start3A_8 = arith.constant 0 : i32
    %dma_start3A_9 = tpu.memref_slice %arg2[%mul3A_2, %dma_start3A_8] : memref<5120x16xf32, #tpu.memory_space<hbm>> -> memref<128x16xf32, #tpu.memory_space<hbm>>
    %dma_start3A_10 = arith.constant 0 : i32
    %dma_start3A_11 = tpu.memref_slice %arg2[%mul3A_2, %dma_start3A_10] : memref<5120x16xf32, #tpu.memory_space<hbm>> -> memref<128x16xf32, #tpu.memory_space<hbm>>
    tpu.enqueue_dma source(%dma_start3A_11 : memref<128x16xf32, #tpu.memory_space<hbm>>) target(%arg7 : memref<128x16xf32, #tpu.memory_space<vmem>>) target_semaphore(%arg11 : memref<!tpu.dma_semaphore, #tpu.memory_space<semaphore_mem>>)
    %add3A_12 = arith.constant 128 : i32
    %add3A_13 = arith.addi %mul3A_2, %add3A_12 : i32
    %dma_start3A_14 = arith.constant 0 : i32
    %dma_start3A_15 = tpu.memref_slice %arg2[%add3A_13, %dma_start3A_14] : memref<5120x16xf32, #tpu.memory_space<hbm>> -> memref<32x16xf32, #tpu.memory_space<hbm>>
    %dma_start3A_16 = arith.constant 0 : i32
    %dma_start3A_17 = tpu.memref_slice %arg2[%add3A_13, %dma_start3A_16] : memref<5120x16xf32, #tpu.memory_space<hbm>> -> memref<32x16xf32, #tpu.memory_space<hbm>>
    tpu.enqueue_dma source(%dma_start3A_17 : memref<32x16xf32, #tpu.memory_space<hbm>>) target(%arg8 : memref<32x16xf32, #tpu.memory_space<vmem>>) target_semaphore(%arg12 : memref<!tpu.dma_semaphore, #tpu.memory_space<semaphore_mem>>)
    %dma_wait3A = tpu.memref_slice %arg3[%mul3A_2] : memref<5120xi32, #tpu.memory_space<hbm>> -> memref<128xi32, #tpu.memory_space<hbm>>
    %dma_wait3A_18 = tpu.memref_slice %arg3[%mul3A_2] : memref<5120xi32, #tpu.memory_space<hbm>> -> memref<128xi32, #tpu.memory_space<hbm>>
    tpu.wait_dma2 semaphore(%arg9 : memref<!tpu.dma_semaphore, #tpu.memory_space<semaphore_mem>>) src(%dma_wait3A_18 : memref<128xi32, #tpu.memory_space<hbm>>) dst(%arg5 : memref<128xi32, #tpu.memory_space<vmem>>)
    %dma_wait3A_19 = arith.constant 0 : i32
    %dma_wait3A_20 = tpu.memref_slice %arg2[%mul3A_2, %dma_wait3A_19] : memref<5120x16xf32, #tpu.memory_space<hbm>> -> memref<128x16xf32, #tpu.memory_space<hbm>>
    %dma_wait3A_21 = arith.constant 0 : i32
    %dma_wait3A_22 = tpu.memref_slice %arg2[%mul3A_2, %dma_wait3A_21] : memref<5120x16xf32, #tpu.memory_space<hbm>> -> memref<128x16xf32, #tpu.memory_space<hbm>>
    tpu.wait_dma2 semaphore(%arg11 : memref<!tpu.dma_semaphore, #tpu.memory_space<semaphore_mem>>) src(%dma_wait3A_22 : memref<128x16xf32, #tpu.memory_space<hbm>>) dst(%arg7 : memref<128x16xf32, #tpu.memory_space<vmem>>)
    %dma_start3A_23 = arith.constant 0 : i32
    %dma_start3A_24 = arith.constant 0 : i32
    %dma_start3A_25 = tpu.memref_slice %arg4[%dma_start3A_23, %dma_start3A_24] : memref<2056x16xf32, #tpu.memory_space<hbm>> -> memref<2056x16xf32, #tpu.memory_space<hbm>>
    tpu.enqueue_indirect_dma source(%arg7 : memref<128x16xf32, #tpu.memory_space<vmem>>) target(%dma_start3A_25 : memref<2056x16xf32, #tpu.memory_space<hbm>>) offsets(%arg5 : memref<128xi32, #tpu.memory_space<vmem>>) semaphore(%arg9 : memref<!tpu.dma_semaphore, #tpu.memory_space<semaphore_mem>>)
    %dma_wait3A_26 = tpu.memref_slice %arg3[%add3A_5] : memref<5120xi32, #tpu.memory_space<hbm>> -> memref<32xi32, #tpu.memory_space<hbm>>
    %dma_wait3A_27 = tpu.memref_slice %arg3[%add3A_5] : memref<5120xi32, #tpu.memory_space<hbm>> -> memref<32xi32, #tpu.memory_space<hbm>>
    tpu.wait_dma2 semaphore(%arg10 : memref<!tpu.dma_semaphore, #tpu.memory_space<semaphore_mem>>) src(%dma_wait3A_27 : memref<32xi32, #tpu.memory_space<hbm>>) dst(%arg6 : memref<32xi32, #tpu.memory_space<vmem>>)
    %dma_wait3A_28 = arith.constant 0 : i32
    %dma_wait3A_29 = tpu.memref_slice %arg2[%add3A_13, %dma_wait3A_28] : memref<5120x16xf32, #tpu.memory_space<hbm>> -> memref<32x16xf32, #tpu.memory_space<hbm>>
    %dma_wait3A_30 = arith.constant 0 : i32
    %dma_wait3A_31 = tpu.memref_slice %arg2[%add3A_13, %dma_wait3A_30] : memref<5120x16xf32, #tpu.memory_space<hbm>> -> memref<32x16xf32, #tpu.memory_space<hbm>>
    tpu.wait_dma2 semaphore(%arg12 : memref<!tpu.dma_semaphore, #tpu.memory_space<semaphore_mem>>) src(%dma_wait3A_31 : memref<32x16xf32, #tpu.memory_space<hbm>>) dst(%arg8 : memref<32x16xf32, #tpu.memory_space<vmem>>)
    %dma_start3A_32 = arith.constant 0 : i32
    %dma_start3A_33 = arith.constant 0 : i32
    %dma_start3A_34 = tpu.memref_slice %arg4[%dma_start3A_32, %dma_start3A_33] : memref<2056x16xf32, #tpu.memory_space<hbm>> -> memref<2056x16xf32, #tpu.memory_space<hbm>>
    tpu.enqueue_indirect_dma source(%arg8 : memref<32x16xf32, #tpu.memory_space<vmem>>) target(%dma_start3A_34 : memref<2056x16xf32, #tpu.memory_space<hbm>>) offsets(%arg6 : memref<32xi32, #tpu.memory_space<vmem>>) semaphore(%arg10 : memref<!tpu.dma_semaphore, #tpu.memory_space<semaphore_mem>>)
    %dma_wait3A_35 = arith.constant 0 : i32
    %dma_wait3A_36 = arith.constant 0 : i32
    %dma_wait3A_37 = tpu.memref_slice %arg4[%dma_wait3A_35, %dma_wait3A_36] : memref<2056x16xf32, #tpu.memory_space<hbm>> -> memref<2056x16xf32, #tpu.memory_space<hbm>>
    tpu.wait_indirect_dma semaphore(%arg9 : memref<!tpu.dma_semaphore, #tpu.memory_space<semaphore_mem>>) src(%arg7 : memref<128x16xf32, #tpu.memory_space<vmem>>) dst(%dma_wait3A_37 : memref<2056x16xf32, #tpu.memory_space<hbm>>)
    %dma_wait3A_38 = arith.constant 0 : i32
    %dma_wait3A_39 = arith.constant 0 : i32
    %dma_wait3A_40 = tpu.memref_slice %arg4[%dma_wait3A_38, %dma_wait3A_39] : memref<2056x16xf32, #tpu.memory_space<hbm>> -> memref<2056x16xf32, #tpu.memory_space<hbm>>
    tpu.wait_indirect_dma semaphore(%arg10 : memref<!tpu.dma_semaphore, #tpu.memory_space<semaphore_mem>>) src(%arg8 : memref<32x16xf32, #tpu.memory_space<vmem>>) dst(%dma_wait3A_40 : memref<2056x16xf32, #tpu.memory_space<hbm>>)
    return
  }
}

module attributes {stable_mosaic.version = 14 : i64} {
  func.func @_nms_body(%arg0: memref<5120x4xf32, #tpu.memory_space<vmem>>, %arg1: memref<40x1x128xf32, #tpu.memory_space<vmem>>, %arg2: memref<40x1x128xf32, #tpu.memory_space<vmem>>, %arg3: memref<40x1x128xf32, #tpu.memory_space<vmem>>, %arg4: memref<40x1x128xf32, #tpu.memory_space<vmem>>, %arg5: memref<1x5120xf32, #tpu.memory_space<vmem>>, %arg6: memref<1x5120xf32, #tpu.memory_space<vmem>>, %arg7: memref<1x5120xf32, #tpu.memory_space<vmem>>, %arg8: memref<1x5120xf32, #tpu.memory_space<vmem>>, %arg9: memref<40x1x128xi32, #tpu.memory_space<vmem>>, %arg10: memref<40x1x128xf32, #tpu.memory_space<vmem>>) attributes {dimension_semantics = [], scalar_prefetch = 0 : i64, scratch_operands = 1 : i64, tpu.core_type = #tpu.core_type<tc>} {
    %broadcast_in_dim3A = arith.constant 1.000000e+00 : f32
    %broadcast_in_dim3A_0 = vector.broadcast %broadcast_in_dim3A : f32 to vector<40x1x128xf32>
    %swap3A = arith.constant 0 : index
    %swap3A_1 = arith.constant 0 : index
    %swap3A_2 = arith.constant 0 : index
    %swap3A_3 = vector.load %arg10[%swap3A, %swap3A_1, %swap3A_2] : memref<40x1x128xf32, #tpu.memory_space<vmem>>, vector<40x1x128xf32>
    tpu.vector_store %arg10[%swap3A, %swap3A_1, %swap3A_2], %broadcast_in_dim3A_0 {strides = array<i32>} : memref<40x1x128xf32, #tpu.memory_space<vmem>>, vector<40x1x128xf32>,
    %iota3A = tpu.iota {dimensions = array<i32: 1>} : vector<128x128xi32>
    %iota3A_4 = tpu.iota {dimensions = array<i32: 0>} : vector<128x128xi32>
    %gt3A = arith.cmpi sgt, %iota3A, %iota3A_4 : vector<128x128xi32>
    %get3A = arith.constant 0 : index
    %get3A_5 = arith.constant 0 : index
    %get3A_6 = vector.load %arg5[%get3A, %get3A_5] : memref<1x5120xf32, #tpu.memory_space<vmem>>, vector<1x5120xf32>
    %get3A_7 = arith.constant 0 : index
    %get3A_8 = arith.constant 0 : index
    %get3A_9 = vector.load %arg6[%get3A_7, %get3A_8] : memref<1x5120xf32, #tpu.memory_space<vmem>>, vector<1x5120xf32>
    %get3A_10 = arith.constant 0 : index
    %get3A_11 = arith.constant 0 : index
    %get3A_12 = vector.load %arg7[%get3A_10, %get3A_11] : memref<1x5120xf32, #tpu.memory_space<vmem>>, vector<1x5120xf32>
    %get3A_13 = arith.constant 0 : index
    %get3A_14 = arith.constant 0 : index
    %get3A_15 = vector.load %arg8[%get3A_13, %get3A_14] : memref<1x5120xf32, #tpu.memory_space<vmem>>, vector<1x5120xf32>
    %slice3A = vector.extract_strided_slice %get3A_6 {offsets = [0, 0], sizes = [1, 5120], strides = [1, 1]} : vector<1x5120xf32> to vector<1x5120xf32>
    %slice3A_16 = vector.extract_strided_slice %get3A_9 {offsets = [0, 0], sizes = [1, 5120], strides = [1, 1]} : vector<1x5120xf32> to vector<1x5120xf32>
    %slice3A_17 = vector.extract_strided_slice %get3A_12 {offsets = [0, 0], sizes = [1, 5120], strides = [1, 1]} : vector<1x5120xf32> to vector<1x5120xf32>
    %slice3A_18 = vector.extract_strided_slice %get3A_15 {offsets = [0, 0], sizes = [1, 5120], strides = [1, 1]} : vector<1x5120xf32> to vector<1x5120xf32>
    %sub3A = arith.subf %slice3A_17, %slice3A : vector<1x5120xf32>
    %sub3A_19 = arith.subf %slice3A_18, %slice3A_16 : vector<1x5120xf32>
    %mul3A = arith.mulf %sub3A, %sub3A_19 : vector<1x5120xf32>
    %add3A = arith.constant 9.99999993E-9 : f32
    %add3A_20 = vector.broadcast %add3A : f32 to vector<1x5120xf32>
    %add3A_21 = arith.addf %mul3A, %add3A_20 : vector<1x5120xf32>
    %mul3A_22 = arith.constant 0.411764711 : f32
    %mul3A_23 = vector.broadcast %mul3A_22 : f32 to vector<1x5120xf32>
    %mul3A_24 = arith.mulf %add3A_21, %mul3A_23 : vector<1x5120xf32>
    %iota3A_25 = tpu.iota {dimensions = array<i32: 1>} : vector<1x5120xi32>
    %add3A_26 = arith.constant 0 : i32
    %add3A_27 = vector.broadcast %add3A_26 : i32 to vector<1x5120xi32>
    %add3A_28 = arith.addi %iota3A_25, %add3A_27 : vector<1x5120xi32>
    %scan3A = arith.constant 0 : i32
    %scan3A_29 = arith.constant 5 : i32
    %scan3A_30 = arith.addi %scan3A, %scan3A_29 : i32
    %scan3A_31 = arith.constant 1 : i32
    scf.for %scan3A_259 = %scan3A to %scan3A_30 step %scan3A_31  : i32 {
      %mul3A_260 = arith.constant 128 : i32
      %mul3A_261 = arith.muli %scan3A_259, %mul3A_260 : i32
      %get3A_262 = arith.index_cast %mul3A_261 : i32 to index
      %get3A_263 = arith.constant 0 : index
      %get3A_264 = vector.load %arg0[%get3A_262, %get3A_263] : memref<5120x4xf32, #tpu.memory_space<vmem>>, vector<128x4xf32>
      %slice3A_265 = vector.extract_strided_slice %get3A_264 {offsets = [0, 0], sizes = [128, 1], strides = [1, 1]} : vector<128x4xf32> to vector<128x1xf32>
      %slice3A_266 = vector.extract_strided_slice %get3A_264 {offsets = [0, 1], sizes = [128, 1], strides = [1, 1]} : vector<128x4xf32> to vector<128x1xf32>
      %slice3A_267 = vector.extract_strided_slice %get3A_264 {offsets = [0, 2], sizes = [128, 1], strides = [1, 1]} : vector<128x4xf32> to vector<128x1xf32>
      %slice3A_268 = vector.extract_strided_slice %get3A_264 {offsets = [0, 3], sizes = [128, 1], strides = [1, 1]} : vector<128x4xf32> to vector<128x1xf32>
      %sub3A_269 = arith.subf %slice3A_267, %slice3A_265 : vector<128x1xf32>
      %sub3A_270 = arith.subf %slice3A_268, %slice3A_266 : vector<128x1xf32>
      %mul3A_271 = arith.mulf %sub3A_269, %sub3A_270 : vector<128x1xf32>
      %mul3A_272 = arith.constant 0.411764711 : f32
      %mul3A_273 = vector.broadcast %mul3A_272 : f32 to vector<128x1xf32>
      %mul3A_274 = arith.mulf %mul3A_271, %mul3A_273 : vector<128x1xf32>
      %get3A_275 = arith.index_cast %scan3A_259 : i32 to index
      %get3A_276 = arith.constant 0 : index
      %get3A_277 = arith.constant 0 : index
      %get3A_278 = vector.load %arg1[%get3A_275, %get3A_276, %get3A_277] : memref<40x1x128xf32, #tpu.memory_space<vmem>>, vector<1x1x128xf32>
      %get3A_279 = vector.shape_cast %get3A_278 : vector<1x1x128xf32> to vector<1x128xf32>
      %get3A_280 = arith.index_cast %scan3A_259 : i32 to index
      %get3A_281 = arith.constant 0 : index
      %get3A_282 = arith.constant 0 : index
      %get3A_283 = vector.load %arg2[%get3A_280, %get3A_281, %get3A_282] : memref<40x1x128xf32, #tpu.memory_space<vmem>>, vector<1x1x128xf32>
      %get3A_284 = vector.shape_cast %get3A_283 : vector<1x1x128xf32> to vector<1x128xf32>
      %get3A_285 = arith.index_cast %scan3A_259 : i32 to index
      %get3A_286 = arith.constant 0 : index
      %get3A_287 = arith.constant 0 : index
      %get3A_288 = vector.load %arg3[%get3A_285, %get3A_286, %get3A_287] : memref<40x1x128xf32, #tpu.memory_space<vmem>>, vector<1x1x128xf32>
      %get3A_289 = vector.shape_cast %get3A_288 : vector<1x1x128xf32> to vector<1x128xf32>
      %get3A_290 = arith.index_cast %scan3A_259 : i32 to index
      %get3A_291 = arith.constant 0 : index
      %get3A_292 = arith.constant 0 : index
      %get3A_293 = vector.load %arg4[%get3A_290, %get3A_291, %get3A_292] : memref<40x1x128xf32, #tpu.memory_space<vmem>>, vector<1x1x128xf32>
      %get3A_294 = vector.shape_cast %get3A_293 : vector<1x1x128xf32> to vector<1x128xf32>
      %sub3A_295 = arith.subf %get3A_289, %get3A_279 : vector<1x128xf32>
      %sub3A_296 = arith.subf %get3A_294, %get3A_284 : vector<1x128xf32>
      %mul3A_297 = arith.mulf %sub3A_295, %sub3A_296 : vector<1x128xf32>
      %add3A_298 = arith.constant 9.99999993E-9 : f32
      %add3A_299 = vector.broadcast %add3A_298 : f32 to vector<1x128xf32>
      %add3A_300 = arith.addf %mul3A_297, %add3A_299 : vector<1x128xf32>
      %mul3A_301 = arith.constant 0.411764711 : f32
      %mul3A_302 = vector.broadcast %mul3A_301 : f32 to vector<1x128xf32>
      %mul3A_303 = arith.mulf %add3A_300, %mul3A_302 : vector<1x128xf32>
      %max3A = vector.broadcast %slice3A_265 : vector<128x1xf32> to vector<128x128xf32>
      %max3A_304 = vector.broadcast %get3A_279 : vector<1x128xf32> to vector<128x128xf32>
      %max3A_305 = arith.maximumf %max3A, %max3A_304 : vector<128x128xf32>
      %max3A_306 = vector.broadcast %slice3A_266 : vector<128x1xf32> to vector<128x128xf32>
      %max3A_307 = vector.broadcast %get3A_284 : vector<1x128xf32> to vector<128x128xf32>
      %max3A_308 = arith.maximumf %max3A_306, %max3A_307 : vector<128x128xf32>
      %min3A = vector.broadcast %slice3A_267 : vector<128x1xf32> to vector<128x128xf32>
      %min3A_309 = vector.broadcast %get3A_289 : vector<1x128xf32> to vector<128x128xf32>
      %min3A_310 = arith.minimumf %min3A, %min3A_309 : vector<128x128xf32>
      %min3A_311 = vector.broadcast %slice3A_268 : vector<128x1xf32> to vector<128x128xf32>
      %min3A_312 = vector.broadcast %get3A_294 : vector<1x128xf32> to vector<128x128xf32>
      %min3A_313 = arith.minimumf %min3A_311, %min3A_312 : vector<128x128xf32>
      %sub3A_314 = arith.subf %min3A_310, %max3A_305 : vector<128x128xf32>
      %max3A_315 = arith.constant 0.000000e+00 : f32
      %max3A_316 = vector.broadcast %max3A_315 : f32 to vector<128x128xf32>
      %max3A_317 = arith.maximumf %sub3A_314, %max3A_316 : vector<128x128xf32>
      %sub3A_318 = arith.subf %min3A_313, %max3A_308 : vector<128x128xf32>
      %max3A_319 = arith.constant 0.000000e+00 : f32
      %max3A_320 = vector.broadcast %max3A_319 : f32 to vector<128x128xf32>
      %max3A_321 = arith.maximumf %sub3A_318, %max3A_320 : vector<128x128xf32>
      %mul3A_322 = arith.mulf %max3A_317, %max3A_321 : vector<128x128xf32>
      %add3A_323 = vector.broadcast %mul3A_274 : vector<128x1xf32> to vector<128x128xf32>
      %add3A_324 = vector.broadcast %mul3A_303 : vector<1x128xf32> to vector<128x128xf32>
      %add3A_325 = arith.addf %add3A_323, %add3A_324 : vector<128x128xf32>
      %gt3A_326 = arith.cmpf ogt, %mul3A_322, %add3A_325 : vector<128x128xf32>
      %and3A = arith.andi %gt3A_326, %gt3A : vector<128x128xi1>
      %convert_element_type3A_327 = arith.extui %and3A : vector<128x128xi1> to vector<128x128xi32>
      %convert_element_type3A_328 = arith.sitofp %convert_element_type3A_327 : vector<128x128xi32> to vector<128x128xf32>
      %get3A_329 = arith.index_cast %scan3A_259 : i32 to index
      %get3A_330 = arith.constant 0 : index
      %get3A_331 = arith.constant 0 : index
      %get3A_332 = vector.load %arg10[%get3A_329, %get3A_330, %get3A_331] : memref<40x1x128xf32, #tpu.memory_space<vmem>>, vector<1x1x128xf32>
      %get3A_333 = vector.shape_cast %get3A_332 : vector<1x1x128xf32> to vector<1x128xf32>
      %while3A = arith.constant true
      %while3A_334:2 = scf.while (%while3A_979 = %get3A_333, %while3A_980 = %while3A) : (vector<1x128xf32>, i1) -> (vector<1x128xf32>, i1) {
        scf.condition(%while3A_980) %while3A_979, %while3A_980 : vector<1x128xf32>, i1
      } do {
      ^bb0(%while3A_979: vector<1x128xf32>, %while3A_980: i1):
        %dot_general3A_981 = arith.constant dense<0.000000e+00> : vector<1x128xf32>
        %dot_general3A_982 = tpu.matmul %while3A_979, %convert_element_type3A_328, %dot_general3A_981 {dimension_numbers = #tpu.dot_dimension_numbers<[1], [0], [0], [1], [0, 0, 1, 1], [], []>, transpose_lhs_hint = false} : vector<1x128xf32>, vector<128x128xf32>, vector<1x128xf32> -> vector<1x128xf32>
        %gt3A_983 = arith.constant 0.000000e+00 : f32
        %gt3A_984 = vector.broadcast %gt3A_983 : f32 to vector<1x128xf32>
        %gt3A_985 = arith.cmpf ogt, %dot_general3A_982, %gt3A_984 : vector<1x128xf32>
        %jit3A_986 = arith.constant 0.000000e+00 : f32
        %broadcast_in_dim3A_987 = vector.broadcast %jit3A_986 : f32 to vector<1x128xf32>
        %select_n3A_988 = arith.select %gt3A_985, %broadcast_in_dim3A_987, %get3A_333 : vector<1x128xi1>, vector<1x128xf32>
        %ne3A = arith.cmpf one, %select_n3A_988, %while3A_979 : vector<1x128xf32>
        %reduce_or3A = arith.constant 1.000000e+00 : f32
        %reduce_or3A_989 = arith.constant 0.000000e+00 : f32
        %reduce_or3A_990 = vector.broadcast %reduce_or3A : f32 to vector<1x128xf32>
        %reduce_or3A_991 = vector.broadcast %reduce_or3A_989 : f32 to vector<1x128xf32>
        %reduce_or3A_992 = arith.select %ne3A, %reduce_or3A_990, %reduce_or3A_991 : vector<1x128xi1>, vector<1x128xf32>
        %reduce_or3A_993 = vector.shape_cast %reduce_or3A_992 : vector<1x128xf32> to vector<1x1x128xf32>
        %reduce_or3A_994 = arith.constant dense<0xFF800000> : vector<1xf32>
        %reduce_or3A_995 = vector.multi_reduction <maximumf>, %reduce_or3A_993, %reduce_or3A_994 [1, 2] : vector<1x1x128xf32> to vector<1xf32>
        %reduce_or3A_996 = vector.shape_cast %reduce_or3A_995 : vector<1xf32> to vector<1x1x1xf32>
        %reduce_or3A_997 = vector.extract %reduce_or3A_996[0, 0, 0] : f32 from vector<1x1x1xf32>
        %reduce_or3A_998 = arith.constant 0.000000e+00 : f32
        %reduce_or3A_999 = arith.cmpf ogt, %reduce_or3A_997, %reduce_or3A_998 : f32
        scf.yield %select_n3A_988, %reduce_or3A_999 : vector<1x128xf32>, i1
      }
      %swap3A_335 = arith.index_cast %scan3A_259 : i32 to index
      %swap3A_336 = arith.constant 0 : index
      %swap3A_337 = arith.constant 0 : index
      %swap3A_338 = vector.load %arg10[%swap3A_335, %swap3A_336, %swap3A_337] : memref<40x1x128xf32, #tpu.memory_space<vmem>>, vector<1x1x128xf32>
      %swap3A_339 = vector.shape_cast %swap3A_338 : vector<1x1x128xf32> to vector<1x128xf32>
      %swap3A_340 = vector.shape_cast %while3A_334#0 : vector<1x128xf32> to vector<1x1x128xf32>
      tpu.vector_store %arg10[%swap3A_335, %swap3A_336, %swap3A_337], %swap3A_340 {strides = array<i32>} : memref<40x1x128xf32, #tpu.memory_space<vmem>>, vector<1x1x128xf32>,
      %max3A_341 = vector.broadcast %slice3A_265 : vector<128x1xf32> to vector<128x5120xf32>
      %max3A_342 = vector.broadcast %slice3A : vector<1x5120xf32> to vector<128x5120xf32>
      %max3A_343 = arith.maximumf %max3A_341, %max3A_342 : vector<128x5120xf32>
      %max3A_344 = vector.broadcast %slice3A_266 : vector<128x1xf32> to vector<128x5120xf32>
      %max3A_345 = vector.broadcast %slice3A_16 : vector<1x5120xf32> to vector<128x5120xf32>
      %max3A_346 = arith.maximumf %max3A_344, %max3A_345 : vector<128x5120xf32>
      %min3A_347 = vector.broadcast %slice3A_267 : vector<128x1xf32> to vector<128x5120xf32>
      %min3A_348 = vector.broadcast %slice3A_17 : vector<1x5120xf32> to vector<128x5120xf32>
      %min3A_349 = arith.minimumf %min3A_347, %min3A_348 : vector<128x5120xf32>
      %min3A_350 = vector.broadcast %slice3A_268 : vector<128x1xf32> to vector<128x5120xf32>
      %min3A_351 = vector.broadcast %slice3A_18 : vector<1x5120xf32> to vector<128x5120xf32>
      %min3A_352 = arith.minimumf %min3A_350, %min3A_351 : vector<128x5120xf32>
      %sub3A_353 = arith.subf %min3A_349, %max3A_343 : vector<128x5120xf32>
      %max3A_354 = arith.constant 0.000000e+00 : f32
      %max3A_355 = vector.broadcast %max3A_354 : f32 to vector<128x5120xf32>
      %max3A_356 = arith.maximumf %sub3A_353, %max3A_355 : vector<128x5120xf32>
      %sub3A_357 = arith.subf %min3A_352, %max3A_346 : vector<128x5120xf32>
      %max3A_358 = arith.constant 0.000000e+00 : f32
      %max3A_359 = vector.broadcast %max3A_358 : f32 to vector<128x5120xf32>
      %max3A_360 = arith.maximumf %sub3A_357, %max3A_359 : vector<128x5120xf32>
      %mul3A_361 = arith.mulf %max3A_356, %max3A_360 : vector<128x5120xf32>
      %add3A_362 = vector.broadcast %mul3A_274 : vector<128x1xf32> to vector<128x5120xf32>
      %add3A_363 = vector.broadcast %mul3A_24 : vector<1x5120xf32> to vector<128x5120xf32>
      %add3A_364 = arith.addf %add3A_362, %add3A_363 : vector<128x5120xf32>
      %gt3A_365 = arith.cmpf ogt, %mul3A_361, %add3A_364 : vector<128x5120xf32>
      %convert_element_type3A_366 = arith.extui %gt3A_365 : vector<128x5120xi1> to vector<128x5120xi32>
      %convert_element_type3A_367 = arith.sitofp %convert_element_type3A_366 : vector<128x5120xi32> to vector<128x5120xf32>
      %dot_general3A_368 = arith.constant dense<0.000000e+00> : vector<1x5120xf32>
      %dot_general3A_369 = tpu.matmul %while3A_334#0, %convert_element_type3A_367, %dot_general3A_368 {dimension_numbers = #tpu.dot_dimension_numbers<[1], [0], [0], [1], [0, 0, 1, 1], [], []>, transpose_lhs_hint = false} : vector<1x128xf32>, vector<128x5120xf32>, vector<1x5120xf32> -> vector<1x5120xf32>
      %gt3A_370 = arith.constant 0.000000e+00 : f32
      %gt3A_371 = vector.broadcast %gt3A_370 : f32 to vector<1x5120xf32>
      %gt3A_372 = arith.cmpf ogt, %dot_general3A_369, %gt3A_371 : vector<1x5120xf32>
      %add3A_373 = arith.constant 1 : i32
      %add3A_374 = arith.addi %scan3A_259, %add3A_373 : i32
      %mul3A_375 = arith.constant 128 : i32
      %mul3A_376 = arith.muli %add3A_374, %mul3A_375 : i32
      %ge3A = vector.broadcast %mul3A_376 : i32 to vector<1x5120xi32>
      %ge3A_377 = arith.cmpi sge, %add3A_28, %ge3A : vector<1x5120xi32>
      %and3A_378 = arith.andi %gt3A_372, %ge3A_377 : vector<1x5120xi1>
      %slice3A_379 = vector.extract_strided_slice %and3A_378 {offsets = [0, 0], sizes = [1, 128], strides = [1, 1]} : vector<1x5120xi1> to vector<1x128xi1>
      %get3A_380 = arith.constant 0 : index
      %get3A_381 = arith.constant 0 : index
      %get3A_382 = arith.constant 0 : index
      %get3A_383 = vector.load %arg10[%get3A_380, %get3A_381, %get3A_382] : memref<40x1x128xf32, #tpu.memory_space<vmem>>, vector<1x1x128xf32>
      %get3A_384 = vector.shape_cast %get3A_383 : vector<1x1x128xf32> to vector<1x128xf32>
      %jit3A_385 = arith.constant 0.000000e+00 : f32
      %broadcast_in_dim3A_386 = vector.broadcast %jit3A_385 : f32 to vector<1x128xf32>
      %select_n3A_387 = arith.select %slice3A_379, %broadcast_in_dim3A_386, %get3A_384 : vector<1x128xi1>, vector<1x128xf32>
      %swap3A_388 = arith.constant 0 : index
      %swap3A_389 = arith.constant 0 : index
      %swap3A_390 = arith.constant 0 : index
      %swap3A_391 = vector.load %arg10[%swap3A_388, %swap3A_389, %swap3A_390] : memref<40x1x128xf32, #tpu.memory_space<vmem>>, vector<1x1x128xf32>
      %swap3A_392 = vector.shape_cast %swap3A_391 : vector<1x1x128xf32> to vector<1x128xf32>
      %swap3A_393 = vector.shape_cast %select_n3A_387 : vector<1x128xf32> to vector<1x1x128xf32>
      tpu.vector_store %arg10[%swap3A_388, %swap3A_389, %swap3A_390], %swap3A_393 {strides = array<i32>} : memref<40x1x128xf32, #tpu.memory_space<vmem>>, vector<1x1x128xf32>,
      %slice3A_394 = vector.extract_strided_slice %and3A_378 {offsets = [0, 128], sizes = [1, 128], strides = [1, 1]} : vector<1x5120xi1> to vector<1x128xi1>
      %get3A_395 = arith.constant 1 : index
      %get3A_396 = arith.constant 0 : index
      %get3A_397 = arith.constant 0 : index
      %get3A_398 = vector.load %arg10[%get3A_395, %get3A_396, %get3A_397] : memref<40x1x128xf32, #tpu.memory_space<vmem>>, vector<1x1x128xf32>
      %get3A_399 = vector.shape_cast %get3A_398 : vector<1x1x128xf32> to vector<1x128xf32>
      %jit3A_400 = arith.constant 0.000000e+00 : f32
      %broadcast_in_dim3A_401 = vector.broadcast %jit3A_400 : f32 to vector<1x128xf32>
      %select_n3A_402 = arith.select %slice3A_394, %broadcast_in_dim3A_401, %get3A_399 : vector<1x128xi1>, vector<1x128xf32>
      %swap3A_403 = arith.constant 1 : index
      %swap3A_404 = arith.constant 0 : index
      %swap3A_405 = arith.constant 0 : index
      %swap3A_406 = vector.load %arg10[%swap3A_403, %swap3A_404, %swap3A_405] : memref<40x1x128xf32, #tpu.memory_space<vmem>>, vector<1x1x128xf32>
      %swap3A_407 = vector.shape_cast %swap3A_406 : vector<1x1x128xf32> to vector<1x128xf32>
      %swap3A_408 = vector.shape_cast %select_n3A_402 : vector<1x128xf32> to vector<1x1x128xf32>
      tpu.vector_store %arg10[%swap3A_403, %swap3A_404, %swap3A_405], %swap3A_408 {strides = array<i32>} : memref<40x1x128xf32, #tpu.memory_space<vmem>>, vector<1x1x128xf32>,
      %slice3A_409 = vector.extract_strided_slice %and3A_378 {offsets = [0, 256], sizes = [1, 128], strides = [1, 1]} : vector<1x5120xi1> to vector<1x128xi1>
      %get3A_410 = arith.constant 2 : index
      %get3A_411 = arith.constant 0 : index
      %get3A_412 = arith.constant 0 : index
      %get3A_413 = vector.load %arg10[%get3A_410, %get3A_411, %get3A_412] : memref<40x1x128xf32, #tpu.memory_space<vmem>>, vector<1x1x128xf32>
      %get3A_414 = vector.shape_cast %get3A_413 : vector<1x1x128xf32> to vector<1x128xf32>
      %jit3A_415 = arith.constant 0.000000e+00 : f32
      %broadcast_in_dim3A_416 = vector.broadcast %jit3A_415 : f32 to vector<1x128xf32>
      %select_n3A_417 = arith.select %slice3A_409, %broadcast_in_dim3A_416, %get3A_414 : vector<1x128xi1>, vector<1x128xf32>
      %swap3A_418 = arith.constant 2 : index
      %swap3A_419 = arith.constant 0 : index
      %swap3A_420 = arith.constant 0 : index
      %swap3A_421 = vector.load %arg10[%swap3A_418, %swap3A_419, %swap3A_420] : memref<40x1x128xf32, #tpu.memory_space<vmem>>, vector<1x1x128xf32>
      %swap3A_422 = vector.shape_cast %swap3A_421 : vector<1x1x128xf32> to vector<1x128xf32>
      %swap3A_423 = vector.shape_cast %select_n3A_417 : vector<1x128xf32> to vector<1x1x128xf32>
      tpu.vector_store %arg10[%swap3A_418, %swap3A_419, %swap3A_420], %swap3A_423 {strides = array<i32>} : memref<40x1x128xf32, #tpu.memory_space<vmem>>, vector<1x1x128xf32>,
      %slice3A_424 = vector.extract_strided_slice %and3A_378 {offsets = [0, 384], sizes = [1, 128], strides = [1, 1]} : vector<1x5120xi1> to vector<1x128xi1>
      %get3A_425 = arith.constant 3 : index
      %get3A_426 = arith.constant 0 : index
      %get3A_427 = arith.constant 0 : index
      %get3A_428 = vector.load %arg10[%get3A_425, %get3A_426, %get3A_427] : memref<40x1x128xf32, #tpu.memory_space<vmem>>, vector<1x1x128xf32>
      %get3A_429 = vector.shape_cast %get3A_428 : vector<1x1x128xf32> to vector<1x128xf32>
      %jit3A_430 = arith.constant 0.000000e+00 : f32
      %broadcast_in_dim3A_431 = vector.broadcast %jit3A_430 : f32 to vector<1x128xf32>
      %select_n3A_432 = arith.select %slice3A_424, %broadcast_in_dim3A_431, %get3A_429 : vector<1x128xi1>, vector<1x128xf32>
      %swap3A_433 = arith.constant 3 : index
      %swap3A_434 = arith.constant 0 : index
      %swap3A_435 = arith.constant 0 : index
      %swap3A_436 = vector.load %arg10[%swap3A_433, %swap3A_434, %swap3A_435] : memref<40x1x128xf32, #tpu.memory_space<vmem>>, vector<1x1x128xf32>
      %swap3A_437 = vector.shape_cast %swap3A_436 : vector<1x1x128xf32> to vector<1x128xf32>
      %swap3A_438 = vector.shape_cast %select_n3A_432 : vector<1x128xf32> to vector<1x1x128xf32>
      tpu.vector_store %arg10[%swap3A_433, %swap3A_434, %swap3A_435], %swap3A_438 {strides = array<i32>} : memref<40x1x128xf32, #tpu.memory_space<vmem>>, vector<1x1x128xf32>,
      %slice3A_439 = vector.extract_strided_slice %and3A_378 {offsets = [0, 512], sizes = [1, 128], strides = [1, 1]} : vector<1x5120xi1> to vector<1x128xi1>
      %get3A_440 = arith.constant 4 : index
      %get3A_441 = arith.constant 0 : index
      %get3A_442 = arith.constant 0 : index
      %get3A_443 = vector.load %arg10[%get3A_440, %get3A_441, %get3A_442] : memref<40x1x128xf32, #tpu.memory_space<vmem>>, vector<1x1x128xf32>
      %get3A_444 = vector.shape_cast %get3A_443 : vector<1x1x128xf32> to vector<1x128xf32>
      %jit3A_445 = arith.constant 0.000000e+00 : f32
      %broadcast_in_dim3A_446 = vector.broadcast %jit3A_445 : f32 to vector<1x128xf32>
      %select_n3A_447 = arith.select %slice3A_439, %broadcast_in_dim3A_446, %get3A_444 : vector<1x128xi1>, vector<1x128xf32>
      %swap3A_448 = arith.constant 4 : index
      %swap3A_449 = arith.constant 0 : index
      %swap3A_450 = arith.constant 0 : index
      %swap3A_451 = vector.load %arg10[%swap3A_448, %swap3A_449, %swap3A_450] : memref<40x1x128xf32, #tpu.memory_space<vmem>>, vector<1x1x128xf32>
      %swap3A_452 = vector.shape_cast %swap3A_451 : vector<1x1x128xf32> to vector<1x128xf32>
      %swap3A_453 = vector.shape_cast %select_n3A_447 : vector<1x128xf32> to vector<1x1x128xf32>
      tpu.vector_store %arg10[%swap3A_448, %swap3A_449, %swap3A_450], %swap3A_453 {strides = array<i32>} : memref<40x1x128xf32, #tpu.memory_space<vmem>>, vector<1x1x128xf32>,
      %slice3A_454 = vector.extract_strided_slice %and3A_378 {offsets = [0, 640], sizes = [1, 128], strides = [1, 1]} : vector<1x5120xi1> to vector<1x128xi1>
      %get3A_455 = arith.constant 5 : index
      %get3A_456 = arith.constant 0 : index
      %get3A_457 = arith.constant 0 : index
      %get3A_458 = vector.load %arg10[%get3A_455, %get3A_456, %get3A_457] : memref<40x1x128xf32, #tpu.memory_space<vmem>>, vector<1x1x128xf32>
      %get3A_459 = vector.shape_cast %get3A_458 : vector<1x1x128xf32> to vector<1x128xf32>
      %jit3A_460 = arith.constant 0.000000e+00 : f32
      %broadcast_in_dim3A_461 = vector.broadcast %jit3A_460 : f32 to vector<1x128xf32>
      %select_n3A_462 = arith.select %slice3A_454, %broadcast_in_dim3A_461, %get3A_459 : vector<1x128xi1>, vector<1x128xf32>
      %swap3A_463 = arith.constant 5 : index
      %swap3A_464 = arith.constant 0 : index
      %swap3A_465 = arith.constant 0 : index
      %swap3A_466 = vector.load %arg10[%swap3A_463, %swap3A_464, %swap3A_465] : memref<40x1x128xf32, #tpu.memory_space<vmem>>, vector<1x1x128xf32>
      %swap3A_467 = vector.shape_cast %swap3A_466 : vector<1x1x128xf32> to vector<1x128xf32>
      %swap3A_468 = vector.shape_cast %select_n3A_462 : vector<1x128xf32> to vector<1x1x128xf32>
      tpu.vector_store %arg10[%swap3A_463, %swap3A_464, %swap3A_465], %swap3A_468 {strides = array<i32>} : memref<40x1x128xf32, #tpu.memory_space<vmem>>, vector<1x1x128xf32>,
      %slice3A_469 = vector.extract_strided_slice %and3A_378 {offsets = [0, 768], sizes = [1, 128], strides = [1, 1]} : vector<1x5120xi1> to vector<1x128xi1>
      %get3A_470 = arith.constant 6 : index
      %get3A_471 = arith.constant 0 : index
      %get3A_472 = arith.constant 0 : index
      %get3A_473 = vector.load %arg10[%get3A_470, %get3A_471, %get3A_472] : memref<40x1x128xf32, #tpu.memory_space<vmem>>, vector<1x1x128xf32>
      %get3A_474 = vector.shape_cast %get3A_473 : vector<1x1x128xf32> to vector<1x128xf32>
      %jit3A_475 = arith.constant 0.000000e+00 : f32
      %broadcast_in_dim3A_476 = vector.broadcast %jit3A_475 : f32 to vector<1x128xf32>
      %select_n3A_477 = arith.select %slice3A_469, %broadcast_in_dim3A_476, %get3A_474 : vector<1x128xi1>, vector<1x128xf32>
      %swap3A_478 = arith.constant 6 : index
      %swap3A_479 = arith.constant 0 : index
      %swap3A_480 = arith.constant 0 : index
      %swap3A_481 = vector.load %arg10[%swap3A_478, %swap3A_479, %swap3A_480] : memref<40x1x128xf32, #tpu.memory_space<vmem>>, vector<1x1x128xf32>
      %swap3A_482 = vector.shape_cast %swap3A_481 : vector<1x1x128xf32> to vector<1x128xf32>
      %swap3A_483 = vector.shape_cast %select_n3A_477 : vector<1x128xf32> to vector<1x1x128xf32>
      tpu.vector_store %arg10[%swap3A_478, %swap3A_479, %swap3A_480], %swap3A_483 {strides = array<i32>} : memref<40x1x128xf32, #tpu.memory_space<vmem>>, vector<1x1x128xf32>,
      %slice3A_484 = vector.extract_strided_slice %and3A_378 {offsets = [0, 896], sizes = [1, 128], strides = [1, 1]} : vector<1x5120xi1> to vector<1x128xi1>
      %get3A_485 = arith.constant 7 : index
      %get3A_486 = arith.constant 0 : index
      %get3A_487 = arith.constant 0 : index
      %get3A_488 = vector.load %arg10[%get3A_485, %get3A_486, %get3A_487] : memref<40x1x128xf32, #tpu.memory_space<vmem>>, vector<1x1x128xf32>
      %get3A_489 = vector.shape_cast %get3A_488 : vector<1x1x128xf32> to vector<1x128xf32>
      %jit3A_490 = arith.constant 0.000000e+00 : f32
      %broadcast_in_dim3A_491 = vector.broadcast %jit3A_490 : f32 to vector<1x128xf32>
      %select_n3A_492 = arith.select %slice3A_484, %broadcast_in_dim3A_491, %get3A_489 : vector<1x128xi1>, vector<1x128xf32>
      %swap3A_493 = arith.constant 7 : index
      %swap3A_494 = arith.constant 0 : index
      %swap3A_495 = arith.constant 0 : index
      %swap3A_496 = vector.load %arg10[%swap3A_493, %swap3A_494, %swap3A_495] : memref<40x1x128xf32, #tpu.memory_space<vmem>>, vector<1x1x128xf32>
      %swap3A_497 = vector.shape_cast %swap3A_496 : vector<1x1x128xf32> to vector<1x128xf32>
      %swap3A_498 = vector.shape_cast %select_n3A_492 : vector<1x128xf32> to vector<1x1x128xf32>
      tpu.vector_store %arg10[%swap3A_493, %swap3A_494, %swap3A_495], %swap3A_498 {strides = array<i32>} : memref<40x1x128xf32, #tpu.memory_space<vmem>>, vector<1x1x128xf32>,
      %slice3A_499 = vector.extract_strided_slice %and3A_378 {offsets = [0, 1024], sizes = [1, 128], strides = [1, 1]} : vector<1x5120xi1> to vector<1x128xi1>
      %get3A_500 = arith.constant 8 : index
      %get3A_501 = arith.constant 0 : index
      %get3A_502 = arith.constant 0 : index
      %get3A_503 = vector.load %arg10[%get3A_500, %get3A_501, %get3A_502] : memref<40x1x128xf32, #tpu.memory_space<vmem>>, vector<1x1x128xf32>
      %get3A_504 = vector.shape_cast %get3A_503 : vector<1x1x128xf32> to vector<1x128xf32>
      %jit3A_505 = arith.constant 0.000000e+00 : f32
      %broadcast_in_dim3A_506 = vector.broadcast %jit3A_505 : f32 to vector<1x128xf32>
      %select_n3A_507 = arith.select %slice3A_499, %broadcast_in_dim3A_506, %get3A_504 : vector<1x128xi1>, vector<1x128xf32>
      %swap3A_508 = arith.constant 8 : index
      %swap3A_509 = arith.constant 0 : index
      %swap3A_510 = arith.constant 0 : index
      %swap3A_511 = vector.load %arg10[%swap3A_508, %swap3A_509, %swap3A_510] : memref<40x1x128xf32, #tpu.memory_space<vmem>>, vector<1x1x128xf32>
      %swap3A_512 = vector.shape_cast %swap3A_511 : vector<1x1x128xf32> to vector<1x128xf32>
      %swap3A_513 = vector.shape_cast %select_n3A_507 : vector<1x128xf32> to vector<1x1x128xf32>
      tpu.vector_store %arg10[%swap3A_508, %swap3A_509, %swap3A_510], %swap3A_513 {strides = array<i32>} : memref<40x1x128xf32, #tpu.memory_space<vmem>>, vector<1x1x128xf32>,
      %slice3A_514 = vector.extract_strided_slice %and3A_378 {offsets = [0, 1152], sizes = [1, 128], strides = [1, 1]} : vector<1x5120xi1> to vector<1x128xi1>
      %get3A_515 = arith.constant 9 : index
      %get3A_516 = arith.constant 0 : index
      %get3A_517 = arith.constant 0 : index
      %get3A_518 = vector.load %arg10[%get3A_515, %get3A_516, %get3A_517] : memref<40x1x128xf32, #tpu.memory_space<vmem>>, vector<1x1x128xf32>
      %get3A_519 = vector.shape_cast %get3A_518 : vector<1x1x128xf32> to vector<1x128xf32>
      %jit3A_520 = arith.constant 0.000000e+00 : f32
      %broadcast_in_dim3A_521 = vector.broadcast %jit3A_520 : f32 to vector<1x128xf32>
      %select_n3A_522 = arith.select %slice3A_514, %broadcast_in_dim3A_521, %get3A_519 : vector<1x128xi1>, vector<1x128xf32>
      %swap3A_523 = arith.constant 9 : index
      %swap3A_524 = arith.constant 0 : index
      %swap3A_525 = arith.constant 0 : index
      %swap3A_526 = vector.load %arg10[%swap3A_523, %swap3A_524, %swap3A_525] : memref<40x1x128xf32, #tpu.memory_space<vmem>>, vector<1x1x128xf32>
      %swap3A_527 = vector.shape_cast %swap3A_526 : vector<1x1x128xf32> to vector<1x128xf32>
      %swap3A_528 = vector.shape_cast %select_n3A_522 : vector<1x128xf32> to vector<1x1x128xf32>
      tpu.vector_store %arg10[%swap3A_523, %swap3A_524, %swap3A_525], %swap3A_528 {strides = array<i32>} : memref<40x1x128xf32, #tpu.memory_space<vmem>>, vector<1x1x128xf32>,
      %slice3A_529 = vector.extract_strided_slice %and3A_378 {offsets = [0, 1280], sizes = [1, 128], strides = [1, 1]} : vector<1x5120xi1> to vector<1x128xi1>
      %get3A_530 = arith.constant 10 : index
      %get3A_531 = arith.constant 0 : index
      %get3A_532 = arith.constant 0 : index
      %get3A_533 = vector.load %arg10[%get3A_530, %get3A_531, %get3A_532] : memref<40x1x128xf32, #tpu.memory_space<vmem>>, vector<1x1x128xf32>
      %get3A_534 = vector.shape_cast %get3A_533 : vector<1x1x128xf32> to vector<1x128xf32>
      %jit3A_535 = arith.constant 0.000000e+00 : f32
      %broadcast_in_dim3A_536 = vector.broadcast %jit3A_535 : f32 to vector<1x128xf32>
      %select_n3A_537 = arith.select %slice3A_529, %broadcast_in_dim3A_536, %get3A_534 : vector<1x128xi1>, vector<1x128xf32>
      %swap3A_538 = arith.constant 10 : index
      %swap3A_539 = arith.constant 0 : index
      %swap3A_540 = arith.constant 0 : index
      %swap3A_541 = vector.load %arg10[%swap3A_538, %swap3A_539, %swap3A_540] : memref<40x1x128xf32, #tpu.memory_space<vmem>>, vector<1x1x128xf32>
      %swap3A_542 = vector.shape_cast %swap3A_541 : vector<1x1x128xf32> to vector<1x128xf32>
      %swap3A_543 = vector.shape_cast %select_n3A_537 : vector<1x128xf32> to vector<1x1x128xf32>
      tpu.vector_store %arg10[%swap3A_538, %swap3A_539, %swap3A_540], %swap3A_543 {strides = array<i32>} : memref<40x1x128xf32, #tpu.memory_space<vmem>>, vector<1x1x128xf32>,
      %slice3A_544 = vector.extract_strided_slice %and3A_378 {offsets = [0, 1408], sizes = [1, 128], strides = [1, 1]} : vector<1x5120xi1> to vector<1x128xi1>
      %get3A_545 = arith.constant 11 : index
      %get3A_546 = arith.constant 0 : index
      %get3A_547 = arith.constant 0 : index
      %get3A_548 = vector.load %arg10[%get3A_545, %get3A_546, %get3A_547] : memref<40x1x128xf32, #tpu.memory_space<vmem>>, vector<1x1x128xf32>
      %get3A_549 = vector.shape_cast %get3A_548 : vector<1x1x128xf32> to vector<1x128xf32>
      %jit3A_550 = arith.constant 0.000000e+00 : f32
      %broadcast_in_dim3A_551 = vector.broadcast %jit3A_550 : f32 to vector<1x128xf32>
      %select_n3A_552 = arith.select %slice3A_544, %broadcast_in_dim3A_551, %get3A_549 : vector<1x128xi1>, vector<1x128xf32>
      %swap3A_553 = arith.constant 11 : index
      %swap3A_554 = arith.constant 0 : index
      %swap3A_555 = arith.constant 0 : index
      %swap3A_556 = vector.load %arg10[%swap3A_553, %swap3A_554, %swap3A_555] : memref<40x1x128xf32, #tpu.memory_space<vmem>>, vector<1x1x128xf32>
      %swap3A_557 = vector.shape_cast %swap3A_556 : vector<1x1x128xf32> to vector<1x128xf32>
      %swap3A_558 = vector.shape_cast %select_n3A_552 : vector<1x128xf32> to vector<1x1x128xf32>
      tpu.vector_store %arg10[%swap3A_553, %swap3A_554, %swap3A_555], %swap3A_558 {strides = array<i32>} : memref<40x1x128xf32, #tpu.memory_space<vmem>>, vector<1x1x128xf32>,
      %slice3A_559 = vector.extract_strided_slice %and3A_378 {offsets = [0, 1536], sizes = [1, 128], strides = [1, 1]} : vector<1x5120xi1> to vector<1x128xi1>
      %get3A_560 = arith.constant 12 : index
      %get3A_561 = arith.constant 0 : index
      %get3A_562 = arith.constant 0 : index
      %get3A_563 = vector.load %arg10[%get3A_560, %get3A_561, %get3A_562] : memref<40x1x128xf32, #tpu.memory_space<vmem>>, vector<1x1x128xf32>
      %get3A_564 = vector.shape_cast %get3A_563 : vector<1x1x128xf32> to vector<1x128xf32>
      %jit3A_565 = arith.constant 0.000000e+00 : f32
      %broadcast_in_dim3A_566 = vector.broadcast %jit3A_565 : f32 to vector<1x128xf32>
      %select_n3A_567 = arith.select %slice3A_559, %broadcast_in_dim3A_566, %get3A_564 : vector<1x128xi1>, vector<1x128xf32>
      %swap3A_568 = arith.constant 12 : index
      %swap3A_569 = arith.constant 0 : index
      %swap3A_570 = arith.constant 0 : index
      %swap3A_571 = vector.load %arg10[%swap3A_568, %swap3A_569, %swap3A_570] : memref<40x1x128xf32, #tpu.memory_space<vmem>>, vector<1x1x128xf32>
      %swap3A_572 = vector.shape_cast %swap3A_571 : vector<1x1x128xf32> to vector<1x128xf32>
      %swap3A_573 = vector.shape_cast %select_n3A_567 : vector<1x128xf32> to vector<1x1x128xf32>
      tpu.vector_store %arg10[%swap3A_568, %swap3A_569, %swap3A_570], %swap3A_573 {strides = array<i32>} : memref<40x1x128xf32, #tpu.memory_space<vmem>>, vector<1x1x128xf32>,
      %slice3A_574 = vector.extract_strided_slice %and3A_378 {offsets = [0, 1664], sizes = [1, 128], strides = [1, 1]} : vector<1x5120xi1> to vector<1x128xi1>
      %get3A_575 = arith.constant 13 : index
      %get3A_576 = arith.constant 0 : index
      %get3A_577 = arith.constant 0 : index
      %get3A_578 = vector.load %arg10[%get3A_575, %get3A_576, %get3A_577] : memref<40x1x128xf32, #tpu.memory_space<vmem>>, vector<1x1x128xf32>
      %get3A_579 = vector.shape_cast %get3A_578 : vector<1x1x128xf32> to vector<1x128xf32>
      %jit3A_580 = arith.constant 0.000000e+00 : f32
      %broadcast_in_dim3A_581 = vector.broadcast %jit3A_580 : f32 to vector<1x128xf32>
      %select_n3A_582 = arith.select %slice3A_574, %broadcast_in_dim3A_581, %get3A_579 : vector<1x128xi1>, vector<1x128xf32>
      %swap3A_583 = arith.constant 13 : index
      %swap3A_584 = arith.constant 0 : index
      %swap3A_585 = arith.constant 0 : index
      %swap3A_586 = vector.load %arg10[%swap3A_583, %swap3A_584, %swap3A_585] : memref<40x1x128xf32, #tpu.memory_space<vmem>>, vector<1x1x128xf32>
      %swap3A_587 = vector.shape_cast %swap3A_586 : vector<1x1x128xf32> to vector<1x128xf32>
      %swap3A_588 = vector.shape_cast %select_n3A_582 : vector<1x128xf32> to vector<1x1x128xf32>
      tpu.vector_store %arg10[%swap3A_583, %swap3A_584, %swap3A_585], %swap3A_588 {strides = array<i32>} : memref<40x1x128xf32, #tpu.memory_space<vmem>>, vector<1x1x128xf32>,
      %slice3A_589 = vector.extract_strided_slice %and3A_378 {offsets = [0, 1792], sizes = [1, 128], strides = [1, 1]} : vector<1x5120xi1> to vector<1x128xi1>
      %get3A_590 = arith.constant 14 : index
      %get3A_591 = arith.constant 0 : index
      %get3A_592 = arith.constant 0 : index
      %get3A_593 = vector.load %arg10[%get3A_590, %get3A_591, %get3A_592] : memref<40x1x128xf32, #tpu.memory_space<vmem>>, vector<1x1x128xf32>
      %get3A_594 = vector.shape_cast %get3A_593 : vector<1x1x128xf32> to vector<1x128xf32>
      %jit3A_595 = arith.constant 0.000000e+00 : f32
      %broadcast_in_dim3A_596 = vector.broadcast %jit3A_595 : f32 to vector<1x128xf32>
      %select_n3A_597 = arith.select %slice3A_589, %broadcast_in_dim3A_596, %get3A_594 : vector<1x128xi1>, vector<1x128xf32>
      %swap3A_598 = arith.constant 14 : index
      %swap3A_599 = arith.constant 0 : index
      %swap3A_600 = arith.constant 0 : index
      %swap3A_601 = vector.load %arg10[%swap3A_598, %swap3A_599, %swap3A_600] : memref<40x1x128xf32, #tpu.memory_space<vmem>>, vector<1x1x128xf32>
      %swap3A_602 = vector.shape_cast %swap3A_601 : vector<1x1x128xf32> to vector<1x128xf32>
      %swap3A_603 = vector.shape_cast %select_n3A_597 : vector<1x128xf32> to vector<1x1x128xf32>
      tpu.vector_store %arg10[%swap3A_598, %swap3A_599, %swap3A_600], %swap3A_603 {strides = array<i32>} : memref<40x1x128xf32, #tpu.memory_space<vmem>>, vector<1x1x128xf32>,
      %slice3A_604 = vector.extract_strided_slice %and3A_378 {offsets = [0, 1920], sizes = [1, 128], strides = [1, 1]} : vector<1x5120xi1> to vector<1x128xi1>
      %get3A_605 = arith.constant 15 : index
      %get3A_606 = arith.constant 0 : index
      %get3A_607 = arith.constant 0 : index
      %get3A_608 = vector.load %arg10[%get3A_605, %get3A_606, %get3A_607] : memref<40x1x128xf32, #tpu.memory_space<vmem>>, vector<1x1x128xf32>
      %get3A_609 = vector.shape_cast %get3A_608 : vector<1x1x128xf32> to vector<1x128xf32>
      %jit3A_610 = arith.constant 0.000000e+00 : f32
      %broadcast_in_dim3A_611 = vector.broadcast %jit3A_610 : f32 to vector<1x128xf32>
      %select_n3A_612 = arith.select %slice3A_604, %broadcast_in_dim3A_611, %get3A_609 : vector<1x128xi1>, vector<1x128xf32>
      %swap3A_613 = arith.constant 15 : index
      %swap3A_614 = arith.constant 0 : index
      %swap3A_615 = arith.constant 0 : index
      %swap3A_616 = vector.load %arg10[%swap3A_613, %swap3A_614, %swap3A_615] : memref<40x1x128xf32, #tpu.memory_space<vmem>>, vector<1x1x128xf32>
      %swap3A_617 = vector.shape_cast %swap3A_616 : vector<1x1x128xf32> to vector<1x128xf32>
      %swap3A_618 = vector.shape_cast %select_n3A_612 : vector<1x128xf32> to vector<1x1x128xf32>
      tpu.vector_store %arg10[%swap3A_613, %swap3A_614, %swap3A_615], %swap3A_618 {strides = array<i32>} : memref<40x1x128xf32, #tpu.memory_space<vmem>>, vector<1x1x128xf32>,
      %slice3A_619 = vector.extract_strided_slice %and3A_378 {offsets = [0, 2048], sizes = [1, 128], strides = [1, 1]} : vector<1x5120xi1> to vector<1x128xi1>
      %get3A_620 = arith.constant 16 : index
      %get3A_621 = arith.constant 0 : index
      %get3A_622 = arith.constant 0 : index
      %get3A_623 = vector.load %arg10[%get3A_620, %get3A_621, %get3A_622] : memref<40x1x128xf32, #tpu.memory_space<vmem>>, vector<1x1x128xf32>
      %get3A_624 = vector.shape_cast %get3A_623 : vector<1x1x128xf32> to vector<1x128xf32>
      %jit3A_625 = arith.constant 0.000000e+00 : f32
      %broadcast_in_dim3A_626 = vector.broadcast %jit3A_625 : f32 to vector<1x128xf32>
      %select_n3A_627 = arith.select %slice3A_619, %broadcast_in_dim3A_626, %get3A_624 : vector<1x128xi1>, vector<1x128xf32>
      %swap3A_628 = arith.constant 16 : index
      %swap3A_629 = arith.constant 0 : index
      %swap3A_630 = arith.constant 0 : index
      %swap3A_631 = vector.load %arg10[%swap3A_628, %swap3A_629, %swap3A_630] : memref<40x1x128xf32, #tpu.memory_space<vmem>>, vector<1x1x128xf32>
      %swap3A_632 = vector.shape_cast %swap3A_631 : vector<1x1x128xf32> to vector<1x128xf32>
      %swap3A_633 = vector.shape_cast %select_n3A_627 : vector<1x128xf32> to vector<1x1x128xf32>
      tpu.vector_store %arg10[%swap3A_628, %swap3A_629, %swap3A_630], %swap3A_633 {strides = array<i32>} : memref<40x1x128xf32, #tpu.memory_space<vmem>>, vector<1x1x128xf32>,
      %slice3A_634 = vector.extract_strided_slice %and3A_378 {offsets = [0, 2176], sizes = [1, 128], strides = [1, 1]} : vector<1x5120xi1> to vector<1x128xi1>
      %get3A_635 = arith.constant 17 : index
      %get3A_636 = arith.constant 0 : index
      %get3A_637 = arith.constant 0 : index
      %get3A_638 = vector.load %arg10[%get3A_635, %get3A_636, %get3A_637] : memref<40x1x128xf32, #tpu.memory_space<vmem>>, vector<1x1x128xf32>
      %get3A_639 = vector.shape_cast %get3A_638 : vector<1x1x128xf32> to vector<1x128xf32>
      %jit3A_640 = arith.constant 0.000000e+00 : f32
      %broadcast_in_dim3A_641 = vector.broadcast %jit3A_640 : f32 to vector<1x128xf32>
      %select_n3A_642 = arith.select %slice3A_634, %broadcast_in_dim3A_641, %get3A_639 : vector<1x128xi1>, vector<1x128xf32>
      %swap3A_643 = arith.constant 17 : index
      %swap3A_644 = arith.constant 0 : index
      %swap3A_645 = arith.constant 0 : index
      %swap3A_646 = vector.load %arg10[%swap3A_643, %swap3A_644, %swap3A_645] : memref<40x1x128xf32, #tpu.memory_space<vmem>>, vector<1x1x128xf32>
      %swap3A_647 = vector.shape_cast %swap3A_646 : vector<1x1x128xf32> to vector<1x128xf32>
      %swap3A_648 = vector.shape_cast %select_n3A_642 : vector<1x128xf32> to vector<1x1x128xf32>
      tpu.vector_store %arg10[%swap3A_643, %swap3A_644, %swap3A_645], %swap3A_648 {strides = array<i32>} : memref<40x1x128xf32, #tpu.memory_space<vmem>>, vector<1x1x128xf32>,
      %slice3A_649 = vector.extract_strided_slice %and3A_378 {offsets = [0, 2304], sizes = [1, 128], strides = [1, 1]} : vector<1x5120xi1> to vector<1x128xi1>
      %get3A_650 = arith.constant 18 : index
      %get3A_651 = arith.constant 0 : index
      %get3A_652 = arith.constant 0 : index
      %get3A_653 = vector.load %arg10[%get3A_650, %get3A_651, %get3A_652] : memref<40x1x128xf32, #tpu.memory_space<vmem>>, vector<1x1x128xf32>
      %get3A_654 = vector.shape_cast %get3A_653 : vector<1x1x128xf32> to vector<1x128xf32>
      %jit3A_655 = arith.constant 0.000000e+00 : f32
      %broadcast_in_dim3A_656 = vector.broadcast %jit3A_655 : f32 to vector<1x128xf32>
      %select_n3A_657 = arith.select %slice3A_649, %broadcast_in_dim3A_656, %get3A_654 : vector<1x128xi1>, vector<1x128xf32>
      %swap3A_658 = arith.constant 18 : index
      %swap3A_659 = arith.constant 0 : index
      %swap3A_660 = arith.constant 0 : index
      %swap3A_661 = vector.load %arg10[%swap3A_658, %swap3A_659, %swap3A_660] : memref<40x1x128xf32, #tpu.memory_space<vmem>>, vector<1x1x128xf32>
      %swap3A_662 = vector.shape_cast %swap3A_661 : vector<1x1x128xf32> to vector<1x128xf32>
      %swap3A_663 = vector.shape_cast %select_n3A_657 : vector<1x128xf32> to vector<1x1x128xf32>
      tpu.vector_store %arg10[%swap3A_658, %swap3A_659, %swap3A_660], %swap3A_663 {strides = array<i32>} : memref<40x1x128xf32, #tpu.memory_space<vmem>>, vector<1x1x128xf32>,
      %slice3A_664 = vector.extract_strided_slice %and3A_378 {offsets = [0, 2432], sizes = [1, 128], strides = [1, 1]} : vector<1x5120xi1> to vector<1x128xi1>
      %get3A_665 = arith.constant 19 : index
      %get3A_666 = arith.constant 0 : index
      %get3A_667 = arith.constant 0 : index
      %get3A_668 = vector.load %arg10[%get3A_665, %get3A_666, %get3A_667] : memref<40x1x128xf32, #tpu.memory_space<vmem>>, vector<1x1x128xf32>
      %get3A_669 = vector.shape_cast %get3A_668 : vector<1x1x128xf32> to vector<1x128xf32>
      %jit3A_670 = arith.constant 0.000000e+00 : f32
      %broadcast_in_dim3A_671 = vector.broadcast %jit3A_670 : f32 to vector<1x128xf32>
      %select_n3A_672 = arith.select %slice3A_664, %broadcast_in_dim3A_671, %get3A_669 : vector<1x128xi1>, vector<1x128xf32>
      %swap3A_673 = arith.constant 19 : index
      %swap3A_674 = arith.constant 0 : index
      %swap3A_675 = arith.constant 0 : index
      %swap3A_676 = vector.load %arg10[%swap3A_673, %swap3A_674, %swap3A_675] : memref<40x1x128xf32, #tpu.memory_space<vmem>>, vector<1x1x128xf32>
      %swap3A_677 = vector.shape_cast %swap3A_676 : vector<1x1x128xf32> to vector<1x128xf32>
      %swap3A_678 = vector.shape_cast %select_n3A_672 : vector<1x128xf32> to vector<1x1x128xf32>
      tpu.vector_store %arg10[%swap3A_673, %swap3A_674, %swap3A_675], %swap3A_678 {strides = array<i32>} : memref<40x1x128xf32, #tpu.memory_space<vmem>>, vector<1x1x128xf32>,
      %slice3A_679 = vector.extract_strided_slice %and3A_378 {offsets = [0, 2560], sizes = [1, 128], strides = [1, 1]} : vector<1x5120xi1> to vector<1x128xi1>
      %get3A_680 = arith.constant 20 : index
      %get3A_681 = arith.constant 0 : index
      %get3A_682 = arith.constant 0 : index
      %get3A_683 = vector.load %arg10[%get3A_680, %get3A_681, %get3A_682] : memref<40x1x128xf32, #tpu.memory_space<vmem>>, vector<1x1x128xf32>
      %get3A_684 = vector.shape_cast %get3A_683 : vector<1x1x128xf32> to vector<1x128xf32>
      %jit3A_685 = arith.constant 0.000000e+00 : f32
      %broadcast_in_dim3A_686 = vector.broadcast %jit3A_685 : f32 to vector<1x128xf32>
      %select_n3A_687 = arith.select %slice3A_679, %broadcast_in_dim3A_686, %get3A_684 : vector<1x128xi1>, vector<1x128xf32>
      %swap3A_688 = arith.constant 20 : index
      %swap3A_689 = arith.constant 0 : index
      %swap3A_690 = arith.constant 0 : index
      %swap3A_691 = vector.load %arg10[%swap3A_688, %swap3A_689, %swap3A_690] : memref<40x1x128xf32, #tpu.memory_space<vmem>>, vector<1x1x128xf32>
      %swap3A_692 = vector.shape_cast %swap3A_691 : vector<1x1x128xf32> to vector<1x128xf32>
      %swap3A_693 = vector.shape_cast %select_n3A_687 : vector<1x128xf32> to vector<1x1x128xf32>
      tpu.vector_store %arg10[%swap3A_688, %swap3A_689, %swap3A_690], %swap3A_693 {strides = array<i32>} : memref<40x1x128xf32, #tpu.memory_space<vmem>>, vector<1x1x128xf32>,
      %slice3A_694 = vector.extract_strided_slice %and3A_378 {offsets = [0, 2688], sizes = [1, 128], strides = [1, 1]} : vector<1x5120xi1> to vector<1x128xi1>
      %get3A_695 = arith.constant 21 : index
      %get3A_696 = arith.constant 0 : index
      %get3A_697 = arith.constant 0 : index
      %get3A_698 = vector.load %arg10[%get3A_695, %get3A_696, %get3A_697] : memref<40x1x128xf32, #tpu.memory_space<vmem>>, vector<1x1x128xf32>
      %get3A_699 = vector.shape_cast %get3A_698 : vector<1x1x128xf32> to vector<1x128xf32>
      %jit3A_700 = arith.constant 0.000000e+00 : f32
      %broadcast_in_dim3A_701 = vector.broadcast %jit3A_700 : f32 to vector<1x128xf32>
      %select_n3A_702 = arith.select %slice3A_694, %broadcast_in_dim3A_701, %get3A_699 : vector<1x128xi1>, vector<1x128xf32>
      %swap3A_703 = arith.constant 21 : index
      %swap3A_704 = arith.constant 0 : index
      %swap3A_705 = arith.constant 0 : index
      %swap3A_706 = vector.load %arg10[%swap3A_703, %swap3A_704, %swap3A_705] : memref<40x1x128xf32, #tpu.memory_space<vmem>>, vector<1x1x128xf32>
      %swap3A_707 = vector.shape_cast %swap3A_706 : vector<1x1x128xf32> to vector<1x128xf32>
      %swap3A_708 = vector.shape_cast %select_n3A_702 : vector<1x128xf32> to vector<1x1x128xf32>
      tpu.vector_store %arg10[%swap3A_703, %swap3A_704, %swap3A_705], %swap3A_708 {strides = array<i32>} : memref<40x1x128xf32, #tpu.memory_space<vmem>>, vector<1x1x128xf32>,
      %slice3A_709 = vector.extract_strided_slice %and3A_378 {offsets = [0, 2816], sizes = [1, 128], strides = [1, 1]} : vector<1x5120xi1> to vector<1x128xi1>
      %get3A_710 = arith.constant 22 : index
      %get3A_711 = arith.constant 0 : index
      %get3A_712 = arith.constant 0 : index
      %get3A_713 = vector.load %arg10[%get3A_710, %get3A_711, %get3A_712] : memref<40x1x128xf32, #tpu.memory_space<vmem>>, vector<1x1x128xf32>
      %get3A_714 = vector.shape_cast %get3A_713 : vector<1x1x128xf32> to vector<1x128xf32>
      %jit3A_715 = arith.constant 0.000000e+00 : f32
      %broadcast_in_dim3A_716 = vector.broadcast %jit3A_715 : f32 to vector<1x128xf32>
      %select_n3A_717 = arith.select %slice3A_709, %broadcast_in_dim3A_716, %get3A_714 : vector<1x128xi1>, vector<1x128xf32>
      %swap3A_718 = arith.constant 22 : index
      %swap3A_719 = arith.constant 0 : index
      %swap3A_720 = arith.constant 0 : index
      %swap3A_721 = vector.load %arg10[%swap3A_718, %swap3A_719, %swap3A_720] : memref<40x1x128xf32, #tpu.memory_space<vmem>>, vector<1x1x128xf32>
      %swap3A_722 = vector.shape_cast %swap3A_721 : vector<1x1x128xf32> to vector<1x128xf32>
      %swap3A_723 = vector.shape_cast %select_n3A_717 : vector<1x128xf32> to vector<1x1x128xf32>
      tpu.vector_store %arg10[%swap3A_718, %swap3A_719, %swap3A_720], %swap3A_723 {strides = array<i32>} : memref<40x1x128xf32, #tpu.memory_space<vmem>>, vector<1x1x128xf32>,
      %slice3A_724 = vector.extract_strided_slice %and3A_378 {offsets = [0, 2944], sizes = [1, 128], strides = [1, 1]} : vector<1x5120xi1> to vector<1x128xi1>
      %get3A_725 = arith.constant 23 : index
      %get3A_726 = arith.constant 0 : index
      %get3A_727 = arith.constant 0 : index
      %get3A_728 = vector.load %arg10[%get3A_725, %get3A_726, %get3A_727] : memref<40x1x128xf32, #tpu.memory_space<vmem>>, vector<1x1x128xf32>
      %get3A_729 = vector.shape_cast %get3A_728 : vector<1x1x128xf32> to vector<1x128xf32>
      %jit3A_730 = arith.constant 0.000000e+00 : f32
      %broadcast_in_dim3A_731 = vector.broadcast %jit3A_730 : f32 to vector<1x128xf32>
      %select_n3A_732 = arith.select %slice3A_724, %broadcast_in_dim3A_731, %get3A_729 : vector<1x128xi1>, vector<1x128xf32>
      %swap3A_733 = arith.constant 23 : index
      %swap3A_734 = arith.constant 0 : index
      %swap3A_735 = arith.constant 0 : index
      %swap3A_736 = vector.load %arg10[%swap3A_733, %swap3A_734, %swap3A_735] : memref<40x1x128xf32, #tpu.memory_space<vmem>>, vector<1x1x128xf32>
      %swap3A_737 = vector.shape_cast %swap3A_736 : vector<1x1x128xf32> to vector<1x128xf32>
      %swap3A_738 = vector.shape_cast %select_n3A_732 : vector<1x128xf32> to vector<1x1x128xf32>
      tpu.vector_store %arg10[%swap3A_733, %swap3A_734, %swap3A_735], %swap3A_738 {strides = array<i32>} : memref<40x1x128xf32, #tpu.memory_space<vmem>>, vector<1x1x128xf32>,
      %slice3A_739 = vector.extract_strided_slice %and3A_378 {offsets = [0, 3072], sizes = [1, 128], strides = [1, 1]} : vector<1x5120xi1> to vector<1x128xi1>
      %get3A_740 = arith.constant 24 : index
      %get3A_741 = arith.constant 0 : index
      %get3A_742 = arith.constant 0 : index
      %get3A_743 = vector.load %arg10[%get3A_740, %get3A_741, %get3A_742] : memref<40x1x128xf32, #tpu.memory_space<vmem>>, vector<1x1x128xf32>
      %get3A_744 = vector.shape_cast %get3A_743 : vector<1x1x128xf32> to vector<1x128xf32>
      %jit3A_745 = arith.constant 0.000000e+00 : f32
      %broadcast_in_dim3A_746 = vector.broadcast %jit3A_745 : f32 to vector<1x128xf32>
      %select_n3A_747 = arith.select %slice3A_739, %broadcast_in_dim3A_746, %get3A_744 : vector<1x128xi1>, vector<1x128xf32>
      %swap3A_748 = arith.constant 24 : index
      %swap3A_749 = arith.constant 0 : index
      %swap3A_750 = arith.constant 0 : index
      %swap3A_751 = vector.load %arg10[%swap3A_748, %swap3A_749, %swap3A_750] : memref<40x1x128xf32, #tpu.memory_space<vmem>>, vector<1x1x128xf32>
      %swap3A_752 = vector.shape_cast %swap3A_751 : vector<1x1x128xf32> to vector<1x128xf32>
      %swap3A_753 = vector.shape_cast %select_n3A_747 : vector<1x128xf32> to vector<1x1x128xf32>
      tpu.vector_store %arg10[%swap3A_748, %swap3A_749, %swap3A_750], %swap3A_753 {strides = array<i32>} : memref<40x1x128xf32, #tpu.memory_space<vmem>>, vector<1x1x128xf32>,
      %slice3A_754 = vector.extract_strided_slice %and3A_378 {offsets = [0, 3200], sizes = [1, 128], strides = [1, 1]} : vector<1x5120xi1> to vector<1x128xi1>
      %get3A_755 = arith.constant 25 : index
      %get3A_756 = arith.constant 0 : index
      %get3A_757 = arith.constant 0 : index
      %get3A_758 = vector.load %arg10[%get3A_755, %get3A_756, %get3A_757] : memref<40x1x128xf32, #tpu.memory_space<vmem>>, vector<1x1x128xf32>
      %get3A_759 = vector.shape_cast %get3A_758 : vector<1x1x128xf32> to vector<1x128xf32>
      %jit3A_760 = arith.constant 0.000000e+00 : f32
      %broadcast_in_dim3A_761 = vector.broadcast %jit3A_760 : f32 to vector<1x128xf32>
      %select_n3A_762 = arith.select %slice3A_754, %broadcast_in_dim3A_761, %get3A_759 : vector<1x128xi1>, vector<1x128xf32>
      %swap3A_763 = arith.constant 25 : index
      %swap3A_764 = arith.constant 0 : index
      %swap3A_765 = arith.constant 0 : index
      %swap3A_766 = vector.load %arg10[%swap3A_763, %swap3A_764, %swap3A_765] : memref<40x1x128xf32, #tpu.memory_space<vmem>>, vector<1x1x128xf32>
      %swap3A_767 = vector.shape_cast %swap3A_766 : vector<1x1x128xf32> to vector<1x128xf32>
      %swap3A_768 = vector.shape_cast %select_n3A_762 : vector<1x128xf32> to vector<1x1x128xf32>
      tpu.vector_store %arg10[%swap3A_763, %swap3A_764, %swap3A_765], %swap3A_768 {strides = array<i32>} : memref<40x1x128xf32, #tpu.memory_space<vmem>>, vector<1x1x128xf32>,
      %slice3A_769 = vector.extract_strided_slice %and3A_378 {offsets = [0, 3328], sizes = [1, 128], strides = [1, 1]} : vector<1x5120xi1> to vector<1x128xi1>
      %get3A_770 = arith.constant 26 : index
      %get3A_771 = arith.constant 0 : index
      %get3A_772 = arith.constant 0 : index
      %get3A_773 = vector.load %arg10[%get3A_770, %get3A_771, %get3A_772] : memref<40x1x128xf32, #tpu.memory_space<vmem>>, vector<1x1x128xf32>
      %get3A_774 = vector.shape_cast %get3A_773 : vector<1x1x128xf32> to vector<1x128xf32>
      %jit3A_775 = arith.constant 0.000000e+00 : f32
      %broadcast_in_dim3A_776 = vector.broadcast %jit3A_775 : f32 to vector<1x128xf32>
      %select_n3A_777 = arith.select %slice3A_769, %broadcast_in_dim3A_776, %get3A_774 : vector<1x128xi1>, vector<1x128xf32>
      %swap3A_778 = arith.constant 26 : index
      %swap3A_779 = arith.constant 0 : index
      %swap3A_780 = arith.constant 0 : index
      %swap3A_781 = vector.load %arg10[%swap3A_778, %swap3A_779, %swap3A_780] : memref<40x1x128xf32, #tpu.memory_space<vmem>>, vector<1x1x128xf32>
      %swap3A_782 = vector.shape_cast %swap3A_781 : vector<1x1x128xf32> to vector<1x128xf32>
      %swap3A_783 = vector.shape_cast %select_n3A_777 : vector<1x128xf32> to vector<1x1x128xf32>
      tpu.vector_store %arg10[%swap3A_778, %swap3A_779, %swap3A_780], %swap3A_783 {strides = array<i32>} : memref<40x1x128xf32, #tpu.memory_space<vmem>>, vector<1x1x128xf32>,
      %slice3A_784 = vector.extract_strided_slice %and3A_378 {offsets = [0, 3456], sizes = [1, 128], strides = [1, 1]} : vector<1x5120xi1> to vector<1x128xi1>
      %get3A_785 = arith.constant 27 : index
      %get3A_786 = arith.constant 0 : index
      %get3A_787 = arith.constant 0 : index
      %get3A_788 = vector.load %arg10[%get3A_785, %get3A_786, %get3A_787] : memref<40x1x128xf32, #tpu.memory_space<vmem>>, vector<1x1x128xf32>
      %get3A_789 = vector.shape_cast %get3A_788 : vector<1x1x128xf32> to vector<1x128xf32>
      %jit3A_790 = arith.constant 0.000000e+00 : f32
      %broadcast_in_dim3A_791 = vector.broadcast %jit3A_790 : f32 to vector<1x128xf32>
      %select_n3A_792 = arith.select %slice3A_784, %broadcast_in_dim3A_791, %get3A_789 : vector<1x128xi1>, vector<1x128xf32>
      %swap3A_793 = arith.constant 27 : index
      %swap3A_794 = arith.constant 0 : index
      %swap3A_795 = arith.constant 0 : index
      %swap3A_796 = vector.load %arg10[%swap3A_793, %swap3A_794, %swap3A_795] : memref<40x1x128xf32, #tpu.memory_space<vmem>>, vector<1x1x128xf32>
      %swap3A_797 = vector.shape_cast %swap3A_796 : vector<1x1x128xf32> to vector<1x128xf32>
      %swap3A_798 = vector.shape_cast %select_n3A_792 : vector<1x128xf32> to vector<1x1x128xf32>
      tpu.vector_store %arg10[%swap3A_793, %swap3A_794, %swap3A_795], %swap3A_798 {strides = array<i32>} : memref<40x1x128xf32, #tpu.memory_space<vmem>>, vector<1x1x128xf32>,
      %slice3A_799 = vector.extract_strided_slice %and3A_378 {offsets = [0, 3584], sizes = [1, 128], strides = [1, 1]} : vector<1x5120xi1> to vector<1x128xi1>
      %get3A_800 = arith.constant 28 : index
      %get3A_801 = arith.constant 0 : index
      %get3A_802 = arith.constant 0 : index
      %get3A_803 = vector.load %arg10[%get3A_800, %get3A_801, %get3A_802] : memref<40x1x128xf32, #tpu.memory_space<vmem>>, vector<1x1x128xf32>
      %get3A_804 = vector.shape_cast %get3A_803 : vector<1x1x128xf32> to vector<1x128xf32>
      %jit3A_805 = arith.constant 0.000000e+00 : f32
      %broadcast_in_dim3A_806 = vector.broadcast %jit3A_805 : f32 to vector<1x128xf32>
      %select_n3A_807 = arith.select %slice3A_799, %broadcast_in_dim3A_806, %get3A_804 : vector<1x128xi1>, vector<1x128xf32>
      %swap3A_808 = arith.constant 28 : index
      %swap3A_809 = arith.constant 0 : index
      %swap3A_810 = arith.constant 0 : index
      %swap3A_811 = vector.load %arg10[%swap3A_808, %swap3A_809, %swap3A_810] : memref<40x1x128xf32, #tpu.memory_space<vmem>>, vector<1x1x128xf32>
      %swap3A_812 = vector.shape_cast %swap3A_811 : vector<1x1x128xf32> to vector<1x128xf32>
      %swap3A_813 = vector.shape_cast %select_n3A_807 : vector<1x128xf32> to vector<1x1x128xf32>
      tpu.vector_store %arg10[%swap3A_808, %swap3A_809, %swap3A_810], %swap3A_813 {strides = array<i32>} : memref<40x1x128xf32, #tpu.memory_space<vmem>>, vector<1x1x128xf32>,
      %slice3A_814 = vector.extract_strided_slice %and3A_378 {offsets = [0, 3712], sizes = [1, 128], strides = [1, 1]} : vector<1x5120xi1> to vector<1x128xi1>
      %get3A_815 = arith.constant 29 : index
      %get3A_816 = arith.constant 0 : index
      %get3A_817 = arith.constant 0 : index
      %get3A_818 = vector.load %arg10[%get3A_815, %get3A_816, %get3A_817] : memref<40x1x128xf32, #tpu.memory_space<vmem>>, vector<1x1x128xf32>
      %get3A_819 = vector.shape_cast %get3A_818 : vector<1x1x128xf32> to vector<1x128xf32>
      %jit3A_820 = arith.constant 0.000000e+00 : f32
      %broadcast_in_dim3A_821 = vector.broadcast %jit3A_820 : f32 to vector<1x128xf32>
      %select_n3A_822 = arith.select %slice3A_814, %broadcast_in_dim3A_821, %get3A_819 : vector<1x128xi1>, vector<1x128xf32>
      %swap3A_823 = arith.constant 29 : index
      %swap3A_824 = arith.constant 0 : index
      %swap3A_825 = arith.constant 0 : index
      %swap3A_826 = vector.load %arg10[%swap3A_823, %swap3A_824, %swap3A_825] : memref<40x1x128xf32, #tpu.memory_space<vmem>>, vector<1x1x128xf32>
      %swap3A_827 = vector.shape_cast %swap3A_826 : vector<1x1x128xf32> to vector<1x128xf32>
      %swap3A_828 = vector.shape_cast %select_n3A_822 : vector<1x128xf32> to vector<1x1x128xf32>
      tpu.vector_store %arg10[%swap3A_823, %swap3A_824, %swap3A_825], %swap3A_828 {strides = array<i32>} : memref<40x1x128xf32, #tpu.memory_space<vmem>>, vector<1x1x128xf32>,
      %slice3A_829 = vector.extract_strided_slice %and3A_378 {offsets = [0, 3840], sizes = [1, 128], strides = [1, 1]} : vector<1x5120xi1> to vector<1x128xi1>
      %get3A_830 = arith.constant 30 : index
      %get3A_831 = arith.constant 0 : index
      %get3A_832 = arith.constant 0 : index
      %get3A_833 = vector.load %arg10[%get3A_830, %get3A_831, %get3A_832] : memref<40x1x128xf32, #tpu.memory_space<vmem>>, vector<1x1x128xf32>
      %get3A_834 = vector.shape_cast %get3A_833 : vector<1x1x128xf32> to vector<1x128xf32>
      %jit3A_835 = arith.constant 0.000000e+00 : f32
      %broadcast_in_dim3A_836 = vector.broadcast %jit3A_835 : f32 to vector<1x128xf32>
      %select_n3A_837 = arith.select %slice3A_829, %broadcast_in_dim3A_836, %get3A_834 : vector<1x128xi1>, vector<1x128xf32>
      %swap3A_838 = arith.constant 30 : index
      %swap3A_839 = arith.constant 0 : index
      %swap3A_840 = arith.constant 0 : index
      %swap3A_841 = vector.load %arg10[%swap3A_838, %swap3A_839, %swap3A_840] : memref<40x1x128xf32, #tpu.memory_space<vmem>>, vector<1x1x128xf32>
      %swap3A_842 = vector.shape_cast %swap3A_841 : vector<1x1x128xf32> to vector<1x128xf32>
      %swap3A_843 = vector.shape_cast %select_n3A_837 : vector<1x128xf32> to vector<1x1x128xf32>
      tpu.vector_store %arg10[%swap3A_838, %swap3A_839, %swap3A_840], %swap3A_843 {strides = array<i32>} : memref<40x1x128xf32, #tpu.memory_space<vmem>>, vector<1x1x128xf32>,
      %slice3A_844 = vector.extract_strided_slice %and3A_378 {offsets = [0, 3968], sizes = [1, 128], strides = [1, 1]} : vector<1x5120xi1> to vector<1x128xi1>
      %get3A_845 = arith.constant 31 : index
      %get3A_846 = arith.constant 0 : index
      %get3A_847 = arith.constant 0 : index
      %get3A_848 = vector.load %arg10[%get3A_845, %get3A_846, %get3A_847] : memref<40x1x128xf32, #tpu.memory_space<vmem>>, vector<1x1x128xf32>
      %get3A_849 = vector.shape_cast %get3A_848 : vector<1x1x128xf32> to vector<1x128xf32>
      %jit3A_850 = arith.constant 0.000000e+00 : f32
      %broadcast_in_dim3A_851 = vector.broadcast %jit3A_850 : f32 to vector<1x128xf32>
      %select_n3A_852 = arith.select %slice3A_844, %broadcast_in_dim3A_851, %get3A_849 : vector<1x128xi1>, vector<1x128xf32>
      %swap3A_853 = arith.constant 31 : index
      %swap3A_854 = arith.constant 0 : index
      %swap3A_855 = arith.constant 0 : index
      %swap3A_856 = vector.load %arg10[%swap3A_853, %swap3A_854, %swap3A_855] : memref<40x1x128xf32, #tpu.memory_space<vmem>>, vector<1x1x128xf32>
      %swap3A_857 = vector.shape_cast %swap3A_856 : vector<1x1x128xf32> to vector<1x128xf32>
      %swap3A_858 = vector.shape_cast %select_n3A_852 : vector<1x128xf32> to vector<1x1x128xf32>
      tpu.vector_store %arg10[%swap3A_853, %swap3A_854, %swap3A_855], %swap3A_858 {strides = array<i32>} : memref<40x1x128xf32, #tpu.memory_space<vmem>>, vector<1x1x128xf32>,
      %slice3A_859 = vector.extract_strided_slice %and3A_378 {offsets = [0, 4096], sizes = [1, 128], strides = [1, 1]} : vector<1x5120xi1> to vector<1x128xi1>
      %get3A_860 = arith.constant 32 : index
      %get3A_861 = arith.constant 0 : index
      %get3A_862 = arith.constant 0 : index
      %get3A_863 = vector.load %arg10[%get3A_860, %get3A_861, %get3A_862] : memref<40x1x128xf32, #tpu.memory_space<vmem>>, vector<1x1x128xf32>
      %get3A_864 = vector.shape_cast %get3A_863 : vector<1x1x128xf32> to vector<1x128xf32>
      %jit3A_865 = arith.constant 0.000000e+00 : f32
      %broadcast_in_dim3A_866 = vector.broadcast %jit3A_865 : f32 to vector<1x128xf32>
      %select_n3A_867 = arith.select %slice3A_859, %broadcast_in_dim3A_866, %get3A_864 : vector<1x128xi1>, vector<1x128xf32>
      %swap3A_868 = arith.constant 32 : index
      %swap3A_869 = arith.constant 0 : index
      %swap3A_870 = arith.constant 0 : index
      %swap3A_871 = vector.load %arg10[%swap3A_868, %swap3A_869, %swap3A_870] : memref<40x1x128xf32, #tpu.memory_space<vmem>>, vector<1x1x128xf32>
      %swap3A_872 = vector.shape_cast %swap3A_871 : vector<1x1x128xf32> to vector<1x128xf32>
      %swap3A_873 = vector.shape_cast %select_n3A_867 : vector<1x128xf32> to vector<1x1x128xf32>
      tpu.vector_store %arg10[%swap3A_868, %swap3A_869, %swap3A_870], %swap3A_873 {strides = array<i32>} : memref<40x1x128xf32, #tpu.memory_space<vmem>>, vector<1x1x128xf32>,
      %slice3A_874 = vector.extract_strided_slice %and3A_378 {offsets = [0, 4224], sizes = [1, 128], strides = [1, 1]} : vector<1x5120xi1> to vector<1x128xi1>
      %get3A_875 = arith.constant 33 : index
      %get3A_876 = arith.constant 0 : index
      %get3A_877 = arith.constant 0 : index
      %get3A_878 = vector.load %arg10[%get3A_875, %get3A_876, %get3A_877] : memref<40x1x128xf32, #tpu.memory_space<vmem>>, vector<1x1x128xf32>
      %get3A_879 = vector.shape_cast %get3A_878 : vector<1x1x128xf32> to vector<1x128xf32>
      %jit3A_880 = arith.constant 0.000000e+00 : f32
      %broadcast_in_dim3A_881 = vector.broadcast %jit3A_880 : f32 to vector<1x128xf32>
      %select_n3A_882 = arith.select %slice3A_874, %broadcast_in_dim3A_881, %get3A_879 : vector<1x128xi1>, vector<1x128xf32>
      %swap3A_883 = arith.constant 33 : index
      %swap3A_884 = arith.constant 0 : index
      %swap3A_885 = arith.constant 0 : index
      %swap3A_886 = vector.load %arg10[%swap3A_883, %swap3A_884, %swap3A_885] : memref<40x1x128xf32, #tpu.memory_space<vmem>>, vector<1x1x128xf32>
      %swap3A_887 = vector.shape_cast %swap3A_886 : vector<1x1x128xf32> to vector<1x128xf32>
      %swap3A_888 = vector.shape_cast %select_n3A_882 : vector<1x128xf32> to vector<1x1x128xf32>
      tpu.vector_store %arg10[%swap3A_883, %swap3A_884, %swap3A_885], %swap3A_888 {strides = array<i32>} : memref<40x1x128xf32, #tpu.memory_space<vmem>>, vector<1x1x128xf32>,
      %slice3A_889 = vector.extract_strided_slice %and3A_378 {offsets = [0, 4352], sizes = [1, 128], strides = [1, 1]} : vector<1x5120xi1> to vector<1x128xi1>
      %get3A_890 = arith.constant 34 : index
      %get3A_891 = arith.constant 0 : index
      %get3A_892 = arith.constant 0 : index
      %get3A_893 = vector.load %arg10[%get3A_890, %get3A_891, %get3A_892] : memref<40x1x128xf32, #tpu.memory_space<vmem>>, vector<1x1x128xf32>
      %get3A_894 = vector.shape_cast %get3A_893 : vector<1x1x128xf32> to vector<1x128xf32>
      %jit3A_895 = arith.constant 0.000000e+00 : f32
      %broadcast_in_dim3A_896 = vector.broadcast %jit3A_895 : f32 to vector<1x128xf32>
      %select_n3A_897 = arith.select %slice3A_889, %broadcast_in_dim3A_896, %get3A_894 : vector<1x128xi1>, vector<1x128xf32>
      %swap3A_898 = arith.constant 34 : index
      %swap3A_899 = arith.constant 0 : index
      %swap3A_900 = arith.constant 0 : index
      %swap3A_901 = vector.load %arg10[%swap3A_898, %swap3A_899, %swap3A_900] : memref<40x1x128xf32, #tpu.memory_space<vmem>>, vector<1x1x128xf32>
      %swap3A_902 = vector.shape_cast %swap3A_901 : vector<1x1x128xf32> to vector<1x128xf32>
      %swap3A_903 = vector.shape_cast %select_n3A_897 : vector<1x128xf32> to vector<1x1x128xf32>
      tpu.vector_store %arg10[%swap3A_898, %swap3A_899, %swap3A_900], %swap3A_903 {strides = array<i32>} : memref<40x1x128xf32, #tpu.memory_space<vmem>>, vector<1x1x128xf32>,
      %slice3A_904 = vector.extract_strided_slice %and3A_378 {offsets = [0, 4480], sizes = [1, 128], strides = [1, 1]} : vector<1x5120xi1> to vector<1x128xi1>
      %get3A_905 = arith.constant 35 : index
      %get3A_906 = arith.constant 0 : index
      %get3A_907 = arith.constant 0 : index
      %get3A_908 = vector.load %arg10[%get3A_905, %get3A_906, %get3A_907] : memref<40x1x128xf32, #tpu.memory_space<vmem>>, vector<1x1x128xf32>
      %get3A_909 = vector.shape_cast %get3A_908 : vector<1x1x128xf32> to vector<1x128xf32>
      %jit3A_910 = arith.constant 0.000000e+00 : f32
      %broadcast_in_dim3A_911 = vector.broadcast %jit3A_910 : f32 to vector<1x128xf32>
      %select_n3A_912 = arith.select %slice3A_904, %broadcast_in_dim3A_911, %get3A_909 : vector<1x128xi1>, vector<1x128xf32>
      %swap3A_913 = arith.constant 35 : index
      %swap3A_914 = arith.constant 0 : index
      %swap3A_915 = arith.constant 0 : index
      %swap3A_916 = vector.load %arg10[%swap3A_913, %swap3A_914, %swap3A_915] : memref<40x1x128xf32, #tpu.memory_space<vmem>>, vector<1x1x128xf32>
      %swap3A_917 = vector.shape_cast %swap3A_916 : vector<1x1x128xf32> to vector<1x128xf32>
      %swap3A_918 = vector.shape_cast %select_n3A_912 : vector<1x128xf32> to vector<1x1x128xf32>
      tpu.vector_store %arg10[%swap3A_913, %swap3A_914, %swap3A_915], %swap3A_918 {strides = array<i32>} : memref<40x1x128xf32, #tpu.memory_space<vmem>>, vector<1x1x128xf32>,
      %slice3A_919 = vector.extract_strided_slice %and3A_378 {offsets = [0, 4608], sizes = [1, 128], strides = [1, 1]} : vector<1x5120xi1> to vector<1x128xi1>
      %get3A_920 = arith.constant 36 : index
      %get3A_921 = arith.constant 0 : index
      %get3A_922 = arith.constant 0 : index
      %get3A_923 = vector.load %arg10[%get3A_920, %get3A_921, %get3A_922] : memref<40x1x128xf32, #tpu.memory_space<vmem>>, vector<1x1x128xf32>
      %get3A_924 = vector.shape_cast %get3A_923 : vector<1x1x128xf32> to vector<1x128xf32>
      %jit3A_925 = arith.constant 0.000000e+00 : f32
      %broadcast_in_dim3A_926 = vector.broadcast %jit3A_925 : f32 to vector<1x128xf32>
      %select_n3A_927 = arith.select %slice3A_919, %broadcast_in_dim3A_926, %get3A_924 : vector<1x128xi1>, vector<1x128xf32>
      %swap3A_928 = arith.constant 36 : index
      %swap3A_929 = arith.constant 0 : index
      %swap3A_930 = arith.constant 0 : index
      %swap3A_931 = vector.load %arg10[%swap3A_928, %swap3A_929, %swap3A_930] : memref<40x1x128xf32, #tpu.memory_space<vmem>>, vector<1x1x128xf32>
      %swap3A_932 = vector.shape_cast %swap3A_931 : vector<1x1x128xf32> to vector<1x128xf32>
      %swap3A_933 = vector.shape_cast %select_n3A_927 : vector<1x128xf32> to vector<1x1x128xf32>
      tpu.vector_store %arg10[%swap3A_928, %swap3A_929, %swap3A_930], %swap3A_933 {strides = array<i32>} : memref<40x1x128xf32, #tpu.memory_space<vmem>>, vector<1x1x128xf32>,
      %slice3A_934 = vector.extract_strided_slice %and3A_378 {offsets = [0, 4736], sizes = [1, 128], strides = [1, 1]} : vector<1x5120xi1> to vector<1x128xi1>
      %get3A_935 = arith.constant 37 : index
      %get3A_936 = arith.constant 0 : index
      %get3A_937 = arith.constant 0 : index
      %get3A_938 = vector.load %arg10[%get3A_935, %get3A_936, %get3A_937] : memref<40x1x128xf32, #tpu.memory_space<vmem>>, vector<1x1x128xf32>
      %get3A_939 = vector.shape_cast %get3A_938 : vector<1x1x128xf32> to vector<1x128xf32>
      %jit3A_940 = arith.constant 0.000000e+00 : f32
      %broadcast_in_dim3A_941 = vector.broadcast %jit3A_940 : f32 to vector<1x128xf32>
      %select_n3A_942 = arith.select %slice3A_934, %broadcast_in_dim3A_941, %get3A_939 : vector<1x128xi1>, vector<1x128xf32>
      %swap3A_943 = arith.constant 37 : index
      %swap3A_944 = arith.constant 0 : index
      %swap3A_945 = arith.constant 0 : index
      %swap3A_946 = vector.load %arg10[%swap3A_943, %swap3A_944, %swap3A_945] : memref<40x1x128xf32, #tpu.memory_space<vmem>>, vector<1x1x128xf32>
      %swap3A_947 = vector.shape_cast %swap3A_946 : vector<1x1x128xf32> to vector<1x128xf32>
      %swap3A_948 = vector.shape_cast %select_n3A_942 : vector<1x128xf32> to vector<1x1x128xf32>
      tpu.vector_store %arg10[%swap3A_943, %swap3A_944, %swap3A_945], %swap3A_948 {strides = array<i32>} : memref<40x1x128xf32, #tpu.memory_space<vmem>>, vector<1x1x128xf32>,
      %slice3A_949 = vector.extract_strided_slice %and3A_378 {offsets = [0, 4864], sizes = [1, 128], strides = [1, 1]} : vector<1x5120xi1> to vector<1x128xi1>
      %get3A_950 = arith.constant 38 : index
      %get3A_951 = arith.constant 0 : index
      %get3A_952 = arith.constant 0 : index
      %get3A_953 = vector.load %arg10[%get3A_950, %get3A_951, %get3A_952] : memref<40x1x128xf32, #tpu.memory_space<vmem>>, vector<1x1x128xf32>
      %get3A_954 = vector.shape_cast %get3A_953 : vector<1x1x128xf32> to vector<1x128xf32>
      %jit3A_955 = arith.constant 0.000000e+00 : f32
      %broadcast_in_dim3A_956 = vector.broadcast %jit3A_955 : f32 to vector<1x128xf32>
      %select_n3A_957 = arith.select %slice3A_949, %broadcast_in_dim3A_956, %get3A_954 : vector<1x128xi1>, vector<1x128xf32>
      %swap3A_958 = arith.constant 38 : index
      %swap3A_959 = arith.constant 0 : index
      %swap3A_960 = arith.constant 0 : index
      %swap3A_961 = vector.load %arg10[%swap3A_958, %swap3A_959, %swap3A_960] : memref<40x1x128xf32, #tpu.memory_space<vmem>>, vector<1x1x128xf32>
      %swap3A_962 = vector.shape_cast %swap3A_961 : vector<1x1x128xf32> to vector<1x128xf32>
      %swap3A_963 = vector.shape_cast %select_n3A_957 : vector<1x128xf32> to vector<1x1x128xf32>
      tpu.vector_store %arg10[%swap3A_958, %swap3A_959, %swap3A_960], %swap3A_963 {strides = array<i32>} : memref<40x1x128xf32, #tpu.memory_space<vmem>>, vector<1x1x128xf32>,
      %slice3A_964 = vector.extract_strided_slice %and3A_378 {offsets = [0, 4992], sizes = [1, 128], strides = [1, 1]} : vector<1x5120xi1> to vector<1x128xi1>
      %get3A_965 = arith.constant 39 : index
      %get3A_966 = arith.constant 0 : index
      %get3A_967 = arith.constant 0 : index
      %get3A_968 = vector.load %arg10[%get3A_965, %get3A_966, %get3A_967] : memref<40x1x128xf32, #tpu.memory_space<vmem>>, vector<1x1x128xf32>
      %get3A_969 = vector.shape_cast %get3A_968 : vector<1x1x128xf32> to vector<1x128xf32>
      %jit3A_970 = arith.constant 0.000000e+00 : f32
      %broadcast_in_dim3A_971 = vector.broadcast %jit3A_970 : f32 to vector<1x128xf32>
      %select_n3A_972 = arith.select %slice3A_964, %broadcast_in_dim3A_971, %get3A_969 : vector<1x128xi1>, vector<1x128xf32>
      %swap3A_973 = arith.constant 39 : index
      %swap3A_974 = arith.constant 0 : index
      %swap3A_975 = arith.constant 0 : index
      %swap3A_976 = vector.load %arg10[%swap3A_973, %swap3A_974, %swap3A_975] : memref<40x1x128xf32, #tpu.memory_space<vmem>>, vector<1x1x128xf32>
      %swap3A_977 = vector.shape_cast %swap3A_976 : vector<1x1x128xf32> to vector<1x128xf32>
      %swap3A_978 = vector.shape_cast %select_n3A_972 : vector<1x128xf32> to vector<1x1x128xf32>
      tpu.vector_store %arg10[%swap3A_973, %swap3A_974, %swap3A_975], %swap3A_978 {strides = array<i32>} : memref<40x1x128xf32, #tpu.memory_space<vmem>>, vector<1x1x128xf32>,
    }
    %scan3A_32 = arith.constant 5 : i32
    %slice3A_33 = vector.extract_strided_slice %get3A_6 {offsets = [0, 640], sizes = [1, 4480], strides = [1, 1]} : vector<1x5120xf32> to vector<1x4480xf32>
    %slice3A_34 = vector.extract_strided_slice %get3A_9 {offsets = [0, 640], sizes = [1, 4480], strides = [1, 1]} : vector<1x5120xf32> to vector<1x4480xf32>
    %slice3A_35 = vector.extract_strided_slice %get3A_12 {offsets = [0, 640], sizes = [1, 4480], strides = [1, 1]} : vector<1x5120xf32> to vector<1x4480xf32>
    %slice3A_36 = vector.extract_strided_slice %get3A_15 {offsets = [0, 640], sizes = [1, 4480], strides = [1, 1]} : vector<1x5120xf32> to vector<1x4480xf32>
    %sub3A_37 = arith.subf %slice3A_35, %slice3A_33 : vector<1x4480xf32>
    %sub3A_38 = arith.subf %slice3A_36, %slice3A_34 : vector<1x4480xf32>
    %mul3A_39 = arith.mulf %sub3A_37, %sub3A_38 : vector<1x4480xf32>
    %add3A_40 = arith.constant 9.99999993E-9 : f32
    %add3A_41 = vector.broadcast %add3A_40 : f32 to vector<1x4480xf32>
    %add3A_42 = arith.addf %mul3A_39, %add3A_41 : vector<1x4480xf32>
    %mul3A_43 = arith.constant 0.411764711 : f32
    %mul3A_44 = vector.broadcast %mul3A_43 : f32 to vector<1x4480xf32>
    %mul3A_45 = arith.mulf %add3A_42, %mul3A_44 : vector<1x4480xf32>
    %iota3A_46 = tpu.iota {dimensions = array<i32: 1>} : vector<1x4480xi32>
    %add3A_47 = arith.constant 640 : i32
    %add3A_48 = vector.broadcast %add3A_47 : i32 to vector<1x4480xi32>
    %add3A_49 = arith.addi %iota3A_46, %add3A_48 : vector<1x4480xi32>
    %scan3A_50 = arith.constant 5 : i32
    %scan3A_51 = arith.constant 5 : i32
    %scan3A_52 = arith.addi %scan3A_50, %scan3A_51 : i32
    %scan3A_53 = arith.constant 1 : i32
    scf.for %scan3A_259 = %scan3A_50 to %scan3A_52 step %scan3A_53  : i32 {
      %mul3A_260 = arith.constant 128 : i32
      %mul3A_261 = arith.muli %scan3A_259, %mul3A_260 : i32
      %get3A_262 = arith.index_cast %mul3A_261 : i32 to index
      %get3A_263 = arith.constant 0 : index
      %get3A_264 = vector.load %arg0[%get3A_262, %get3A_263] : memref<5120x4xf32, #tpu.memory_space<vmem>>, vector<128x4xf32>
      %slice3A_265 = vector.extract_strided_slice %get3A_264 {offsets = [0, 0], sizes = [128, 1], strides = [1, 1]} : vector<128x4xf32> to vector<128x1xf32>
      %slice3A_266 = vector.extract_strided_slice %get3A_264 {offsets = [0, 1], sizes = [128, 1], strides = [1, 1]} : vector<128x4xf32> to vector<128x1xf32>
      %slice3A_267 = vector.extract_strided_slice %get3A_264 {offsets = [0, 2], sizes = [128, 1], strides = [1, 1]} : vector<128x4xf32> to vector<128x1xf32>
      %slice3A_268 = vector.extract_strided_slice %get3A_264 {offsets = [0, 3], sizes = [128, 1], strides = [1, 1]} : vector<128x4xf32> to vector<128x1xf32>
      %sub3A_269 = arith.subf %slice3A_267, %slice3A_265 : vector<128x1xf32>
      %sub3A_270 = arith.subf %slice3A_268, %slice3A_266 : vector<128x1xf32>
      %mul3A_271 = arith.mulf %sub3A_269, %sub3A_270 : vector<128x1xf32>
      %mul3A_272 = arith.constant 0.411764711 : f32
      %mul3A_273 = vector.broadcast %mul3A_272 : f32 to vector<128x1xf32>
      %mul3A_274 = arith.mulf %mul3A_271, %mul3A_273 : vector<128x1xf32>
      %get3A_275 = arith.index_cast %scan3A_259 : i32 to index
      %get3A_276 = arith.constant 0 : index
      %get3A_277 = arith.constant 0 : index
      %get3A_278 = vector.load %arg1[%get3A_275, %get3A_276, %get3A_277] : memref<40x1x128xf32, #tpu.memory_space<vmem>>, vector<1x1x128xf32>
      %get3A_279 = vector.shape_cast %get3A_278 : vector<1x1x128xf32> to vector<1x128xf32>
      %get3A_280 = arith.index_cast %scan3A_259 : i32 to index
      %get3A_281 = arith.constant 0 : index
      %get3A_282 = arith.constant 0 : index
      %get3A_283 = vector.load %arg2[%get3A_280, %get3A_281, %get3A_282] : memref<40x1x128xf32, #tpu.memory_space<vmem>>, vector<1x1x128xf32>
      %get3A_284 = vector.shape_cast %get3A_283 : vector<1x1x128xf32> to vector<1x128xf32>
      %get3A_285 = arith.index_cast %scan3A_259 : i32 to index
      %get3A_286 = arith.constant 0 : index
      %get3A_287 = arith.constant 0 : index
      %get3A_288 = vector.load %arg3[%get3A_285, %get3A_286, %get3A_287] : memref<40x1x128xf32, #tpu.memory_space<vmem>>, vector<1x1x128xf32>
      %get3A_289 = vector.shape_cast %get3A_288 : vector<1x1x128xf32> to vector<1x128xf32>
      %get3A_290 = arith.index_cast %scan3A_259 : i32 to index
      %get3A_291 = arith.constant 0 : index
      %get3A_292 = arith.constant 0 : index
      %get3A_293 = vector.load %arg4[%get3A_290, %get3A_291, %get3A_292] : memref<40x1x128xf32, #tpu.memory_space<vmem>>, vector<1x1x128xf32>
      %get3A_294 = vector.shape_cast %get3A_293 : vector<1x1x128xf32> to vector<1x128xf32>
      %sub3A_295 = arith.subf %get3A_289, %get3A_279 : vector<1x128xf32>
      %sub3A_296 = arith.subf %get3A_294, %get3A_284 : vector<1x128xf32>
      %mul3A_297 = arith.mulf %sub3A_295, %sub3A_296 : vector<1x128xf32>
      %add3A_298 = arith.constant 9.99999993E-9 : f32
      %add3A_299 = vector.broadcast %add3A_298 : f32 to vector<1x128xf32>
      %add3A_300 = arith.addf %mul3A_297, %add3A_299 : vector<1x128xf32>
      %mul3A_301 = arith.constant 0.411764711 : f32
      %mul3A_302 = vector.broadcast %mul3A_301 : f32 to vector<1x128xf32>
      %mul3A_303 = arith.mulf %add3A_300, %mul3A_302 : vector<1x128xf32>
      %max3A = vector.broadcast %slice3A_265 : vector<128x1xf32> to vector<128x128xf32>
      %max3A_304 = vector.broadcast %get3A_279 : vector<1x128xf32> to vector<128x128xf32>
      %max3A_305 = arith.maximumf %max3A, %max3A_304 : vector<128x128xf32>
      %max3A_306 = vector.broadcast %slice3A_266 : vector<128x1xf32> to vector<128x128xf32>
      %max3A_307 = vector.broadcast %get3A_284 : vector<1x128xf32> to vector<128x128xf32>
      %max3A_308 = arith.maximumf %max3A_306, %max3A_307 : vector<128x128xf32>
      %min3A = vector.broadcast %slice3A_267 : vector<128x1xf32> to vector<128x128xf32>
      %min3A_309 = vector.broadcast %get3A_289 : vector<1x128xf32> to vector<128x128xf32>
      %min3A_310 = arith.minimumf %min3A, %min3A_309 : vector<128x128xf32>
      %min3A_311 = vector.broadcast %slice3A_268 : vector<128x1xf32> to vector<128x128xf32>
      %min3A_312 = vector.broadcast %get3A_294 : vector<1x128xf32> to vector<128x128xf32>
      %min3A_313 = arith.minimumf %min3A_311, %min3A_312 : vector<128x128xf32>
      %sub3A_314 = arith.subf %min3A_310, %max3A_305 : vector<128x128xf32>
      %max3A_315 = arith.constant 0.000000e+00 : f32
      %max3A_316 = vector.broadcast %max3A_315 : f32 to vector<128x128xf32>
      %max3A_317 = arith.maximumf %sub3A_314, %max3A_316 : vector<128x128xf32>
      %sub3A_318 = arith.subf %min3A_313, %max3A_308 : vector<128x128xf32>
      %max3A_319 = arith.constant 0.000000e+00 : f32
      %max3A_320 = vector.broadcast %max3A_319 : f32 to vector<128x128xf32>
      %max3A_321 = arith.maximumf %sub3A_318, %max3A_320 : vector<128x128xf32>
      %mul3A_322 = arith.mulf %max3A_317, %max3A_321 : vector<128x128xf32>
      %add3A_323 = vector.broadcast %mul3A_274 : vector<128x1xf32> to vector<128x128xf32>
      %add3A_324 = vector.broadcast %mul3A_303 : vector<1x128xf32> to vector<128x128xf32>
      %add3A_325 = arith.addf %add3A_323, %add3A_324 : vector<128x128xf32>
      %gt3A_326 = arith.cmpf ogt, %mul3A_322, %add3A_325 : vector<128x128xf32>
      %and3A = arith.andi %gt3A_326, %gt3A : vector<128x128xi1>
      %convert_element_type3A_327 = arith.extui %and3A : vector<128x128xi1> to vector<128x128xi32>
      %convert_element_type3A_328 = arith.sitofp %convert_element_type3A_327 : vector<128x128xi32> to vector<128x128xf32>
      %get3A_329 = arith.index_cast %scan3A_259 : i32 to index
      %get3A_330 = arith.constant 0 : index
      %get3A_331 = arith.constant 0 : index
      %get3A_332 = vector.load %arg10[%get3A_329, %get3A_330, %get3A_331] : memref<40x1x128xf32, #tpu.memory_space<vmem>>, vector<1x1x128xf32>
      %get3A_333 = vector.shape_cast %get3A_332 : vector<1x1x128xf32> to vector<1x128xf32>
      %while3A = arith.constant true
      %while3A_334:2 = scf.while (%while3A_904 = %get3A_333, %while3A_905 = %while3A) : (vector<1x128xf32>, i1) -> (vector<1x128xf32>, i1) {
        scf.condition(%while3A_905) %while3A_904, %while3A_905 : vector<1x128xf32>, i1
      } do {
      ^bb0(%while3A_904: vector<1x128xf32>, %while3A_905: i1):
        %dot_general3A_906 = arith.constant dense<0.000000e+00> : vector<1x128xf32>
        %dot_general3A_907 = tpu.matmul %while3A_904, %convert_element_type3A_328, %dot_general3A_906 {dimension_numbers = #tpu.dot_dimension_numbers<[1], [0], [0], [1], [0, 0, 1, 1], [], []>, transpose_lhs_hint = false} : vector<1x128xf32>, vector<128x128xf32>, vector<1x128xf32> -> vector<1x128xf32>
        %gt3A_908 = arith.constant 0.000000e+00 : f32
        %gt3A_909 = vector.broadcast %gt3A_908 : f32 to vector<1x128xf32>
        %gt3A_910 = arith.cmpf ogt, %dot_general3A_907, %gt3A_909 : vector<1x128xf32>
        %jit3A_911 = arith.constant 0.000000e+00 : f32
        %broadcast_in_dim3A_912 = vector.broadcast %jit3A_911 : f32 to vector<1x128xf32>
        %select_n3A_913 = arith.select %gt3A_910, %broadcast_in_dim3A_912, %get3A_333 : vector<1x128xi1>, vector<1x128xf32>
        %ne3A = arith.cmpf one, %select_n3A_913, %while3A_904 : vector<1x128xf32>
        %reduce_or3A = arith.constant 1.000000e+00 : f32
        %reduce_or3A_914 = arith.constant 0.000000e+00 : f32
        %reduce_or3A_915 = vector.broadcast %reduce_or3A : f32 to vector<1x128xf32>
        %reduce_or3A_916 = vector.broadcast %reduce_or3A_914 : f32 to vector<1x128xf32>
        %reduce_or3A_917 = arith.select %ne3A, %reduce_or3A_915, %reduce_or3A_916 : vector<1x128xi1>, vector<1x128xf32>
        %reduce_or3A_918 = vector.shape_cast %reduce_or3A_917 : vector<1x128xf32> to vector<1x1x128xf32>
        %reduce_or3A_919 = arith.constant dense<0xFF800000> : vector<1xf32>
        %reduce_or3A_920 = vector.multi_reduction <maximumf>, %reduce_or3A_918, %reduce_or3A_919 [1, 2] : vector<1x1x128xf32> to vector<1xf32>
        %reduce_or3A_921 = vector.shape_cast %reduce_or3A_920 : vector<1xf32> to vector<1x1x1xf32>
        %reduce_or3A_922 = vector.extract %reduce_or3A_921[0, 0, 0] : f32 from vector<1x1x1xf32>
        %reduce_or3A_923 = arith.constant 0.000000e+00 : f32
        %reduce_or3A_924 = arith.cmpf ogt, %reduce_or3A_922, %reduce_or3A_923 : f32
        scf.yield %select_n3A_913, %reduce_or3A_924 : vector<1x128xf32>, i1
      }
      %swap3A_335 = arith.index_cast %scan3A_259 : i32 to index
      %swap3A_336 = arith.constant 0 : index
      %swap3A_337 = arith.constant 0 : index
      %swap3A_338 = vector.load %arg10[%swap3A_335, %swap3A_336, %swap3A_337] : memref<40x1x128xf32, #tpu.memory_space<vmem>>, vector<1x1x128xf32>
      %swap3A_339 = vector.shape_cast %swap3A_338 : vector<1x1x128xf32> to vector<1x128xf32>
      %swap3A_340 = vector.shape_cast %while3A_334#0 : vector<1x128xf32> to vector<1x1x128xf32>
      tpu.vector_store %arg10[%swap3A_335, %swap3A_336, %swap3A_337], %swap3A_340 {strides = array<i32>} : memref<40x1x128xf32, #tpu.memory_space<vmem>>, vector<1x1x128xf32>,
      %max3A_341 = vector.broadcast %slice3A_265 : vector<128x1xf32> to vector<128x4480xf32>
      %max3A_342 = vector.broadcast %slice3A_33 : vector<1x4480xf32> to vector<128x4480xf32>
      %max3A_343 = arith.maximumf %max3A_341, %max3A_342 : vector<128x4480xf32>
      %max3A_344 = vector.broadcast %slice3A_266 : vector<128x1xf32> to vector<128x4480xf32>
      %max3A_345 = vector.broadcast %slice3A_34 : vector<1x4480xf32> to vector<128x4480xf32>
      %max3A_346 = arith.maximumf %max3A_344, %max3A_345 : vector<128x4480xf32>
      %min3A_347 = vector.broadcast %slice3A_267 : vector<128x1xf32> to vector<128x4480xf32>
      %min3A_348 = vector.broadcast %slice3A_35 : vector<1x4480xf32> to vector<128x4480xf32>
      %min3A_349 = arith.minimumf %min3A_347, %min3A_348 : vector<128x4480xf32>
      %min3A_350 = vector.broadcast %slice3A_268 : vector<128x1xf32> to vector<128x4480xf32>
      %min3A_351 = vector.broadcast %slice3A_36 : vector<1x4480xf32> to vector<128x4480xf32>
      %min3A_352 = arith.minimumf %min3A_350, %min3A_351 : vector<128x4480xf32>
      %sub3A_353 = arith.subf %min3A_349, %max3A_343 : vector<128x4480xf32>
      %max3A_354 = arith.constant 0.000000e+00 : f32
      %max3A_355 = vector.broadcast %max3A_354 : f32 to vector<128x4480xf32>
      %max3A_356 = arith.maximumf %sub3A_353, %max3A_355 : vector<128x4480xf32>
      %sub3A_357 = arith.subf %min3A_352, %max3A_346 : vector<128x4480xf32>
      %max3A_358 = arith.constant 0.000000e+00 : f32
      %max3A_359 = vector.broadcast %max3A_358 : f32 to vector<128x4480xf32>
      %max3A_360 = arith.maximumf %sub3A_357, %max3A_359 : vector<128x4480xf32>
      %mul3A_361 = arith.mulf %max3A_356, %max3A_360 : vector<128x4480xf32>
      %add3A_362 = vector.broadcast %mul3A_274 : vector<128x1xf32> to vector<128x4480xf32>
      %add3A_363 = vector.broadcast %mul3A_45 : vector<1x4480xf32> to vector<128x4480xf32>
      %add3A_364 = arith.addf %add3A_362, %add3A_363 : vector<128x4480xf32>
      %gt3A_365 = arith.cmpf ogt, %mul3A_361, %add3A_364 : vector<128x4480xf32>
      %convert_element_type3A_366 = arith.extui %gt3A_365 : vector<128x4480xi1> to vector<128x4480xi32>
      %convert_element_type3A_367 = arith.sitofp %convert_element_type3A_366 : vector<128x4480xi32> to vector<128x4480xf32>
      %dot_general3A_368 = arith.constant dense<0.000000e+00> : vector<1x4480xf32>
      %dot_general3A_369 = tpu.matmul %while3A_334#0, %convert_element_type3A_367, %dot_general3A_368 {dimension_numbers = #tpu.dot_dimension_numbers<[1], [0], [0], [1], [0, 0, 1, 1], [], []>, transpose_lhs_hint = false} : vector<1x128xf32>, vector<128x4480xf32>, vector<1x4480xf32> -> vector<1x4480xf32>
      %gt3A_370 = arith.constant 0.000000e+00 : f32
      %gt3A_371 = vector.broadcast %gt3A_370 : f32 to vector<1x4480xf32>
      %gt3A_372 = arith.cmpf ogt, %dot_general3A_369, %gt3A_371 : vector<1x4480xf32>
      %add3A_373 = arith.constant 1 : i32
      %add3A_374 = arith.addi %scan3A_259, %add3A_373 : i32
      %mul3A_375 = arith.constant 128 : i32
      %mul3A_376 = arith.muli %add3A_374, %mul3A_375 : i32
      %ge3A = vector.broadcast %mul3A_376 : i32 to vector<1x4480xi32>
      %ge3A_377 = arith.cmpi sge, %add3A_49, %ge3A : vector<1x4480xi32>
      %and3A_378 = arith.andi %gt3A_372, %ge3A_377 : vector<1x4480xi1>
      %slice3A_379 = vector.extract_strided_slice %and3A_378 {offsets = [0, 0], sizes = [1, 128], strides = [1, 1]} : vector<1x4480xi1> to vector<1x128xi1>
      %get3A_380 = arith.constant 5 : index
      %get3A_381 = arith.constant 0 : index
      %get3A_382 = arith.constant 0 : index
      %get3A_383 = vector.load %arg10[%get3A_380, %get3A_381, %get3A_382] : memref<40x1x128xf32, #tpu.memory_space<vmem>>, vector<1x1x128xf32>
      %get3A_384 = vector.shape_cast %get3A_383 : vector<1x1x128xf32> to vector<1x128xf32>
      %jit3A_385 = arith.constant 0.000000e+00 : f32
      %broadcast_in_dim3A_386 = vector.broadcast %jit3A_385 : f32 to vector<1x128xf32>
      %select_n3A_387 = arith.select %slice3A_379, %broadcast_in_dim3A_386, %get3A_384 : vector<1x128xi1>, vector<1x128xf32>
      %swap3A_388 = arith.constant 5 : index
      %swap3A_389 = arith.constant 0 : index
      %swap3A_390 = arith.constant 0 : index
      %swap3A_391 = vector.load %arg10[%swap3A_388, %swap3A_389, %swap3A_390] : memref<40x1x128xf32, #tpu.memory_space<vmem>>, vector<1x1x128xf32>
      %swap3A_392 = vector.shape_cast %swap3A_391 : vector<1x1x128xf32> to vector<1x128xf32>
      %swap3A_393 = vector.shape_cast %select_n3A_387 : vector<1x128xf32> to vector<1x1x128xf32>
      tpu.vector_store %arg10[%swap3A_388, %swap3A_389, %swap3A_390], %swap3A_393 {strides = array<i32>} : memref<40x1x128xf32, #tpu.memory_space<vmem>>, vector<1x1x128xf32>,
      %slice3A_394 = vector.extract_strided_slice %and3A_378 {offsets = [0, 128], sizes = [1, 128], strides = [1, 1]} : vector<1x4480xi1> to vector<1x128xi1>
      %get3A_395 = arith.constant 6 : index
      %get3A_396 = arith.constant 0 : index
      %get3A_397 = arith.constant 0 : index
      %get3A_398 = vector.load %arg10[%get3A_395, %get3A_396, %get3A_397] : memref<40x1x128xf32, #tpu.memory_space<vmem>>, vector<1x1x128xf32>
      %get3A_399 = vector.shape_cast %get3A_398 : vector<1x1x128xf32> to vector<1x128xf32>
      %jit3A_400 = arith.constant 0.000000e+00 : f32
      %broadcast_in_dim3A_401 = vector.broadcast %jit3A_400 : f32 to vector<1x128xf32>
      %select_n3A_402 = arith.select %slice3A_394, %broadcast_in_dim3A_401, %get3A_399 : vector<1x128xi1>, vector<1x128xf32>
      %swap3A_403 = arith.constant 6 : index
      %swap3A_404 = arith.constant 0 : index
      %swap3A_405 = arith.constant 0 : index
      %swap3A_406 = vector.load %arg10[%swap3A_403, %swap3A_404, %swap3A_405] : memref<40x1x128xf32, #tpu.memory_space<vmem>>, vector<1x1x128xf32>
      %swap3A_407 = vector.shape_cast %swap3A_406 : vector<1x1x128xf32> to vector<1x128xf32>
      %swap3A_408 = vector.shape_cast %select_n3A_402 : vector<1x128xf32> to vector<1x1x128xf32>
      tpu.vector_store %arg10[%swap3A_403, %swap3A_404, %swap3A_405], %swap3A_408 {strides = array<i32>} : memref<40x1x128xf32, #tpu.memory_space<vmem>>, vector<1x1x128xf32>,
      %slice3A_409 = vector.extract_strided_slice %and3A_378 {offsets = [0, 256], sizes = [1, 128], strides = [1, 1]} : vector<1x4480xi1> to vector<1x128xi1>
      %get3A_410 = arith.constant 7 : index
      %get3A_411 = arith.constant 0 : index
      %get3A_412 = arith.constant 0 : index
      %get3A_413 = vector.load %arg10[%get3A_410, %get3A_411, %get3A_412] : memref<40x1x128xf32, #tpu.memory_space<vmem>>, vector<1x1x128xf32>
      %get3A_414 = vector.shape_cast %get3A_413 : vector<1x1x128xf32> to vector<1x128xf32>
      %jit3A_415 = arith.constant 0.000000e+00 : f32
      %broadcast_in_dim3A_416 = vector.broadcast %jit3A_415 : f32 to vector<1x128xf32>
      %select_n3A_417 = arith.select %slice3A_409, %broadcast_in_dim3A_416, %get3A_414 : vector<1x128xi1>, vector<1x128xf32>
      %swap3A_418 = arith.constant 7 : index
      %swap3A_419 = arith.constant 0 : index
      %swap3A_420 = arith.constant 0 : index
      %swap3A_421 = vector.load %arg10[%swap3A_418, %swap3A_419, %swap3A_420] : memref<40x1x128xf32, #tpu.memory_space<vmem>>, vector<1x1x128xf32>
      %swap3A_422 = vector.shape_cast %swap3A_421 : vector<1x1x128xf32> to vector<1x128xf32>
      %swap3A_423 = vector.shape_cast %select_n3A_417 : vector<1x128xf32> to vector<1x1x128xf32>
      tpu.vector_store %arg10[%swap3A_418, %swap3A_419, %swap3A_420], %swap3A_423 {strides = array<i32>} : memref<40x1x128xf32, #tpu.memory_space<vmem>>, vector<1x1x128xf32>,
      %slice3A_424 = vector.extract_strided_slice %and3A_378 {offsets = [0, 384], sizes = [1, 128], strides = [1, 1]} : vector<1x4480xi1> to vector<1x128xi1>
      %get3A_425 = arith.constant 8 : index
      %get3A_426 = arith.constant 0 : index
      %get3A_427 = arith.constant 0 : index
      %get3A_428 = vector.load %arg10[%get3A_425, %get3A_426, %get3A_427] : memref<40x1x128xf32, #tpu.memory_space<vmem>>, vector<1x1x128xf32>
      %get3A_429 = vector.shape_cast %get3A_428 : vector<1x1x128xf32> to vector<1x128xf32>
      %jit3A_430 = arith.constant 0.000000e+00 : f32
      %broadcast_in_dim3A_431 = vector.broadcast %jit3A_430 : f32 to vector<1x128xf32>
      %select_n3A_432 = arith.select %slice3A_424, %broadcast_in_dim3A_431, %get3A_429 : vector<1x128xi1>, vector<1x128xf32>
      %swap3A_433 = arith.constant 8 : index
      %swap3A_434 = arith.constant 0 : index
      %swap3A_435 = arith.constant 0 : index
      %swap3A_436 = vector.load %arg10[%swap3A_433, %swap3A_434, %swap3A_435] : memref<40x1x128xf32, #tpu.memory_space<vmem>>, vector<1x1x128xf32>
      %swap3A_437 = vector.shape_cast %swap3A_436 : vector<1x1x128xf32> to vector<1x128xf32>
      %swap3A_438 = vector.shape_cast %select_n3A_432 : vector<1x128xf32> to vector<1x1x128xf32>
      tpu.vector_store %arg10[%swap3A_433, %swap3A_434, %swap3A_435], %swap3A_438 {strides = array<i32>} : memref<40x1x128xf32, #tpu.memory_space<vmem>>, vector<1x1x128xf32>,
      %slice3A_439 = vector.extract_strided_slice %and3A_378 {offsets = [0, 512], sizes = [1, 128], strides = [1, 1]} : vector<1x4480xi1> to vector<1x128xi1>
      %get3A_440 = arith.constant 9 : index
      %get3A_441 = arith.constant 0 : index
      %get3A_442 = arith.constant 0 : index
      %get3A_443 = vector.load %arg10[%get3A_440, %get3A_441, %get3A_442] : memref<40x1x128xf32, #tpu.memory_space<vmem>>, vector<1x1x128xf32>
      %get3A_444 = vector.shape_cast %get3A_443 : vector<1x1x128xf32> to vector<1x128xf32>
      %jit3A_445 = arith.constant 0.000000e+00 : f32
      %broadcast_in_dim3A_446 = vector.broadcast %jit3A_445 : f32 to vector<1x128xf32>
      %select_n3A_447 = arith.select %slice3A_439, %broadcast_in_dim3A_446, %get3A_444 : vector<1x128xi1>, vector<1x128xf32>
      %swap3A_448 = arith.constant 9 : index
      %swap3A_449 = arith.constant 0 : index
      %swap3A_450 = arith.constant 0 : index
      %swap3A_451 = vector.load %arg10[%swap3A_448, %swap3A_449, %swap3A_450] : memref<40x1x128xf32, #tpu.memory_space<vmem>>, vector<1x1x128xf32>
      %swap3A_452 = vector.shape_cast %swap3A_451 : vector<1x1x128xf32> to vector<1x128xf32>
      %swap3A_453 = vector.shape_cast %select_n3A_447 : vector<1x128xf32> to vector<1x1x128xf32>
      tpu.vector_store %arg10[%swap3A_448, %swap3A_449, %swap3A_450], %swap3A_453 {strides = array<i32>} : memref<40x1x128xf32, #tpu.memory_space<vmem>>, vector<1x1x128xf32>,
      %slice3A_454 = vector.extract_strided_slice %and3A_378 {offsets = [0, 640], sizes = [1, 128], strides = [1, 1]} : vector<1x4480xi1> to vector<1x128xi1>
      %get3A_455 = arith.constant 10 : index
      %get3A_456 = arith.constant 0 : index
      %get3A_457 = arith.constant 0 : index
      %get3A_458 = vector.load %arg10[%get3A_455, %get3A_456, %get3A_457] : memref<40x1x128xf32, #tpu.memory_space<vmem>>, vector<1x1x128xf32>
      %get3A_459 = vector.shape_cast %get3A_458 : vector<1x1x128xf32> to vector<1x128xf32>
      %jit3A_460 = arith.constant 0.000000e+00 : f32
      %broadcast_in_dim3A_461 = vector.broadcast %jit3A_460 : f32 to vector<1x128xf32>
      %select_n3A_462 = arith.select %slice3A_454, %broadcast_in_dim3A_461, %get3A_459 : vector<1x128xi1>, vector<1x128xf32>
      %swap3A_463 = arith.constant 10 : index
      %swap3A_464 = arith.constant 0 : index
      %swap3A_465 = arith.constant 0 : index
      %swap3A_466 = vector.load %arg10[%swap3A_463, %swap3A_464, %swap3A_465] : memref<40x1x128xf32, #tpu.memory_space<vmem>>, vector<1x1x128xf32>
      %swap3A_467 = vector.shape_cast %swap3A_466 : vector<1x1x128xf32> to vector<1x128xf32>
      %swap3A_468 = vector.shape_cast %select_n3A_462 : vector<1x128xf32> to vector<1x1x128xf32>
      tpu.vector_store %arg10[%swap3A_463, %swap3A_464, %swap3A_465], %swap3A_468 {strides = array<i32>} : memref<40x1x128xf32, #tpu.memory_space<vmem>>, vector<1x1x128xf32>,
      %slice3A_469 = vector.extract_strided_slice %and3A_378 {offsets = [0, 768], sizes = [1, 128], strides = [1, 1]} : vector<1x4480xi1> to vector<1x128xi1>
      %get3A_470 = arith.constant 11 : index
      %get3A_471 = arith.constant 0 : index
      %get3A_472 = arith.constant 0 : index
      %get3A_473 = vector.load %arg10[%get3A_470, %get3A_471, %get3A_472] : memref<40x1x128xf32, #tpu.memory_space<vmem>>, vector<1x1x128xf32>
      %get3A_474 = vector.shape_cast %get3A_473 : vector<1x1x128xf32> to vector<1x128xf32>
      %jit3A_475 = arith.constant 0.000000e+00 : f32
      %broadcast_in_dim3A_476 = vector.broadcast %jit3A_475 : f32 to vector<1x128xf32>
      %select_n3A_477 = arith.select %slice3A_469, %broadcast_in_dim3A_476, %get3A_474 : vector<1x128xi1>, vector<1x128xf32>
      %swap3A_478 = arith.constant 11 : index
      %swap3A_479 = arith.constant 0 : index
      %swap3A_480 = arith.constant 0 : index
      %swap3A_481 = vector.load %arg10[%swap3A_478, %swap3A_479, %swap3A_480] : memref<40x1x128xf32, #tpu.memory_space<vmem>>, vector<1x1x128xf32>
      %swap3A_482 = vector.shape_cast %swap3A_481 : vector<1x1x128xf32> to vector<1x128xf32>
      %swap3A_483 = vector.shape_cast %select_n3A_477 : vector<1x128xf32> to vector<1x1x128xf32>
      tpu.vector_store %arg10[%swap3A_478, %swap3A_479, %swap3A_480], %swap3A_483 {strides = array<i32>} : memref<40x1x128xf32, #tpu.memory_space<vmem>>, vector<1x1x128xf32>,
      %slice3A_484 = vector.extract_strided_slice %and3A_378 {offsets = [0, 896], sizes = [1, 128], strides = [1, 1]} : vector<1x4480xi1> to vector<1x128xi1>
      %get3A_485 = arith.constant 12 : index
      %get3A_486 = arith.constant 0 : index
      %get3A_487 = arith.constant 0 : index
      %get3A_488 = vector.load %arg10[%get3A_485, %get3A_486, %get3A_487] : memref<40x1x128xf32, #tpu.memory_space<vmem>>, vector<1x1x128xf32>
      %get3A_489 = vector.shape_cast %get3A_488 : vector<1x1x128xf32> to vector<1x128xf32>
      %jit3A_490 = arith.constant 0.000000e+00 : f32
      %broadcast_in_dim3A_491 = vector.broadcast %jit3A_490 : f32 to vector<1x128xf32>
      %select_n3A_492 = arith.select %slice3A_484, %broadcast_in_dim3A_491, %get3A_489 : vector<1x128xi1>, vector<1x128xf32>
      %swap3A_493 = arith.constant 12 : index
      %swap3A_494 = arith.constant 0 : index
      %swap3A_495 = arith.constant 0 : index
      %swap3A_496 = vector.load %arg10[%swap3A_493, %swap3A_494, %swap3A_495] : memref<40x1x128xf32, #tpu.memory_space<vmem>>, vector<1x1x128xf32>
      %swap3A_497 = vector.shape_cast %swap3A_496 : vector<1x1x128xf32> to vector<1x128xf32>
      %swap3A_498 = vector.shape_cast %select_n3A_492 : vector<1x128xf32> to vector<1x1x128xf32>
      tpu.vector_store %arg10[%swap3A_493, %swap3A_494, %swap3A_495], %swap3A_498 {strides = array<i32>} : memref<40x1x128xf32, #tpu.memory_space<vmem>>, vector<1x1x128xf32>,
      %slice3A_499 = vector.extract_strided_slice %and3A_378 {offsets = [0, 1024], sizes = [1, 128], strides = [1, 1]} : vector<1x4480xi1> to vector<1x128xi1>
      %get3A_500 = arith.constant 13 : index
      %get3A_501 = arith.constant 0 : index
      %get3A_502 = arith.constant 0 : index
      %get3A_503 = vector.load %arg10[%get3A_500, %get3A_501, %get3A_502] : memref<40x1x128xf32, #tpu.memory_space<vmem>>, vector<1x1x128xf32>
      %get3A_504 = vector.shape_cast %get3A_503 : vector<1x1x128xf32> to vector<1x128xf32>
      %jit3A_505 = arith.constant 0.000000e+00 : f32
      %broadcast_in_dim3A_506 = vector.broadcast %jit3A_505 : f32 to vector<1x128xf32>
      %select_n3A_507 = arith.select %slice3A_499, %broadcast_in_dim3A_506, %get3A_504 : vector<1x128xi1>, vector<1x128xf32>
      %swap3A_508 = arith.constant 13 : index
      %swap3A_509 = arith.constant 0 : index
      %swap3A_510 = arith.constant 0 : index
      %swap3A_511 = vector.load %arg10[%swap3A_508, %swap3A_509, %swap3A_510] : memref<40x1x128xf32, #tpu.memory_space<vmem>>, vector<1x1x128xf32>
      %swap3A_512 = vector.shape_cast %swap3A_511 : vector<1x1x128xf32> to vector<1x128xf32>
      %swap3A_513 = vector.shape_cast %select_n3A_507 : vector<1x128xf32> to vector<1x1x128xf32>
      tpu.vector_store %arg10[%swap3A_508, %swap3A_509, %swap3A_510], %swap3A_513 {strides = array<i32>} : memref<40x1x128xf32, #tpu.memory_space<vmem>>, vector<1x1x128xf32>,
      %slice3A_514 = vector.extract_strided_slice %and3A_378 {offsets = [0, 1152], sizes = [1, 128], strides = [1, 1]} : vector<1x4480xi1> to vector<1x128xi1>
      %get3A_515 = arith.constant 14 : index
      %get3A_516 = arith.constant 0 : index
      %get3A_517 = arith.constant 0 : index
      %get3A_518 = vector.load %arg10[%get3A_515, %get3A_516, %get3A_517] : memref<40x1x128xf32, #tpu.memory_space<vmem>>, vector<1x1x128xf32>
      %get3A_519 = vector.shape_cast %get3A_518 : vector<1x1x128xf32> to vector<1x128xf32>
      %jit3A_520 = arith.constant 0.000000e+00 : f32
      %broadcast_in_dim3A_521 = vector.broadcast %jit3A_520 : f32 to vector<1x128xf32>
      %select_n3A_522 = arith.select %slice3A_514, %broadcast_in_dim3A_521, %get3A_519 : vector<1x128xi1>, vector<1x128xf32>
      %swap3A_523 = arith.constant 14 : index
      %swap3A_524 = arith.constant 0 : index
      %swap3A_525 = arith.constant 0 : index
      %swap3A_526 = vector.load %arg10[%swap3A_523, %swap3A_524, %swap3A_525] : memref<40x1x128xf32, #tpu.memory_space<vmem>>, vector<1x1x128xf32>
      %swap3A_527 = vector.shape_cast %swap3A_526 : vector<1x1x128xf32> to vector<1x128xf32>
      %swap3A_528 = vector.shape_cast %select_n3A_522 : vector<1x128xf32> to vector<1x1x128xf32>
      tpu.vector_store %arg10[%swap3A_523, %swap3A_524, %swap3A_525], %swap3A_528 {strides = array<i32>} : memref<40x1x128xf32, #tpu.memory_space<vmem>>, vector<1x1x128xf32>,
      %slice3A_529 = vector.extract_strided_slice %and3A_378 {offsets = [0, 1280], sizes = [1, 128], strides = [1, 1]} : vector<1x4480xi1> to vector<1x128xi1>
      %get3A_530 = arith.constant 15 : index
      %get3A_531 = arith.constant 0 : index
      %get3A_532 = arith.constant 0 : index
      %get3A_533 = vector.load %arg10[%get3A_530, %get3A_531, %get3A_532] : memref<40x1x128xf32, #tpu.memory_space<vmem>>, vector<1x1x128xf32>
      %get3A_534 = vector.shape_cast %get3A_533 : vector<1x1x128xf32> to vector<1x128xf32>
      %jit3A_535 = arith.constant 0.000000e+00 : f32
      %broadcast_in_dim3A_536 = vector.broadcast %jit3A_535 : f32 to vector<1x128xf32>
      %select_n3A_537 = arith.select %slice3A_529, %broadcast_in_dim3A_536, %get3A_534 : vector<1x128xi1>, vector<1x128xf32>
      %swap3A_538 = arith.constant 15 : index
      %swap3A_539 = arith.constant 0 : index
      %swap3A_540 = arith.constant 0 : index
      %swap3A_541 = vector.load %arg10[%swap3A_538, %swap3A_539, %swap3A_540] : memref<40x1x128xf32, #tpu.memory_space<vmem>>, vector<1x1x128xf32>
      %swap3A_542 = vector.shape_cast %swap3A_541 : vector<1x1x128xf32> to vector<1x128xf32>
      %swap3A_543 = vector.shape_cast %select_n3A_537 : vector<1x128xf32> to vector<1x1x128xf32>
      tpu.vector_store %arg10[%swap3A_538, %swap3A_539, %swap3A_540], %swap3A_543 {strides = array<i32>} : memref<40x1x128xf32, #tpu.memory_space<vmem>>, vector<1x1x128xf32>,
      %slice3A_544 = vector.extract_strided_slice %and3A_378 {offsets = [0, 1408], sizes = [1, 128], strides = [1, 1]} : vector<1x4480xi1> to vector<1x128xi1>
      %get3A_545 = arith.constant 16 : index
      %get3A_546 = arith.constant 0 : index
      %get3A_547 = arith.constant 0 : index
      %get3A_548 = vector.load %arg10[%get3A_545, %get3A_546, %get3A_547] : memref<40x1x128xf32, #tpu.memory_space<vmem>>, vector<1x1x128xf32>
      %get3A_549 = vector.shape_cast %get3A_548 : vector<1x1x128xf32> to vector<1x128xf32>
      %jit3A_550 = arith.constant 0.000000e+00 : f32
      %broadcast_in_dim3A_551 = vector.broadcast %jit3A_550 : f32 to vector<1x128xf32>
      %select_n3A_552 = arith.select %slice3A_544, %broadcast_in_dim3A_551, %get3A_549 : vector<1x128xi1>, vector<1x128xf32>
      %swap3A_553 = arith.constant 16 : index
      %swap3A_554 = arith.constant 0 : index
      %swap3A_555 = arith.constant 0 : index
      %swap3A_556 = vector.load %arg10[%swap3A_553, %swap3A_554, %swap3A_555] : memref<40x1x128xf32, #tpu.memory_space<vmem>>, vector<1x1x128xf32>
      %swap3A_557 = vector.shape_cast %swap3A_556 : vector<1x1x128xf32> to vector<1x128xf32>
      %swap3A_558 = vector.shape_cast %select_n3A_552 : vector<1x128xf32> to vector<1x1x128xf32>
      tpu.vector_store %arg10[%swap3A_553, %swap3A_554, %swap3A_555], %swap3A_558 {strides = array<i32>} : memref<40x1x128xf32, #tpu.memory_space<vmem>>, vector<1x1x128xf32>,
      %slice3A_559 = vector.extract_strided_slice %and3A_378 {offsets = [0, 1536], sizes = [1, 128], strides = [1, 1]} : vector<1x4480xi1> to vector<1x128xi1>
      %get3A_560 = arith.constant 17 : index
      %get3A_561 = arith.constant 0 : index
      %get3A_562 = arith.constant 0 : index
      %get3A_563 = vector.load %arg10[%get3A_560, %get3A_561, %get3A_562] : memref<40x1x128xf32, #tpu.memory_space<vmem>>, vector<1x1x128xf32>
      %get3A_564 = vector.shape_cast %get3A_563 : vector<1x1x128xf32> to vector<1x128xf32>
      %jit3A_565 = arith.constant 0.000000e+00 : f32
      %broadcast_in_dim3A_566 = vector.broadcast %jit3A_565 : f32 to vector<1x128xf32>
      %select_n3A_567 = arith.select %slice3A_559, %broadcast_in_dim3A_566, %get3A_564 : vector<1x128xi1>, vector<1x128xf32>
      %swap3A_568 = arith.constant 17 : index
      %swap3A_569 = arith.constant 0 : index
      %swap3A_570 = arith.constant 0 : index
      %swap3A_571 = vector.load %arg10[%swap3A_568, %swap3A_569, %swap3A_570] : memref<40x1x128xf32, #tpu.memory_space<vmem>>, vector<1x1x128xf32>
      %swap3A_572 = vector.shape_cast %swap3A_571 : vector<1x1x128xf32> to vector<1x128xf32>
      %swap3A_573 = vector.shape_cast %select_n3A_567 : vector<1x128xf32> to vector<1x1x128xf32>
      tpu.vector_store %arg10[%swap3A_568, %swap3A_569, %swap3A_570], %swap3A_573 {strides = array<i32>} : memref<40x1x128xf32, #tpu.memory_space<vmem>>, vector<1x1x128xf32>,
      %slice3A_574 = vector.extract_strided_slice %and3A_378 {offsets = [0, 1664], sizes = [1, 128], strides = [1, 1]} : vector<1x4480xi1> to vector<1x128xi1>
      %get3A_575 = arith.constant 18 : index
      %get3A_576 = arith.constant 0 : index
      %get3A_577 = arith.constant 0 : index
      %get3A_578 = vector.load %arg10[%get3A_575, %get3A_576, %get3A_577] : memref<40x1x128xf32, #tpu.memory_space<vmem>>, vector<1x1x128xf32>
      %get3A_579 = vector.shape_cast %get3A_578 : vector<1x1x128xf32> to vector<1x128xf32>
      %jit3A_580 = arith.constant 0.000000e+00 : f32
      %broadcast_in_dim3A_581 = vector.broadcast %jit3A_580 : f32 to vector<1x128xf32>
      %select_n3A_582 = arith.select %slice3A_574, %broadcast_in_dim3A_581, %get3A_579 : vector<1x128xi1>, vector<1x128xf32>
      %swap3A_583 = arith.constant 18 : index
      %swap3A_584 = arith.constant 0 : index
      %swap3A_585 = arith.constant 0 : index
      %swap3A_586 = vector.load %arg10[%swap3A_583, %swap3A_584, %swap3A_585] : memref<40x1x128xf32, #tpu.memory_space<vmem>>, vector<1x1x128xf32>
      %swap3A_587 = vector.shape_cast %swap3A_586 : vector<1x1x128xf32> to vector<1x128xf32>
      %swap3A_588 = vector.shape_cast %select_n3A_582 : vector<1x128xf32> to vector<1x1x128xf32>
      tpu.vector_store %arg10[%swap3A_583, %swap3A_584, %swap3A_585], %swap3A_588 {strides = array<i32>} : memref<40x1x128xf32, #tpu.memory_space<vmem>>, vector<1x1x128xf32>,
      %slice3A_589 = vector.extract_strided_slice %and3A_378 {offsets = [0, 1792], sizes = [1, 128], strides = [1, 1]} : vector<1x4480xi1> to vector<1x128xi1>
      %get3A_590 = arith.constant 19 : index
      %get3A_591 = arith.constant 0 : index
      %get3A_592 = arith.constant 0 : index
      %get3A_593 = vector.load %arg10[%get3A_590, %get3A_591, %get3A_592] : memref<40x1x128xf32, #tpu.memory_space<vmem>>, vector<1x1x128xf32>
      %get3A_594 = vector.shape_cast %get3A_593 : vector<1x1x128xf32> to vector<1x128xf32>
      %jit3A_595 = arith.constant 0.000000e+00 : f32
      %broadcast_in_dim3A_596 = vector.broadcast %jit3A_595 : f32 to vector<1x128xf32>
      %select_n3A_597 = arith.select %slice3A_589, %broadcast_in_dim3A_596, %get3A_594 : vector<1x128xi1>, vector<1x128xf32>
      %swap3A_598 = arith.constant 19 : index
      %swap3A_599 = arith.constant 0 : index
      %swap3A_600 = arith.constant 0 : index
      %swap3A_601 = vector.load %arg10[%swap3A_598, %swap3A_599, %swap3A_600] : memref<40x1x128xf32, #tpu.memory_space<vmem>>, vector<1x1x128xf32>
      %swap3A_602 = vector.shape_cast %swap3A_601 : vector<1x1x128xf32> to vector<1x128xf32>
      %swap3A_603 = vector.shape_cast %select_n3A_597 : vector<1x128xf32> to vector<1x1x128xf32>
      tpu.vector_store %arg10[%swap3A_598, %swap3A_599, %swap3A_600], %swap3A_603 {strides = array<i32>} : memref<40x1x128xf32, #tpu.memory_space<vmem>>, vector<1x1x128xf32>,
      %slice3A_604 = vector.extract_strided_slice %and3A_378 {offsets = [0, 1920], sizes = [1, 128], strides = [1, 1]} : vector<1x4480xi1> to vector<1x128xi1>
      %get3A_605 = arith.constant 20 : index
      %get3A_606 = arith.constant 0 : index
      %get3A_607 = arith.constant 0 : index
      %get3A_608 = vector.load %arg10[%get3A_605, %get3A_606, %get3A_607] : memref<40x1x128xf32, #tpu.memory_space<vmem>>, vector<1x1x128xf32>
      %get3A_609 = vector.shape_cast %get3A_608 : vector<1x1x128xf32> to vector<1x128xf32>
      %jit3A_610 = arith.constant 0.000000e+00 : f32
      %broadcast_in_dim3A_611 = vector.broadcast %jit3A_610 : f32 to vector<1x128xf32>
      %select_n3A_612 = arith.select %slice3A_604, %broadcast_in_dim3A_611, %get3A_609 : vector<1x128xi1>, vector<1x128xf32>
      %swap3A_613 = arith.constant 20 : index
      %swap3A_614 = arith.constant 0 : index
      %swap3A_615 = arith.constant 0 : index
      %swap3A_616 = vector.load %arg10[%swap3A_613, %swap3A_614, %swap3A_615] : memref<40x1x128xf32, #tpu.memory_space<vmem>>, vector<1x1x128xf32>
      %swap3A_617 = vector.shape_cast %swap3A_616 : vector<1x1x128xf32> to vector<1x128xf32>
      %swap3A_618 = vector.shape_cast %select_n3A_612 : vector<1x128xf32> to vector<1x1x128xf32>
      tpu.vector_store %arg10[%swap3A_613, %swap3A_614, %swap3A_615], %swap3A_618 {strides = array<i32>} : memref<40x1x128xf32, #tpu.memory_space<vmem>>, vector<1x1x128xf32>,
      %slice3A_619 = vector.extract_strided_slice %and3A_378 {offsets = [0, 2048], sizes = [1, 128], strides = [1, 1]} : vector<1x4480xi1> to vector<1x128xi1>
      %get3A_620 = arith.constant 21 : index
      %get3A_621 = arith.constant 0 : index
      %get3A_622 = arith.constant 0 : index
      %get3A_623 = vector.load %arg10[%get3A_620, %get3A_621, %get3A_622] : memref<40x1x128xf32, #tpu.memory_space<vmem>>, vector<1x1x128xf32>
      %get3A_624 = vector.shape_cast %get3A_623 : vector<1x1x128xf32> to vector<1x128xf32>
      %jit3A_625 = arith.constant 0.000000e+00 : f32
      %broadcast_in_dim3A_626 = vector.broadcast %jit3A_625 : f32 to vector<1x128xf32>
      %select_n3A_627 = arith.select %slice3A_619, %broadcast_in_dim3A_626, %get3A_624 : vector<1x128xi1>, vector<1x128xf32>
      %swap3A_628 = arith.constant 21 : index
      %swap3A_629 = arith.constant 0 : index
      %swap3A_630 = arith.constant 0 : index
      %swap3A_631 = vector.load %arg10[%swap3A_628, %swap3A_629, %swap3A_630] : memref<40x1x128xf32, #tpu.memory_space<vmem>>, vector<1x1x128xf32>
      %swap3A_632 = vector.shape_cast %swap3A_631 : vector<1x1x128xf32> to vector<1x128xf32>
      %swap3A_633 = vector.shape_cast %select_n3A_627 : vector<1x128xf32> to vector<1x1x128xf32>
      tpu.vector_store %arg10[%swap3A_628, %swap3A_629, %swap3A_630], %swap3A_633 {strides = array<i32>} : memref<40x1x128xf32, #tpu.memory_space<vmem>>, vector<1x1x128xf32>,
      %slice3A_634 = vector.extract_strided_slice %and3A_378 {offsets = [0, 2176], sizes = [1, 128], strides = [1, 1]} : vector<1x4480xi1> to vector<1x128xi1>
      %get3A_635 = arith.constant 22 : index
      %get3A_636 = arith.constant 0 : index
      %get3A_637 = arith.constant 0 : index
      %get3A_638 = vector.load %arg10[%get3A_635, %get3A_636, %get3A_637] : memref<40x1x128xf32, #tpu.memory_space<vmem>>, vector<1x1x128xf32>
      %get3A_639 = vector.shape_cast %get3A_638 : vector<1x1x128xf32> to vector<1x128xf32>
      %jit3A_640 = arith.constant 0.000000e+00 : f32
      %broadcast_in_dim3A_641 = vector.broadcast %jit3A_640 : f32 to vector<1x128xf32>
      %select_n3A_642 = arith.select %slice3A_634, %broadcast_in_dim3A_641, %get3A_639 : vector<1x128xi1>, vector<1x128xf32>
      %swap3A_643 = arith.constant 22 : index
      %swap3A_644 = arith.constant 0 : index
      %swap3A_645 = arith.constant 0 : index
      %swap3A_646 = vector.load %arg10[%swap3A_643, %swap3A_644, %swap3A_645] : memref<40x1x128xf32, #tpu.memory_space<vmem>>, vector<1x1x128xf32>
      %swap3A_647 = vector.shape_cast %swap3A_646 : vector<1x1x128xf32> to vector<1x128xf32>
      %swap3A_648 = vector.shape_cast %select_n3A_642 : vector<1x128xf32> to vector<1x1x128xf32>
      tpu.vector_store %arg10[%swap3A_643, %swap3A_644, %swap3A_645], %swap3A_648 {strides = array<i32>} : memref<40x1x128xf32, #tpu.memory_space<vmem>>, vector<1x1x128xf32>,
      %slice3A_649 = vector.extract_strided_slice %and3A_378 {offsets = [0, 2304], sizes = [1, 128], strides = [1, 1]} : vector<1x4480xi1> to vector<1x128xi1>
      %get3A_650 = arith.constant 23 : index
      %get3A_651 = arith.constant 0 : index
      %get3A_652 = arith.constant 0 : index
      %get3A_653 = vector.load %arg10[%get3A_650, %get3A_651, %get3A_652] : memref<40x1x128xf32, #tpu.memory_space<vmem>>, vector<1x1x128xf32>
      %get3A_654 = vector.shape_cast %get3A_653 : vector<1x1x128xf32> to vector<1x128xf32>
      %jit3A_655 = arith.constant 0.000000e+00 : f32
      %broadcast_in_dim3A_656 = vector.broadcast %jit3A_655 : f32 to vector<1x128xf32>
      %select_n3A_657 = arith.select %slice3A_649, %broadcast_in_dim3A_656, %get3A_654 : vector<1x128xi1>, vector<1x128xf32>
      %swap3A_658 = arith.constant 23 : index
      %swap3A_659 = arith.constant 0 : index
      %swap3A_660 = arith.constant 0 : index
      %swap3A_661 = vector.load %arg10[%swap3A_658, %swap3A_659, %swap3A_660] : memref<40x1x128xf32, #tpu.memory_space<vmem>>, vector<1x1x128xf32>
      %swap3A_662 = vector.shape_cast %swap3A_661 : vector<1x1x128xf32> to vector<1x128xf32>
      %swap3A_663 = vector.shape_cast %select_n3A_657 : vector<1x128xf32> to vector<1x1x128xf32>
      tpu.vector_store %arg10[%swap3A_658, %swap3A_659, %swap3A_660], %swap3A_663 {strides = array<i32>} : memref<40x1x128xf32, #tpu.memory_space<vmem>>, vector<1x1x128xf32>,
      %slice3A_664 = vector.extract_strided_slice %and3A_378 {offsets = [0, 2432], sizes = [1, 128], strides = [1, 1]} : vector<1x4480xi1> to vector<1x128xi1>
      %get3A_665 = arith.constant 24 : index
      %get3A_666 = arith.constant 0 : index
      %get3A_667 = arith.constant 0 : index
      %get3A_668 = vector.load %arg10[%get3A_665, %get3A_666, %get3A_667] : memref<40x1x128xf32, #tpu.memory_space<vmem>>, vector<1x1x128xf32>
      %get3A_669 = vector.shape_cast %get3A_668 : vector<1x1x128xf32> to vector<1x128xf32>
      %jit3A_670 = arith.constant 0.000000e+00 : f32
      %broadcast_in_dim3A_671 = vector.broadcast %jit3A_670 : f32 to vector<1x128xf32>
      %select_n3A_672 = arith.select %slice3A_664, %broadcast_in_dim3A_671, %get3A_669 : vector<1x128xi1>, vector<1x128xf32>
      %swap3A_673 = arith.constant 24 : index
      %swap3A_674 = arith.constant 0 : index
      %swap3A_675 = arith.constant 0 : index
      %swap3A_676 = vector.load %arg10[%swap3A_673, %swap3A_674, %swap3A_675] : memref<40x1x128xf32, #tpu.memory_space<vmem>>, vector<1x1x128xf32>
      %swap3A_677 = vector.shape_cast %swap3A_676 : vector<1x1x128xf32> to vector<1x128xf32>
      %swap3A_678 = vector.shape_cast %select_n3A_672 : vector<1x128xf32> to vector<1x1x128xf32>
      tpu.vector_store %arg10[%swap3A_673, %swap3A_674, %swap3A_675], %swap3A_678 {strides = array<i32>} : memref<40x1x128xf32, #tpu.memory_space<vmem>>, vector<1x1x128xf32>,
      %slice3A_679 = vector.extract_strided_slice %and3A_378 {offsets = [0, 2560], sizes = [1, 128], strides = [1, 1]} : vector<1x4480xi1> to vector<1x128xi1>
      %get3A_680 = arith.constant 25 : index
      %get3A_681 = arith.constant 0 : index
      %get3A_682 = arith.constant 0 : index
      %get3A_683 = vector.load %arg10[%get3A_680, %get3A_681, %get3A_682] : memref<40x1x128xf32, #tpu.memory_space<vmem>>, vector<1x1x128xf32>
      %get3A_684 = vector.shape_cast %get3A_683 : vector<1x1x128xf32> to vector<1x128xf32>
      %jit3A_685 = arith.constant 0.000000e+00 : f32
      %broadcast_in_dim3A_686 = vector.broadcast %jit3A_685 : f32 to vector<1x128xf32>
      %select_n3A_687 = arith.select %slice3A_679, %broadcast_in_dim3A_686, %get3A_684 : vector<1x128xi1>, vector<1x128xf32>
      %swap3A_688 = arith.constant 25 : index
      %swap3A_689 = arith.constant 0 : index
      %swap3A_690 = arith.constant 0 : index
      %swap3A_691 = vector.load %arg10[%swap3A_688, %swap3A_689, %swap3A_690] : memref<40x1x128xf32, #tpu.memory_space<vmem>>, vector<1x1x128xf32>
      %swap3A_692 = vector.shape_cast %swap3A_691 : vector<1x1x128xf32> to vector<1x128xf32>
      %swap3A_693 = vector.shape_cast %select_n3A_687 : vector<1x128xf32> to vector<1x1x128xf32>
      tpu.vector_store %arg10[%swap3A_688, %swap3A_689, %swap3A_690], %swap3A_693 {strides = array<i32>} : memref<40x1x128xf32, #tpu.memory_space<vmem>>, vector<1x1x128xf32>,
      %slice3A_694 = vector.extract_strided_slice %and3A_378 {offsets = [0, 2688], sizes = [1, 128], strides = [1, 1]} : vector<1x4480xi1> to vector<1x128xi1>
      %get3A_695 = arith.constant 26 : index
      %get3A_696 = arith.constant 0 : index
      %get3A_697 = arith.constant 0 : index
      %get3A_698 = vector.load %arg10[%get3A_695, %get3A_696, %get3A_697] : memref<40x1x128xf32, #tpu.memory_space<vmem>>, vector<1x1x128xf32>
      %get3A_699 = vector.shape_cast %get3A_698 : vector<1x1x128xf32> to vector<1x128xf32>
      %jit3A_700 = arith.constant 0.000000e+00 : f32
      %broadcast_in_dim3A_701 = vector.broadcast %jit3A_700 : f32 to vector<1x128xf32>
      %select_n3A_702 = arith.select %slice3A_694, %broadcast_in_dim3A_701, %get3A_699 : vector<1x128xi1>, vector<1x128xf32>
      %swap3A_703 = arith.constant 26 : index
      %swap3A_704 = arith.constant 0 : index
      %swap3A_705 = arith.constant 0 : index
      %swap3A_706 = vector.load %arg10[%swap3A_703, %swap3A_704, %swap3A_705] : memref<40x1x128xf32, #tpu.memory_space<vmem>>, vector<1x1x128xf32>
      %swap3A_707 = vector.shape_cast %swap3A_706 : vector<1x1x128xf32> to vector<1x128xf32>
      %swap3A_708 = vector.shape_cast %select_n3A_702 : vector<1x128xf32> to vector<1x1x128xf32>
      tpu.vector_store %arg10[%swap3A_703, %swap3A_704, %swap3A_705], %swap3A_708 {strides = array<i32>} : memref<40x1x128xf32, #tpu.memory_space<vmem>>, vector<1x1x128xf32>,
      %slice3A_709 = vector.extract_strided_slice %and3A_378 {offsets = [0, 2816], sizes = [1, 128], strides = [1, 1]} : vector<1x4480xi1> to vector<1x128xi1>
      %get3A_710 = arith.constant 27 : index
      %get3A_711 = arith.constant 0 : index
      %get3A_712 = arith.constant 0 : index
      %get3A_713 = vector.load %arg10[%get3A_710, %get3A_711, %get3A_712] : memref<40x1x128xf32, #tpu.memory_space<vmem>>, vector<1x1x128xf32>
      %get3A_714 = vector.shape_cast %get3A_713 : vector<1x1x128xf32> to vector<1x128xf32>
      %jit3A_715 = arith.constant 0.000000e+00 : f32
      %broadcast_in_dim3A_716 = vector.broadcast %jit3A_715 : f32 to vector<1x128xf32>
      %select_n3A_717 = arith.select %slice3A_709, %broadcast_in_dim3A_716, %get3A_714 : vector<1x128xi1>, vector<1x128xf32>
      %swap3A_718 = arith.constant 27 : index
      %swap3A_719 = arith.constant 0 : index
      %swap3A_720 = arith.constant 0 : index
      %swap3A_721 = vector.load %arg10[%swap3A_718, %swap3A_719, %swap3A_720] : memref<40x1x128xf32, #tpu.memory_space<vmem>>, vector<1x1x128xf32>
      %swap3A_722 = vector.shape_cast %swap3A_721 : vector<1x1x128xf32> to vector<1x128xf32>
      %swap3A_723 = vector.shape_cast %select_n3A_717 : vector<1x128xf32> to vector<1x1x128xf32>
      tpu.vector_store %arg10[%swap3A_718, %swap3A_719, %swap3A_720], %swap3A_723 {strides = array<i32>} : memref<40x1x128xf32, #tpu.memory_space<vmem>>, vector<1x1x128xf32>,
      %slice3A_724 = vector.extract_strided_slice %and3A_378 {offsets = [0, 2944], sizes = [1, 128], strides = [1, 1]} : vector<1x4480xi1> to vector<1x128xi1>
      %get3A_725 = arith.constant 28 : index
      %get3A_726 = arith.constant 0 : index
      %get3A_727 = arith.constant 0 : index
      %get3A_728 = vector.load %arg10[%get3A_725, %get3A_726, %get3A_727] : memref<40x1x128xf32, #tpu.memory_space<vmem>>, vector<1x1x128xf32>
      %get3A_729 = vector.shape_cast %get3A_728 : vector<1x1x128xf32> to vector<1x128xf32>
      %jit3A_730 = arith.constant 0.000000e+00 : f32
      %broadcast_in_dim3A_731 = vector.broadcast %jit3A_730 : f32 to vector<1x128xf32>
      %select_n3A_732 = arith.select %slice3A_724, %broadcast_in_dim3A_731, %get3A_729 : vector<1x128xi1>, vector<1x128xf32>
      %swap3A_733 = arith.constant 28 : index
      %swap3A_734 = arith.constant 0 : index
      %swap3A_735 = arith.constant 0 : index
      %swap3A_736 = vector.load %arg10[%swap3A_733, %swap3A_734, %swap3A_735] : memref<40x1x128xf32, #tpu.memory_space<vmem>>, vector<1x1x128xf32>
      %swap3A_737 = vector.shape_cast %swap3A_736 : vector<1x1x128xf32> to vector<1x128xf32>
      %swap3A_738 = vector.shape_cast %select_n3A_732 : vector<1x128xf32> to vector<1x1x128xf32>
      tpu.vector_store %arg10[%swap3A_733, %swap3A_734, %swap3A_735], %swap3A_738 {strides = array<i32>} : memref<40x1x128xf32, #tpu.memory_space<vmem>>, vector<1x1x128xf32>,
      %slice3A_739 = vector.extract_strided_slice %and3A_378 {offsets = [0, 3072], sizes = [1, 128], strides = [1, 1]} : vector<1x4480xi1> to vector<1x128xi1>
      %get3A_740 = arith.constant 29 : index
      %get3A_741 = arith.constant 0 : index
      %get3A_742 = arith.constant 0 : index
      %get3A_743 = vector.load %arg10[%get3A_740, %get3A_741, %get3A_742] : memref<40x1x128xf32, #tpu.memory_space<vmem>>, vector<1x1x128xf32>
      %get3A_744 = vector.shape_cast %get3A_743 : vector<1x1x128xf32> to vector<1x128xf32>
      %jit3A_745 = arith.constant 0.000000e+00 : f32
      %broadcast_in_dim3A_746 = vector.broadcast %jit3A_745 : f32 to vector<1x128xf32>
      %select_n3A_747 = arith.select %slice3A_739, %broadcast_in_dim3A_746, %get3A_744 : vector<1x128xi1>, vector<1x128xf32>
      %swap3A_748 = arith.constant 29 : index
      %swap3A_749 = arith.constant 0 : index
      %swap3A_750 = arith.constant 0 : index
      %swap3A_751 = vector.load %arg10[%swap3A_748, %swap3A_749, %swap3A_750] : memref<40x1x128xf32, #tpu.memory_space<vmem>>, vector<1x1x128xf32>
      %swap3A_752 = vector.shape_cast %swap3A_751 : vector<1x1x128xf32> to vector<1x128xf32>
      %swap3A_753 = vector.shape_cast %select_n3A_747 : vector<1x128xf32> to vector<1x1x128xf32>
      tpu.vector_store %arg10[%swap3A_748, %swap3A_749, %swap3A_750], %swap3A_753 {strides = array<i32>} : memref<40x1x128xf32, #tpu.memory_space<vmem>>, vector<1x1x128xf32>,
      %slice3A_754 = vector.extract_strided_slice %and3A_378 {offsets = [0, 3200], sizes = [1, 128], strides = [1, 1]} : vector<1x4480xi1> to vector<1x128xi1>
      %get3A_755 = arith.constant 30 : index
      %get3A_756 = arith.constant 0 : index
      %get3A_757 = arith.constant 0 : index
      %get3A_758 = vector.load %arg10[%get3A_755, %get3A_756, %get3A_757] : memref<40x1x128xf32, #tpu.memory_space<vmem>>, vector<1x1x128xf32>
      %get3A_759 = vector.shape_cast %get3A_758 : vector<1x1x128xf32> to vector<1x128xf32>
      %jit3A_760 = arith.constant 0.000000e+00 : f32
      %broadcast_in_dim3A_761 = vector.broadcast %jit3A_760 : f32 to vector<1x128xf32>
      %select_n3A_762 = arith.select %slice3A_754, %broadcast_in_dim3A_761, %get3A_759 : vector<1x128xi1>, vector<1x128xf32>
      %swap3A_763 = arith.constant 30 : index
      %swap3A_764 = arith.constant 0 : index
      %swap3A_765 = arith.constant 0 : index
      %swap3A_766 = vector.load %arg10[%swap3A_763, %swap3A_764, %swap3A_765] : memref<40x1x128xf32, #tpu.memory_space<vmem>>, vector<1x1x128xf32>
      %swap3A_767 = vector.shape_cast %swap3A_766 : vector<1x1x128xf32> to vector<1x128xf32>
      %swap3A_768 = vector.shape_cast %select_n3A_762 : vector<1x128xf32> to vector<1x1x128xf32>
      tpu.vector_store %arg10[%swap3A_763, %swap3A_764, %swap3A_765], %swap3A_768 {strides = array<i32>} : memref<40x1x128xf32, #tpu.memory_space<vmem>>, vector<1x1x128xf32>,
      %slice3A_769 = vector.extract_strided_slice %and3A_378 {offsets = [0, 3328], sizes = [1, 128], strides = [1, 1]} : vector<1x4480xi1> to vector<1x128xi1>
      %get3A_770 = arith.constant 31 : index
      %get3A_771 = arith.constant 0 : index
      %get3A_772 = arith.constant 0 : index
      %get3A_773 = vector.load %arg10[%get3A_770, %get3A_771, %get3A_772] : memref<40x1x128xf32, #tpu.memory_space<vmem>>, vector<1x1x128xf32>
      %get3A_774 = vector.shape_cast %get3A_773 : vector<1x1x128xf32> to vector<1x128xf32>
      %jit3A_775 = arith.constant 0.000000e+00 : f32
      %broadcast_in_dim3A_776 = vector.broadcast %jit3A_775 : f32 to vector<1x128xf32>
      %select_n3A_777 = arith.select %slice3A_769, %broadcast_in_dim3A_776, %get3A_774 : vector<1x128xi1>, vector<1x128xf32>
      %swap3A_778 = arith.constant 31 : index
      %swap3A_779 = arith.constant 0 : index
      %swap3A_780 = arith.constant 0 : index
      %swap3A_781 = vector.load %arg10[%swap3A_778, %swap3A_779, %swap3A_780] : memref<40x1x128xf32, #tpu.memory_space<vmem>>, vector<1x1x128xf32>
      %swap3A_782 = vector.shape_cast %swap3A_781 : vector<1x1x128xf32> to vector<1x128xf32>
      %swap3A_783 = vector.shape_cast %select_n3A_777 : vector<1x128xf32> to vector<1x1x128xf32>
      tpu.vector_store %arg10[%swap3A_778, %swap3A_779, %swap3A_780], %swap3A_783 {strides = array<i32>} : memref<40x1x128xf32, #tpu.memory_space<vmem>>, vector<1x1x128xf32>,
      %slice3A_784 = vector.extract_strided_slice %and3A_378 {offsets = [0, 3456], sizes = [1, 128], strides = [1, 1]} : vector<1x4480xi1> to vector<1x128xi1>
      %get3A_785 = arith.constant 32 : index
      %get3A_786 = arith.constant 0 : index
      %get3A_787 = arith.constant 0 : index
      %get3A_788 = vector.load %arg10[%get3A_785, %get3A_786, %get3A_787] : memref<40x1x128xf32, #tpu.memory_space<vmem>>, vector<1x1x128xf32>
      %get3A_789 = vector.shape_cast %get3A_788 : vector<1x1x128xf32> to vector<1x128xf32>
      %jit3A_790 = arith.constant 0.000000e+00 : f32
      %broadcast_in_dim3A_791 = vector.broadcast %jit3A_790 : f32 to vector<1x128xf32>
      %select_n3A_792 = arith.select %slice3A_784, %broadcast_in_dim3A_791, %get3A_789 : vector<1x128xi1>, vector<1x128xf32>
      %swap3A_793 = arith.constant 32 : index
      %swap3A_794 = arith.constant 0 : index
      %swap3A_795 = arith.constant 0 : index
      %swap3A_796 = vector.load %arg10[%swap3A_793, %swap3A_794, %swap3A_795] : memref<40x1x128xf32, #tpu.memory_space<vmem>>, vector<1x1x128xf32>
      %swap3A_797 = vector.shape_cast %swap3A_796 : vector<1x1x128xf32> to vector<1x128xf32>
      %swap3A_798 = vector.shape_cast %select_n3A_792 : vector<1x128xf32> to vector<1x1x128xf32>
      tpu.vector_store %arg10[%swap3A_793, %swap3A_794, %swap3A_795], %swap3A_798 {strides = array<i32>} : memref<40x1x128xf32, #tpu.memory_space<vmem>>, vector<1x1x128xf32>,
      %slice3A_799 = vector.extract_strided_slice %and3A_378 {offsets = [0, 3584], sizes = [1, 128], strides = [1, 1]} : vector<1x4480xi1> to vector<1x128xi1>
      %get3A_800 = arith.constant 33 : index
      %get3A_801 = arith.constant 0 : index
      %get3A_802 = arith.constant 0 : index
      %get3A_803 = vector.load %arg10[%get3A_800, %get3A_801, %get3A_802] : memref<40x1x128xf32, #tpu.memory_space<vmem>>, vector<1x1x128xf32>
      %get3A_804 = vector.shape_cast %get3A_803 : vector<1x1x128xf32> to vector<1x128xf32>
      %jit3A_805 = arith.constant 0.000000e+00 : f32
      %broadcast_in_dim3A_806 = vector.broadcast %jit3A_805 : f32 to vector<1x128xf32>
      %select_n3A_807 = arith.select %slice3A_799, %broadcast_in_dim3A_806, %get3A_804 : vector<1x128xi1>, vector<1x128xf32>
      %swap3A_808 = arith.constant 33 : index
      %swap3A_809 = arith.constant 0 : index
      %swap3A_810 = arith.constant 0 : index
      %swap3A_811 = vector.load %arg10[%swap3A_808, %swap3A_809, %swap3A_810] : memref<40x1x128xf32, #tpu.memory_space<vmem>>, vector<1x1x128xf32>
      %swap3A_812 = vector.shape_cast %swap3A_811 : vector<1x1x128xf32> to vector<1x128xf32>
      %swap3A_813 = vector.shape_cast %select_n3A_807 : vector<1x128xf32> to vector<1x1x128xf32>
      tpu.vector_store %arg10[%swap3A_808, %swap3A_809, %swap3A_810], %swap3A_813 {strides = array<i32>} : memref<40x1x128xf32, #tpu.memory_space<vmem>>, vector<1x1x128xf32>,
      %slice3A_814 = vector.extract_strided_slice %and3A_378 {offsets = [0, 3712], sizes = [1, 128], strides = [1, 1]} : vector<1x4480xi1> to vector<1x128xi1>
      %get3A_815 = arith.constant 34 : index
      %get3A_816 = arith.constant 0 : index
      %get3A_817 = arith.constant 0 : index
      %get3A_818 = vector.load %arg10[%get3A_815, %get3A_816, %get3A_817] : memref<40x1x128xf32, #tpu.memory_space<vmem>>, vector<1x1x128xf32>
      %get3A_819 = vector.shape_cast %get3A_818 : vector<1x1x128xf32> to vector<1x128xf32>
      %jit3A_820 = arith.constant 0.000000e+00 : f32
      %broadcast_in_dim3A_821 = vector.broadcast %jit3A_820 : f32 to vector<1x128xf32>
      %select_n3A_822 = arith.select %slice3A_814, %broadcast_in_dim3A_821, %get3A_819 : vector<1x128xi1>, vector<1x128xf32>
      %swap3A_823 = arith.constant 34 : index
      %swap3A_824 = arith.constant 0 : index
      %swap3A_825 = arith.constant 0 : index
      %swap3A_826 = vector.load %arg10[%swap3A_823, %swap3A_824, %swap3A_825] : memref<40x1x128xf32, #tpu.memory_space<vmem>>, vector<1x1x128xf32>
      %swap3A_827 = vector.shape_cast %swap3A_826 : vector<1x1x128xf32> to vector<1x128xf32>
      %swap3A_828 = vector.shape_cast %select_n3A_822 : vector<1x128xf32> to vector<1x1x128xf32>
      tpu.vector_store %arg10[%swap3A_823, %swap3A_824, %swap3A_825], %swap3A_828 {strides = array<i32>} : memref<40x1x128xf32, #tpu.memory_space<vmem>>, vector<1x1x128xf32>,
      %slice3A_829 = vector.extract_strided_slice %and3A_378 {offsets = [0, 3840], sizes = [1, 128], strides = [1, 1]} : vector<1x4480xi1> to vector<1x128xi1>
      %get3A_830 = arith.constant 35 : index
      %get3A_831 = arith.constant 0 : index
      %get3A_832 = arith.constant 0 : index
      %get3A_833 = vector.load %arg10[%get3A_830, %get3A_831, %get3A_832] : memref<40x1x128xf32, #tpu.memory_space<vmem>>, vector<1x1x128xf32>
      %get3A_834 = vector.shape_cast %get3A_833 : vector<1x1x128xf32> to vector<1x128xf32>
      %jit3A_835 = arith.constant 0.000000e+00 : f32
      %broadcast_in_dim3A_836 = vector.broadcast %jit3A_835 : f32 to vector<1x128xf32>
      %select_n3A_837 = arith.select %slice3A_829, %broadcast_in_dim3A_836, %get3A_834 : vector<1x128xi1>, vector<1x128xf32>
      %swap3A_838 = arith.constant 35 : index
      %swap3A_839 = arith.constant 0 : index
      %swap3A_840 = arith.constant 0 : index
      %swap3A_841 = vector.load %arg10[%swap3A_838, %swap3A_839, %swap3A_840] : memref<40x1x128xf32, #tpu.memory_space<vmem>>, vector<1x1x128xf32>
      %swap3A_842 = vector.shape_cast %swap3A_841 : vector<1x1x128xf32> to vector<1x128xf32>
      %swap3A_843 = vector.shape_cast %select_n3A_837 : vector<1x128xf32> to vector<1x1x128xf32>
      tpu.vector_store %arg10[%swap3A_838, %swap3A_839, %swap3A_840], %swap3A_843 {strides = array<i32>} : memref<40x1x128xf32, #tpu.memory_space<vmem>>, vector<1x1x128xf32>,
      %slice3A_844 = vector.extract_strided_slice %and3A_378 {offsets = [0, 3968], sizes = [1, 128], strides = [1, 1]} : vector<1x4480xi1> to vector<1x128xi1>
      %get3A_845 = arith.constant 36 : index
      %get3A_846 = arith.constant 0 : index
      %get3A_847 = arith.constant 0 : index
      %get3A_848 = vector.load %arg10[%get3A_845, %get3A_846, %get3A_847] : memref<40x1x128xf32, #tpu.memory_space<vmem>>, vector<1x1x128xf32>
      %get3A_849 = vector.shape_cast %get3A_848 : vector<1x1x128xf32> to vector<1x128xf32>
      %jit3A_850 = arith.constant 0.000000e+00 : f32
      %broadcast_in_dim3A_851 = vector.broadcast %jit3A_850 : f32 to vector<1x128xf32>
      %select_n3A_852 = arith.select %slice3A_844, %broadcast_in_dim3A_851, %get3A_849 : vector<1x128xi1>, vector<1x128xf32>
      %swap3A_853 = arith.constant 36 : index
      %swap3A_854 = arith.constant 0 : index
      %swap3A_855 = arith.constant 0 : index
      %swap3A_856 = vector.load %arg10[%swap3A_853, %swap3A_854, %swap3A_855] : memref<40x1x128xf32, #tpu.memory_space<vmem>>, vector<1x1x128xf32>
      %swap3A_857 = vector.shape_cast %swap3A_856 : vector<1x1x128xf32> to vector<1x128xf32>
      %swap3A_858 = vector.shape_cast %select_n3A_852 : vector<1x128xf32> to vector<1x1x128xf32>
      tpu.vector_store %arg10[%swap3A_853, %swap3A_854, %swap3A_855], %swap3A_858 {strides = array<i32>} : memref<40x1x128xf32, #tpu.memory_space<vmem>>, vector<1x1x128xf32>,
      %slice3A_859 = vector.extract_strided_slice %and3A_378 {offsets = [0, 4096], sizes = [1, 128], strides = [1, 1]} : vector<1x4480xi1> to vector<1x128xi1>
      %get3A_860 = arith.constant 37 : index
      %get3A_861 = arith.constant 0 : index
      %get3A_862 = arith.constant 0 : index
      %get3A_863 = vector.load %arg10[%get3A_860, %get3A_861, %get3A_862] : memref<40x1x128xf32, #tpu.memory_space<vmem>>, vector<1x1x128xf32>
      %get3A_864 = vector.shape_cast %get3A_863 : vector<1x1x128xf32> to vector<1x128xf32>
      %jit3A_865 = arith.constant 0.000000e+00 : f32
      %broadcast_in_dim3A_866 = vector.broadcast %jit3A_865 : f32 to vector<1x128xf32>
      %select_n3A_867 = arith.select %slice3A_859, %broadcast_in_dim3A_866, %get3A_864 : vector<1x128xi1>, vector<1x128xf32>
      %swap3A_868 = arith.constant 37 : index
      %swap3A_869 = arith.constant 0 : index
      %swap3A_870 = arith.constant 0 : index
      %swap3A_871 = vector.load %arg10[%swap3A_868, %swap3A_869, %swap3A_870] : memref<40x1x128xf32, #tpu.memory_space<vmem>>, vector<1x1x128xf32>
      %swap3A_872 = vector.shape_cast %swap3A_871 : vector<1x1x128xf32> to vector<1x128xf32>
      %swap3A_873 = vector.shape_cast %select_n3A_867 : vector<1x128xf32> to vector<1x1x128xf32>
      tpu.vector_store %arg10[%swap3A_868, %swap3A_869, %swap3A_870], %swap3A_873 {strides = array<i32>} : memref<40x1x128xf32, #tpu.memory_space<vmem>>, vector<1x1x128xf32>,
      %slice3A_874 = vector.extract_strided_slice %and3A_378 {offsets = [0, 4224], sizes = [1, 128], strides = [1, 1]} : vector<1x4480xi1> to vector<1x128xi1>
      %get3A_875 = arith.constant 38 : index
      %get3A_876 = arith.constant 0 : index
      %get3A_877 = arith.constant 0 : index
      %get3A_878 = vector.load %arg10[%get3A_875, %get3A_876, %get3A_877] : memref<40x1x128xf32, #tpu.memory_space<vmem>>, vector<1x1x128xf32>
      %get3A_879 = vector.shape_cast %get3A_878 : vector<1x1x128xf32> to vector<1x128xf32>
      %jit3A_880 = arith.constant 0.000000e+00 : f32
      %broadcast_in_dim3A_881 = vector.broadcast %jit3A_880 : f32 to vector<1x128xf32>
      %select_n3A_882 = arith.select %slice3A_874, %broadcast_in_dim3A_881, %get3A_879 : vector<1x128xi1>, vector<1x128xf32>
      %swap3A_883 = arith.constant 38 : index
      %swap3A_884 = arith.constant 0 : index
      %swap3A_885 = arith.constant 0 : index
      %swap3A_886 = vector.load %arg10[%swap3A_883, %swap3A_884, %swap3A_885] : memref<40x1x128xf32, #tpu.memory_space<vmem>>, vector<1x1x128xf32>
      %swap3A_887 = vector.shape_cast %swap3A_886 : vector<1x1x128xf32> to vector<1x128xf32>
      %swap3A_888 = vector.shape_cast %select_n3A_882 : vector<1x128xf32> to vector<1x1x128xf32>
      tpu.vector_store %arg10[%swap3A_883, %swap3A_884, %swap3A_885], %swap3A_888 {strides = array<i32>} : memref<40x1x128xf32, #tpu.memory_space<vmem>>, vector<1x1x128xf32>,
      %slice3A_889 = vector.extract_strided_slice %and3A_378 {offsets = [0, 4352], sizes = [1, 128], strides = [1, 1]} : vector<1x4480xi1> to vector<1x128xi1>
      %get3A_890 = arith.constant 39 : index
      %get3A_891 = arith.constant 0 : index
      %get3A_892 = arith.constant 0 : index
      %get3A_893 = vector.load %arg10[%get3A_890, %get3A_891, %get3A_892] : memref<40x1x128xf32, #tpu.memory_space<vmem>>, vector<1x1x128xf32>
      %get3A_894 = vector.shape_cast %get3A_893 : vector<1x1x128xf32> to vector<1x128xf32>
      %jit3A_895 = arith.constant 0.000000e+00 : f32
      %broadcast_in_dim3A_896 = vector.broadcast %jit3A_895 : f32 to vector<1x128xf32>
      %select_n3A_897 = arith.select %slice3A_889, %broadcast_in_dim3A_896, %get3A_894 : vector<1x128xi1>, vector<1x128xf32>
      %swap3A_898 = arith.constant 39 : index
      %swap3A_899 = arith.constant 0 : index
      %swap3A_900 = arith.constant 0 : index
      %swap3A_901 = vector.load %arg10[%swap3A_898, %swap3A_899, %swap3A_900] : memref<40x1x128xf32, #tpu.memory_space<vmem>>, vector<1x1x128xf32>
      %swap3A_902 = vector.shape_cast %swap3A_901 : vector<1x1x128xf32> to vector<1x128xf32>
      %swap3A_903 = vector.shape_cast %select_n3A_897 : vector<1x128xf32> to vector<1x1x128xf32>
      tpu.vector_store %arg10[%swap3A_898, %swap3A_899, %swap3A_900], %swap3A_903 {strides = array<i32>} : memref<40x1x128xf32, #tpu.memory_space<vmem>>, vector<1x1x128xf32>,
    }
    %scan3A_54 = arith.constant 5 : i32
    %slice3A_55 = vector.extract_strided_slice %get3A_6 {offsets = [0, 1280], sizes = [1, 3840], strides = [1, 1]} : vector<1x5120xf32> to vector<1x3840xf32>
    %slice3A_56 = vector.extract_strided_slice %get3A_9 {offsets = [0, 1280], sizes = [1, 3840], strides = [1, 1]} : vector<1x5120xf32> to vector<1x3840xf32>
    %slice3A_57 = vector.extract_strided_slice %get3A_12 {offsets = [0, 1280], sizes = [1, 3840], strides = [1, 1]} : vector<1x5120xf32> to vector<1x3840xf32>
    %slice3A_58 = vector.extract_strided_slice %get3A_15 {offsets = [0, 1280], sizes = [1, 3840], strides = [1, 1]} : vector<1x5120xf32> to vector<1x3840xf32>
    %sub3A_59 = arith.subf %slice3A_57, %slice3A_55 : vector<1x3840xf32>
    %sub3A_60 = arith.subf %slice3A_58, %slice3A_56 : vector<1x3840xf32>
    %mul3A_61 = arith.mulf %sub3A_59, %sub3A_60 : vector<1x3840xf32>
    %add3A_62 = arith.constant 9.99999993E-9 : f32
    %add3A_63 = vector.broadcast %add3A_62 : f32 to vector<1x3840xf32>
    %add3A_64 = arith.addf %mul3A_61, %add3A_63 : vector<1x3840xf32>
    %mul3A_65 = arith.constant 0.411764711 : f32
    %mul3A_66 = vector.broadcast %mul3A_65 : f32 to vector<1x3840xf32>
    %mul3A_67 = arith.mulf %add3A_64, %mul3A_66 : vector<1x3840xf32>
    %iota3A_68 = tpu.iota {dimensions = array<i32: 1>} : vector<1x3840xi32>
    %add3A_69 = arith.constant 1280 : i32
    %add3A_70 = vector.broadcast %add3A_69 : i32 to vector<1x3840xi32>
    %add3A_71 = arith.addi %iota3A_68, %add3A_70 : vector<1x3840xi32>
    %scan3A_72 = arith.constant 10 : i32
    %scan3A_73 = arith.constant 5 : i32
    %scan3A_74 = arith.addi %scan3A_72, %scan3A_73 : i32
    %scan3A_75 = arith.constant 1 : i32
    scf.for %scan3A_259 = %scan3A_72 to %scan3A_74 step %scan3A_75  : i32 {
      %mul3A_260 = arith.constant 128 : i32
      %mul3A_261 = arith.muli %scan3A_259, %mul3A_260 : i32
      %get3A_262 = arith.index_cast %mul3A_261 : i32 to index
      %get3A_263 = arith.constant 0 : index
      %get3A_264 = vector.load %arg0[%get3A_262, %get3A_263] : memref<5120x4xf32, #tpu.memory_space<vmem>>, vector<128x4xf32>
      %slice3A_265 = vector.extract_strided_slice %get3A_264 {offsets = [0, 0], sizes = [128, 1], strides = [1, 1]} : vector<128x4xf32> to vector<128x1xf32>
      %slice3A_266 = vector.extract_strided_slice %get3A_264 {offsets = [0, 1], sizes = [128, 1], strides = [1, 1]} : vector<128x4xf32> to vector<128x1xf32>
      %slice3A_267 = vector.extract_strided_slice %get3A_264 {offsets = [0, 2], sizes = [128, 1], strides = [1, 1]} : vector<128x4xf32> to vector<128x1xf32>
      %slice3A_268 = vector.extract_strided_slice %get3A_264 {offsets = [0, 3], sizes = [128, 1], strides = [1, 1]} : vector<128x4xf32> to vector<128x1xf32>
      %sub3A_269 = arith.subf %slice3A_267, %slice3A_265 : vector<128x1xf32>
      %sub3A_270 = arith.subf %slice3A_268, %slice3A_266 : vector<128x1xf32>
      %mul3A_271 = arith.mulf %sub3A_269, %sub3A_270 : vector<128x1xf32>
      %mul3A_272 = arith.constant 0.411764711 : f32
      %mul3A_273 = vector.broadcast %mul3A_272 : f32 to vector<128x1xf32>
      %mul3A_274 = arith.mulf %mul3A_271, %mul3A_273 : vector<128x1xf32>
      %get3A_275 = arith.index_cast %scan3A_259 : i32 to index
      %get3A_276 = arith.constant 0 : index
      %get3A_277 = arith.constant 0 : index
      %get3A_278 = vector.load %arg1[%get3A_275, %get3A_276, %get3A_277] : memref<40x1x128xf32, #tpu.memory_space<vmem>>, vector<1x1x128xf32>
      %get3A_279 = vector.shape_cast %get3A_278 : vector<1x1x128xf32> to vector<1x128xf32>
      %get3A_280 = arith.index_cast %scan3A_259 : i32 to index
      %get3A_281 = arith.constant 0 : index
      %get3A_282 = arith.constant 0 : index
      %get3A_283 = vector.load %arg2[%get3A_280, %get3A_281, %get3A_282] : memref<40x1x128xf32, #tpu.memory_space<vmem>>, vector<1x1x128xf32>
      %get3A_284 = vector.shape_cast %get3A_283 : vector<1x1x128xf32> to vector<1x128xf32>
      %get3A_285 = arith.index_cast %scan3A_259 : i32 to index
      %get3A_286 = arith.constant 0 : index
      %get3A_287 = arith.constant 0 : index
      %get3A_288 = vector.load %arg3[%get3A_285, %get3A_286, %get3A_287] : memref<40x1x128xf32, #tpu.memory_space<vmem>>, vector<1x1x128xf32>
      %get3A_289 = vector.shape_cast %get3A_288 : vector<1x1x128xf32> to vector<1x128xf32>
      %get3A_290 = arith.index_cast %scan3A_259 : i32 to index
      %get3A_291 = arith.constant 0 : index
      %get3A_292 = arith.constant 0 : index
      %get3A_293 = vector.load %arg4[%get3A_290, %get3A_291, %get3A_292] : memref<40x1x128xf32, #tpu.memory_space<vmem>>, vector<1x1x128xf32>
      %get3A_294 = vector.shape_cast %get3A_293 : vector<1x1x128xf32> to vector<1x128xf32>
      %sub3A_295 = arith.subf %get3A_289, %get3A_279 : vector<1x128xf32>
      %sub3A_296 = arith.subf %get3A_294, %get3A_284 : vector<1x128xf32>
      %mul3A_297 = arith.mulf %sub3A_295, %sub3A_296 : vector<1x128xf32>
      %add3A_298 = arith.constant 9.99999993E-9 : f32
      %add3A_299 = vector.broadcast %add3A_298 : f32 to vector<1x128xf32>
      %add3A_300 = arith.addf %mul3A_297, %add3A_299 : vector<1x128xf32>
      %mul3A_301 = arith.constant 0.411764711 : f32
      %mul3A_302 = vector.broadcast %mul3A_301 : f32 to vector<1x128xf32>
      %mul3A_303 = arith.mulf %add3A_300, %mul3A_302 : vector<1x128xf32>
      %max3A = vector.broadcast %slice3A_265 : vector<128x1xf32> to vector<128x128xf32>
      %max3A_304 = vector.broadcast %get3A_279 : vector<1x128xf32> to vector<128x128xf32>
      %max3A_305 = arith.maximumf %max3A, %max3A_304 : vector<128x128xf32>
      %max3A_306 = vector.broadcast %slice3A_266 : vector<128x1xf32> to vector<128x128xf32>
      %max3A_307 = vector.broadcast %get3A_284 : vector<1x128xf32> to vector<128x128xf32>
      %max3A_308 = arith.maximumf %max3A_306, %max3A_307 : vector<128x128xf32>
      %min3A = vector.broadcast %slice3A_267 : vector<128x1xf32> to vector<128x128xf32>
      %min3A_309 = vector.broadcast %get3A_289 : vector<1x128xf32> to vector<128x128xf32>
      %min3A_310 = arith.minimumf %min3A, %min3A_309 : vector<128x128xf32>
      %min3A_311 = vector.broadcast %slice3A_268 : vector<128x1xf32> to vector<128x128xf32>
      %min3A_312 = vector.broadcast %get3A_294 : vector<1x128xf32> to vector<128x128xf32>
      %min3A_313 = arith.minimumf %min3A_311, %min3A_312 : vector<128x128xf32>
      %sub3A_314 = arith.subf %min3A_310, %max3A_305 : vector<128x128xf32>
      %max3A_315 = arith.constant 0.000000e+00 : f32
      %max3A_316 = vector.broadcast %max3A_315 : f32 to vector<128x128xf32>
      %max3A_317 = arith.maximumf %sub3A_314, %max3A_316 : vector<128x128xf32>
      %sub3A_318 = arith.subf %min3A_313, %max3A_308 : vector<128x128xf32>
      %max3A_319 = arith.constant 0.000000e+00 : f32
      %max3A_320 = vector.broadcast %max3A_319 : f32 to vector<128x128xf32>
      %max3A_321 = arith.maximumf %sub3A_318, %max3A_320 : vector<128x128xf32>
      %mul3A_322 = arith.mulf %max3A_317, %max3A_321 : vector<128x128xf32>
      %add3A_323 = vector.broadcast %mul3A_274 : vector<128x1xf32> to vector<128x128xf32>
      %add3A_324 = vector.broadcast %mul3A_303 : vector<1x128xf32> to vector<128x128xf32>
      %add3A_325 = arith.addf %add3A_323, %add3A_324 : vector<128x128xf32>
      %gt3A_326 = arith.cmpf ogt, %mul3A_322, %add3A_325 : vector<128x128xf32>
      %and3A = arith.andi %gt3A_326, %gt3A : vector<128x128xi1>
      %convert_element_type3A_327 = arith.extui %and3A : vector<128x128xi1> to vector<128x128xi32>
      %convert_element_type3A_328 = arith.sitofp %convert_element_type3A_327 : vector<128x128xi32> to vector<128x128xf32>
      %get3A_329 = arith.index_cast %scan3A_259 : i32 to index
      %get3A_330 = arith.constant 0 : index
      %get3A_331 = arith.constant 0 : index
      %get3A_332 = vector.load %arg10[%get3A_329, %get3A_330, %get3A_331] : memref<40x1x128xf32, #tpu.memory_space<vmem>>, vector<1x1x128xf32>
      %get3A_333 = vector.shape_cast %get3A_332 : vector<1x1x128xf32> to vector<1x128xf32>
      %while3A = arith.constant true
      %while3A_334:2 = scf.while (%while3A_829 = %get3A_333, %while3A_830 = %while3A) : (vector<1x128xf32>, i1) -> (vector<1x128xf32>, i1) {
        scf.condition(%while3A_830) %while3A_829, %while3A_830 : vector<1x128xf32>, i1
      } do {
      ^bb0(%while3A_829: vector<1x128xf32>, %while3A_830: i1):
        %dot_general3A_831 = arith.constant dense<0.000000e+00> : vector<1x128xf32>
        %dot_general3A_832 = tpu.matmul %while3A_829, %convert_element_type3A_328, %dot_general3A_831 {dimension_numbers = #tpu.dot_dimension_numbers<[1], [0], [0], [1], [0, 0, 1, 1], [], []>, transpose_lhs_hint = false} : vector<1x128xf32>, vector<128x128xf32>, vector<1x128xf32> -> vector<1x128xf32>
        %gt3A_833 = arith.constant 0.000000e+00 : f32
        %gt3A_834 = vector.broadcast %gt3A_833 : f32 to vector<1x128xf32>
        %gt3A_835 = arith.cmpf ogt, %dot_general3A_832, %gt3A_834 : vector<1x128xf32>
        %jit3A_836 = arith.constant 0.000000e+00 : f32
        %broadcast_in_dim3A_837 = vector.broadcast %jit3A_836 : f32 to vector<1x128xf32>
        %select_n3A_838 = arith.select %gt3A_835, %broadcast_in_dim3A_837, %get3A_333 : vector<1x128xi1>, vector<1x128xf32>
        %ne3A = arith.cmpf one, %select_n3A_838, %while3A_829 : vector<1x128xf32>
        %reduce_or3A = arith.constant 1.000000e+00 : f32
        %reduce_or3A_839 = arith.constant 0.000000e+00 : f32
        %reduce_or3A_840 = vector.broadcast %reduce_or3A : f32 to vector<1x128xf32>
        %reduce_or3A_841 = vector.broadcast %reduce_or3A_839 : f32 to vector<1x128xf32>
        %reduce_or3A_842 = arith.select %ne3A, %reduce_or3A_840, %reduce_or3A_841 : vector<1x128xi1>, vector<1x128xf32>
        %reduce_or3A_843 = vector.shape_cast %reduce_or3A_842 : vector<1x128xf32> to vector<1x1x128xf32>
        %reduce_or3A_844 = arith.constant dense<0xFF800000> : vector<1xf32>
        %reduce_or3A_845 = vector.multi_reduction <maximumf>, %reduce_or3A_843, %reduce_or3A_844 [1, 2] : vector<1x1x128xf32> to vector<1xf32>
        %reduce_or3A_846 = vector.shape_cast %reduce_or3A_845 : vector<1xf32> to vector<1x1x1xf32>
        %reduce_or3A_847 = vector.extract %reduce_or3A_846[0, 0, 0] : f32 from vector<1x1x1xf32>
        %reduce_or3A_848 = arith.constant 0.000000e+00 : f32
        %reduce_or3A_849 = arith.cmpf ogt, %reduce_or3A_847, %reduce_or3A_848 : f32
        scf.yield %select_n3A_838, %reduce_or3A_849 : vector<1x128xf32>, i1
      }
      %swap3A_335 = arith.index_cast %scan3A_259 : i32 to index
      %swap3A_336 = arith.constant 0 : index
      %swap3A_337 = arith.constant 0 : index
      %swap3A_338 = vector.load %arg10[%swap3A_335, %swap3A_336, %swap3A_337] : memref<40x1x128xf32, #tpu.memory_space<vmem>>, vector<1x1x128xf32>
      %swap3A_339 = vector.shape_cast %swap3A_338 : vector<1x1x128xf32> to vector<1x128xf32>
      %swap3A_340 = vector.shape_cast %while3A_334#0 : vector<1x128xf32> to vector<1x1x128xf32>
      tpu.vector_store %arg10[%swap3A_335, %swap3A_336, %swap3A_337], %swap3A_340 {strides = array<i32>} : memref<40x1x128xf32, #tpu.memory_space<vmem>>, vector<1x1x128xf32>,
      %max3A_341 = vector.broadcast %slice3A_265 : vector<128x1xf32> to vector<128x3840xf32>
      %max3A_342 = vector.broadcast %slice3A_55 : vector<1x3840xf32> to vector<128x3840xf32>
      %max3A_343 = arith.maximumf %max3A_341, %max3A_342 : vector<128x3840xf32>
      %max3A_344 = vector.broadcast %slice3A_266 : vector<128x1xf32> to vector<128x3840xf32>
      %max3A_345 = vector.broadcast %slice3A_56 : vector<1x3840xf32> to vector<128x3840xf32>
      %max3A_346 = arith.maximumf %max3A_344, %max3A_345 : vector<128x3840xf32>
      %min3A_347 = vector.broadcast %slice3A_267 : vector<128x1xf32> to vector<128x3840xf32>
      %min3A_348 = vector.broadcast %slice3A_57 : vector<1x3840xf32> to vector<128x3840xf32>
      %min3A_349 = arith.minimumf %min3A_347, %min3A_348 : vector<128x3840xf32>
      %min3A_350 = vector.broadcast %slice3A_268 : vector<128x1xf32> to vector<128x3840xf32>
      %min3A_351 = vector.broadcast %slice3A_58 : vector<1x3840xf32> to vector<128x3840xf32>
      %min3A_352 = arith.minimumf %min3A_350, %min3A_351 : vector<128x3840xf32>
      %sub3A_353 = arith.subf %min3A_349, %max3A_343 : vector<128x3840xf32>
      %max3A_354 = arith.constant 0.000000e+00 : f32
      %max3A_355 = vector.broadcast %max3A_354 : f32 to vector<128x3840xf32>
      %max3A_356 = arith.maximumf %sub3A_353, %max3A_355 : vector<128x3840xf32>
      %sub3A_357 = arith.subf %min3A_352, %max3A_346 : vector<128x3840xf32>
      %max3A_358 = arith.constant 0.000000e+00 : f32
      %max3A_359 = vector.broadcast %max3A_358 : f32 to vector<128x3840xf32>
      %max3A_360 = arith.maximumf %sub3A_357, %max3A_359 : vector<128x3840xf32>
      %mul3A_361 = arith.mulf %max3A_356, %max3A_360 : vector<128x3840xf32>
      %add3A_362 = vector.broadcast %mul3A_274 : vector<128x1xf32> to vector<128x3840xf32>
      %add3A_363 = vector.broadcast %mul3A_67 : vector<1x3840xf32> to vector<128x3840xf32>
      %add3A_364 = arith.addf %add3A_362, %add3A_363 : vector<128x3840xf32>
      %gt3A_365 = arith.cmpf ogt, %mul3A_361, %add3A_364 : vector<128x3840xf32>
      %convert_element_type3A_366 = arith.extui %gt3A_365 : vector<128x3840xi1> to vector<128x3840xi32>
      %convert_element_type3A_367 = arith.sitofp %convert_element_type3A_366 : vector<128x3840xi32> to vector<128x3840xf32>
      %dot_general3A_368 = arith.constant dense<0.000000e+00> : vector<1x3840xf32>
      %dot_general3A_369 = tpu.matmul %while3A_334#0, %convert_element_type3A_367, %dot_general3A_368 {dimension_numbers = #tpu.dot_dimension_numbers<[1], [0], [0], [1], [0, 0, 1, 1], [], []>, transpose_lhs_hint = false} : vector<1x128xf32>, vector<128x3840xf32>, vector<1x3840xf32> -> vector<1x3840xf32>
      %gt3A_370 = arith.constant 0.000000e+00 : f32
      %gt3A_371 = vector.broadcast %gt3A_370 : f32 to vector<1x3840xf32>
      %gt3A_372 = arith.cmpf ogt, %dot_general3A_369, %gt3A_371 : vector<1x3840xf32>
      %add3A_373 = arith.constant 1 : i32
      %add3A_374 = arith.addi %scan3A_259, %add3A_373 : i32
      %mul3A_375 = arith.constant 128 : i32
      %mul3A_376 = arith.muli %add3A_374, %mul3A_375 : i32
      %ge3A = vector.broadcast %mul3A_376 : i32 to vector<1x3840xi32>
      %ge3A_377 = arith.cmpi sge, %add3A_71, %ge3A : vector<1x3840xi32>
      %and3A_378 = arith.andi %gt3A_372, %ge3A_377 : vector<1x3840xi1>
      %slice3A_379 = vector.extract_strided_slice %and3A_378 {offsets = [0, 0], sizes = [1, 128], strides = [1, 1]} : vector<1x3840xi1> to vector<1x128xi1>
      %get3A_380 = arith.constant 10 : index
      %get3A_381 = arith.constant 0 : index
      %get3A_382 = arith.constant 0 : index
      %get3A_383 = vector.load %arg10[%get3A_380, %get3A_381, %get3A_382] : memref<40x1x128xf32, #tpu.memory_space<vmem>>, vector<1x1x128xf32>
      %get3A_384 = vector.shape_cast %get3A_383 : vector<1x1x128xf32> to vector<1x128xf32>
      %jit3A_385 = arith.constant 0.000000e+00 : f32
      %broadcast_in_dim3A_386 = vector.broadcast %jit3A_385 : f32 to vector<1x128xf32>
      %select_n3A_387 = arith.select %slice3A_379, %broadcast_in_dim3A_386, %get3A_384 : vector<1x128xi1>, vector<1x128xf32>
      %swap3A_388 = arith.constant 10 : index
      %swap3A_389 = arith.constant 0 : index
      %swap3A_390 = arith.constant 0 : index
      %swap3A_391 = vector.load %arg10[%swap3A_388, %swap3A_389, %swap3A_390] : memref<40x1x128xf32, #tpu.memory_space<vmem>>, vector<1x1x128xf32>
      %swap3A_392 = vector.shape_cast %swap3A_391 : vector<1x1x128xf32> to vector<1x128xf32>
      %swap3A_393 = vector.shape_cast %select_n3A_387 : vector<1x128xf32> to vector<1x1x128xf32>
      tpu.vector_store %arg10[%swap3A_388, %swap3A_389, %swap3A_390], %swap3A_393 {strides = array<i32>} : memref<40x1x128xf32, #tpu.memory_space<vmem>>, vector<1x1x128xf32>,
      %slice3A_394 = vector.extract_strided_slice %and3A_378 {offsets = [0, 128], sizes = [1, 128], strides = [1, 1]} : vector<1x3840xi1> to vector<1x128xi1>
      %get3A_395 = arith.constant 11 : index
      %get3A_396 = arith.constant 0 : index
      %get3A_397 = arith.constant 0 : index
      %get3A_398 = vector.load %arg10[%get3A_395, %get3A_396, %get3A_397] : memref<40x1x128xf32, #tpu.memory_space<vmem>>, vector<1x1x128xf32>
      %get3A_399 = vector.shape_cast %get3A_398 : vector<1x1x128xf32> to vector<1x128xf32>
      %jit3A_400 = arith.constant 0.000000e+00 : f32
      %broadcast_in_dim3A_401 = vector.broadcast %jit3A_400 : f32 to vector<1x128xf32>
      %select_n3A_402 = arith.select %slice3A_394, %broadcast_in_dim3A_401, %get3A_399 : vector<1x128xi1>, vector<1x128xf32>
      %swap3A_403 = arith.constant 11 : index
      %swap3A_404 = arith.constant 0 : index
      %swap3A_405 = arith.constant 0 : index
      %swap3A_406 = vector.load %arg10[%swap3A_403, %swap3A_404, %swap3A_405] : memref<40x1x128xf32, #tpu.memory_space<vmem>>, vector<1x1x128xf32>
      %swap3A_407 = vector.shape_cast %swap3A_406 : vector<1x1x128xf32> to vector<1x128xf32>
      %swap3A_408 = vector.shape_cast %select_n3A_402 : vector<1x128xf32> to vector<1x1x128xf32>
      tpu.vector_store %arg10[%swap3A_403, %swap3A_404, %swap3A_405], %swap3A_408 {strides = array<i32>} : memref<40x1x128xf32, #tpu.memory_space<vmem>>, vector<1x1x128xf32>,
      %slice3A_409 = vector.extract_strided_slice %and3A_378 {offsets = [0, 256], sizes = [1, 128], strides = [1, 1]} : vector<1x3840xi1> to vector<1x128xi1>
      %get3A_410 = arith.constant 12 : index
      %get3A_411 = arith.constant 0 : index
      %get3A_412 = arith.constant 0 : index
      %get3A_413 = vector.load %arg10[%get3A_410, %get3A_411, %get3A_412] : memref<40x1x128xf32, #tpu.memory_space<vmem>>, vector<1x1x128xf32>
      %get3A_414 = vector.shape_cast %get3A_413 : vector<1x1x128xf32> to vector<1x128xf32>
      %jit3A_415 = arith.constant 0.000000e+00 : f32
      %broadcast_in_dim3A_416 = vector.broadcast %jit3A_415 : f32 to vector<1x128xf32>
      %select_n3A_417 = arith.select %slice3A_409, %broadcast_in_dim3A_416, %get3A_414 : vector<1x128xi1>, vector<1x128xf32>
      %swap3A_418 = arith.constant 12 : index
      %swap3A_419 = arith.constant 0 : index
      %swap3A_420 = arith.constant 0 : index
      %swap3A_421 = vector.load %arg10[%swap3A_418, %swap3A_419, %swap3A_420] : memref<40x1x128xf32, #tpu.memory_space<vmem>>, vector<1x1x128xf32>
      %swap3A_422 = vector.shape_cast %swap3A_421 : vector<1x1x128xf32> to vector<1x128xf32>
      %swap3A_423 = vector.shape_cast %select_n3A_417 : vector<1x128xf32> to vector<1x1x128xf32>
      tpu.vector_store %arg10[%swap3A_418, %swap3A_419, %swap3A_420], %swap3A_423 {strides = array<i32>} : memref<40x1x128xf32, #tpu.memory_space<vmem>>, vector<1x1x128xf32>,
      %slice3A_424 = vector.extract_strided_slice %and3A_378 {offsets = [0, 384], sizes = [1, 128], strides = [1, 1]} : vector<1x3840xi1> to vector<1x128xi1>
      %get3A_425 = arith.constant 13 : index
      %get3A_426 = arith.constant 0 : index
      %get3A_427 = arith.constant 0 : index
      %get3A_428 = vector.load %arg10[%get3A_425, %get3A_426, %get3A_427] : memref<40x1x128xf32, #tpu.memory_space<vmem>>, vector<1x1x128xf32>
      %get3A_429 = vector.shape_cast %get3A_428 : vector<1x1x128xf32> to vector<1x128xf32>
      %jit3A_430 = arith.constant 0.000000e+00 : f32
      %broadcast_in_dim3A_431 = vector.broadcast %jit3A_430 : f32 to vector<1x128xf32>
      %select_n3A_432 = arith.select %slice3A_424, %broadcast_in_dim3A_431, %get3A_429 : vector<1x128xi1>, vector<1x128xf32>
      %swap3A_433 = arith.constant 13 : index
      %swap3A_434 = arith.constant 0 : index
      %swap3A_435 = arith.constant 0 : index
      %swap3A_436 = vector.load %arg10[%swap3A_433, %swap3A_434, %swap3A_435] : memref<40x1x128xf32, #tpu.memory_space<vmem>>, vector<1x1x128xf32>
      %swap3A_437 = vector.shape_cast %swap3A_436 : vector<1x1x128xf32> to vector<1x128xf32>
      %swap3A_438 = vector.shape_cast %select_n3A_432 : vector<1x128xf32> to vector<1x1x128xf32>
      tpu.vector_store %arg10[%swap3A_433, %swap3A_434, %swap3A_435], %swap3A_438 {strides = array<i32>} : memref<40x1x128xf32, #tpu.memory_space<vmem>>, vector<1x1x128xf32>,
      %slice3A_439 = vector.extract_strided_slice %and3A_378 {offsets = [0, 512], sizes = [1, 128], strides = [1, 1]} : vector<1x3840xi1> to vector<1x128xi1>
      %get3A_440 = arith.constant 14 : index
      %get3A_441 = arith.constant 0 : index
      %get3A_442 = arith.constant 0 : index
      %get3A_443 = vector.load %arg10[%get3A_440, %get3A_441, %get3A_442] : memref<40x1x128xf32, #tpu.memory_space<vmem>>, vector<1x1x128xf32>
      %get3A_444 = vector.shape_cast %get3A_443 : vector<1x1x128xf32> to vector<1x128xf32>
      %jit3A_445 = arith.constant 0.000000e+00 : f32
      %broadcast_in_dim3A_446 = vector.broadcast %jit3A_445 : f32 to vector<1x128xf32>
      %select_n3A_447 = arith.select %slice3A_439, %broadcast_in_dim3A_446, %get3A_444 : vector<1x128xi1>, vector<1x128xf32>
      %swap3A_448 = arith.constant 14 : index
      %swap3A_449 = arith.constant 0 : index
      %swap3A_450 = arith.constant 0 : index
      %swap3A_451 = vector.load %arg10[%swap3A_448, %swap3A_449, %swap3A_450] : memref<40x1x128xf32, #tpu.memory_space<vmem>>, vector<1x1x128xf32>
      %swap3A_452 = vector.shape_cast %swap3A_451 : vector<1x1x128xf32> to vector<1x128xf32>
      %swap3A_453 = vector.shape_cast %select_n3A_447 : vector<1x128xf32> to vector<1x1x128xf32>
      tpu.vector_store %arg10[%swap3A_448, %swap3A_449, %swap3A_450], %swap3A_453 {strides = array<i32>} : memref<40x1x128xf32, #tpu.memory_space<vmem>>, vector<1x1x128xf32>,
      %slice3A_454 = vector.extract_strided_slice %and3A_378 {offsets = [0, 640], sizes = [1, 128], strides = [1, 1]} : vector<1x3840xi1> to vector<1x128xi1>
      %get3A_455 = arith.constant 15 : index
      %get3A_456 = arith.constant 0 : index
      %get3A_457 = arith.constant 0 : index
      %get3A_458 = vector.load %arg10[%get3A_455, %get3A_456, %get3A_457] : memref<40x1x128xf32, #tpu.memory_space<vmem>>, vector<1x1x128xf32>
      %get3A_459 = vector.shape_cast %get3A_458 : vector<1x1x128xf32> to vector<1x128xf32>
      %jit3A_460 = arith.constant 0.000000e+00 : f32
      %broadcast_in_dim3A_461 = vector.broadcast %jit3A_460 : f32 to vector<1x128xf32>
      %select_n3A_462 = arith.select %slice3A_454, %broadcast_in_dim3A_461, %get3A_459 : vector<1x128xi1>, vector<1x128xf32>
      %swap3A_463 = arith.constant 15 : index
      %swap3A_464 = arith.constant 0 : index
      %swap3A_465 = arith.constant 0 : index
      %swap3A_466 = vector.load %arg10[%swap3A_463, %swap3A_464, %swap3A_465] : memref<40x1x128xf32, #tpu.memory_space<vmem>>, vector<1x1x128xf32>
      %swap3A_467 = vector.shape_cast %swap3A_466 : vector<1x1x128xf32> to vector<1x128xf32>
      %swap3A_468 = vector.shape_cast %select_n3A_462 : vector<1x128xf32> to vector<1x1x128xf32>
      tpu.vector_store %arg10[%swap3A_463, %swap3A_464, %swap3A_465], %swap3A_468 {strides = array<i32>} : memref<40x1x128xf32, #tpu.memory_space<vmem>>, vector<1x1x128xf32>,
      %slice3A_469 = vector.extract_strided_slice %and3A_378 {offsets = [0, 768], sizes = [1, 128], strides = [1, 1]} : vector<1x3840xi1> to vector<1x128xi1>
      %get3A_470 = arith.constant 16 : index
      %get3A_471 = arith.constant 0 : index
      %get3A_472 = arith.constant 0 : index
      %get3A_473 = vector.load %arg10[%get3A_470, %get3A_471, %get3A_472] : memref<40x1x128xf32, #tpu.memory_space<vmem>>, vector<1x1x128xf32>
      %get3A_474 = vector.shape_cast %get3A_473 : vector<1x1x128xf32> to vector<1x128xf32>
      %jit3A_475 = arith.constant 0.000000e+00 : f32
      %broadcast_in_dim3A_476 = vector.broadcast %jit3A_475 : f32 to vector<1x128xf32>
      %select_n3A_477 = arith.select %slice3A_469, %broadcast_in_dim3A_476, %get3A_474 : vector<1x128xi1>, vector<1x128xf32>
      %swap3A_478 = arith.constant 16 : index
      %swap3A_479 = arith.constant 0 : index
      %swap3A_480 = arith.constant 0 : index
      %swap3A_481 = vector.load %arg10[%swap3A_478, %swap3A_479, %swap3A_480] : memref<40x1x128xf32, #tpu.memory_space<vmem>>, vector<1x1x128xf32>
      %swap3A_482 = vector.shape_cast %swap3A_481 : vector<1x1x128xf32> to vector<1x128xf32>
      %swap3A_483 = vector.shape_cast %select_n3A_477 : vector<1x128xf32> to vector<1x1x128xf32>
      tpu.vector_store %arg10[%swap3A_478, %swap3A_479, %swap3A_480], %swap3A_483 {strides = array<i32>} : memref<40x1x128xf32, #tpu.memory_space<vmem>>, vector<1x1x128xf32>,
      %slice3A_484 = vector.extract_strided_slice %and3A_378 {offsets = [0, 896], sizes = [1, 128], strides = [1, 1]} : vector<1x3840xi1> to vector<1x128xi1>
      %get3A_485 = arith.constant 17 : index
      %get3A_486 = arith.constant 0 : index
      %get3A_487 = arith.constant 0 : index
      %get3A_488 = vector.load %arg10[%get3A_485, %get3A_486, %get3A_487] : memref<40x1x128xf32, #tpu.memory_space<vmem>>, vector<1x1x128xf32>
      %get3A_489 = vector.shape_cast %get3A_488 : vector<1x1x128xf32> to vector<1x128xf32>
      %jit3A_490 = arith.constant 0.000000e+00 : f32
      %broadcast_in_dim3A_491 = vector.broadcast %jit3A_490 : f32 to vector<1x128xf32>
      %select_n3A_492 = arith.select %slice3A_484, %broadcast_in_dim3A_491, %get3A_489 : vector<1x128xi1>, vector<1x128xf32>
      %swap3A_493 = arith.constant 17 : index
      %swap3A_494 = arith.constant 0 : index
      %swap3A_495 = arith.constant 0 : index
      %swap3A_496 = vector.load %arg10[%swap3A_493, %swap3A_494, %swap3A_495] : memref<40x1x128xf32, #tpu.memory_space<vmem>>, vector<1x1x128xf32>
      %swap3A_497 = vector.shape_cast %swap3A_496 : vector<1x1x128xf32> to vector<1x128xf32>
      %swap3A_498 = vector.shape_cast %select_n3A_492 : vector<1x128xf32> to vector<1x1x128xf32>
      tpu.vector_store %arg10[%swap3A_493, %swap3A_494, %swap3A_495], %swap3A_498 {strides = array<i32>} : memref<40x1x128xf32, #tpu.memory_space<vmem>>, vector<1x1x128xf32>,
      %slice3A_499 = vector.extract_strided_slice %and3A_378 {offsets = [0, 1024], sizes = [1, 128], strides = [1, 1]} : vector<1x3840xi1> to vector<1x128xi1>
      %get3A_500 = arith.constant 18 : index
      %get3A_501 = arith.constant 0 : index
      %get3A_502 = arith.constant 0 : index
      %get3A_503 = vector.load %arg10[%get3A_500, %get3A_501, %get3A_502] : memref<40x1x128xf32, #tpu.memory_space<vmem>>, vector<1x1x128xf32>
      %get3A_504 = vector.shape_cast %get3A_503 : vector<1x1x128xf32> to vector<1x128xf32>
      %jit3A_505 = arith.constant 0.000000e+00 : f32
      %broadcast_in_dim3A_506 = vector.broadcast %jit3A_505 : f32 to vector<1x128xf32>
      %select_n3A_507 = arith.select %slice3A_499, %broadcast_in_dim3A_506, %get3A_504 : vector<1x128xi1>, vector<1x128xf32>
      %swap3A_508 = arith.constant 18 : index
      %swap3A_509 = arith.constant 0 : index
      %swap3A_510 = arith.constant 0 : index
      %swap3A_511 = vector.load %arg10[%swap3A_508, %swap3A_509, %swap3A_510] : memref<40x1x128xf32, #tpu.memory_space<vmem>>, vector<1x1x128xf32>
      %swap3A_512 = vector.shape_cast %swap3A_511 : vector<1x1x128xf32> to vector<1x128xf32>
      %swap3A_513 = vector.shape_cast %select_n3A_507 : vector<1x128xf32> to vector<1x1x128xf32>
      tpu.vector_store %arg10[%swap3A_508, %swap3A_509, %swap3A_510], %swap3A_513 {strides = array<i32>} : memref<40x1x128xf32, #tpu.memory_space<vmem>>, vector<1x1x128xf32>,
      %slice3A_514 = vector.extract_strided_slice %and3A_378 {offsets = [0, 1152], sizes = [1, 128], strides = [1, 1]} : vector<1x3840xi1> to vector<1x128xi1>
      %get3A_515 = arith.constant 19 : index
      %get3A_516 = arith.constant 0 : index
      %get3A_517 = arith.constant 0 : index
      %get3A_518 = vector.load %arg10[%get3A_515, %get3A_516, %get3A_517] : memref<40x1x128xf32, #tpu.memory_space<vmem>>, vector<1x1x128xf32>
      %get3A_519 = vector.shape_cast %get3A_518 : vector<1x1x128xf32> to vector<1x128xf32>
      %jit3A_520 = arith.constant 0.000000e+00 : f32
      %broadcast_in_dim3A_521 = vector.broadcast %jit3A_520 : f32 to vector<1x128xf32>
      %select_n3A_522 = arith.select %slice3A_514, %broadcast_in_dim3A_521, %get3A_519 : vector<1x128xi1>, vector<1x128xf32>
      %swap3A_523 = arith.constant 19 : index
      %swap3A_524 = arith.constant 0 : index
      %swap3A_525 = arith.constant 0 : index
      %swap3A_526 = vector.load %arg10[%swap3A_523, %swap3A_524, %swap3A_525] : memref<40x1x128xf32, #tpu.memory_space<vmem>>, vector<1x1x128xf32>
      %swap3A_527 = vector.shape_cast %swap3A_526 : vector<1x1x128xf32> to vector<1x128xf32>
      %swap3A_528 = vector.shape_cast %select_n3A_522 : vector<1x128xf32> to vector<1x1x128xf32>
      tpu.vector_store %arg10[%swap3A_523, %swap3A_524, %swap3A_525], %swap3A_528 {strides = array<i32>} : memref<40x1x128xf32, #tpu.memory_space<vmem>>, vector<1x1x128xf32>,
      %slice3A_529 = vector.extract_strided_slice %and3A_378 {offsets = [0, 1280], sizes = [1, 128], strides = [1, 1]} : vector<1x3840xi1> to vector<1x128xi1>
      %get3A_530 = arith.constant 20 : index
      %get3A_531 = arith.constant 0 : index
      %get3A_532 = arith.constant 0 : index
      %get3A_533 = vector.load %arg10[%get3A_530, %get3A_531, %get3A_532] : memref<40x1x128xf32, #tpu.memory_space<vmem>>, vector<1x1x128xf32>
      %get3A_534 = vector.shape_cast %get3A_533 : vector<1x1x128xf32> to vector<1x128xf32>
      %jit3A_535 = arith.constant 0.000000e+00 : f32
      %broadcast_in_dim3A_536 = vector.broadcast %jit3A_535 : f32 to vector<1x128xf32>
      %select_n3A_537 = arith.select %slice3A_529, %broadcast_in_dim3A_536, %get3A_534 : vector<1x128xi1>, vector<1x128xf32>
      %swap3A_538 = arith.constant 20 : index
      %swap3A_539 = arith.constant 0 : index
      %swap3A_540 = arith.constant 0 : index
      %swap3A_541 = vector.load %arg10[%swap3A_538, %swap3A_539, %swap3A_540] : memref<40x1x128xf32, #tpu.memory_space<vmem>>, vector<1x1x128xf32>
      %swap3A_542 = vector.shape_cast %swap3A_541 : vector<1x1x128xf32> to vector<1x128xf32>
      %swap3A_543 = vector.shape_cast %select_n3A_537 : vector<1x128xf32> to vector<1x1x128xf32>
      tpu.vector_store %arg10[%swap3A_538, %swap3A_539, %swap3A_540], %swap3A_543 {strides = array<i32>} : memref<40x1x128xf32, #tpu.memory_space<vmem>>, vector<1x1x128xf32>,
      %slice3A_544 = vector.extract_strided_slice %and3A_378 {offsets = [0, 1408], sizes = [1, 128], strides = [1, 1]} : vector<1x3840xi1> to vector<1x128xi1>
      %get3A_545 = arith.constant 21 : index
      %get3A_546 = arith.constant 0 : index
      %get3A_547 = arith.constant 0 : index
      %get3A_548 = vector.load %arg10[%get3A_545, %get3A_546, %get3A_547] : memref<40x1x128xf32, #tpu.memory_space<vmem>>, vector<1x1x128xf32>
      %get3A_549 = vector.shape_cast %get3A_548 : vector<1x1x128xf32> to vector<1x128xf32>
      %jit3A_550 = arith.constant 0.000000e+00 : f32
      %broadcast_in_dim3A_551 = vector.broadcast %jit3A_550 : f32 to vector<1x128xf32>
      %select_n3A_552 = arith.select %slice3A_544, %broadcast_in_dim3A_551, %get3A_549 : vector<1x128xi1>, vector<1x128xf32>
      %swap3A_553 = arith.constant 21 : index
      %swap3A_554 = arith.constant 0 : index
      %swap3A_555 = arith.constant 0 : index
      %swap3A_556 = vector.load %arg10[%swap3A_553, %swap3A_554, %swap3A_555] : memref<40x1x128xf32, #tpu.memory_space<vmem>>, vector<1x1x128xf32>
      %swap3A_557 = vector.shape_cast %swap3A_556 : vector<1x1x128xf32> to vector<1x128xf32>
      %swap3A_558 = vector.shape_cast %select_n3A_552 : vector<1x128xf32> to vector<1x1x128xf32>
      tpu.vector_store %arg10[%swap3A_553, %swap3A_554, %swap3A_555], %swap3A_558 {strides = array<i32>} : memref<40x1x128xf32, #tpu.memory_space<vmem>>, vector<1x1x128xf32>,
      %slice3A_559 = vector.extract_strided_slice %and3A_378 {offsets = [0, 1536], sizes = [1, 128], strides = [1, 1]} : vector<1x3840xi1> to vector<1x128xi1>
      %get3A_560 = arith.constant 22 : index
      %get3A_561 = arith.constant 0 : index
      %get3A_562 = arith.constant 0 : index
      %get3A_563 = vector.load %arg10[%get3A_560, %get3A_561, %get3A_562] : memref<40x1x128xf32, #tpu.memory_space<vmem>>, vector<1x1x128xf32>
      %get3A_564 = vector.shape_cast %get3A_563 : vector<1x1x128xf32> to vector<1x128xf32>
      %jit3A_565 = arith.constant 0.000000e+00 : f32
      %broadcast_in_dim3A_566 = vector.broadcast %jit3A_565 : f32 to vector<1x128xf32>
      %select_n3A_567 = arith.select %slice3A_559, %broadcast_in_dim3A_566, %get3A_564 : vector<1x128xi1>, vector<1x128xf32>
      %swap3A_568 = arith.constant 22 : index
      %swap3A_569 = arith.constant 0 : index
      %swap3A_570 = arith.constant 0 : index
      %swap3A_571 = vector.load %arg10[%swap3A_568, %swap3A_569, %swap3A_570] : memref<40x1x128xf32, #tpu.memory_space<vmem>>, vector<1x1x128xf32>
      %swap3A_572 = vector.shape_cast %swap3A_571 : vector<1x1x128xf32> to vector<1x128xf32>
      %swap3A_573 = vector.shape_cast %select_n3A_567 : vector<1x128xf32> to vector<1x1x128xf32>
      tpu.vector_store %arg10[%swap3A_568, %swap3A_569, %swap3A_570], %swap3A_573 {strides = array<i32>} : memref<40x1x128xf32, #tpu.memory_space<vmem>>, vector<1x1x128xf32>,
      %slice3A_574 = vector.extract_strided_slice %and3A_378 {offsets = [0, 1664], sizes = [1, 128], strides = [1, 1]} : vector<1x3840xi1> to vector<1x128xi1>
      %get3A_575 = arith.constant 23 : index
      %get3A_576 = arith.constant 0 : index
      %get3A_577 = arith.constant 0 : index
      %get3A_578 = vector.load %arg10[%get3A_575, %get3A_576, %get3A_577] : memref<40x1x128xf32, #tpu.memory_space<vmem>>, vector<1x1x128xf32>
      %get3A_579 = vector.shape_cast %get3A_578 : vector<1x1x128xf32> to vector<1x128xf32>
      %jit3A_580 = arith.constant 0.000000e+00 : f32
      %broadcast_in_dim3A_581 = vector.broadcast %jit3A_580 : f32 to vector<1x128xf32>
      %select_n3A_582 = arith.select %slice3A_574, %broadcast_in_dim3A_581, %get3A_579 : vector<1x128xi1>, vector<1x128xf32>
      %swap3A_583 = arith.constant 23 : index
      %swap3A_584 = arith.constant 0 : index
      %swap3A_585 = arith.constant 0 : index
      %swap3A_586 = vector.load %arg10[%swap3A_583, %swap3A_584, %swap3A_585] : memref<40x1x128xf32, #tpu.memory_space<vmem>>, vector<1x1x128xf32>
      %swap3A_587 = vector.shape_cast %swap3A_586 : vector<1x1x128xf32> to vector<1x128xf32>
      %swap3A_588 = vector.shape_cast %select_n3A_582 : vector<1x128xf32> to vector<1x1x128xf32>
      tpu.vector_store %arg10[%swap3A_583, %swap3A_584, %swap3A_585], %swap3A_588 {strides = array<i32>} : memref<40x1x128xf32, #tpu.memory_space<vmem>>, vector<1x1x128xf32>,
      %slice3A_589 = vector.extract_strided_slice %and3A_378 {offsets = [0, 1792], sizes = [1, 128], strides = [1, 1]} : vector<1x3840xi1> to vector<1x128xi1>
      %get3A_590 = arith.constant 24 : index
      %get3A_591 = arith.constant 0 : index
      %get3A_592 = arith.constant 0 : index
      %get3A_593 = vector.load %arg10[%get3A_590, %get3A_591, %get3A_592] : memref<40x1x128xf32, #tpu.memory_space<vmem>>, vector<1x1x128xf32>
      %get3A_594 = vector.shape_cast %get3A_593 : vector<1x1x128xf32> to vector<1x128xf32>
      %jit3A_595 = arith.constant 0.000000e+00 : f32
      %broadcast_in_dim3A_596 = vector.broadcast %jit3A_595 : f32 to vector<1x128xf32>
      %select_n3A_597 = arith.select %slice3A_589, %broadcast_in_dim3A_596, %get3A_594 : vector<1x128xi1>, vector<1x128xf32>
      %swap3A_598 = arith.constant 24 : index
      %swap3A_599 = arith.constant 0 : index
      %swap3A_600 = arith.constant 0 : index
      %swap3A_601 = vector.load %arg10[%swap3A_598, %swap3A_599, %swap3A_600] : memref<40x1x128xf32, #tpu.memory_space<vmem>>, vector<1x1x128xf32>
      %swap3A_602 = vector.shape_cast %swap3A_601 : vector<1x1x128xf32> to vector<1x128xf32>
      %swap3A_603 = vector.shape_cast %select_n3A_597 : vector<1x128xf32> to vector<1x1x128xf32>
      tpu.vector_store %arg10[%swap3A_598, %swap3A_599, %swap3A_600], %swap3A_603 {strides = array<i32>} : memref<40x1x128xf32, #tpu.memory_space<vmem>>, vector<1x1x128xf32>,
      %slice3A_604 = vector.extract_strided_slice %and3A_378 {offsets = [0, 1920], sizes = [1, 128], strides = [1, 1]} : vector<1x3840xi1> to vector<1x128xi1>
      %get3A_605 = arith.constant 25 : index
      %get3A_606 = arith.constant 0 : index
      %get3A_607 = arith.constant 0 : index
      %get3A_608 = vector.load %arg10[%get3A_605, %get3A_606, %get3A_607] : memref<40x1x128xf32, #tpu.memory_space<vmem>>, vector<1x1x128xf32>
      %get3A_609 = vector.shape_cast %get3A_608 : vector<1x1x128xf32> to vector<1x128xf32>
      %jit3A_610 = arith.constant 0.000000e+00 : f32
      %broadcast_in_dim3A_611 = vector.broadcast %jit3A_610 : f32 to vector<1x128xf32>
      %select_n3A_612 = arith.select %slice3A_604, %broadcast_in_dim3A_611, %get3A_609 : vector<1x128xi1>, vector<1x128xf32>
      %swap3A_613 = arith.constant 25 : index
      %swap3A_614 = arith.constant 0 : index
      %swap3A_615 = arith.constant 0 : index
      %swap3A_616 = vector.load %arg10[%swap3A_613, %swap3A_614, %swap3A_615] : memref<40x1x128xf32, #tpu.memory_space<vmem>>, vector<1x1x128xf32>
      %swap3A_617 = vector.shape_cast %swap3A_616 : vector<1x1x128xf32> to vector<1x128xf32>
      %swap3A_618 = vector.shape_cast %select_n3A_612 : vector<1x128xf32> to vector<1x1x128xf32>
      tpu.vector_store %arg10[%swap3A_613, %swap3A_614, %swap3A_615], %swap3A_618 {strides = array<i32>} : memref<40x1x128xf32, #tpu.memory_space<vmem>>, vector<1x1x128xf32>,
      %slice3A_619 = vector.extract_strided_slice %and3A_378 {offsets = [0, 2048], sizes = [1, 128], strides = [1, 1]} : vector<1x3840xi1> to vector<1x128xi1>
      %get3A_620 = arith.constant 26 : index
      %get3A_621 = arith.constant 0 : index
      %get3A_622 = arith.constant 0 : index
      %get3A_623 = vector.load %arg10[%get3A_620, %get3A_621, %get3A_622] : memref<40x1x128xf32, #tpu.memory_space<vmem>>, vector<1x1x128xf32>
      %get3A_624 = vector.shape_cast %get3A_623 : vector<1x1x128xf32> to vector<1x128xf32>
      %jit3A_625 = arith.constant 0.000000e+00 : f32
      %broadcast_in_dim3A_626 = vector.broadcast %jit3A_625 : f32 to vector<1x128xf32>
      %select_n3A_627 = arith.select %slice3A_619, %broadcast_in_dim3A_626, %get3A_624 : vector<1x128xi1>, vector<1x128xf32>
      %swap3A_628 = arith.constant 26 : index
      %swap3A_629 = arith.constant 0 : index
      %swap3A_630 = arith.constant 0 : index
      %swap3A_631 = vector.load %arg10[%swap3A_628, %swap3A_629, %swap3A_630] : memref<40x1x128xf32, #tpu.memory_space<vmem>>, vector<1x1x128xf32>
      %swap3A_632 = vector.shape_cast %swap3A_631 : vector<1x1x128xf32> to vector<1x128xf32>
      %swap3A_633 = vector.shape_cast %select_n3A_627 : vector<1x128xf32> to vector<1x1x128xf32>
      tpu.vector_store %arg10[%swap3A_628, %swap3A_629, %swap3A_630], %swap3A_633 {strides = array<i32>} : memref<40x1x128xf32, #tpu.memory_space<vmem>>, vector<1x1x128xf32>,
      %slice3A_634 = vector.extract_strided_slice %and3A_378 {offsets = [0, 2176], sizes = [1, 128], strides = [1, 1]} : vector<1x3840xi1> to vector<1x128xi1>
      %get3A_635 = arith.constant 27 : index
      %get3A_636 = arith.constant 0 : index
      %get3A_637 = arith.constant 0 : index
      %get3A_638 = vector.load %arg10[%get3A_635, %get3A_636, %get3A_637] : memref<40x1x128xf32, #tpu.memory_space<vmem>>, vector<1x1x128xf32>
      %get3A_639 = vector.shape_cast %get3A_638 : vector<1x1x128xf32> to vector<1x128xf32>
      %jit3A_640 = arith.constant 0.000000e+00 : f32
      %broadcast_in_dim3A_641 = vector.broadcast %jit3A_640 : f32 to vector<1x128xf32>
      %select_n3A_642 = arith.select %slice3A_634, %broadcast_in_dim3A_641, %get3A_639 : vector<1x128xi1>, vector<1x128xf32>
      %swap3A_643 = arith.constant 27 : index
      %swap3A_644 = arith.constant 0 : index
      %swap3A_645 = arith.constant 0 : index
      %swap3A_646 = vector.load %arg10[%swap3A_643, %swap3A_644, %swap3A_645] : memref<40x1x128xf32, #tpu.memory_space<vmem>>, vector<1x1x128xf32>
      %swap3A_647 = vector.shape_cast %swap3A_646 : vector<1x1x128xf32> to vector<1x128xf32>
      %swap3A_648 = vector.shape_cast %select_n3A_642 : vector<1x128xf32> to vector<1x1x128xf32>
      tpu.vector_store %arg10[%swap3A_643, %swap3A_644, %swap3A_645], %swap3A_648 {strides = array<i32>} : memref<40x1x128xf32, #tpu.memory_space<vmem>>, vector<1x1x128xf32>,
      %slice3A_649 = vector.extract_strided_slice %and3A_378 {offsets = [0, 2304], sizes = [1, 128], strides = [1, 1]} : vector<1x3840xi1> to vector<1x128xi1>
      %get3A_650 = arith.constant 28 : index
      %get3A_651 = arith.constant 0 : index
      %get3A_652 = arith.constant 0 : index
      %get3A_653 = vector.load %arg10[%get3A_650, %get3A_651, %get3A_652] : memref<40x1x128xf32, #tpu.memory_space<vmem>>, vector<1x1x128xf32>
      %get3A_654 = vector.shape_cast %get3A_653 : vector<1x1x128xf32> to vector<1x128xf32>
      %jit3A_655 = arith.constant 0.000000e+00 : f32
      %broadcast_in_dim3A_656 = vector.broadcast %jit3A_655 : f32 to vector<1x128xf32>
      %select_n3A_657 = arith.select %slice3A_649, %broadcast_in_dim3A_656, %get3A_654 : vector<1x128xi1>, vector<1x128xf32>
      %swap3A_658 = arith.constant 28 : index
      %swap3A_659 = arith.constant 0 : index
      %swap3A_660 = arith.constant 0 : index
      %swap3A_661 = vector.load %arg10[%swap3A_658, %swap3A_659, %swap3A_660] : memref<40x1x128xf32, #tpu.memory_space<vmem>>, vector<1x1x128xf32>
      %swap3A_662 = vector.shape_cast %swap3A_661 : vector<1x1x128xf32> to vector<1x128xf32>
      %swap3A_663 = vector.shape_cast %select_n3A_657 : vector<1x128xf32> to vector<1x1x128xf32>
      tpu.vector_store %arg10[%swap3A_658, %swap3A_659, %swap3A_660], %swap3A_663 {strides = array<i32>} : memref<40x1x128xf32, #tpu.memory_space<vmem>>, vector<1x1x128xf32>,
      %slice3A_664 = vector.extract_strided_slice %and3A_378 {offsets = [0, 2432], sizes = [1, 128], strides = [1, 1]} : vector<1x3840xi1> to vector<1x128xi1>
      %get3A_665 = arith.constant 29 : index
      %get3A_666 = arith.constant 0 : index
      %get3A_667 = arith.constant 0 : index
      %get3A_668 = vector.load %arg10[%get3A_665, %get3A_666, %get3A_667] : memref<40x1x128xf32, #tpu.memory_space<vmem>>, vector<1x1x128xf32>
      %get3A_669 = vector.shape_cast %get3A_668 : vector<1x1x128xf32> to vector<1x128xf32>
      %jit3A_670 = arith.constant 0.000000e+00 : f32
      %broadcast_in_dim3A_671 = vector.broadcast %jit3A_670 : f32 to vector<1x128xf32>
      %select_n3A_672 = arith.select %slice3A_664, %broadcast_in_dim3A_671, %get3A_669 : vector<1x128xi1>, vector<1x128xf32>
      %swap3A_673 = arith.constant 29 : index
      %swap3A_674 = arith.constant 0 : index
      %swap3A_675 = arith.constant 0 : index
      %swap3A_676 = vector.load %arg10[%swap3A_673, %swap3A_674, %swap3A_675] : memref<40x1x128xf32, #tpu.memory_space<vmem>>, vector<1x1x128xf32>
      %swap3A_677 = vector.shape_cast %swap3A_676 : vector<1x1x128xf32> to vector<1x128xf32>
      %swap3A_678 = vector.shape_cast %select_n3A_672 : vector<1x128xf32> to vector<1x1x128xf32>
      tpu.vector_store %arg10[%swap3A_673, %swap3A_674, %swap3A_675], %swap3A_678 {strides = array<i32>} : memref<40x1x128xf32, #tpu.memory_space<vmem>>, vector<1x1x128xf32>,
      %slice3A_679 = vector.extract_strided_slice %and3A_378 {offsets = [0, 2560], sizes = [1, 128], strides = [1, 1]} : vector<1x3840xi1> to vector<1x128xi1>
      %get3A_680 = arith.constant 30 : index
      %get3A_681 = arith.constant 0 : index
      %get3A_682 = arith.constant 0 : index
      %get3A_683 = vector.load %arg10[%get3A_680, %get3A_681, %get3A_682] : memref<40x1x128xf32, #tpu.memory_space<vmem>>, vector<1x1x128xf32>
      %get3A_684 = vector.shape_cast %get3A_683 : vector<1x1x128xf32> to vector<1x128xf32>
      %jit3A_685 = arith.constant 0.000000e+00 : f32
      %broadcast_in_dim3A_686 = vector.broadcast %jit3A_685 : f32 to vector<1x128xf32>
      %select_n3A_687 = arith.select %slice3A_679, %broadcast_in_dim3A_686, %get3A_684 : vector<1x128xi1>, vector<1x128xf32>
      %swap3A_688 = arith.constant 30 : index
      %swap3A_689 = arith.constant 0 : index
      %swap3A_690 = arith.constant 0 : index
      %swap3A_691 = vector.load %arg10[%swap3A_688, %swap3A_689, %swap3A_690] : memref<40x1x128xf32, #tpu.memory_space<vmem>>, vector<1x1x128xf32>
      %swap3A_692 = vector.shape_cast %swap3A_691 : vector<1x1x128xf32> to vector<1x128xf32>
      %swap3A_693 = vector.shape_cast %select_n3A_687 : vector<1x128xf32> to vector<1x1x128xf32>
      tpu.vector_store %arg10[%swap3A_688, %swap3A_689, %swap3A_690], %swap3A_693 {strides = array<i32>} : memref<40x1x128xf32, #tpu.memory_space<vmem>>, vector<1x1x128xf32>,
      %slice3A_694 = vector.extract_strided_slice %and3A_378 {offsets = [0, 2688], sizes = [1, 128], strides = [1, 1]} : vector<1x3840xi1> to vector<1x128xi1>
      %get3A_695 = arith.constant 31 : index
      %get3A_696 = arith.constant 0 : index
      %get3A_697 = arith.constant 0 : index
      %get3A_698 = vector.load %arg10[%get3A_695, %get3A_696, %get3A_697] : memref<40x1x128xf32, #tpu.memory_space<vmem>>, vector<1x1x128xf32>
      %get3A_699 = vector.shape_cast %get3A_698 : vector<1x1x128xf32> to vector<1x128xf32>
      %jit3A_700 = arith.constant 0.000000e+00 : f32
      %broadcast_in_dim3A_701 = vector.broadcast %jit3A_700 : f32 to vector<1x128xf32>
      %select_n3A_702 = arith.select %slice3A_694, %broadcast_in_dim3A_701, %get3A_699 : vector<1x128xi1>, vector<1x128xf32>
      %swap3A_703 = arith.constant 31 : index
      %swap3A_704 = arith.constant 0 : index
      %swap3A_705 = arith.constant 0 : index
      %swap3A_706 = vector.load %arg10[%swap3A_703, %swap3A_704, %swap3A_705] : memref<40x1x128xf32, #tpu.memory_space<vmem>>, vector<1x1x128xf32>
      %swap3A_707 = vector.shape_cast %swap3A_706 : vector<1x1x128xf32> to vector<1x128xf32>
      %swap3A_708 = vector.shape_cast %select_n3A_702 : vector<1x128xf32> to vector<1x1x128xf32>
      tpu.vector_store %arg10[%swap3A_703, %swap3A_704, %swap3A_705], %swap3A_708 {strides = array<i32>} : memref<40x1x128xf32, #tpu.memory_space<vmem>>, vector<1x1x128xf32>,
      %slice3A_709 = vector.extract_strided_slice %and3A_378 {offsets = [0, 2816], sizes = [1, 128], strides = [1, 1]} : vector<1x3840xi1> to vector<1x128xi1>
      %get3A_710 = arith.constant 32 : index
      %get3A_711 = arith.constant 0 : index
      %get3A_712 = arith.constant 0 : index
      %get3A_713 = vector.load %arg10[%get3A_710, %get3A_711, %get3A_712] : memref<40x1x128xf32, #tpu.memory_space<vmem>>, vector<1x1x128xf32>
      %get3A_714 = vector.shape_cast %get3A_713 : vector<1x1x128xf32> to vector<1x128xf32>
      %jit3A_715 = arith.constant 0.000000e+00 : f32
      %broadcast_in_dim3A_716 = vector.broadcast %jit3A_715 : f32 to vector<1x128xf32>
      %select_n3A_717 = arith.select %slice3A_709, %broadcast_in_dim3A_716, %get3A_714 : vector<1x128xi1>, vector<1x128xf32>
      %swap3A_718 = arith.constant 32 : index
      %swap3A_719 = arith.constant 0 : index
      %swap3A_720 = arith.constant 0 : index
      %swap3A_721 = vector.load %arg10[%swap3A_718, %swap3A_719, %swap3A_720] : memref<40x1x128xf32, #tpu.memory_space<vmem>>, vector<1x1x128xf32>
      %swap3A_722 = vector.shape_cast %swap3A_721 : vector<1x1x128xf32> to vector<1x128xf32>
      %swap3A_723 = vector.shape_cast %select_n3A_717 : vector<1x128xf32> to vector<1x1x128xf32>
      tpu.vector_store %arg10[%swap3A_718, %swap3A_719, %swap3A_720], %swap3A_723 {strides = array<i32>} : memref<40x1x128xf32, #tpu.memory_space<vmem>>, vector<1x1x128xf32>,
      %slice3A_724 = vector.extract_strided_slice %and3A_378 {offsets = [0, 2944], sizes = [1, 128], strides = [1, 1]} : vector<1x3840xi1> to vector<1x128xi1>
      %get3A_725 = arith.constant 33 : index
      %get3A_726 = arith.constant 0 : index
      %get3A_727 = arith.constant 0 : index
      %get3A_728 = vector.load %arg10[%get3A_725, %get3A_726, %get3A_727] : memref<40x1x128xf32, #tpu.memory_space<vmem>>, vector<1x1x128xf32>
      %get3A_729 = vector.shape_cast %get3A_728 : vector<1x1x128xf32> to vector<1x128xf32>
      %jit3A_730 = arith.constant 0.000000e+00 : f32
      %broadcast_in_dim3A_731 = vector.broadcast %jit3A_730 : f32 to vector<1x128xf32>
      %select_n3A_732 = arith.select %slice3A_724, %broadcast_in_dim3A_731, %get3A_729 : vector<1x128xi1>, vector<1x128xf32>
      %swap3A_733 = arith.constant 33 : index
      %swap3A_734 = arith.constant 0 : index
      %swap3A_735 = arith.constant 0 : index
      %swap3A_736 = vector.load %arg10[%swap3A_733, %swap3A_734, %swap3A_735] : memref<40x1x128xf32, #tpu.memory_space<vmem>>, vector<1x1x128xf32>
      %swap3A_737 = vector.shape_cast %swap3A_736 : vector<1x1x128xf32> to vector<1x128xf32>
      %swap3A_738 = vector.shape_cast %select_n3A_732 : vector<1x128xf32> to vector<1x1x128xf32>
      tpu.vector_store %arg10[%swap3A_733, %swap3A_734, %swap3A_735], %swap3A_738 {strides = array<i32>} : memref<40x1x128xf32, #tpu.memory_space<vmem>>, vector<1x1x128xf32>,
      %slice3A_739 = vector.extract_strided_slice %and3A_378 {offsets = [0, 3072], sizes = [1, 128], strides = [1, 1]} : vector<1x3840xi1> to vector<1x128xi1>
      %get3A_740 = arith.constant 34 : index
      %get3A_741 = arith.constant 0 : index
      %get3A_742 = arith.constant 0 : index
      %get3A_743 = vector.load %arg10[%get3A_740, %get3A_741, %get3A_742] : memref<40x1x128xf32, #tpu.memory_space<vmem>>, vector<1x1x128xf32>
      %get3A_744 = vector.shape_cast %get3A_743 : vector<1x1x128xf32> to vector<1x128xf32>
      %jit3A_745 = arith.constant 0.000000e+00 : f32
      %broadcast_in_dim3A_746 = vector.broadcast %jit3A_745 : f32 to vector<1x128xf32>
      %select_n3A_747 = arith.select %slice3A_739, %broadcast_in_dim3A_746, %get3A_744 : vector<1x128xi1>, vector<1x128xf32>
      %swap3A_748 = arith.constant 34 : index
      %swap3A_749 = arith.constant 0 : index
      %swap3A_750 = arith.constant 0 : index
      %swap3A_751 = vector.load %arg10[%swap3A_748, %swap3A_749, %swap3A_750] : memref<40x1x128xf32, #tpu.memory_space<vmem>>, vector<1x1x128xf32>
      %swap3A_752 = vector.shape_cast %swap3A_751 : vector<1x1x128xf32> to vector<1x128xf32>
      %swap3A_753 = vector.shape_cast %select_n3A_747 : vector<1x128xf32> to vector<1x1x128xf32>
      tpu.vector_store %arg10[%swap3A_748, %swap3A_749, %swap3A_750], %swap3A_753 {strides = array<i32>} : memref<40x1x128xf32, #tpu.memory_space<vmem>>, vector<1x1x128xf32>,
      %slice3A_754 = vector.extract_strided_slice %and3A_378 {offsets = [0, 3200], sizes = [1, 128], strides = [1, 1]} : vector<1x3840xi1> to vector<1x128xi1>
      %get3A_755 = arith.constant 35 : index
      %get3A_756 = arith.constant 0 : index
      %get3A_757 = arith.constant 0 : index
      %get3A_758 = vector.load %arg10[%get3A_755, %get3A_756, %get3A_757] : memref<40x1x128xf32, #tpu.memory_space<vmem>>, vector<1x1x128xf32>
      %get3A_759 = vector.shape_cast %get3A_758 : vector<1x1x128xf32> to vector<1x128xf32>
      %jit3A_760 = arith.constant 0.000000e+00 : f32
      %broadcast_in_dim3A_761 = vector.broadcast %jit3A_760 : f32 to vector<1x128xf32>
      %select_n3A_762 = arith.select %slice3A_754, %broadcast_in_dim3A_761, %get3A_759 : vector<1x128xi1>, vector<1x128xf32>
      %swap3A_763 = arith.constant 35 : index
      %swap3A_764 = arith.constant 0 : index
      %swap3A_765 = arith.constant 0 : index
      %swap3A_766 = vector.load %arg10[%swap3A_763, %swap3A_764, %swap3A_765] : memref<40x1x128xf32, #tpu.memory_space<vmem>>, vector<1x1x128xf32>
      %swap3A_767 = vector.shape_cast %swap3A_766 : vector<1x1x128xf32> to vector<1x128xf32>
      %swap3A_768 = vector.shape_cast %select_n3A_762 : vector<1x128xf32> to vector<1x1x128xf32>
      tpu.vector_store %arg10[%swap3A_763, %swap3A_764, %swap3A_765], %swap3A_768 {strides = array<i32>} : memref<40x1x128xf32, #tpu.memory_space<vmem>>, vector<1x1x128xf32>,
      %slice3A_769 = vector.extract_strided_slice %and3A_378 {offsets = [0, 3328], sizes = [1, 128], strides = [1, 1]} : vector<1x3840xi1> to vector<1x128xi1>
      %get3A_770 = arith.constant 36 : index
      %get3A_771 = arith.constant 0 : index
      %get3A_772 = arith.constant 0 : index
      %get3A_773 = vector.load %arg10[%get3A_770, %get3A_771, %get3A_772] : memref<40x1x128xf32, #tpu.memory_space<vmem>>, vector<1x1x128xf32>
      %get3A_774 = vector.shape_cast %get3A_773 : vector<1x1x128xf32> to vector<1x128xf32>
      %jit3A_775 = arith.constant 0.000000e+00 : f32
      %broadcast_in_dim3A_776 = vector.broadcast %jit3A_775 : f32 to vector<1x128xf32>
      %select_n3A_777 = arith.select %slice3A_769, %broadcast_in_dim3A_776, %get3A_774 : vector<1x128xi1>, vector<1x128xf32>
      %swap3A_778 = arith.constant 36 : index
      %swap3A_779 = arith.constant 0 : index
      %swap3A_780 = arith.constant 0 : index
      %swap3A_781 = vector.load %arg10[%swap3A_778, %swap3A_779, %swap3A_780] : memref<40x1x128xf32, #tpu.memory_space<vmem>>, vector<1x1x128xf32>
      %swap3A_782 = vector.shape_cast %swap3A_781 : vector<1x1x128xf32> to vector<1x128xf32>
      %swap3A_783 = vector.shape_cast %select_n3A_777 : vector<1x128xf32> to vector<1x1x128xf32>
      tpu.vector_store %arg10[%swap3A_778, %swap3A_779, %swap3A_780], %swap3A_783 {strides = array<i32>} : memref<40x1x128xf32, #tpu.memory_space<vmem>>, vector<1x1x128xf32>,
      %slice3A_784 = vector.extract_strided_slice %and3A_378 {offsets = [0, 3456], sizes = [1, 128], strides = [1, 1]} : vector<1x3840xi1> to vector<1x128xi1>
      %get3A_785 = arith.constant 37 : index
      %get3A_786 = arith.constant 0 : index
      %get3A_787 = arith.constant 0 : index
      %get3A_788 = vector.load %arg10[%get3A_785, %get3A_786, %get3A_787] : memref<40x1x128xf32, #tpu.memory_space<vmem>>, vector<1x1x128xf32>
      %get3A_789 = vector.shape_cast %get3A_788 : vector<1x1x128xf32> to vector<1x128xf32>
      %jit3A_790 = arith.constant 0.000000e+00 : f32
      %broadcast_in_dim3A_791 = vector.broadcast %jit3A_790 : f32 to vector<1x128xf32>
      %select_n3A_792 = arith.select %slice3A_784, %broadcast_in_dim3A_791, %get3A_789 : vector<1x128xi1>, vector<1x128xf32>
      %swap3A_793 = arith.constant 37 : index
      %swap3A_794 = arith.constant 0 : index
      %swap3A_795 = arith.constant 0 : index
      %swap3A_796 = vector.load %arg10[%swap3A_793, %swap3A_794, %swap3A_795] : memref<40x1x128xf32, #tpu.memory_space<vmem>>, vector<1x1x128xf32>
      %swap3A_797 = vector.shape_cast %swap3A_796 : vector<1x1x128xf32> to vector<1x128xf32>
      %swap3A_798 = vector.shape_cast %select_n3A_792 : vector<1x128xf32> to vector<1x1x128xf32>
      tpu.vector_store %arg10[%swap3A_793, %swap3A_794, %swap3A_795], %swap3A_798 {strides = array<i32>} : memref<40x1x128xf32, #tpu.memory_space<vmem>>, vector<1x1x128xf32>,
      %slice3A_799 = vector.extract_strided_slice %and3A_378 {offsets = [0, 3584], sizes = [1, 128], strides = [1, 1]} : vector<1x3840xi1> to vector<1x128xi1>
      %get3A_800 = arith.constant 38 : index
      %get3A_801 = arith.constant 0 : index
      %get3A_802 = arith.constant 0 : index
      %get3A_803 = vector.load %arg10[%get3A_800, %get3A_801, %get3A_802] : memref<40x1x128xf32, #tpu.memory_space<vmem>>, vector<1x1x128xf32>
      %get3A_804 = vector.shape_cast %get3A_803 : vector<1x1x128xf32> to vector<1x128xf32>
      %jit3A_805 = arith.constant 0.000000e+00 : f32
      %broadcast_in_dim3A_806 = vector.broadcast %jit3A_805 : f32 to vector<1x128xf32>
      %select_n3A_807 = arith.select %slice3A_799, %broadcast_in_dim3A_806, %get3A_804 : vector<1x128xi1>, vector<1x128xf32>
      %swap3A_808 = arith.constant 38 : index
      %swap3A_809 = arith.constant 0 : index
      %swap3A_810 = arith.constant 0 : index
      %swap3A_811 = vector.load %arg10[%swap3A_808, %swap3A_809, %swap3A_810] : memref<40x1x128xf32, #tpu.memory_space<vmem>>, vector<1x1x128xf32>
      %swap3A_812 = vector.shape_cast %swap3A_811 : vector<1x1x128xf32> to vector<1x128xf32>
      %swap3A_813 = vector.shape_cast %select_n3A_807 : vector<1x128xf32> to vector<1x1x128xf32>
      tpu.vector_store %arg10[%swap3A_808, %swap3A_809, %swap3A_810], %swap3A_813 {strides = array<i32>} : memref<40x1x128xf32, #tpu.memory_space<vmem>>, vector<1x1x128xf32>,
      %slice3A_814 = vector.extract_strided_slice %and3A_378 {offsets = [0, 3712], sizes = [1, 128], strides = [1, 1]} : vector<1x3840xi1> to vector<1x128xi1>
      %get3A_815 = arith.constant 39 : index
      %get3A_816 = arith.constant 0 : index
      %get3A_817 = arith.constant 0 : index
      %get3A_818 = vector.load %arg10[%get3A_815, %get3A_816, %get3A_817] : memref<40x1x128xf32, #tpu.memory_space<vmem>>, vector<1x1x128xf32>
      %get3A_819 = vector.shape_cast %get3A_818 : vector<1x1x128xf32> to vector<1x128xf32>
      %jit3A_820 = arith.constant 0.000000e+00 : f32
      %broadcast_in_dim3A_821 = vector.broadcast %jit3A_820 : f32 to vector<1x128xf32>
      %select_n3A_822 = arith.select %slice3A_814, %broadcast_in_dim3A_821, %get3A_819 : vector<1x128xi1>, vector<1x128xf32>
      %swap3A_823 = arith.constant 39 : index
      %swap3A_824 = arith.constant 0 : index
      %swap3A_825 = arith.constant 0 : index
      %swap3A_826 = vector.load %arg10[%swap3A_823, %swap3A_824, %swap3A_825] : memref<40x1x128xf32, #tpu.memory_space<vmem>>, vector<1x1x128xf32>
      %swap3A_827 = vector.shape_cast %swap3A_826 : vector<1x1x128xf32> to vector<1x128xf32>
      %swap3A_828 = vector.shape_cast %select_n3A_822 : vector<1x128xf32> to vector<1x1x128xf32>
      tpu.vector_store %arg10[%swap3A_823, %swap3A_824, %swap3A_825], %swap3A_828 {strides = array<i32>} : memref<40x1x128xf32, #tpu.memory_space<vmem>>, vector<1x1x128xf32>,
    }
    %scan3A_76 = arith.constant 5 : i32
    %slice3A_77 = vector.extract_strided_slice %get3A_6 {offsets = [0, 1920], sizes = [1, 3200], strides = [1, 1]} : vector<1x5120xf32> to vector<1x3200xf32>
    %slice3A_78 = vector.extract_strided_slice %get3A_9 {offsets = [0, 1920], sizes = [1, 3200], strides = [1, 1]} : vector<1x5120xf32> to vector<1x3200xf32>
    %slice3A_79 = vector.extract_strided_slice %get3A_12 {offsets = [0, 1920], sizes = [1, 3200], strides = [1, 1]} : vector<1x5120xf32> to vector<1x3200xf32>
    %slice3A_80 = vector.extract_strided_slice %get3A_15 {offsets = [0, 1920], sizes = [1, 3200], strides = [1, 1]} : vector<1x5120xf32> to vector<1x3200xf32>
    %sub3A_81 = arith.subf %slice3A_79, %slice3A_77 : vector<1x3200xf32>
    %sub3A_82 = arith.subf %slice3A_80, %slice3A_78 : vector<1x3200xf32>
    %mul3A_83 = arith.mulf %sub3A_81, %sub3A_82 : vector<1x3200xf32>
    %add3A_84 = arith.constant 9.99999993E-9 : f32
    %add3A_85 = vector.broadcast %add3A_84 : f32 to vector<1x3200xf32>
    %add3A_86 = arith.addf %mul3A_83, %add3A_85 : vector<1x3200xf32>
    %mul3A_87 = arith.constant 0.411764711 : f32
    %mul3A_88 = vector.broadcast %mul3A_87 : f32 to vector<1x3200xf32>
    %mul3A_89 = arith.mulf %add3A_86, %mul3A_88 : vector<1x3200xf32>
    %iota3A_90 = tpu.iota {dimensions = array<i32: 1>} : vector<1x3200xi32>
    %add3A_91 = arith.constant 1920 : i32
    %add3A_92 = vector.broadcast %add3A_91 : i32 to vector<1x3200xi32>
    %add3A_93 = arith.addi %iota3A_90, %add3A_92 : vector<1x3200xi32>
    %scan3A_94 = arith.constant 15 : i32
    %scan3A_95 = arith.constant 5 : i32
    %scan3A_96 = arith.addi %scan3A_94, %scan3A_95 : i32
    %scan3A_97 = arith.constant 1 : i32
    scf.for %scan3A_259 = %scan3A_94 to %scan3A_96 step %scan3A_97  : i32 {
      %mul3A_260 = arith.constant 128 : i32
      %mul3A_261 = arith.muli %scan3A_259, %mul3A_260 : i32
      %get3A_262 = arith.index_cast %mul3A_261 : i32 to index
      %get3A_263 = arith.constant 0 : index
      %get3A_264 = vector.load %arg0[%get3A_262, %get3A_263] : memref<5120x4xf32, #tpu.memory_space<vmem>>, vector<128x4xf32>
      %slice3A_265 = vector.extract_strided_slice %get3A_264 {offsets = [0, 0], sizes = [128, 1], strides = [1, 1]} : vector<128x4xf32> to vector<128x1xf32>
      %slice3A_266 = vector.extract_strided_slice %get3A_264 {offsets = [0, 1], sizes = [128, 1], strides = [1, 1]} : vector<128x4xf32> to vector<128x1xf32>
      %slice3A_267 = vector.extract_strided_slice %get3A_264 {offsets = [0, 2], sizes = [128, 1], strides = [1, 1]} : vector<128x4xf32> to vector<128x1xf32>
      %slice3A_268 = vector.extract_strided_slice %get3A_264 {offsets = [0, 3], sizes = [128, 1], strides = [1, 1]} : vector<128x4xf32> to vector<128x1xf32>
      %sub3A_269 = arith.subf %slice3A_267, %slice3A_265 : vector<128x1xf32>
      %sub3A_270 = arith.subf %slice3A_268, %slice3A_266 : vector<128x1xf32>
      %mul3A_271 = arith.mulf %sub3A_269, %sub3A_270 : vector<128x1xf32>
      %mul3A_272 = arith.constant 0.411764711 : f32
      %mul3A_273 = vector.broadcast %mul3A_272 : f32 to vector<128x1xf32>
      %mul3A_274 = arith.mulf %mul3A_271, %mul3A_273 : vector<128x1xf32>
      %get3A_275 = arith.index_cast %scan3A_259 : i32 to index
      %get3A_276 = arith.constant 0 : index
      %get3A_277 = arith.constant 0 : index
      %get3A_278 = vector.load %arg1[%get3A_275, %get3A_276, %get3A_277] : memref<40x1x128xf32, #tpu.memory_space<vmem>>, vector<1x1x128xf32>
      %get3A_279 = vector.shape_cast %get3A_278 : vector<1x1x128xf32> to vector<1x128xf32>
      %get3A_280 = arith.index_cast %scan3A_259 : i32 to index
      %get3A_281 = arith.constant 0 : index
      %get3A_282 = arith.constant 0 : index
      %get3A_283 = vector.load %arg2[%get3A_280, %get3A_281, %get3A_282] : memref<40x1x128xf32, #tpu.memory_space<vmem>>, vector<1x1x128xf32>
      %get3A_284 = vector.shape_cast %get3A_283 : vector<1x1x128xf32> to vector<1x128xf32>
      %get3A_285 = arith.index_cast %scan3A_259 : i32 to index
      %get3A_286 = arith.constant 0 : index
      %get3A_287 = arith.constant 0 : index
      %get3A_288 = vector.load %arg3[%get3A_285, %get3A_286, %get3A_287] : memref<40x1x128xf32, #tpu.memory_space<vmem>>, vector<1x1x128xf32>
      %get3A_289 = vector.shape_cast %get3A_288 : vector<1x1x128xf32> to vector<1x128xf32>
      %get3A_290 = arith.index_cast %scan3A_259 : i32 to index
      %get3A_291 = arith.constant 0 : index
      %get3A_292 = arith.constant 0 : index
      %get3A_293 = vector.load %arg4[%get3A_290, %get3A_291, %get3A_292] : memref<40x1x128xf32, #tpu.memory_space<vmem>>, vector<1x1x128xf32>
      %get3A_294 = vector.shape_cast %get3A_293 : vector<1x1x128xf32> to vector<1x128xf32>
      %sub3A_295 = arith.subf %get3A_289, %get3A_279 : vector<1x128xf32>
      %sub3A_296 = arith.subf %get3A_294, %get3A_284 : vector<1x128xf32>
      %mul3A_297 = arith.mulf %sub3A_295, %sub3A_296 : vector<1x128xf32>
      %add3A_298 = arith.constant 9.99999993E-9 : f32
      %add3A_299 = vector.broadcast %add3A_298 : f32 to vector<1x128xf32>
      %add3A_300 = arith.addf %mul3A_297, %add3A_299 : vector<1x128xf32>
      %mul3A_301 = arith.constant 0.411764711 : f32
      %mul3A_302 = vector.broadcast %mul3A_301 : f32 to vector<1x128xf32>
      %mul3A_303 = arith.mulf %add3A_300, %mul3A_302 : vector<1x128xf32>
      %max3A = vector.broadcast %slice3A_265 : vector<128x1xf32> to vector<128x128xf32>
      %max3A_304 = vector.broadcast %get3A_279 : vector<1x128xf32> to vector<128x128xf32>
      %max3A_305 = arith.maximumf %max3A, %max3A_304 : vector<128x128xf32>
      %max3A_306 = vector.broadcast %slice3A_266 : vector<128x1xf32> to vector<128x128xf32>
      %max3A_307 = vector.broadcast %get3A_284 : vector<1x128xf32> to vector<128x128xf32>
      %max3A_308 = arith.maximumf %max3A_306, %max3A_307 : vector<128x128xf32>
      %min3A = vector.broadcast %slice3A_267 : vector<128x1xf32> to vector<128x128xf32>
      %min3A_309 = vector.broadcast %get3A_289 : vector<1x128xf32> to vector<128x128xf32>
      %min3A_310 = arith.minimumf %min3A, %min3A_309 : vector<128x128xf32>
      %min3A_311 = vector.broadcast %slice3A_268 : vector<128x1xf32> to vector<128x128xf32>
      %min3A_312 = vector.broadcast %get3A_294 : vector<1x128xf32> to vector<128x128xf32>
      %min3A_313 = arith.minimumf %min3A_311, %min3A_312 : vector<128x128xf32>
      %sub3A_314 = arith.subf %min3A_310, %max3A_305 : vector<128x128xf32>
      %max3A_315 = arith.constant 0.000000e+00 : f32
      %max3A_316 = vector.broadcast %max3A_315 : f32 to vector<128x128xf32>
      %max3A_317 = arith.maximumf %sub3A_314, %max3A_316 : vector<128x128xf32>
      %sub3A_318 = arith.subf %min3A_313, %max3A_308 : vector<128x128xf32>
      %max3A_319 = arith.constant 0.000000e+00 : f32
      %max3A_320 = vector.broadcast %max3A_319 : f32 to vector<128x128xf32>
      %max3A_321 = arith.maximumf %sub3A_318, %max3A_320 : vector<128x128xf32>
      %mul3A_322 = arith.mulf %max3A_317, %max3A_321 : vector<128x128xf32>
      %add3A_323 = vector.broadcast %mul3A_274 : vector<128x1xf32> to vector<128x128xf32>
      %add3A_324 = vector.broadcast %mul3A_303 : vector<1x128xf32> to vector<128x128xf32>
      %add3A_325 = arith.addf %add3A_323, %add3A_324 : vector<128x128xf32>
      %gt3A_326 = arith.cmpf ogt, %mul3A_322, %add3A_325 : vector<128x128xf32>
      %and3A = arith.andi %gt3A_326, %gt3A : vector<128x128xi1>
      %convert_element_type3A_327 = arith.extui %and3A : vector<128x128xi1> to vector<128x128xi32>
      %convert_element_type3A_328 = arith.sitofp %convert_element_type3A_327 : vector<128x128xi32> to vector<128x128xf32>
      %get3A_329 = arith.index_cast %scan3A_259 : i32 to index
      %get3A_330 = arith.constant 0 : index
      %get3A_331 = arith.constant 0 : index
      %get3A_332 = vector.load %arg10[%get3A_329, %get3A_330, %get3A_331] : memref<40x1x128xf32, #tpu.memory_space<vmem>>, vector<1x1x128xf32>
      %get3A_333 = vector.shape_cast %get3A_332 : vector<1x1x128xf32> to vector<1x128xf32>
      %while3A = arith.constant true
      %while3A_334:2 = scf.while (%while3A_754 = %get3A_333, %while3A_755 = %while3A) : (vector<1x128xf32>, i1) -> (vector<1x128xf32>, i1) {
        scf.condition(%while3A_755) %while3A_754, %while3A_755 : vector<1x128xf32>, i1
      } do {
      ^bb0(%while3A_754: vector<1x128xf32>, %while3A_755: i1):
        %dot_general3A_756 = arith.constant dense<0.000000e+00> : vector<1x128xf32>
        %dot_general3A_757 = tpu.matmul %while3A_754, %convert_element_type3A_328, %dot_general3A_756 {dimension_numbers = #tpu.dot_dimension_numbers<[1], [0], [0], [1], [0, 0, 1, 1], [], []>, transpose_lhs_hint = false} : vector<1x128xf32>, vector<128x128xf32>, vector<1x128xf32> -> vector<1x128xf32>
        %gt3A_758 = arith.constant 0.000000e+00 : f32
        %gt3A_759 = vector.broadcast %gt3A_758 : f32 to vector<1x128xf32>
        %gt3A_760 = arith.cmpf ogt, %dot_general3A_757, %gt3A_759 : vector<1x128xf32>
        %jit3A_761 = arith.constant 0.000000e+00 : f32
        %broadcast_in_dim3A_762 = vector.broadcast %jit3A_761 : f32 to vector<1x128xf32>
        %select_n3A_763 = arith.select %gt3A_760, %broadcast_in_dim3A_762, %get3A_333 : vector<1x128xi1>, vector<1x128xf32>
        %ne3A = arith.cmpf one, %select_n3A_763, %while3A_754 : vector<1x128xf32>
        %reduce_or3A = arith.constant 1.000000e+00 : f32
        %reduce_or3A_764 = arith.constant 0.000000e+00 : f32
        %reduce_or3A_765 = vector.broadcast %reduce_or3A : f32 to vector<1x128xf32>
        %reduce_or3A_766 = vector.broadcast %reduce_or3A_764 : f32 to vector<1x128xf32>
        %reduce_or3A_767 = arith.select %ne3A, %reduce_or3A_765, %reduce_or3A_766 : vector<1x128xi1>, vector<1x128xf32>
        %reduce_or3A_768 = vector.shape_cast %reduce_or3A_767 : vector<1x128xf32> to vector<1x1x128xf32>
        %reduce_or3A_769 = arith.constant dense<0xFF800000> : vector<1xf32>
        %reduce_or3A_770 = vector.multi_reduction <maximumf>, %reduce_or3A_768, %reduce_or3A_769 [1, 2] : vector<1x1x128xf32> to vector<1xf32>
        %reduce_or3A_771 = vector.shape_cast %reduce_or3A_770 : vector<1xf32> to vector<1x1x1xf32>
        %reduce_or3A_772 = vector.extract %reduce_or3A_771[0, 0, 0] : f32 from vector<1x1x1xf32>
        %reduce_or3A_773 = arith.constant 0.000000e+00 : f32
        %reduce_or3A_774 = arith.cmpf ogt, %reduce_or3A_772, %reduce_or3A_773 : f32
        scf.yield %select_n3A_763, %reduce_or3A_774 : vector<1x128xf32>, i1
      }
      %swap3A_335 = arith.index_cast %scan3A_259 : i32 to index
      %swap3A_336 = arith.constant 0 : index
      %swap3A_337 = arith.constant 0 : index
      %swap3A_338 = vector.load %arg10[%swap3A_335, %swap3A_336, %swap3A_337] : memref<40x1x128xf32, #tpu.memory_space<vmem>>, vector<1x1x128xf32>
      %swap3A_339 = vector.shape_cast %swap3A_338 : vector<1x1x128xf32> to vector<1x128xf32>
      %swap3A_340 = vector.shape_cast %while3A_334#0 : vector<1x128xf32> to vector<1x1x128xf32>
      tpu.vector_store %arg10[%swap3A_335, %swap3A_336, %swap3A_337], %swap3A_340 {strides = array<i32>} : memref<40x1x128xf32, #tpu.memory_space<vmem>>, vector<1x1x128xf32>,
      %max3A_341 = vector.broadcast %slice3A_265 : vector<128x1xf32> to vector<128x3200xf32>
      %max3A_342 = vector.broadcast %slice3A_77 : vector<1x3200xf32> to vector<128x3200xf32>
      %max3A_343 = arith.maximumf %max3A_341, %max3A_342 : vector<128x3200xf32>
      %max3A_344 = vector.broadcast %slice3A_266 : vector<128x1xf32> to vector<128x3200xf32>
      %max3A_345 = vector.broadcast %slice3A_78 : vector<1x3200xf32> to vector<128x3200xf32>
      %max3A_346 = arith.maximumf %max3A_344, %max3A_345 : vector<128x3200xf32>
      %min3A_347 = vector.broadcast %slice3A_267 : vector<128x1xf32> to vector<128x3200xf32>
      %min3A_348 = vector.broadcast %slice3A_79 : vector<1x3200xf32> to vector<128x3200xf32>
      %min3A_349 = arith.minimumf %min3A_347, %min3A_348 : vector<128x3200xf32>
      %min3A_350 = vector.broadcast %slice3A_268 : vector<128x1xf32> to vector<128x3200xf32>
      %min3A_351 = vector.broadcast %slice3A_80 : vector<1x3200xf32> to vector<128x3200xf32>
      %min3A_352 = arith.minimumf %min3A_350, %min3A_351 : vector<128x3200xf32>
      %sub3A_353 = arith.subf %min3A_349, %max3A_343 : vector<128x3200xf32>
      %max3A_354 = arith.constant 0.000000e+00 : f32
      %max3A_355 = vector.broadcast %max3A_354 : f32 to vector<128x3200xf32>
      %max3A_356 = arith.maximumf %sub3A_353, %max3A_355 : vector<128x3200xf32>
      %sub3A_357 = arith.subf %min3A_352, %max3A_346 : vector<128x3200xf32>
      %max3A_358 = arith.constant 0.000000e+00 : f32
      %max3A_359 = vector.broadcast %max3A_358 : f32 to vector<128x3200xf32>
      %max3A_360 = arith.maximumf %sub3A_357, %max3A_359 : vector<128x3200xf32>
      %mul3A_361 = arith.mulf %max3A_356, %max3A_360 : vector<128x3200xf32>
      %add3A_362 = vector.broadcast %mul3A_274 : vector<128x1xf32> to vector<128x3200xf32>
      %add3A_363 = vector.broadcast %mul3A_89 : vector<1x3200xf32> to vector<128x3200xf32>
      %add3A_364 = arith.addf %add3A_362, %add3A_363 : vector<128x3200xf32>
      %gt3A_365 = arith.cmpf ogt, %mul3A_361, %add3A_364 : vector<128x3200xf32>
      %convert_element_type3A_366 = arith.extui %gt3A_365 : vector<128x3200xi1> to vector<128x3200xi32>
      %convert_element_type3A_367 = arith.sitofp %convert_element_type3A_366 : vector<128x3200xi32> to vector<128x3200xf32>
      %dot_general3A_368 = arith.constant dense<0.000000e+00> : vector<1x3200xf32>
      %dot_general3A_369 = tpu.matmul %while3A_334#0, %convert_element_type3A_367, %dot_general3A_368 {dimension_numbers = #tpu.dot_dimension_numbers<[1], [0], [0], [1], [0, 0, 1, 1], [], []>, transpose_lhs_hint = false} : vector<1x128xf32>, vector<128x3200xf32>, vector<1x3200xf32> -> vector<1x3200xf32>
      %gt3A_370 = arith.constant 0.000000e+00 : f32
      %gt3A_371 = vector.broadcast %gt3A_370 : f32 to vector<1x3200xf32>
      %gt3A_372 = arith.cmpf ogt, %dot_general3A_369, %gt3A_371 : vector<1x3200xf32>
      %add3A_373 = arith.constant 1 : i32
      %add3A_374 = arith.addi %scan3A_259, %add3A_373 : i32
      %mul3A_375 = arith.constant 128 : i32
      %mul3A_376 = arith.muli %add3A_374, %mul3A_375 : i32
      %ge3A = vector.broadcast %mul3A_376 : i32 to vector<1x3200xi32>
      %ge3A_377 = arith.cmpi sge, %add3A_93, %ge3A : vector<1x3200xi32>
      %and3A_378 = arith.andi %gt3A_372, %ge3A_377 : vector<1x3200xi1>
      %slice3A_379 = vector.extract_strided_slice %and3A_378 {offsets = [0, 0], sizes = [1, 128], strides = [1, 1]} : vector<1x3200xi1> to vector<1x128xi1>
      %get3A_380 = arith.constant 15 : index
      %get3A_381 = arith.constant 0 : index
      %get3A_382 = arith.constant 0 : index
      %get3A_383 = vector.load %arg10[%get3A_380, %get3A_381, %get3A_382] : memref<40x1x128xf32, #tpu.memory_space<vmem>>, vector<1x1x128xf32>
      %get3A_384 = vector.shape_cast %get3A_383 : vector<1x1x128xf32> to vector<1x128xf32>
      %jit3A_385 = arith.constant 0.000000e+00 : f32
      %broadcast_in_dim3A_386 = vector.broadcast %jit3A_385 : f32 to vector<1x128xf32>
      %select_n3A_387 = arith.select %slice3A_379, %broadcast_in_dim3A_386, %get3A_384 : vector<1x128xi1>, vector<1x128xf32>
      %swap3A_388 = arith.constant 15 : index
      %swap3A_389 = arith.constant 0 : index
      %swap3A_390 = arith.constant 0 : index
      %swap3A_391 = vector.load %arg10[%swap3A_388, %swap3A_389, %swap3A_390] : memref<40x1x128xf32, #tpu.memory_space<vmem>>, vector<1x1x128xf32>
      %swap3A_392 = vector.shape_cast %swap3A_391 : vector<1x1x128xf32> to vector<1x128xf32>
      %swap3A_393 = vector.shape_cast %select_n3A_387 : vector<1x128xf32> to vector<1x1x128xf32>
      tpu.vector_store %arg10[%swap3A_388, %swap3A_389, %swap3A_390], %swap3A_393 {strides = array<i32>} : memref<40x1x128xf32, #tpu.memory_space<vmem>>, vector<1x1x128xf32>,
      %slice3A_394 = vector.extract_strided_slice %and3A_378 {offsets = [0, 128], sizes = [1, 128], strides = [1, 1]} : vector<1x3200xi1> to vector<1x128xi1>
      %get3A_395 = arith.constant 16 : index
      %get3A_396 = arith.constant 0 : index
      %get3A_397 = arith.constant 0 : index
      %get3A_398 = vector.load %arg10[%get3A_395, %get3A_396, %get3A_397] : memref<40x1x128xf32, #tpu.memory_space<vmem>>, vector<1x1x128xf32>
      %get3A_399 = vector.shape_cast %get3A_398 : vector<1x1x128xf32> to vector<1x128xf32>
      %jit3A_400 = arith.constant 0.000000e+00 : f32
      %broadcast_in_dim3A_401 = vector.broadcast %jit3A_400 : f32 to vector<1x128xf32>
      %select_n3A_402 = arith.select %slice3A_394, %broadcast_in_dim3A_401, %get3A_399 : vector<1x128xi1>, vector<1x128xf32>
      %swap3A_403 = arith.constant 16 : index
      %swap3A_404 = arith.constant 0 : index
      %swap3A_405 = arith.constant 0 : index
      %swap3A_406 = vector.load %arg10[%swap3A_403, %swap3A_404, %swap3A_405] : memref<40x1x128xf32, #tpu.memory_space<vmem>>, vector<1x1x128xf32>
      %swap3A_407 = vector.shape_cast %swap3A_406 : vector<1x1x128xf32> to vector<1x128xf32>
      %swap3A_408 = vector.shape_cast %select_n3A_402 : vector<1x128xf32> to vector<1x1x128xf32>
      tpu.vector_store %arg10[%swap3A_403, %swap3A_404, %swap3A_405], %swap3A_408 {strides = array<i32>} : memref<40x1x128xf32, #tpu.memory_space<vmem>>, vector<1x1x128xf32>,
      %slice3A_409 = vector.extract_strided_slice %and3A_378 {offsets = [0, 256], sizes = [1, 128], strides = [1, 1]} : vector<1x3200xi1> to vector<1x128xi1>
      %get3A_410 = arith.constant 17 : index
      %get3A_411 = arith.constant 0 : index
      %get3A_412 = arith.constant 0 : index
      %get3A_413 = vector.load %arg10[%get3A_410, %get3A_411, %get3A_412] : memref<40x1x128xf32, #tpu.memory_space<vmem>>, vector<1x1x128xf32>
      %get3A_414 = vector.shape_cast %get3A_413 : vector<1x1x128xf32> to vector<1x128xf32>
      %jit3A_415 = arith.constant 0.000000e+00 : f32
      %broadcast_in_dim3A_416 = vector.broadcast %jit3A_415 : f32 to vector<1x128xf32>
      %select_n3A_417 = arith.select %slice3A_409, %broadcast_in_dim3A_416, %get3A_414 : vector<1x128xi1>, vector<1x128xf32>
      %swap3A_418 = arith.constant 17 : index
      %swap3A_419 = arith.constant 0 : index
      %swap3A_420 = arith.constant 0 : index
      %swap3A_421 = vector.load %arg10[%swap3A_418, %swap3A_419, %swap3A_420] : memref<40x1x128xf32, #tpu.memory_space<vmem>>, vector<1x1x128xf32>
      %swap3A_422 = vector.shape_cast %swap3A_421 : vector<1x1x128xf32> to vector<1x128xf32>
      %swap3A_423 = vector.shape_cast %select_n3A_417 : vector<1x128xf32> to vector<1x1x128xf32>
      tpu.vector_store %arg10[%swap3A_418, %swap3A_419, %swap3A_420], %swap3A_423 {strides = array<i32>} : memref<40x1x128xf32, #tpu.memory_space<vmem>>, vector<1x1x128xf32>,
      %slice3A_424 = vector.extract_strided_slice %and3A_378 {offsets = [0, 384], sizes = [1, 128], strides = [1, 1]} : vector<1x3200xi1> to vector<1x128xi1>
      %get3A_425 = arith.constant 18 : index
      %get3A_426 = arith.constant 0 : index
      %get3A_427 = arith.constant 0 : index
      %get3A_428 = vector.load %arg10[%get3A_425, %get3A_426, %get3A_427] : memref<40x1x128xf32, #tpu.memory_space<vmem>>, vector<1x1x128xf32>
      %get3A_429 = vector.shape_cast %get3A_428 : vector<1x1x128xf32> to vector<1x128xf32>
      %jit3A_430 = arith.constant 0.000000e+00 : f32
      %broadcast_in_dim3A_431 = vector.broadcast %jit3A_430 : f32 to vector<1x128xf32>
      %select_n3A_432 = arith.select %slice3A_424, %broadcast_in_dim3A_431, %get3A_429 : vector<1x128xi1>, vector<1x128xf32>
      %swap3A_433 = arith.constant 18 : index
      %swap3A_434 = arith.constant 0 : index
      %swap3A_435 = arith.constant 0 : index
      %swap3A_436 = vector.load %arg10[%swap3A_433, %swap3A_434, %swap3A_435] : memref<40x1x128xf32, #tpu.memory_space<vmem>>, vector<1x1x128xf32>
      %swap3A_437 = vector.shape_cast %swap3A_436 : vector<1x1x128xf32> to vector<1x128xf32>
      %swap3A_438 = vector.shape_cast %select_n3A_432 : vector<1x128xf32> to vector<1x1x128xf32>
      tpu.vector_store %arg10[%swap3A_433, %swap3A_434, %swap3A_435], %swap3A_438 {strides = array<i32>} : memref<40x1x128xf32, #tpu.memory_space<vmem>>, vector<1x1x128xf32>,
      %slice3A_439 = vector.extract_strided_slice %and3A_378 {offsets = [0, 512], sizes = [1, 128], strides = [1, 1]} : vector<1x3200xi1> to vector<1x128xi1>
      %get3A_440 = arith.constant 19 : index
      %get3A_441 = arith.constant 0 : index
      %get3A_442 = arith.constant 0 : index
      %get3A_443 = vector.load %arg10[%get3A_440, %get3A_441, %get3A_442] : memref<40x1x128xf32, #tpu.memory_space<vmem>>, vector<1x1x128xf32>
      %get3A_444 = vector.shape_cast %get3A_443 : vector<1x1x128xf32> to vector<1x128xf32>
      %jit3A_445 = arith.constant 0.000000e+00 : f32
      %broadcast_in_dim3A_446 = vector.broadcast %jit3A_445 : f32 to vector<1x128xf32>
      %select_n3A_447 = arith.select %slice3A_439, %broadcast_in_dim3A_446, %get3A_444 : vector<1x128xi1>, vector<1x128xf32>
      %swap3A_448 = arith.constant 19 : index
      %swap3A_449 = arith.constant 0 : index
      %swap3A_450 = arith.constant 0 : index
      %swap3A_451 = vector.load %arg10[%swap3A_448, %swap3A_449, %swap3A_450] : memref<40x1x128xf32, #tpu.memory_space<vmem>>, vector<1x1x128xf32>
      %swap3A_452 = vector.shape_cast %swap3A_451 : vector<1x1x128xf32> to vector<1x128xf32>
      %swap3A_453 = vector.shape_cast %select_n3A_447 : vector<1x128xf32> to vector<1x1x128xf32>
      tpu.vector_store %arg10[%swap3A_448, %swap3A_449, %swap3A_450], %swap3A_453 {strides = array<i32>} : memref<40x1x128xf32, #tpu.memory_space<vmem>>, vector<1x1x128xf32>,
      %slice3A_454 = vector.extract_strided_slice %and3A_378 {offsets = [0, 640], sizes = [1, 128], strides = [1, 1]} : vector<1x3200xi1> to vector<1x128xi1>
      %get3A_455 = arith.constant 20 : index
      %get3A_456 = arith.constant 0 : index
      %get3A_457 = arith.constant 0 : index
      %get3A_458 = vector.load %arg10[%get3A_455, %get3A_456, %get3A_457] : memref<40x1x128xf32, #tpu.memory_space<vmem>>, vector<1x1x128xf32>
      %get3A_459 = vector.shape_cast %get3A_458 : vector<1x1x128xf32> to vector<1x128xf32>
      %jit3A_460 = arith.constant 0.000000e+00 : f32
      %broadcast_in_dim3A_461 = vector.broadcast %jit3A_460 : f32 to vector<1x128xf32>
      %select_n3A_462 = arith.select %slice3A_454, %broadcast_in_dim3A_461, %get3A_459 : vector<1x128xi1>, vector<1x128xf32>
      %swap3A_463 = arith.constant 20 : index
      %swap3A_464 = arith.constant 0 : index
      %swap3A_465 = arith.constant 0 : index
      %swap3A_466 = vector.load %arg10[%swap3A_463, %swap3A_464, %swap3A_465] : memref<40x1x128xf32, #tpu.memory_space<vmem>>, vector<1x1x128xf32>
      %swap3A_467 = vector.shape_cast %swap3A_466 : vector<1x1x128xf32> to vector<1x128xf32>
      %swap3A_468 = vector.shape_cast %select_n3A_462 : vector<1x128xf32> to vector<1x1x128xf32>
      tpu.vector_store %arg10[%swap3A_463, %swap3A_464, %swap3A_465], %swap3A_468 {strides = array<i32>} : memref<40x1x128xf32, #tpu.memory_space<vmem>>, vector<1x1x128xf32>,
      %slice3A_469 = vector.extract_strided_slice %and3A_378 {offsets = [0, 768], sizes = [1, 128], strides = [1, 1]} : vector<1x3200xi1> to vector<1x128xi1>
      %get3A_470 = arith.constant 21 : index
      %get3A_471 = arith.constant 0 : index
      %get3A_472 = arith.constant 0 : index
      %get3A_473 = vector.load %arg10[%get3A_470, %get3A_471, %get3A_472] : memref<40x1x128xf32, #tpu.memory_space<vmem>>, vector<1x1x128xf32>
      %get3A_474 = vector.shape_cast %get3A_473 : vector<1x1x128xf32> to vector<1x128xf32>
      %jit3A_475 = arith.constant 0.000000e+00 : f32
      %broadcast_in_dim3A_476 = vector.broadcast %jit3A_475 : f32 to vector<1x128xf32>
      %select_n3A_477 = arith.select %slice3A_469, %broadcast_in_dim3A_476, %get3A_474 : vector<1x128xi1>, vector<1x128xf32>
      %swap3A_478 = arith.constant 21 : index
      %swap3A_479 = arith.constant 0 : index
      %swap3A_480 = arith.constant 0 : index
      %swap3A_481 = vector.load %arg10[%swap3A_478, %swap3A_479, %swap3A_480] : memref<40x1x128xf32, #tpu.memory_space<vmem>>, vector<1x1x128xf32>
      %swap3A_482 = vector.shape_cast %swap3A_481 : vector<1x1x128xf32> to vector<1x128xf32>
      %swap3A_483 = vector.shape_cast %select_n3A_477 : vector<1x128xf32> to vector<1x1x128xf32>
      tpu.vector_store %arg10[%swap3A_478, %swap3A_479, %swap3A_480], %swap3A_483 {strides = array<i32>} : memref<40x1x128xf32, #tpu.memory_space<vmem>>, vector<1x1x128xf32>,
      %slice3A_484 = vector.extract_strided_slice %and3A_378 {offsets = [0, 896], sizes = [1, 128], strides = [1, 1]} : vector<1x3200xi1> to vector<1x128xi1>
      %get3A_485 = arith.constant 22 : index
      %get3A_486 = arith.constant 0 : index
      %get3A_487 = arith.constant 0 : index
      %get3A_488 = vector.load %arg10[%get3A_485, %get3A_486, %get3A_487] : memref<40x1x128xf32, #tpu.memory_space<vmem>>, vector<1x1x128xf32>
      %get3A_489 = vector.shape_cast %get3A_488 : vector<1x1x128xf32> to vector<1x128xf32>
      %jit3A_490 = arith.constant 0.000000e+00 : f32
      %broadcast_in_dim3A_491 = vector.broadcast %jit3A_490 : f32 to vector<1x128xf32>
      %select_n3A_492 = arith.select %slice3A_484, %broadcast_in_dim3A_491, %get3A_489 : vector<1x128xi1>, vector<1x128xf32>
      %swap3A_493 = arith.constant 22 : index
      %swap3A_494 = arith.constant 0 : index
      %swap3A_495 = arith.constant 0 : index
      %swap3A_496 = vector.load %arg10[%swap3A_493, %swap3A_494, %swap3A_495] : memref<40x1x128xf32, #tpu.memory_space<vmem>>, vector<1x1x128xf32>
      %swap3A_497 = vector.shape_cast %swap3A_496 : vector<1x1x128xf32> to vector<1x128xf32>
      %swap3A_498 = vector.shape_cast %select_n3A_492 : vector<1x128xf32> to vector<1x1x128xf32>
      tpu.vector_store %arg10[%swap3A_493, %swap3A_494, %swap3A_495], %swap3A_498 {strides = array<i32>} : memref<40x1x128xf32, #tpu.memory_space<vmem>>, vector<1x1x128xf32>,
      %slice3A_499 = vector.extract_strided_slice %and3A_378 {offsets = [0, 1024], sizes = [1, 128], strides = [1, 1]} : vector<1x3200xi1> to vector<1x128xi1>
      %get3A_500 = arith.constant 23 : index
      %get3A_501 = arith.constant 0 : index
      %get3A_502 = arith.constant 0 : index
      %get3A_503 = vector.load %arg10[%get3A_500, %get3A_501, %get3A_502] : memref<40x1x128xf32, #tpu.memory_space<vmem>>, vector<1x1x128xf32>
      %get3A_504 = vector.shape_cast %get3A_503 : vector<1x1x128xf32> to vector<1x128xf32>
      %jit3A_505 = arith.constant 0.000000e+00 : f32
      %broadcast_in_dim3A_506 = vector.broadcast %jit3A_505 : f32 to vector<1x128xf32>
      %select_n3A_507 = arith.select %slice3A_499, %broadcast_in_dim3A_506, %get3A_504 : vector<1x128xi1>, vector<1x128xf32>
      %swap3A_508 = arith.constant 23 : index
      %swap3A_509 = arith.constant 0 : index
      %swap3A_510 = arith.constant 0 : index
      %swap3A_511 = vector.load %arg10[%swap3A_508, %swap3A_509, %swap3A_510] : memref<40x1x128xf32, #tpu.memory_space<vmem>>, vector<1x1x128xf32>
      %swap3A_512 = vector.shape_cast %swap3A_511 : vector<1x1x128xf32> to vector<1x128xf32>
      %swap3A_513 = vector.shape_cast %select_n3A_507 : vector<1x128xf32> to vector<1x1x128xf32>
      tpu.vector_store %arg10[%swap3A_508, %swap3A_509, %swap3A_510], %swap3A_513 {strides = array<i32>} : memref<40x1x128xf32, #tpu.memory_space<vmem>>, vector<1x1x128xf32>,
      %slice3A_514 = vector.extract_strided_slice %and3A_378 {offsets = [0, 1152], sizes = [1, 128], strides = [1, 1]} : vector<1x3200xi1> to vector<1x128xi1>
      %get3A_515 = arith.constant 24 : index
      %get3A_516 = arith.constant 0 : index
      %get3A_517 = arith.constant 0 : index
      %get3A_518 = vector.load %arg10[%get3A_515, %get3A_516, %get3A_517] : memref<40x1x128xf32, #tpu.memory_space<vmem>>, vector<1x1x128xf32>
      %get3A_519 = vector.shape_cast %get3A_518 : vector<1x1x128xf32> to vector<1x128xf32>
      %jit3A_520 = arith.constant 0.000000e+00 : f32
      %broadcast_in_dim3A_521 = vector.broadcast %jit3A_520 : f32 to vector<1x128xf32>
      %select_n3A_522 = arith.select %slice3A_514, %broadcast_in_dim3A_521, %get3A_519 : vector<1x128xi1>, vector<1x128xf32>
      %swap3A_523 = arith.constant 24 : index
      %swap3A_524 = arith.constant 0 : index
      %swap3A_525 = arith.constant 0 : index
      %swap3A_526 = vector.load %arg10[%swap3A_523, %swap3A_524, %swap3A_525] : memref<40x1x128xf32, #tpu.memory_space<vmem>>, vector<1x1x128xf32>
      %swap3A_527 = vector.shape_cast %swap3A_526 : vector<1x1x128xf32> to vector<1x128xf32>
      %swap3A_528 = vector.shape_cast %select_n3A_522 : vector<1x128xf32> to vector<1x1x128xf32>
      tpu.vector_store %arg10[%swap3A_523, %swap3A_524, %swap3A_525], %swap3A_528 {strides = array<i32>} : memref<40x1x128xf32, #tpu.memory_space<vmem>>, vector<1x1x128xf32>,
      %slice3A_529 = vector.extract_strided_slice %and3A_378 {offsets = [0, 1280], sizes = [1, 128], strides = [1, 1]} : vector<1x3200xi1> to vector<1x128xi1>
      %get3A_530 = arith.constant 25 : index
      %get3A_531 = arith.constant 0 : index
      %get3A_532 = arith.constant 0 : index
      %get3A_533 = vector.load %arg10[%get3A_530, %get3A_531, %get3A_532] : memref<40x1x128xf32, #tpu.memory_space<vmem>>, vector<1x1x128xf32>
      %get3A_534 = vector.shape_cast %get3A_533 : vector<1x1x128xf32> to vector<1x128xf32>
      %jit3A_535 = arith.constant 0.000000e+00 : f32
      %broadcast_in_dim3A_536 = vector.broadcast %jit3A_535 : f32 to vector<1x128xf32>
      %select_n3A_537 = arith.select %slice3A_529, %broadcast_in_dim3A_536, %get3A_534 : vector<1x128xi1>, vector<1x128xf32>
      %swap3A_538 = arith.constant 25 : index
      %swap3A_539 = arith.constant 0 : index
      %swap3A_540 = arith.constant 0 : index
      %swap3A_541 = vector.load %arg10[%swap3A_538, %swap3A_539, %swap3A_540] : memref<40x1x128xf32, #tpu.memory_space<vmem>>, vector<1x1x128xf32>
      %swap3A_542 = vector.shape_cast %swap3A_541 : vector<1x1x128xf32> to vector<1x128xf32>
      %swap3A_543 = vector.shape_cast %select_n3A_537 : vector<1x128xf32> to vector<1x1x128xf32>
      tpu.vector_store %arg10[%swap3A_538, %swap3A_539, %swap3A_540], %swap3A_543 {strides = array<i32>} : memref<40x1x128xf32, #tpu.memory_space<vmem>>, vector<1x1x128xf32>,
      %slice3A_544 = vector.extract_strided_slice %and3A_378 {offsets = [0, 1408], sizes = [1, 128], strides = [1, 1]} : vector<1x3200xi1> to vector<1x128xi1>
      %get3A_545 = arith.constant 26 : index
      %get3A_546 = arith.constant 0 : index
      %get3A_547 = arith.constant 0 : index
      %get3A_548 = vector.load %arg10[%get3A_545, %get3A_546, %get3A_547] : memref<40x1x128xf32, #tpu.memory_space<vmem>>, vector<1x1x128xf32>
      %get3A_549 = vector.shape_cast %get3A_548 : vector<1x1x128xf32> to vector<1x128xf32>
      %jit3A_550 = arith.constant 0.000000e+00 : f32
      %broadcast_in_dim3A_551 = vector.broadcast %jit3A_550 : f32 to vector<1x128xf32>
      %select_n3A_552 = arith.select %slice3A_544, %broadcast_in_dim3A_551, %get3A_549 : vector<1x128xi1>, vector<1x128xf32>
      %swap3A_553 = arith.constant 26 : index
      %swap3A_554 = arith.constant 0 : index
      %swap3A_555 = arith.constant 0 : index
      %swap3A_556 = vector.load %arg10[%swap3A_553, %swap3A_554, %swap3A_555] : memref<40x1x128xf32, #tpu.memory_space<vmem>>, vector<1x1x128xf32>
      %swap3A_557 = vector.shape_cast %swap3A_556 : vector<1x1x128xf32> to vector<1x128xf32>
      %swap3A_558 = vector.shape_cast %select_n3A_552 : vector<1x128xf32> to vector<1x1x128xf32>
      tpu.vector_store %arg10[%swap3A_553, %swap3A_554, %swap3A_555], %swap3A_558 {strides = array<i32>} : memref<40x1x128xf32, #tpu.memory_space<vmem>>, vector<1x1x128xf32>,
      %slice3A_559 = vector.extract_strided_slice %and3A_378 {offsets = [0, 1536], sizes = [1, 128], strides = [1, 1]} : vector<1x3200xi1> to vector<1x128xi1>
      %get3A_560 = arith.constant 27 : index
      %get3A_561 = arith.constant 0 : index
      %get3A_562 = arith.constant 0 : index
      %get3A_563 = vector.load %arg10[%get3A_560, %get3A_561, %get3A_562] : memref<40x1x128xf32, #tpu.memory_space<vmem>>, vector<1x1x128xf32>
      %get3A_564 = vector.shape_cast %get3A_563 : vector<1x1x128xf32> to vector<1x128xf32>
      %jit3A_565 = arith.constant 0.000000e+00 : f32
      %broadcast_in_dim3A_566 = vector.broadcast %jit3A_565 : f32 to vector<1x128xf32>
      %select_n3A_567 = arith.select %slice3A_559, %broadcast_in_dim3A_566, %get3A_564 : vector<1x128xi1>, vector<1x128xf32>
      %swap3A_568 = arith.constant 27 : index
      %swap3A_569 = arith.constant 0 : index
      %swap3A_570 = arith.constant 0 : index
      %swap3A_571 = vector.load %arg10[%swap3A_568, %swap3A_569, %swap3A_570] : memref<40x1x128xf32, #tpu.memory_space<vmem>>, vector<1x1x128xf32>
      %swap3A_572 = vector.shape_cast %swap3A_571 : vector<1x1x128xf32> to vector<1x128xf32>
      %swap3A_573 = vector.shape_cast %select_n3A_567 : vector<1x128xf32> to vector<1x1x128xf32>
      tpu.vector_store %arg10[%swap3A_568, %swap3A_569, %swap3A_570], %swap3A_573 {strides = array<i32>} : memref<40x1x128xf32, #tpu.memory_space<vmem>>, vector<1x1x128xf32>,
      %slice3A_574 = vector.extract_strided_slice %and3A_378 {offsets = [0, 1664], sizes = [1, 128], strides = [1, 1]} : vector<1x3200xi1> to vector<1x128xi1>
      %get3A_575 = arith.constant 28 : index
      %get3A_576 = arith.constant 0 : index
      %get3A_577 = arith.constant 0 : index
      %get3A_578 = vector.load %arg10[%get3A_575, %get3A_576, %get3A_577] : memref<40x1x128xf32, #tpu.memory_space<vmem>>, vector<1x1x128xf32>
      %get3A_579 = vector.shape_cast %get3A_578 : vector<1x1x128xf32> to vector<1x128xf32>
      %jit3A_580 = arith.constant 0.000000e+00 : f32
      %broadcast_in_dim3A_581 = vector.broadcast %jit3A_580 : f32 to vector<1x128xf32>
      %select_n3A_582 = arith.select %slice3A_574, %broadcast_in_dim3A_581, %get3A_579 : vector<1x128xi1>, vector<1x128xf32>
      %swap3A_583 = arith.constant 28 : index
      %swap3A_584 = arith.constant 0 : index
      %swap3A_585 = arith.constant 0 : index
      %swap3A_586 = vector.load %arg10[%swap3A_583, %swap3A_584, %swap3A_585] : memref<40x1x128xf32, #tpu.memory_space<vmem>>, vector<1x1x128xf32>
      %swap3A_587 = vector.shape_cast %swap3A_586 : vector<1x1x128xf32> to vector<1x128xf32>
      %swap3A_588 = vector.shape_cast %select_n3A_582 : vector<1x128xf32> to vector<1x1x128xf32>
      tpu.vector_store %arg10[%swap3A_583, %swap3A_584, %swap3A_585], %swap3A_588 {strides = array<i32>} : memref<40x1x128xf32, #tpu.memory_space<vmem>>, vector<1x1x128xf32>,
      %slice3A_589 = vector.extract_strided_slice %and3A_378 {offsets = [0, 1792], sizes = [1, 128], strides = [1, 1]} : vector<1x3200xi1> to vector<1x128xi1>
      %get3A_590 = arith.constant 29 : index
      %get3A_591 = arith.constant 0 : index
      %get3A_592 = arith.constant 0 : index
      %get3A_593 = vector.load %arg10[%get3A_590, %get3A_591, %get3A_592] : memref<40x1x128xf32, #tpu.memory_space<vmem>>, vector<1x1x128xf32>
      %get3A_594 = vector.shape_cast %get3A_593 : vector<1x1x128xf32> to vector<1x128xf32>
      %jit3A_595 = arith.constant 0.000000e+00 : f32
      %broadcast_in_dim3A_596 = vector.broadcast %jit3A_595 : f32 to vector<1x128xf32>
      %select_n3A_597 = arith.select %slice3A_589, %broadcast_in_dim3A_596, %get3A_594 : vector<1x128xi1>, vector<1x128xf32>
      %swap3A_598 = arith.constant 29 : index
      %swap3A_599 = arith.constant 0 : index
      %swap3A_600 = arith.constant 0 : index
      %swap3A_601 = vector.load %arg10[%swap3A_598, %swap3A_599, %swap3A_600] : memref<40x1x128xf32, #tpu.memory_space<vmem>>, vector<1x1x128xf32>
      %swap3A_602 = vector.shape_cast %swap3A_601 : vector<1x1x128xf32> to vector<1x128xf32>
      %swap3A_603 = vector.shape_cast %select_n3A_597 : vector<1x128xf32> to vector<1x1x128xf32>
      tpu.vector_store %arg10[%swap3A_598, %swap3A_599, %swap3A_600], %swap3A_603 {strides = array<i32>} : memref<40x1x128xf32, #tpu.memory_space<vmem>>, vector<1x1x128xf32>,
      %slice3A_604 = vector.extract_strided_slice %and3A_378 {offsets = [0, 1920], sizes = [1, 128], strides = [1, 1]} : vector<1x3200xi1> to vector<1x128xi1>
      %get3A_605 = arith.constant 30 : index
      %get3A_606 = arith.constant 0 : index
      %get3A_607 = arith.constant 0 : index
      %get3A_608 = vector.load %arg10[%get3A_605, %get3A_606, %get3A_607] : memref<40x1x128xf32, #tpu.memory_space<vmem>>, vector<1x1x128xf32>
      %get3A_609 = vector.shape_cast %get3A_608 : vector<1x1x128xf32> to vector<1x128xf32>
      %jit3A_610 = arith.constant 0.000000e+00 : f32
      %broadcast_in_dim3A_611 = vector.broadcast %jit3A_610 : f32 to vector<1x128xf32>
      %select_n3A_612 = arith.select %slice3A_604, %broadcast_in_dim3A_611, %get3A_609 : vector<1x128xi1>, vector<1x128xf32>
      %swap3A_613 = arith.constant 30 : index
      %swap3A_614 = arith.constant 0 : index
      %swap3A_615 = arith.constant 0 : index
      %swap3A_616 = vector.load %arg10[%swap3A_613, %swap3A_614, %swap3A_615] : memref<40x1x128xf32, #tpu.memory_space<vmem>>, vector<1x1x128xf32>
      %swap3A_617 = vector.shape_cast %swap3A_616 : vector<1x1x128xf32> to vector<1x128xf32>
      %swap3A_618 = vector.shape_cast %select_n3A_612 : vector<1x128xf32> to vector<1x1x128xf32>
      tpu.vector_store %arg10[%swap3A_613, %swap3A_614, %swap3A_615], %swap3A_618 {strides = array<i32>} : memref<40x1x128xf32, #tpu.memory_space<vmem>>, vector<1x1x128xf32>,
      %slice3A_619 = vector.extract_strided_slice %and3A_378 {offsets = [0, 2048], sizes = [1, 128], strides = [1, 1]} : vector<1x3200xi1> to vector<1x128xi1>
      %get3A_620 = arith.constant 31 : index
      %get3A_621 = arith.constant 0 : index
      %get3A_622 = arith.constant 0 : index
      %get3A_623 = vector.load %arg10[%get3A_620, %get3A_621, %get3A_622] : memref<40x1x128xf32, #tpu.memory_space<vmem>>, vector<1x1x128xf32>
      %get3A_624 = vector.shape_cast %get3A_623 : vector<1x1x128xf32> to vector<1x128xf32>
      %jit3A_625 = arith.constant 0.000000e+00 : f32
      %broadcast_in_dim3A_626 = vector.broadcast %jit3A_625 : f32 to vector<1x128xf32>
      %select_n3A_627 = arith.select %slice3A_619, %broadcast_in_dim3A_626, %get3A_624 : vector<1x128xi1>, vector<1x128xf32>
      %swap3A_628 = arith.constant 31 : index
      %swap3A_629 = arith.constant 0 : index
      %swap3A_630 = arith.constant 0 : index
      %swap3A_631 = vector.load %arg10[%swap3A_628, %swap3A_629, %swap3A_630] : memref<40x1x128xf32, #tpu.memory_space<vmem>>, vector<1x1x128xf32>
      %swap3A_632 = vector.shape_cast %swap3A_631 : vector<1x1x128xf32> to vector<1x128xf32>
      %swap3A_633 = vector.shape_cast %select_n3A_627 : vector<1x128xf32> to vector<1x1x128xf32>
      tpu.vector_store %arg10[%swap3A_628, %swap3A_629, %swap3A_630], %swap3A_633 {strides = array<i32>} : memref<40x1x128xf32, #tpu.memory_space<vmem>>, vector<1x1x128xf32>,
      %slice3A_634 = vector.extract_strided_slice %and3A_378 {offsets = [0, 2176], sizes = [1, 128], strides = [1, 1]} : vector<1x3200xi1> to vector<1x128xi1>
      %get3A_635 = arith.constant 32 : index
      %get3A_636 = arith.constant 0 : index
      %get3A_637 = arith.constant 0 : index
      %get3A_638 = vector.load %arg10[%get3A_635, %get3A_636, %get3A_637] : memref<40x1x128xf32, #tpu.memory_space<vmem>>, vector<1x1x128xf32>
      %get3A_639 = vector.shape_cast %get3A_638 : vector<1x1x128xf32> to vector<1x128xf32>
      %jit3A_640 = arith.constant 0.000000e+00 : f32
      %broadcast_in_dim3A_641 = vector.broadcast %jit3A_640 : f32 to vector<1x128xf32>
      %select_n3A_642 = arith.select %slice3A_634, %broadcast_in_dim3A_641, %get3A_639 : vector<1x128xi1>, vector<1x128xf32>
      %swap3A_643 = arith.constant 32 : index
      %swap3A_644 = arith.constant 0 : index
      %swap3A_645 = arith.constant 0 : index
      %swap3A_646 = vector.load %arg10[%swap3A_643, %swap3A_644, %swap3A_645] : memref<40x1x128xf32, #tpu.memory_space<vmem>>, vector<1x1x128xf32>
      %swap3A_647 = vector.shape_cast %swap3A_646 : vector<1x1x128xf32> to vector<1x128xf32>
      %swap3A_648 = vector.shape_cast %select_n3A_642 : vector<1x128xf32> to vector<1x1x128xf32>
      tpu.vector_store %arg10[%swap3A_643, %swap3A_644, %swap3A_645], %swap3A_648 {strides = array<i32>} : memref<40x1x128xf32, #tpu.memory_space<vmem>>, vector<1x1x128xf32>,
      %slice3A_649 = vector.extract_strided_slice %and3A_378 {offsets = [0, 2304], sizes = [1, 128], strides = [1, 1]} : vector<1x3200xi1> to vector<1x128xi1>
      %get3A_650 = arith.constant 33 : index
      %get3A_651 = arith.constant 0 : index
      %get3A_652 = arith.constant 0 : index
      %get3A_653 = vector.load %arg10[%get3A_650, %get3A_651, %get3A_652] : memref<40x1x128xf32, #tpu.memory_space<vmem>>, vector<1x1x128xf32>
      %get3A_654 = vector.shape_cast %get3A_653 : vector<1x1x128xf32> to vector<1x128xf32>
      %jit3A_655 = arith.constant 0.000000e+00 : f32
      %broadcast_in_dim3A_656 = vector.broadcast %jit3A_655 : f32 to vector<1x128xf32>
      %select_n3A_657 = arith.select %slice3A_649, %broadcast_in_dim3A_656, %get3A_654 : vector<1x128xi1>, vector<1x128xf32>
      %swap3A_658 = arith.constant 33 : index
      %swap3A_659 = arith.constant 0 : index
      %swap3A_660 = arith.constant 0 : index
      %swap3A_661 = vector.load %arg10[%swap3A_658, %swap3A_659, %swap3A_660] : memref<40x1x128xf32, #tpu.memory_space<vmem>>, vector<1x1x128xf32>
      %swap3A_662 = vector.shape_cast %swap3A_661 : vector<1x1x128xf32> to vector<1x128xf32>
      %swap3A_663 = vector.shape_cast %select_n3A_657 : vector<1x128xf32> to vector<1x1x128xf32>
      tpu.vector_store %arg10[%swap3A_658, %swap3A_659, %swap3A_660], %swap3A_663 {strides = array<i32>} : memref<40x1x128xf32, #tpu.memory_space<vmem>>, vector<1x1x128xf32>,
      %slice3A_664 = vector.extract_strided_slice %and3A_378 {offsets = [0, 2432], sizes = [1, 128], strides = [1, 1]} : vector<1x3200xi1> to vector<1x128xi1>
      %get3A_665 = arith.constant 34 : index
      %get3A_666 = arith.constant 0 : index
      %get3A_667 = arith.constant 0 : index
      %get3A_668 = vector.load %arg10[%get3A_665, %get3A_666, %get3A_667] : memref<40x1x128xf32, #tpu.memory_space<vmem>>, vector<1x1x128xf32>
      %get3A_669 = vector.shape_cast %get3A_668 : vector<1x1x128xf32> to vector<1x128xf32>
      %jit3A_670 = arith.constant 0.000000e+00 : f32
      %broadcast_in_dim3A_671 = vector.broadcast %jit3A_670 : f32 to vector<1x128xf32>
      %select_n3A_672 = arith.select %slice3A_664, %broadcast_in_dim3A_671, %get3A_669 : vector<1x128xi1>, vector<1x128xf32>
      %swap3A_673 = arith.constant 34 : index
      %swap3A_674 = arith.constant 0 : index
      %swap3A_675 = arith.constant 0 : index
      %swap3A_676 = vector.load %arg10[%swap3A_673, %swap3A_674, %swap3A_675] : memref<40x1x128xf32, #tpu.memory_space<vmem>>, vector<1x1x128xf32>
      %swap3A_677 = vector.shape_cast %swap3A_676 : vector<1x1x128xf32> to vector<1x128xf32>
      %swap3A_678 = vector.shape_cast %select_n3A_672 : vector<1x128xf32> to vector<1x1x128xf32>
      tpu.vector_store %arg10[%swap3A_673, %swap3A_674, %swap3A_675], %swap3A_678 {strides = array<i32>} : memref<40x1x128xf32, #tpu.memory_space<vmem>>, vector<1x1x128xf32>,
      %slice3A_679 = vector.extract_strided_slice %and3A_378 {offsets = [0, 2560], sizes = [1, 128], strides = [1, 1]} : vector<1x3200xi1> to vector<1x128xi1>
      %get3A_680 = arith.constant 35 : index
      %get3A_681 = arith.constant 0 : index
      %get3A_682 = arith.constant 0 : index
      %get3A_683 = vector.load %arg10[%get3A_680, %get3A_681, %get3A_682] : memref<40x1x128xf32, #tpu.memory_space<vmem>>, vector<1x1x128xf32>
      %get3A_684 = vector.shape_cast %get3A_683 : vector<1x1x128xf32> to vector<1x128xf32>
      %jit3A_685 = arith.constant 0.000000e+00 : f32
      %broadcast_in_dim3A_686 = vector.broadcast %jit3A_685 : f32 to vector<1x128xf32>
      %select_n3A_687 = arith.select %slice3A_679, %broadcast_in_dim3A_686, %get3A_684 : vector<1x128xi1>, vector<1x128xf32>
      %swap3A_688 = arith.constant 35 : index
      %swap3A_689 = arith.constant 0 : index
      %swap3A_690 = arith.constant 0 : index
      %swap3A_691 = vector.load %arg10[%swap3A_688, %swap3A_689, %swap3A_690] : memref<40x1x128xf32, #tpu.memory_space<vmem>>, vector<1x1x128xf32>
      %swap3A_692 = vector.shape_cast %swap3A_691 : vector<1x1x128xf32> to vector<1x128xf32>
      %swap3A_693 = vector.shape_cast %select_n3A_687 : vector<1x128xf32> to vector<1x1x128xf32>
      tpu.vector_store %arg10[%swap3A_688, %swap3A_689, %swap3A_690], %swap3A_693 {strides = array<i32>} : memref<40x1x128xf32, #tpu.memory_space<vmem>>, vector<1x1x128xf32>,
      %slice3A_694 = vector.extract_strided_slice %and3A_378 {offsets = [0, 2688], sizes = [1, 128], strides = [1, 1]} : vector<1x3200xi1> to vector<1x128xi1>
      %get3A_695 = arith.constant 36 : index
      %get3A_696 = arith.constant 0 : index
      %get3A_697 = arith.constant 0 : index
      %get3A_698 = vector.load %arg10[%get3A_695, %get3A_696, %get3A_697] : memref<40x1x128xf32, #tpu.memory_space<vmem>>, vector<1x1x128xf32>
      %get3A_699 = vector.shape_cast %get3A_698 : vector<1x1x128xf32> to vector<1x128xf32>
      %jit3A_700 = arith.constant 0.000000e+00 : f32
      %broadcast_in_dim3A_701 = vector.broadcast %jit3A_700 : f32 to vector<1x128xf32>
      %select_n3A_702 = arith.select %slice3A_694, %broadcast_in_dim3A_701, %get3A_699 : vector<1x128xi1>, vector<1x128xf32>
      %swap3A_703 = arith.constant 36 : index
      %swap3A_704 = arith.constant 0 : index
      %swap3A_705 = arith.constant 0 : index
      %swap3A_706 = vector.load %arg10[%swap3A_703, %swap3A_704, %swap3A_705] : memref<40x1x128xf32, #tpu.memory_space<vmem>>, vector<1x1x128xf32>
      %swap3A_707 = vector.shape_cast %swap3A_706 : vector<1x1x128xf32> to vector<1x128xf32>
      %swap3A_708 = vector.shape_cast %select_n3A_702 : vector<1x128xf32> to vector<1x1x128xf32>
      tpu.vector_store %arg10[%swap3A_703, %swap3A_704, %swap3A_705], %swap3A_708 {strides = array<i32>} : memref<40x1x128xf32, #tpu.memory_space<vmem>>, vector<1x1x128xf32>,
      %slice3A_709 = vector.extract_strided_slice %and3A_378 {offsets = [0, 2816], sizes = [1, 128], strides = [1, 1]} : vector<1x3200xi1> to vector<1x128xi1>
      %get3A_710 = arith.constant 37 : index
      %get3A_711 = arith.constant 0 : index
      %get3A_712 = arith.constant 0 : index
      %get3A_713 = vector.load %arg10[%get3A_710, %get3A_711, %get3A_712] : memref<40x1x128xf32, #tpu.memory_space<vmem>>, vector<1x1x128xf32>
      %get3A_714 = vector.shape_cast %get3A_713 : vector<1x1x128xf32> to vector<1x128xf32>
      %jit3A_715 = arith.constant 0.000000e+00 : f32
      %broadcast_in_dim3A_716 = vector.broadcast %jit3A_715 : f32 to vector<1x128xf32>
      %select_n3A_717 = arith.select %slice3A_709, %broadcast_in_dim3A_716, %get3A_714 : vector<1x128xi1>, vector<1x128xf32>
      %swap3A_718 = arith.constant 37 : index
      %swap3A_719 = arith.constant 0 : index
      %swap3A_720 = arith.constant 0 : index
      %swap3A_721 = vector.load %arg10[%swap3A_718, %swap3A_719, %swap3A_720] : memref<40x1x128xf32, #tpu.memory_space<vmem>>, vector<1x1x128xf32>
      %swap3A_722 = vector.shape_cast %swap3A_721 : vector<1x1x128xf32> to vector<1x128xf32>
      %swap3A_723 = vector.shape_cast %select_n3A_717 : vector<1x128xf32> to vector<1x1x128xf32>
      tpu.vector_store %arg10[%swap3A_718, %swap3A_719, %swap3A_720], %swap3A_723 {strides = array<i32>} : memref<40x1x128xf32, #tpu.memory_space<vmem>>, vector<1x1x128xf32>,
      %slice3A_724 = vector.extract_strided_slice %and3A_378 {offsets = [0, 2944], sizes = [1, 128], strides = [1, 1]} : vector<1x3200xi1> to vector<1x128xi1>
      %get3A_725 = arith.constant 38 : index
      %get3A_726 = arith.constant 0 : index
      %get3A_727 = arith.constant 0 : index
      %get3A_728 = vector.load %arg10[%get3A_725, %get3A_726, %get3A_727] : memref<40x1x128xf32, #tpu.memory_space<vmem>>, vector<1x1x128xf32>
      %get3A_729 = vector.shape_cast %get3A_728 : vector<1x1x128xf32> to vector<1x128xf32>
      %jit3A_730 = arith.constant 0.000000e+00 : f32
      %broadcast_in_dim3A_731 = vector.broadcast %jit3A_730 : f32 to vector<1x128xf32>
      %select_n3A_732 = arith.select %slice3A_724, %broadcast_in_dim3A_731, %get3A_729 : vector<1x128xi1>, vector<1x128xf32>
      %swap3A_733 = arith.constant 38 : index
      %swap3A_734 = arith.constant 0 : index
      %swap3A_735 = arith.constant 0 : index
      %swap3A_736 = vector.load %arg10[%swap3A_733, %swap3A_734, %swap3A_735] : memref<40x1x128xf32, #tpu.memory_space<vmem>>, vector<1x1x128xf32>
      %swap3A_737 = vector.shape_cast %swap3A_736 : vector<1x1x128xf32> to vector<1x128xf32>
      %swap3A_738 = vector.shape_cast %select_n3A_732 : vector<1x128xf32> to vector<1x1x128xf32>
      tpu.vector_store %arg10[%swap3A_733, %swap3A_734, %swap3A_735], %swap3A_738 {strides = array<i32>} : memref<40x1x128xf32, #tpu.memory_space<vmem>>, vector<1x1x128xf32>,
      %slice3A_739 = vector.extract_strided_slice %and3A_378 {offsets = [0, 3072], sizes = [1, 128], strides = [1, 1]} : vector<1x3200xi1> to vector<1x128xi1>
      %get3A_740 = arith.constant 39 : index
      %get3A_741 = arith.constant 0 : index
      %get3A_742 = arith.constant 0 : index
      %get3A_743 = vector.load %arg10[%get3A_740, %get3A_741, %get3A_742] : memref<40x1x128xf32, #tpu.memory_space<vmem>>, vector<1x1x128xf32>
      %get3A_744 = vector.shape_cast %get3A_743 : vector<1x1x128xf32> to vector<1x128xf32>
      %jit3A_745 = arith.constant 0.000000e+00 : f32
      %broadcast_in_dim3A_746 = vector.broadcast %jit3A_745 : f32 to vector<1x128xf32>
      %select_n3A_747 = arith.select %slice3A_739, %broadcast_in_dim3A_746, %get3A_744 : vector<1x128xi1>, vector<1x128xf32>
      %swap3A_748 = arith.constant 39 : index
      %swap3A_749 = arith.constant 0 : index
      %swap3A_750 = arith.constant 0 : index
      %swap3A_751 = vector.load %arg10[%swap3A_748, %swap3A_749, %swap3A_750] : memref<40x1x128xf32, #tpu.memory_space<vmem>>, vector<1x1x128xf32>
      %swap3A_752 = vector.shape_cast %swap3A_751 : vector<1x1x128xf32> to vector<1x128xf32>
      %swap3A_753 = vector.shape_cast %select_n3A_747 : vector<1x128xf32> to vector<1x1x128xf32>
      tpu.vector_store %arg10[%swap3A_748, %swap3A_749, %swap3A_750], %swap3A_753 {strides = array<i32>} : memref<40x1x128xf32, #tpu.memory_space<vmem>>, vector<1x1x128xf32>,
    }
    %scan3A_98 = arith.constant 5 : i32
    %slice3A_99 = vector.extract_strided_slice %get3A_6 {offsets = [0, 2560], sizes = [1, 2560], strides = [1, 1]} : vector<1x5120xf32> to vector<1x2560xf32>
    %slice3A_100 = vector.extract_strided_slice %get3A_9 {offsets = [0, 2560], sizes = [1, 2560], strides = [1, 1]} : vector<1x5120xf32> to vector<1x2560xf32>
    %slice3A_101 = vector.extract_strided_slice %get3A_12 {offsets = [0, 2560], sizes = [1, 2560], strides = [1, 1]} : vector<1x5120xf32> to vector<1x2560xf32>
    %slice3A_102 = vector.extract_strided_slice %get3A_15 {offsets = [0, 2560], sizes = [1, 2560], strides = [1, 1]} : vector<1x5120xf32> to vector<1x2560xf32>
    %sub3A_103 = arith.subf %slice3A_101, %slice3A_99 : vector<1x2560xf32>
    %sub3A_104 = arith.subf %slice3A_102, %slice3A_100 : vector<1x2560xf32>
    %mul3A_105 = arith.mulf %sub3A_103, %sub3A_104 : vector<1x2560xf32>
    %add3A_106 = arith.constant 9.99999993E-9 : f32
    %add3A_107 = vector.broadcast %add3A_106 : f32 to vector<1x2560xf32>
    %add3A_108 = arith.addf %mul3A_105, %add3A_107 : vector<1x2560xf32>
    %mul3A_109 = arith.constant 0.411764711 : f32
    %mul3A_110 = vector.broadcast %mul3A_109 : f32 to vector<1x2560xf32>
    %mul3A_111 = arith.mulf %add3A_108, %mul3A_110 : vector<1x2560xf32>
    %iota3A_112 = tpu.iota {dimensions = array<i32: 1>} : vector<1x2560xi32>
    %add3A_113 = arith.constant 2560 : i32
    %add3A_114 = vector.broadcast %add3A_113 : i32 to vector<1x2560xi32>
    %add3A_115 = arith.addi %iota3A_112, %add3A_114 : vector<1x2560xi32>
    %scan3A_116 = arith.constant 20 : i32
    %scan3A_117 = arith.constant 5 : i32
    %scan3A_118 = arith.addi %scan3A_116, %scan3A_117 : i32
    %scan3A_119 = arith.constant 1 : i32
    scf.for %scan3A_259 = %scan3A_116 to %scan3A_118 step %scan3A_119  : i32 {
      %mul3A_260 = arith.constant 128 : i32
      %mul3A_261 = arith.muli %scan3A_259, %mul3A_260 : i32
      %get3A_262 = arith.index_cast %mul3A_261 : i32 to index
      %get3A_263 = arith.constant 0 : index
      %get3A_264 = vector.load %arg0[%get3A_262, %get3A_263] : memref<5120x4xf32, #tpu.memory_space<vmem>>, vector<128x4xf32>
      %slice3A_265 = vector.extract_strided_slice %get3A_264 {offsets = [0, 0], sizes = [128, 1], strides = [1, 1]} : vector<128x4xf32> to vector<128x1xf32>
      %slice3A_266 = vector.extract_strided_slice %get3A_264 {offsets = [0, 1], sizes = [128, 1], strides = [1, 1]} : vector<128x4xf32> to vector<128x1xf32>
      %slice3A_267 = vector.extract_strided_slice %get3A_264 {offsets = [0, 2], sizes = [128, 1], strides = [1, 1]} : vector<128x4xf32> to vector<128x1xf32>
      %slice3A_268 = vector.extract_strided_slice %get3A_264 {offsets = [0, 3], sizes = [128, 1], strides = [1, 1]} : vector<128x4xf32> to vector<128x1xf32>
      %sub3A_269 = arith.subf %slice3A_267, %slice3A_265 : vector<128x1xf32>
      %sub3A_270 = arith.subf %slice3A_268, %slice3A_266 : vector<128x1xf32>
      %mul3A_271 = arith.mulf %sub3A_269, %sub3A_270 : vector<128x1xf32>
      %mul3A_272 = arith.constant 0.411764711 : f32
      %mul3A_273 = vector.broadcast %mul3A_272 : f32 to vector<128x1xf32>
      %mul3A_274 = arith.mulf %mul3A_271, %mul3A_273 : vector<128x1xf32>
      %get3A_275 = arith.index_cast %scan3A_259 : i32 to index
      %get3A_276 = arith.constant 0 : index
      %get3A_277 = arith.constant 0 : index
      %get3A_278 = vector.load %arg1[%get3A_275, %get3A_276, %get3A_277] : memref<40x1x128xf32, #tpu.memory_space<vmem>>, vector<1x1x128xf32>
      %get3A_279 = vector.shape_cast %get3A_278 : vector<1x1x128xf32> to vector<1x128xf32>
      %get3A_280 = arith.index_cast %scan3A_259 : i32 to index
      %get3A_281 = arith.constant 0 : index
      %get3A_282 = arith.constant 0 : index
      %get3A_283 = vector.load %arg2[%get3A_280, %get3A_281, %get3A_282] : memref<40x1x128xf32, #tpu.memory_space<vmem>>, vector<1x1x128xf32>
      %get3A_284 = vector.shape_cast %get3A_283 : vector<1x1x128xf32> to vector<1x128xf32>
      %get3A_285 = arith.index_cast %scan3A_259 : i32 to index
      %get3A_286 = arith.constant 0 : index
      %get3A_287 = arith.constant 0 : index
      %get3A_288 = vector.load %arg3[%get3A_285, %get3A_286, %get3A_287] : memref<40x1x128xf32, #tpu.memory_space<vmem>>, vector<1x1x128xf32>
      %get3A_289 = vector.shape_cast %get3A_288 : vector<1x1x128xf32> to vector<1x128xf32>
      %get3A_290 = arith.index_cast %scan3A_259 : i32 to index
      %get3A_291 = arith.constant 0 : index
      %get3A_292 = arith.constant 0 : index
      %get3A_293 = vector.load %arg4[%get3A_290, %get3A_291, %get3A_292] : memref<40x1x128xf32, #tpu.memory_space<vmem>>, vector<1x1x128xf32>
      %get3A_294 = vector.shape_cast %get3A_293 : vector<1x1x128xf32> to vector<1x128xf32>
      %sub3A_295 = arith.subf %get3A_289, %get3A_279 : vector<1x128xf32>
      %sub3A_296 = arith.subf %get3A_294, %get3A_284 : vector<1x128xf32>
      %mul3A_297 = arith.mulf %sub3A_295, %sub3A_296 : vector<1x128xf32>
      %add3A_298 = arith.constant 9.99999993E-9 : f32
      %add3A_299 = vector.broadcast %add3A_298 : f32 to vector<1x128xf32>
      %add3A_300 = arith.addf %mul3A_297, %add3A_299 : vector<1x128xf32>
      %mul3A_301 = arith.constant 0.411764711 : f32
      %mul3A_302 = vector.broadcast %mul3A_301 : f32 to vector<1x128xf32>
      %mul3A_303 = arith.mulf %add3A_300, %mul3A_302 : vector<1x128xf32>
      %max3A = vector.broadcast %slice3A_265 : vector<128x1xf32> to vector<128x128xf32>
      %max3A_304 = vector.broadcast %get3A_279 : vector<1x128xf32> to vector<128x128xf32>
      %max3A_305 = arith.maximumf %max3A, %max3A_304 : vector<128x128xf32>
      %max3A_306 = vector.broadcast %slice3A_266 : vector<128x1xf32> to vector<128x128xf32>
      %max3A_307 = vector.broadcast %get3A_284 : vector<1x128xf32> to vector<128x128xf32>
      %max3A_308 = arith.maximumf %max3A_306, %max3A_307 : vector<128x128xf32>
      %min3A = vector.broadcast %slice3A_267 : vector<128x1xf32> to vector<128x128xf32>
      %min3A_309 = vector.broadcast %get3A_289 : vector<1x128xf32> to vector<128x128xf32>
      %min3A_310 = arith.minimumf %min3A, %min3A_309 : vector<128x128xf32>
      %min3A_311 = vector.broadcast %slice3A_268 : vector<128x1xf32> to vector<128x128xf32>
      %min3A_312 = vector.broadcast %get3A_294 : vector<1x128xf32> to vector<128x128xf32>
      %min3A_313 = arith.minimumf %min3A_311, %min3A_312 : vector<128x128xf32>
      %sub3A_314 = arith.subf %min3A_310, %max3A_305 : vector<128x128xf32>
      %max3A_315 = arith.constant 0.000000e+00 : f32
      %max3A_316 = vector.broadcast %max3A_315 : f32 to vector<128x128xf32>
      %max3A_317 = arith.maximumf %sub3A_314, %max3A_316 : vector<128x128xf32>
      %sub3A_318 = arith.subf %min3A_313, %max3A_308 : vector<128x128xf32>
      %max3A_319 = arith.constant 0.000000e+00 : f32
      %max3A_320 = vector.broadcast %max3A_319 : f32 to vector<128x128xf32>
      %max3A_321 = arith.maximumf %sub3A_318, %max3A_320 : vector<128x128xf32>
      %mul3A_322 = arith.mulf %max3A_317, %max3A_321 : vector<128x128xf32>
      %add3A_323 = vector.broadcast %mul3A_274 : vector<128x1xf32> to vector<128x128xf32>
      %add3A_324 = vector.broadcast %mul3A_303 : vector<1x128xf32> to vector<128x128xf32>
      %add3A_325 = arith.addf %add3A_323, %add3A_324 : vector<128x128xf32>
      %gt3A_326 = arith.cmpf ogt, %mul3A_322, %add3A_325 : vector<128x128xf32>
      %and3A = arith.andi %gt3A_326, %gt3A : vector<128x128xi1>
      %convert_element_type3A_327 = arith.extui %and3A : vector<128x128xi1> to vector<128x128xi32>
      %convert_element_type3A_328 = arith.sitofp %convert_element_type3A_327 : vector<128x128xi32> to vector<128x128xf32>
      %get3A_329 = arith.index_cast %scan3A_259 : i32 to index
      %get3A_330 = arith.constant 0 : index
      %get3A_331 = arith.constant 0 : index
      %get3A_332 = vector.load %arg10[%get3A_329, %get3A_330, %get3A_331] : memref<40x1x128xf32, #tpu.memory_space<vmem>>, vector<1x1x128xf32>
      %get3A_333 = vector.shape_cast %get3A_332 : vector<1x1x128xf32> to vector<1x128xf32>
      %while3A = arith.constant true
      %while3A_334:2 = scf.while (%while3A_679 = %get3A_333, %while3A_680 = %while3A) : (vector<1x128xf32>, i1) -> (vector<1x128xf32>, i1) {
        scf.condition(%while3A_680) %while3A_679, %while3A_680 : vector<1x128xf32>, i1
      } do {
      ^bb0(%while3A_679: vector<1x128xf32>, %while3A_680: i1):
        %dot_general3A_681 = arith.constant dense<0.000000e+00> : vector<1x128xf32>
        %dot_general3A_682 = tpu.matmul %while3A_679, %convert_element_type3A_328, %dot_general3A_681 {dimension_numbers = #tpu.dot_dimension_numbers<[1], [0], [0], [1], [0, 0, 1, 1], [], []>, transpose_lhs_hint = false} : vector<1x128xf32>, vector<128x128xf32>, vector<1x128xf32> -> vector<1x128xf32>
        %gt3A_683 = arith.constant 0.000000e+00 : f32
        %gt3A_684 = vector.broadcast %gt3A_683 : f32 to vector<1x128xf32>
        %gt3A_685 = arith.cmpf ogt, %dot_general3A_682, %gt3A_684 : vector<1x128xf32>
        %jit3A_686 = arith.constant 0.000000e+00 : f32
        %broadcast_in_dim3A_687 = vector.broadcast %jit3A_686 : f32 to vector<1x128xf32>
        %select_n3A_688 = arith.select %gt3A_685, %broadcast_in_dim3A_687, %get3A_333 : vector<1x128xi1>, vector<1x128xf32>
        %ne3A = arith.cmpf one, %select_n3A_688, %while3A_679 : vector<1x128xf32>
        %reduce_or3A = arith.constant 1.000000e+00 : f32
        %reduce_or3A_689 = arith.constant 0.000000e+00 : f32
        %reduce_or3A_690 = vector.broadcast %reduce_or3A : f32 to vector<1x128xf32>
        %reduce_or3A_691 = vector.broadcast %reduce_or3A_689 : f32 to vector<1x128xf32>
        %reduce_or3A_692 = arith.select %ne3A, %reduce_or3A_690, %reduce_or3A_691 : vector<1x128xi1>, vector<1x128xf32>
        %reduce_or3A_693 = vector.shape_cast %reduce_or3A_692 : vector<1x128xf32> to vector<1x1x128xf32>
        %reduce_or3A_694 = arith.constant dense<0xFF800000> : vector<1xf32>
        %reduce_or3A_695 = vector.multi_reduction <maximumf>, %reduce_or3A_693, %reduce_or3A_694 [1, 2] : vector<1x1x128xf32> to vector<1xf32>
        %reduce_or3A_696 = vector.shape_cast %reduce_or3A_695 : vector<1xf32> to vector<1x1x1xf32>
        %reduce_or3A_697 = vector.extract %reduce_or3A_696[0, 0, 0] : f32 from vector<1x1x1xf32>
        %reduce_or3A_698 = arith.constant 0.000000e+00 : f32
        %reduce_or3A_699 = arith.cmpf ogt, %reduce_or3A_697, %reduce_or3A_698 : f32
        scf.yield %select_n3A_688, %reduce_or3A_699 : vector<1x128xf32>, i1
      }
      %swap3A_335 = arith.index_cast %scan3A_259 : i32 to index
      %swap3A_336 = arith.constant 0 : index
      %swap3A_337 = arith.constant 0 : index
      %swap3A_338 = vector.load %arg10[%swap3A_335, %swap3A_336, %swap3A_337] : memref<40x1x128xf32, #tpu.memory_space<vmem>>, vector<1x1x128xf32>
      %swap3A_339 = vector.shape_cast %swap3A_338 : vector<1x1x128xf32> to vector<1x128xf32>
      %swap3A_340 = vector.shape_cast %while3A_334#0 : vector<1x128xf32> to vector<1x1x128xf32>
      tpu.vector_store %arg10[%swap3A_335, %swap3A_336, %swap3A_337], %swap3A_340 {strides = array<i32>} : memref<40x1x128xf32, #tpu.memory_space<vmem>>, vector<1x1x128xf32>,
      %max3A_341 = vector.broadcast %slice3A_265 : vector<128x1xf32> to vector<128x2560xf32>
      %max3A_342 = vector.broadcast %slice3A_99 : vector<1x2560xf32> to vector<128x2560xf32>
      %max3A_343 = arith.maximumf %max3A_341, %max3A_342 : vector<128x2560xf32>
      %max3A_344 = vector.broadcast %slice3A_266 : vector<128x1xf32> to vector<128x2560xf32>
      %max3A_345 = vector.broadcast %slice3A_100 : vector<1x2560xf32> to vector<128x2560xf32>
      %max3A_346 = arith.maximumf %max3A_344, %max3A_345 : vector<128x2560xf32>
      %min3A_347 = vector.broadcast %slice3A_267 : vector<128x1xf32> to vector<128x2560xf32>
      %min3A_348 = vector.broadcast %slice3A_101 : vector<1x2560xf32> to vector<128x2560xf32>
      %min3A_349 = arith.minimumf %min3A_347, %min3A_348 : vector<128x2560xf32>
      %min3A_350 = vector.broadcast %slice3A_268 : vector<128x1xf32> to vector<128x2560xf32>
      %min3A_351 = vector.broadcast %slice3A_102 : vector<1x2560xf32> to vector<128x2560xf32>
      %min3A_352 = arith.minimumf %min3A_350, %min3A_351 : vector<128x2560xf32>
      %sub3A_353 = arith.subf %min3A_349, %max3A_343 : vector<128x2560xf32>
      %max3A_354 = arith.constant 0.000000e+00 : f32
      %max3A_355 = vector.broadcast %max3A_354 : f32 to vector<128x2560xf32>
      %max3A_356 = arith.maximumf %sub3A_353, %max3A_355 : vector<128x2560xf32>
      %sub3A_357 = arith.subf %min3A_352, %max3A_346 : vector<128x2560xf32>
      %max3A_358 = arith.constant 0.000000e+00 : f32
      %max3A_359 = vector.broadcast %max3A_358 : f32 to vector<128x2560xf32>
      %max3A_360 = arith.maximumf %sub3A_357, %max3A_359 : vector<128x2560xf32>
      %mul3A_361 = arith.mulf %max3A_356, %max3A_360 : vector<128x2560xf32>
      %add3A_362 = vector.broadcast %mul3A_274 : vector<128x1xf32> to vector<128x2560xf32>
      %add3A_363 = vector.broadcast %mul3A_111 : vector<1x2560xf32> to vector<128x2560xf32>
      %add3A_364 = arith.addf %add3A_362, %add3A_363 : vector<128x2560xf32>
      %gt3A_365 = arith.cmpf ogt, %mul3A_361, %add3A_364 : vector<128x2560xf32>
      %convert_element_type3A_366 = arith.extui %gt3A_365 : vector<128x2560xi1> to vector<128x2560xi32>
      %convert_element_type3A_367 = arith.sitofp %convert_element_type3A_366 : vector<128x2560xi32> to vector<128x2560xf32>
      %dot_general3A_368 = arith.constant dense<0.000000e+00> : vector<1x2560xf32>
      %dot_general3A_369 = tpu.matmul %while3A_334#0, %convert_element_type3A_367, %dot_general3A_368 {dimension_numbers = #tpu.dot_dimension_numbers<[1], [0], [0], [1], [0, 0, 1, 1], [], []>, transpose_lhs_hint = false} : vector<1x128xf32>, vector<128x2560xf32>, vector<1x2560xf32> -> vector<1x2560xf32>
      %gt3A_370 = arith.constant 0.000000e+00 : f32
      %gt3A_371 = vector.broadcast %gt3A_370 : f32 to vector<1x2560xf32>
      %gt3A_372 = arith.cmpf ogt, %dot_general3A_369, %gt3A_371 : vector<1x2560xf32>
      %add3A_373 = arith.constant 1 : i32
      %add3A_374 = arith.addi %scan3A_259, %add3A_373 : i32
      %mul3A_375 = arith.constant 128 : i32
      %mul3A_376 = arith.muli %add3A_374, %mul3A_375 : i32
      %ge3A = vector.broadcast %mul3A_376 : i32 to vector<1x2560xi32>
      %ge3A_377 = arith.cmpi sge, %add3A_115, %ge3A : vector<1x2560xi32>
      %and3A_378 = arith.andi %gt3A_372, %ge3A_377 : vector<1x2560xi1>
      %slice3A_379 = vector.extract_strided_slice %and3A_378 {offsets = [0, 0], sizes = [1, 128], strides = [1, 1]} : vector<1x2560xi1> to vector<1x128xi1>
      %get3A_380 = arith.constant 20 : index
      %get3A_381 = arith.constant 0 : index
      %get3A_382 = arith.constant 0 : index
      %get3A_383 = vector.load %arg10[%get3A_380, %get3A_381, %get3A_382] : memref<40x1x128xf32, #tpu.memory_space<vmem>>, vector<1x1x128xf32>
      %get3A_384 = vector.shape_cast %get3A_383 : vector<1x1x128xf32> to vector<1x128xf32>
      %jit3A_385 = arith.constant 0.000000e+00 : f32
      %broadcast_in_dim3A_386 = vector.broadcast %jit3A_385 : f32 to vector<1x128xf32>
      %select_n3A_387 = arith.select %slice3A_379, %broadcast_in_dim3A_386, %get3A_384 : vector<1x128xi1>, vector<1x128xf32>
      %swap3A_388 = arith.constant 20 : index
      %swap3A_389 = arith.constant 0 : index
      %swap3A_390 = arith.constant 0 : index
      %swap3A_391 = vector.load %arg10[%swap3A_388, %swap3A_389, %swap3A_390] : memref<40x1x128xf32, #tpu.memory_space<vmem>>, vector<1x1x128xf32>
      %swap3A_392 = vector.shape_cast %swap3A_391 : vector<1x1x128xf32> to vector<1x128xf32>
      %swap3A_393 = vector.shape_cast %select_n3A_387 : vector<1x128xf32> to vector<1x1x128xf32>
      tpu.vector_store %arg10[%swap3A_388, %swap3A_389, %swap3A_390], %swap3A_393 {strides = array<i32>} : memref<40x1x128xf32, #tpu.memory_space<vmem>>, vector<1x1x128xf32>,
      %slice3A_394 = vector.extract_strided_slice %and3A_378 {offsets = [0, 128], sizes = [1, 128], strides = [1, 1]} : vector<1x2560xi1> to vector<1x128xi1>
      %get3A_395 = arith.constant 21 : index
      %get3A_396 = arith.constant 0 : index
      %get3A_397 = arith.constant 0 : index
      %get3A_398 = vector.load %arg10[%get3A_395, %get3A_396, %get3A_397] : memref<40x1x128xf32, #tpu.memory_space<vmem>>, vector<1x1x128xf32>
      %get3A_399 = vector.shape_cast %get3A_398 : vector<1x1x128xf32> to vector<1x128xf32>
      %jit3A_400 = arith.constant 0.000000e+00 : f32
      %broadcast_in_dim3A_401 = vector.broadcast %jit3A_400 : f32 to vector<1x128xf32>
      %select_n3A_402 = arith.select %slice3A_394, %broadcast_in_dim3A_401, %get3A_399 : vector<1x128xi1>, vector<1x128xf32>
      %swap3A_403 = arith.constant 21 : index
      %swap3A_404 = arith.constant 0 : index
      %swap3A_405 = arith.constant 0 : index
      %swap3A_406 = vector.load %arg10[%swap3A_403, %swap3A_404, %swap3A_405] : memref<40x1x128xf32, #tpu.memory_space<vmem>>, vector<1x1x128xf32>
      %swap3A_407 = vector.shape_cast %swap3A_406 : vector<1x1x128xf32> to vector<1x128xf32>
      %swap3A_408 = vector.shape_cast %select_n3A_402 : vector<1x128xf32> to vector<1x1x128xf32>
      tpu.vector_store %arg10[%swap3A_403, %swap3A_404, %swap3A_405], %swap3A_408 {strides = array<i32>} : memref<40x1x128xf32, #tpu.memory_space<vmem>>, vector<1x1x128xf32>,
      %slice3A_409 = vector.extract_strided_slice %and3A_378 {offsets = [0, 256], sizes = [1, 128], strides = [1, 1]} : vector<1x2560xi1> to vector<1x128xi1>
      %get3A_410 = arith.constant 22 : index
      %get3A_411 = arith.constant 0 : index
      %get3A_412 = arith.constant 0 : index
      %get3A_413 = vector.load %arg10[%get3A_410, %get3A_411, %get3A_412] : memref<40x1x128xf32, #tpu.memory_space<vmem>>, vector<1x1x128xf32>
      %get3A_414 = vector.shape_cast %get3A_413 : vector<1x1x128xf32> to vector<1x128xf32>
      %jit3A_415 = arith.constant 0.000000e+00 : f32
      %broadcast_in_dim3A_416 = vector.broadcast %jit3A_415 : f32 to vector<1x128xf32>
      %select_n3A_417 = arith.select %slice3A_409, %broadcast_in_dim3A_416, %get3A_414 : vector<1x128xi1>, vector<1x128xf32>
      %swap3A_418 = arith.constant 22 : index
      %swap3A_419 = arith.constant 0 : index
      %swap3A_420 = arith.constant 0 : index
      %swap3A_421 = vector.load %arg10[%swap3A_418, %swap3A_419, %swap3A_420] : memref<40x1x128xf32, #tpu.memory_space<vmem>>, vector<1x1x128xf32>
      %swap3A_422 = vector.shape_cast %swap3A_421 : vector<1x1x128xf32> to vector<1x128xf32>
      %swap3A_423 = vector.shape_cast %select_n3A_417 : vector<1x128xf32> to vector<1x1x128xf32>
      tpu.vector_store %arg10[%swap3A_418, %swap3A_419, %swap3A_420], %swap3A_423 {strides = array<i32>} : memref<40x1x128xf32, #tpu.memory_space<vmem>>, vector<1x1x128xf32>,
      %slice3A_424 = vector.extract_strided_slice %and3A_378 {offsets = [0, 384], sizes = [1, 128], strides = [1, 1]} : vector<1x2560xi1> to vector<1x128xi1>
      %get3A_425 = arith.constant 23 : index
      %get3A_426 = arith.constant 0 : index
      %get3A_427 = arith.constant 0 : index
      %get3A_428 = vector.load %arg10[%get3A_425, %get3A_426, %get3A_427] : memref<40x1x128xf32, #tpu.memory_space<vmem>>, vector<1x1x128xf32>
      %get3A_429 = vector.shape_cast %get3A_428 : vector<1x1x128xf32> to vector<1x128xf32>
      %jit3A_430 = arith.constant 0.000000e+00 : f32
      %broadcast_in_dim3A_431 = vector.broadcast %jit3A_430 : f32 to vector<1x128xf32>
      %select_n3A_432 = arith.select %slice3A_424, %broadcast_in_dim3A_431, %get3A_429 : vector<1x128xi1>, vector<1x128xf32>
      %swap3A_433 = arith.constant 23 : index
      %swap3A_434 = arith.constant 0 : index
      %swap3A_435 = arith.constant 0 : index
      %swap3A_436 = vector.load %arg10[%swap3A_433, %swap3A_434, %swap3A_435] : memref<40x1x128xf32, #tpu.memory_space<vmem>>, vector<1x1x128xf32>
      %swap3A_437 = vector.shape_cast %swap3A_436 : vector<1x1x128xf32> to vector<1x128xf32>
      %swap3A_438 = vector.shape_cast %select_n3A_432 : vector<1x128xf32> to vector<1x1x128xf32>
      tpu.vector_store %arg10[%swap3A_433, %swap3A_434, %swap3A_435], %swap3A_438 {strides = array<i32>} : memref<40x1x128xf32, #tpu.memory_space<vmem>>, vector<1x1x128xf32>,
      %slice3A_439 = vector.extract_strided_slice %and3A_378 {offsets = [0, 512], sizes = [1, 128], strides = [1, 1]} : vector<1x2560xi1> to vector<1x128xi1>
      %get3A_440 = arith.constant 24 : index
      %get3A_441 = arith.constant 0 : index
      %get3A_442 = arith.constant 0 : index
      %get3A_443 = vector.load %arg10[%get3A_440, %get3A_441, %get3A_442] : memref<40x1x128xf32, #tpu.memory_space<vmem>>, vector<1x1x128xf32>
      %get3A_444 = vector.shape_cast %get3A_443 : vector<1x1x128xf32> to vector<1x128xf32>
      %jit3A_445 = arith.constant 0.000000e+00 : f32
      %broadcast_in_dim3A_446 = vector.broadcast %jit3A_445 : f32 to vector<1x128xf32>
      %select_n3A_447 = arith.select %slice3A_439, %broadcast_in_dim3A_446, %get3A_444 : vector<1x128xi1>, vector<1x128xf32>
      %swap3A_448 = arith.constant 24 : index
      %swap3A_449 = arith.constant 0 : index
      %swap3A_450 = arith.constant 0 : index
      %swap3A_451 = vector.load %arg10[%swap3A_448, %swap3A_449, %swap3A_450] : memref<40x1x128xf32, #tpu.memory_space<vmem>>, vector<1x1x128xf32>
      %swap3A_452 = vector.shape_cast %swap3A_451 : vector<1x1x128xf32> to vector<1x128xf32>
      %swap3A_453 = vector.shape_cast %select_n3A_447 : vector<1x128xf32> to vector<1x1x128xf32>
      tpu.vector_store %arg10[%swap3A_448, %swap3A_449, %swap3A_450], %swap3A_453 {strides = array<i32>} : memref<40x1x128xf32, #tpu.memory_space<vmem>>, vector<1x1x128xf32>,
      %slice3A_454 = vector.extract_strided_slice %and3A_378 {offsets = [0, 640], sizes = [1, 128], strides = [1, 1]} : vector<1x2560xi1> to vector<1x128xi1>
      %get3A_455 = arith.constant 25 : index
      %get3A_456 = arith.constant 0 : index
      %get3A_457 = arith.constant 0 : index
      %get3A_458 = vector.load %arg10[%get3A_455, %get3A_456, %get3A_457] : memref<40x1x128xf32, #tpu.memory_space<vmem>>, vector<1x1x128xf32>
      %get3A_459 = vector.shape_cast %get3A_458 : vector<1x1x128xf32> to vector<1x128xf32>
      %jit3A_460 = arith.constant 0.000000e+00 : f32
      %broadcast_in_dim3A_461 = vector.broadcast %jit3A_460 : f32 to vector<1x128xf32>
      %select_n3A_462 = arith.select %slice3A_454, %broadcast_in_dim3A_461, %get3A_459 : vector<1x128xi1>, vector<1x128xf32>
      %swap3A_463 = arith.constant 25 : index
      %swap3A_464 = arith.constant 0 : index
      %swap3A_465 = arith.constant 0 : index
      %swap3A_466 = vector.load %arg10[%swap3A_463, %swap3A_464, %swap3A_465] : memref<40x1x128xf32, #tpu.memory_space<vmem>>, vector<1x1x128xf32>
      %swap3A_467 = vector.shape_cast %swap3A_466 : vector<1x1x128xf32> to vector<1x128xf32>
      %swap3A_468 = vector.shape_cast %select_n3A_462 : vector<1x128xf32> to vector<1x1x128xf32>
      tpu.vector_store %arg10[%swap3A_463, %swap3A_464, %swap3A_465], %swap3A_468 {strides = array<i32>} : memref<40x1x128xf32, #tpu.memory_space<vmem>>, vector<1x1x128xf32>,
      %slice3A_469 = vector.extract_strided_slice %and3A_378 {offsets = [0, 768], sizes = [1, 128], strides = [1, 1]} : vector<1x2560xi1> to vector<1x128xi1>
      %get3A_470 = arith.constant 26 : index
      %get3A_471 = arith.constant 0 : index
      %get3A_472 = arith.constant 0 : index
      %get3A_473 = vector.load %arg10[%get3A_470, %get3A_471, %get3A_472] : memref<40x1x128xf32, #tpu.memory_space<vmem>>, vector<1x1x128xf32>
      %get3A_474 = vector.shape_cast %get3A_473 : vector<1x1x128xf32> to vector<1x128xf32>
      %jit3A_475 = arith.constant 0.000000e+00 : f32
      %broadcast_in_dim3A_476 = vector.broadcast %jit3A_475 : f32 to vector<1x128xf32>
      %select_n3A_477 = arith.select %slice3A_469, %broadcast_in_dim3A_476, %get3A_474 : vector<1x128xi1>, vector<1x128xf32>
      %swap3A_478 = arith.constant 26 : index
      %swap3A_479 = arith.constant 0 : index
      %swap3A_480 = arith.constant 0 : index
      %swap3A_481 = vector.load %arg10[%swap3A_478, %swap3A_479, %swap3A_480] : memref<40x1x128xf32, #tpu.memory_space<vmem>>, vector<1x1x128xf32>
      %swap3A_482 = vector.shape_cast %swap3A_481 : vector<1x1x128xf32> to vector<1x128xf32>
      %swap3A_483 = vector.shape_cast %select_n3A_477 : vector<1x128xf32> to vector<1x1x128xf32>
      tpu.vector_store %arg10[%swap3A_478, %swap3A_479, %swap3A_480], %swap3A_483 {strides = array<i32>} : memref<40x1x128xf32, #tpu.memory_space<vmem>>, vector<1x1x128xf32>,
      %slice3A_484 = vector.extract_strided_slice %and3A_378 {offsets = [0, 896], sizes = [1, 128], strides = [1, 1]} : vector<1x2560xi1> to vector<1x128xi1>
      %get3A_485 = arith.constant 27 : index
      %get3A_486 = arith.constant 0 : index
      %get3A_487 = arith.constant 0 : index
      %get3A_488 = vector.load %arg10[%get3A_485, %get3A_486, %get3A_487] : memref<40x1x128xf32, #tpu.memory_space<vmem>>, vector<1x1x128xf32>
      %get3A_489 = vector.shape_cast %get3A_488 : vector<1x1x128xf32> to vector<1x128xf32>
      %jit3A_490 = arith.constant 0.000000e+00 : f32
      %broadcast_in_dim3A_491 = vector.broadcast %jit3A_490 : f32 to vector<1x128xf32>
      %select_n3A_492 = arith.select %slice3A_484, %broadcast_in_dim3A_491, %get3A_489 : vector<1x128xi1>, vector<1x128xf32>
      %swap3A_493 = arith.constant 27 : index
      %swap3A_494 = arith.constant 0 : index
      %swap3A_495 = arith.constant 0 : index
      %swap3A_496 = vector.load %arg10[%swap3A_493, %swap3A_494, %swap3A_495] : memref<40x1x128xf32, #tpu.memory_space<vmem>>, vector<1x1x128xf32>
      %swap3A_497 = vector.shape_cast %swap3A_496 : vector<1x1x128xf32> to vector<1x128xf32>
      %swap3A_498 = vector.shape_cast %select_n3A_492 : vector<1x128xf32> to vector<1x1x128xf32>
      tpu.vector_store %arg10[%swap3A_493, %swap3A_494, %swap3A_495], %swap3A_498 {strides = array<i32>} : memref<40x1x128xf32, #tpu.memory_space<vmem>>, vector<1x1x128xf32>,
      %slice3A_499 = vector.extract_strided_slice %and3A_378 {offsets = [0, 1024], sizes = [1, 128], strides = [1, 1]} : vector<1x2560xi1> to vector<1x128xi1>
      %get3A_500 = arith.constant 28 : index
      %get3A_501 = arith.constant 0 : index
      %get3A_502 = arith.constant 0 : index
      %get3A_503 = vector.load %arg10[%get3A_500, %get3A_501, %get3A_502] : memref<40x1x128xf32, #tpu.memory_space<vmem>>, vector<1x1x128xf32>
      %get3A_504 = vector.shape_cast %get3A_503 : vector<1x1x128xf32> to vector<1x128xf32>
      %jit3A_505 = arith.constant 0.000000e+00 : f32
      %broadcast_in_dim3A_506 = vector.broadcast %jit3A_505 : f32 to vector<1x128xf32>
      %select_n3A_507 = arith.select %slice3A_499, %broadcast_in_dim3A_506, %get3A_504 : vector<1x128xi1>, vector<1x128xf32>
      %swap3A_508 = arith.constant 28 : index
      %swap3A_509 = arith.constant 0 : index
      %swap3A_510 = arith.constant 0 : index
      %swap3A_511 = vector.load %arg10[%swap3A_508, %swap3A_509, %swap3A_510] : memref<40x1x128xf32, #tpu.memory_space<vmem>>, vector<1x1x128xf32>
      %swap3A_512 = vector.shape_cast %swap3A_511 : vector<1x1x128xf32> to vector<1x128xf32>
      %swap3A_513 = vector.shape_cast %select_n3A_507 : vector<1x128xf32> to vector<1x1x128xf32>
      tpu.vector_store %arg10[%swap3A_508, %swap3A_509, %swap3A_510], %swap3A_513 {strides = array<i32>} : memref<40x1x128xf32, #tpu.memory_space<vmem>>, vector<1x1x128xf32>,
      %slice3A_514 = vector.extract_strided_slice %and3A_378 {offsets = [0, 1152], sizes = [1, 128], strides = [1, 1]} : vector<1x2560xi1> to vector<1x128xi1>
      %get3A_515 = arith.constant 29 : index
      %get3A_516 = arith.constant 0 : index
      %get3A_517 = arith.constant 0 : index
      %get3A_518 = vector.load %arg10[%get3A_515, %get3A_516, %get3A_517] : memref<40x1x128xf32, #tpu.memory_space<vmem>>, vector<1x1x128xf32>
      %get3A_519 = vector.shape_cast %get3A_518 : vector<1x1x128xf32> to vector<1x128xf32>
      %jit3A_520 = arith.constant 0.000000e+00 : f32
      %broadcast_in_dim3A_521 = vector.broadcast %jit3A_520 : f32 to vector<1x128xf32>
      %select_n3A_522 = arith.select %slice3A_514, %broadcast_in_dim3A_521, %get3A_519 : vector<1x128xi1>, vector<1x128xf32>
      %swap3A_523 = arith.constant 29 : index
      %swap3A_524 = arith.constant 0 : index
      %swap3A_525 = arith.constant 0 : index
      %swap3A_526 = vector.load %arg10[%swap3A_523, %swap3A_524, %swap3A_525] : memref<40x1x128xf32, #tpu.memory_space<vmem>>, vector<1x1x128xf32>
      %swap3A_527 = vector.shape_cast %swap3A_526 : vector<1x1x128xf32> to vector<1x128xf32>
      %swap3A_528 = vector.shape_cast %select_n3A_522 : vector<1x128xf32> to vector<1x1x128xf32>
      tpu.vector_store %arg10[%swap3A_523, %swap3A_524, %swap3A_525], %swap3A_528 {strides = array<i32>} : memref<40x1x128xf32, #tpu.memory_space<vmem>>, vector<1x1x128xf32>,
      %slice3A_529 = vector.extract_strided_slice %and3A_378 {offsets = [0, 1280], sizes = [1, 128], strides = [1, 1]} : vector<1x2560xi1> to vector<1x128xi1>
      %get3A_530 = arith.constant 30 : index
      %get3A_531 = arith.constant 0 : index
      %get3A_532 = arith.constant 0 : index
      %get3A_533 = vector.load %arg10[%get3A_530, %get3A_531, %get3A_532] : memref<40x1x128xf32, #tpu.memory_space<vmem>>, vector<1x1x128xf32>
      %get3A_534 = vector.shape_cast %get3A_533 : vector<1x1x128xf32> to vector<1x128xf32>
      %jit3A_535 = arith.constant 0.000000e+00 : f32
      %broadcast_in_dim3A_536 = vector.broadcast %jit3A_535 : f32 to vector<1x128xf32>
      %select_n3A_537 = arith.select %slice3A_529, %broadcast_in_dim3A_536, %get3A_534 : vector<1x128xi1>, vector<1x128xf32>
      %swap3A_538 = arith.constant 30 : index
      %swap3A_539 = arith.constant 0 : index
      %swap3A_540 = arith.constant 0 : index
      %swap3A_541 = vector.load %arg10[%swap3A_538, %swap3A_539, %swap3A_540] : memref<40x1x128xf32, #tpu.memory_space<vmem>>, vector<1x1x128xf32>
      %swap3A_542 = vector.shape_cast %swap3A_541 : vector<1x1x128xf32> to vector<1x128xf32>
      %swap3A_543 = vector.shape_cast %select_n3A_537 : vector<1x128xf32> to vector<1x1x128xf32>
      tpu.vector_store %arg10[%swap3A_538, %swap3A_539, %swap3A_540], %swap3A_543 {strides = array<i32>} : memref<40x1x128xf32, #tpu.memory_space<vmem>>, vector<1x1x128xf32>,
      %slice3A_544 = vector.extract_strided_slice %and3A_378 {offsets = [0, 1408], sizes = [1, 128], strides = [1, 1]} : vector<1x2560xi1> to vector<1x128xi1>
      %get3A_545 = arith.constant 31 : index
      %get3A_546 = arith.constant 0 : index
      %get3A_547 = arith.constant 0 : index
      %get3A_548 = vector.load %arg10[%get3A_545, %get3A_546, %get3A_547] : memref<40x1x128xf32, #tpu.memory_space<vmem>>, vector<1x1x128xf32>
      %get3A_549 = vector.shape_cast %get3A_548 : vector<1x1x128xf32> to vector<1x128xf32>
      %jit3A_550 = arith.constant 0.000000e+00 : f32
      %broadcast_in_dim3A_551 = vector.broadcast %jit3A_550 : f32 to vector<1x128xf32>
      %select_n3A_552 = arith.select %slice3A_544, %broadcast_in_dim3A_551, %get3A_549 : vector<1x128xi1>, vector<1x128xf32>
      %swap3A_553 = arith.constant 31 : index
      %swap3A_554 = arith.constant 0 : index
      %swap3A_555 = arith.constant 0 : index
      %swap3A_556 = vector.load %arg10[%swap3A_553, %swap3A_554, %swap3A_555] : memref<40x1x128xf32, #tpu.memory_space<vmem>>, vector<1x1x128xf32>
      %swap3A_557 = vector.shape_cast %swap3A_556 : vector<1x1x128xf32> to vector<1x128xf32>
      %swap3A_558 = vector.shape_cast %select_n3A_552 : vector<1x128xf32> to vector<1x1x128xf32>
      tpu.vector_store %arg10[%swap3A_553, %swap3A_554, %swap3A_555], %swap3A_558 {strides = array<i32>} : memref<40x1x128xf32, #tpu.memory_space<vmem>>, vector<1x1x128xf32>,
      %slice3A_559 = vector.extract_strided_slice %and3A_378 {offsets = [0, 1536], sizes = [1, 128], strides = [1, 1]} : vector<1x2560xi1> to vector<1x128xi1>
      %get3A_560 = arith.constant 32 : index
      %get3A_561 = arith.constant 0 : index
      %get3A_562 = arith.constant 0 : index
      %get3A_563 = vector.load %arg10[%get3A_560, %get3A_561, %get3A_562] : memref<40x1x128xf32, #tpu.memory_space<vmem>>, vector<1x1x128xf32>
      %get3A_564 = vector.shape_cast %get3A_563 : vector<1x1x128xf32> to vector<1x128xf32>
      %jit3A_565 = arith.constant 0.000000e+00 : f32
      %broadcast_in_dim3A_566 = vector.broadcast %jit3A_565 : f32 to vector<1x128xf32>
      %select_n3A_567 = arith.select %slice3A_559, %broadcast_in_dim3A_566, %get3A_564 : vector<1x128xi1>, vector<1x128xf32>
      %swap3A_568 = arith.constant 32 : index
      %swap3A_569 = arith.constant 0 : index
      %swap3A_570 = arith.constant 0 : index
      %swap3A_571 = vector.load %arg10[%swap3A_568, %swap3A_569, %swap3A_570] : memref<40x1x128xf32, #tpu.memory_space<vmem>>, vector<1x1x128xf32>
      %swap3A_572 = vector.shape_cast %swap3A_571 : vector<1x1x128xf32> to vector<1x128xf32>
      %swap3A_573 = vector.shape_cast %select_n3A_567 : vector<1x128xf32> to vector<1x1x128xf32>
      tpu.vector_store %arg10[%swap3A_568, %swap3A_569, %swap3A_570], %swap3A_573 {strides = array<i32>} : memref<40x1x128xf32, #tpu.memory_space<vmem>>, vector<1x1x128xf32>,
      %slice3A_574 = vector.extract_strided_slice %and3A_378 {offsets = [0, 1664], sizes = [1, 128], strides = [1, 1]} : vector<1x2560xi1> to vector<1x128xi1>
      %get3A_575 = arith.constant 33 : index
      %get3A_576 = arith.constant 0 : index
      %get3A_577 = arith.constant 0 : index
      %get3A_578 = vector.load %arg10[%get3A_575, %get3A_576, %get3A_577] : memref<40x1x128xf32, #tpu.memory_space<vmem>>, vector<1x1x128xf32>
      %get3A_579 = vector.shape_cast %get3A_578 : vector<1x1x128xf32> to vector<1x128xf32>
      %jit3A_580 = arith.constant 0.000000e+00 : f32
      %broadcast_in_dim3A_581 = vector.broadcast %jit3A_580 : f32 to vector<1x128xf32>
      %select_n3A_582 = arith.select %slice3A_574, %broadcast_in_dim3A_581, %get3A_579 : vector<1x128xi1>, vector<1x128xf32>
      %swap3A_583 = arith.constant 33 : index
      %swap3A_584 = arith.constant 0 : index
      %swap3A_585 = arith.constant 0 : index
      %swap3A_586 = vector.load %arg10[%swap3A_583, %swap3A_584, %swap3A_585] : memref<40x1x128xf32, #tpu.memory_space<vmem>>, vector<1x1x128xf32>
      %swap3A_587 = vector.shape_cast %swap3A_586 : vector<1x1x128xf32> to vector<1x128xf32>
      %swap3A_588 = vector.shape_cast %select_n3A_582 : vector<1x128xf32> to vector<1x1x128xf32>
      tpu.vector_store %arg10[%swap3A_583, %swap3A_584, %swap3A_585], %swap3A_588 {strides = array<i32>} : memref<40x1x128xf32, #tpu.memory_space<vmem>>, vector<1x1x128xf32>,
      %slice3A_589 = vector.extract_strided_slice %and3A_378 {offsets = [0, 1792], sizes = [1, 128], strides = [1, 1]} : vector<1x2560xi1> to vector<1x128xi1>
      %get3A_590 = arith.constant 34 : index
      %get3A_591 = arith.constant 0 : index
      %get3A_592 = arith.constant 0 : index
      %get3A_593 = vector.load %arg10[%get3A_590, %get3A_591, %get3A_592] : memref<40x1x128xf32, #tpu.memory_space<vmem>>, vector<1x1x128xf32>
      %get3A_594 = vector.shape_cast %get3A_593 : vector<1x1x128xf32> to vector<1x128xf32>
      %jit3A_595 = arith.constant 0.000000e+00 : f32
      %broadcast_in_dim3A_596 = vector.broadcast %jit3A_595 : f32 to vector<1x128xf32>
      %select_n3A_597 = arith.select %slice3A_589, %broadcast_in_dim3A_596, %get3A_594 : vector<1x128xi1>, vector<1x128xf32>
      %swap3A_598 = arith.constant 34 : index
      %swap3A_599 = arith.constant 0 : index
      %swap3A_600 = arith.constant 0 : index
      %swap3A_601 = vector.load %arg10[%swap3A_598, %swap3A_599, %swap3A_600] : memref<40x1x128xf32, #tpu.memory_space<vmem>>, vector<1x1x128xf32>
      %swap3A_602 = vector.shape_cast %swap3A_601 : vector<1x1x128xf32> to vector<1x128xf32>
      %swap3A_603 = vector.shape_cast %select_n3A_597 : vector<1x128xf32> to vector<1x1x128xf32>
      tpu.vector_store %arg10[%swap3A_598, %swap3A_599, %swap3A_600], %swap3A_603 {strides = array<i32>} : memref<40x1x128xf32, #tpu.memory_space<vmem>>, vector<1x1x128xf32>,
      %slice3A_604 = vector.extract_strided_slice %and3A_378 {offsets = [0, 1920], sizes = [1, 128], strides = [1, 1]} : vector<1x2560xi1> to vector<1x128xi1>
      %get3A_605 = arith.constant 35 : index
      %get3A_606 = arith.constant 0 : index
      %get3A_607 = arith.constant 0 : index
      %get3A_608 = vector.load %arg10[%get3A_605, %get3A_606, %get3A_607] : memref<40x1x128xf32, #tpu.memory_space<vmem>>, vector<1x1x128xf32>
      %get3A_609 = vector.shape_cast %get3A_608 : vector<1x1x128xf32> to vector<1x128xf32>
      %jit3A_610 = arith.constant 0.000000e+00 : f32
      %broadcast_in_dim3A_611 = vector.broadcast %jit3A_610 : f32 to vector<1x128xf32>
      %select_n3A_612 = arith.select %slice3A_604, %broadcast_in_dim3A_611, %get3A_609 : vector<1x128xi1>, vector<1x128xf32>
      %swap3A_613 = arith.constant 35 : index
      %swap3A_614 = arith.constant 0 : index
      %swap3A_615 = arith.constant 0 : index
      %swap3A_616 = vector.load %arg10[%swap3A_613, %swap3A_614, %swap3A_615] : memref<40x1x128xf32, #tpu.memory_space<vmem>>, vector<1x1x128xf32>
      %swap3A_617 = vector.shape_cast %swap3A_616 : vector<1x1x128xf32> to vector<1x128xf32>
      %swap3A_618 = vector.shape_cast %select_n3A_612 : vector<1x128xf32> to vector<1x1x128xf32>
      tpu.vector_store %arg10[%swap3A_613, %swap3A_614, %swap3A_615], %swap3A_618 {strides = array<i32>} : memref<40x1x128xf32, #tpu.memory_space<vmem>>, vector<1x1x128xf32>,
      %slice3A_619 = vector.extract_strided_slice %and3A_378 {offsets = [0, 2048], sizes = [1, 128], strides = [1, 1]} : vector<1x2560xi1> to vector<1x128xi1>
      %get3A_620 = arith.constant 36 : index
      %get3A_621 = arith.constant 0 : index
      %get3A_622 = arith.constant 0 : index
      %get3A_623 = vector.load %arg10[%get3A_620, %get3A_621, %get3A_622] : memref<40x1x128xf32, #tpu.memory_space<vmem>>, vector<1x1x128xf32>
      %get3A_624 = vector.shape_cast %get3A_623 : vector<1x1x128xf32> to vector<1x128xf32>
      %jit3A_625 = arith.constant 0.000000e+00 : f32
      %broadcast_in_dim3A_626 = vector.broadcast %jit3A_625 : f32 to vector<1x128xf32>
      %select_n3A_627 = arith.select %slice3A_619, %broadcast_in_dim3A_626, %get3A_624 : vector<1x128xi1>, vector<1x128xf32>
      %swap3A_628 = arith.constant 36 : index
      %swap3A_629 = arith.constant 0 : index
      %swap3A_630 = arith.constant 0 : index
      %swap3A_631 = vector.load %arg10[%swap3A_628, %swap3A_629, %swap3A_630] : memref<40x1x128xf32, #tpu.memory_space<vmem>>, vector<1x1x128xf32>
      %swap3A_632 = vector.shape_cast %swap3A_631 : vector<1x1x128xf32> to vector<1x128xf32>
      %swap3A_633 = vector.shape_cast %select_n3A_627 : vector<1x128xf32> to vector<1x1x128xf32>
      tpu.vector_store %arg10[%swap3A_628, %swap3A_629, %swap3A_630], %swap3A_633 {strides = array<i32>} : memref<40x1x128xf32, #tpu.memory_space<vmem>>, vector<1x1x128xf32>,
      %slice3A_634 = vector.extract_strided_slice %and3A_378 {offsets = [0, 2176], sizes = [1, 128], strides = [1, 1]} : vector<1x2560xi1> to vector<1x128xi1>
      %get3A_635 = arith.constant 37 : index
      %get3A_636 = arith.constant 0 : index
      %get3A_637 = arith.constant 0 : index
      %get3A_638 = vector.load %arg10[%get3A_635, %get3A_636, %get3A_637] : memref<40x1x128xf32, #tpu.memory_space<vmem>>, vector<1x1x128xf32>
      %get3A_639 = vector.shape_cast %get3A_638 : vector<1x1x128xf32> to vector<1x128xf32>
      %jit3A_640 = arith.constant 0.000000e+00 : f32
      %broadcast_in_dim3A_641 = vector.broadcast %jit3A_640 : f32 to vector<1x128xf32>
      %select_n3A_642 = arith.select %slice3A_634, %broadcast_in_dim3A_641, %get3A_639 : vector<1x128xi1>, vector<1x128xf32>
      %swap3A_643 = arith.constant 37 : index
      %swap3A_644 = arith.constant 0 : index
      %swap3A_645 = arith.constant 0 : index
      %swap3A_646 = vector.load %arg10[%swap3A_643, %swap3A_644, %swap3A_645] : memref<40x1x128xf32, #tpu.memory_space<vmem>>, vector<1x1x128xf32>
      %swap3A_647 = vector.shape_cast %swap3A_646 : vector<1x1x128xf32> to vector<1x128xf32>
      %swap3A_648 = vector.shape_cast %select_n3A_642 : vector<1x128xf32> to vector<1x1x128xf32>
      tpu.vector_store %arg10[%swap3A_643, %swap3A_644, %swap3A_645], %swap3A_648 {strides = array<i32>} : memref<40x1x128xf32, #tpu.memory_space<vmem>>, vector<1x1x128xf32>,
      %slice3A_649 = vector.extract_strided_slice %and3A_378 {offsets = [0, 2304], sizes = [1, 128], strides = [1, 1]} : vector<1x2560xi1> to vector<1x128xi1>
      %get3A_650 = arith.constant 38 : index
      %get3A_651 = arith.constant 0 : index
      %get3A_652 = arith.constant 0 : index
      %get3A_653 = vector.load %arg10[%get3A_650, %get3A_651, %get3A_652] : memref<40x1x128xf32, #tpu.memory_space<vmem>>, vector<1x1x128xf32>
      %get3A_654 = vector.shape_cast %get3A_653 : vector<1x1x128xf32> to vector<1x128xf32>
      %jit3A_655 = arith.constant 0.000000e+00 : f32
      %broadcast_in_dim3A_656 = vector.broadcast %jit3A_655 : f32 to vector<1x128xf32>
      %select_n3A_657 = arith.select %slice3A_649, %broadcast_in_dim3A_656, %get3A_654 : vector<1x128xi1>, vector<1x128xf32>
      %swap3A_658 = arith.constant 38 : index
      %swap3A_659 = arith.constant 0 : index
      %swap3A_660 = arith.constant 0 : index
      %swap3A_661 = vector.load %arg10[%swap3A_658, %swap3A_659, %swap3A_660] : memref<40x1x128xf32, #tpu.memory_space<vmem>>, vector<1x1x128xf32>
      %swap3A_662 = vector.shape_cast %swap3A_661 : vector<1x1x128xf32> to vector<1x128xf32>
      %swap3A_663 = vector.shape_cast %select_n3A_657 : vector<1x128xf32> to vector<1x1x128xf32>
      tpu.vector_store %arg10[%swap3A_658, %swap3A_659, %swap3A_660], %swap3A_663 {strides = array<i32>} : memref<40x1x128xf32, #tpu.memory_space<vmem>>, vector<1x1x128xf32>,
      %slice3A_664 = vector.extract_strided_slice %and3A_378 {offsets = [0, 2432], sizes = [1, 128], strides = [1, 1]} : vector<1x2560xi1> to vector<1x128xi1>
      %get3A_665 = arith.constant 39 : index
      %get3A_666 = arith.constant 0 : index
      %get3A_667 = arith.constant 0 : index
      %get3A_668 = vector.load %arg10[%get3A_665, %get3A_666, %get3A_667] : memref<40x1x128xf32, #tpu.memory_space<vmem>>, vector<1x1x128xf32>
      %get3A_669 = vector.shape_cast %get3A_668 : vector<1x1x128xf32> to vector<1x128xf32>
      %jit3A_670 = arith.constant 0.000000e+00 : f32
      %broadcast_in_dim3A_671 = vector.broadcast %jit3A_670 : f32 to vector<1x128xf32>
      %select_n3A_672 = arith.select %slice3A_664, %broadcast_in_dim3A_671, %get3A_669 : vector<1x128xi1>, vector<1x128xf32>
      %swap3A_673 = arith.constant 39 : index
      %swap3A_674 = arith.constant 0 : index
      %swap3A_675 = arith.constant 0 : index
      %swap3A_676 = vector.load %arg10[%swap3A_673, %swap3A_674, %swap3A_675] : memref<40x1x128xf32, #tpu.memory_space<vmem>>, vector<1x1x128xf32>
      %swap3A_677 = vector.shape_cast %swap3A_676 : vector<1x1x128xf32> to vector<1x128xf32>
      %swap3A_678 = vector.shape_cast %select_n3A_672 : vector<1x128xf32> to vector<1x1x128xf32>
      tpu.vector_store %arg10[%swap3A_673, %swap3A_674, %swap3A_675], %swap3A_678 {strides = array<i32>} : memref<40x1x128xf32, #tpu.memory_space<vmem>>, vector<1x1x128xf32>,
    }
    %scan3A_120 = arith.constant 5 : i32
    %slice3A_121 = vector.extract_strided_slice %get3A_6 {offsets = [0, 3200], sizes = [1, 1920], strides = [1, 1]} : vector<1x5120xf32> to vector<1x1920xf32>
    %slice3A_122 = vector.extract_strided_slice %get3A_9 {offsets = [0, 3200], sizes = [1, 1920], strides = [1, 1]} : vector<1x5120xf32> to vector<1x1920xf32>
    %slice3A_123 = vector.extract_strided_slice %get3A_12 {offsets = [0, 3200], sizes = [1, 1920], strides = [1, 1]} : vector<1x5120xf32> to vector<1x1920xf32>
    %slice3A_124 = vector.extract_strided_slice %get3A_15 {offsets = [0, 3200], sizes = [1, 1920], strides = [1, 1]} : vector<1x5120xf32> to vector<1x1920xf32>
    %sub3A_125 = arith.subf %slice3A_123, %slice3A_121 : vector<1x1920xf32>
    %sub3A_126 = arith.subf %slice3A_124, %slice3A_122 : vector<1x1920xf32>
    %mul3A_127 = arith.mulf %sub3A_125, %sub3A_126 : vector<1x1920xf32>
    %add3A_128 = arith.constant 9.99999993E-9 : f32
    %add3A_129 = vector.broadcast %add3A_128 : f32 to vector<1x1920xf32>
    %add3A_130 = arith.addf %mul3A_127, %add3A_129 : vector<1x1920xf32>
    %mul3A_131 = arith.constant 0.411764711 : f32
    %mul3A_132 = vector.broadcast %mul3A_131 : f32 to vector<1x1920xf32>
    %mul3A_133 = arith.mulf %add3A_130, %mul3A_132 : vector<1x1920xf32>
    %iota3A_134 = tpu.iota {dimensions = array<i32: 1>} : vector<1x1920xi32>
    %add3A_135 = arith.constant 3200 : i32
    %add3A_136 = vector.broadcast %add3A_135 : i32 to vector<1x1920xi32>
    %add3A_137 = arith.addi %iota3A_134, %add3A_136 : vector<1x1920xi32>
    %scan3A_138 = arith.constant 25 : i32
    %scan3A_139 = arith.constant 5 : i32
    %scan3A_140 = arith.addi %scan3A_138, %scan3A_139 : i32
    %scan3A_141 = arith.constant 1 : i32
    scf.for %scan3A_259 = %scan3A_138 to %scan3A_140 step %scan3A_141  : i32 {
      %mul3A_260 = arith.constant 128 : i32
      %mul3A_261 = arith.muli %scan3A_259, %mul3A_260 : i32
      %get3A_262 = arith.index_cast %mul3A_261 : i32 to index
      %get3A_263 = arith.constant 0 : index
      %get3A_264 = vector.load %arg0[%get3A_262, %get3A_263] : memref<5120x4xf32, #tpu.memory_space<vmem>>, vector<128x4xf32>
      %slice3A_265 = vector.extract_strided_slice %get3A_264 {offsets = [0, 0], sizes = [128, 1], strides = [1, 1]} : vector<128x4xf32> to vector<128x1xf32>
      %slice3A_266 = vector.extract_strided_slice %get3A_264 {offsets = [0, 1], sizes = [128, 1], strides = [1, 1]} : vector<128x4xf32> to vector<128x1xf32>
      %slice3A_267 = vector.extract_strided_slice %get3A_264 {offsets = [0, 2], sizes = [128, 1], strides = [1, 1]} : vector<128x4xf32> to vector<128x1xf32>
      %slice3A_268 = vector.extract_strided_slice %get3A_264 {offsets = [0, 3], sizes = [128, 1], strides = [1, 1]} : vector<128x4xf32> to vector<128x1xf32>
      %sub3A_269 = arith.subf %slice3A_267, %slice3A_265 : vector<128x1xf32>
      %sub3A_270 = arith.subf %slice3A_268, %slice3A_266 : vector<128x1xf32>
      %mul3A_271 = arith.mulf %sub3A_269, %sub3A_270 : vector<128x1xf32>
      %mul3A_272 = arith.constant 0.411764711 : f32
      %mul3A_273 = vector.broadcast %mul3A_272 : f32 to vector<128x1xf32>
      %mul3A_274 = arith.mulf %mul3A_271, %mul3A_273 : vector<128x1xf32>
      %get3A_275 = arith.index_cast %scan3A_259 : i32 to index
      %get3A_276 = arith.constant 0 : index
      %get3A_277 = arith.constant 0 : index
      %get3A_278 = vector.load %arg1[%get3A_275, %get3A_276, %get3A_277] : memref<40x1x128xf32, #tpu.memory_space<vmem>>, vector<1x1x128xf32>
      %get3A_279 = vector.shape_cast %get3A_278 : vector<1x1x128xf32> to vector<1x128xf32>
      %get3A_280 = arith.index_cast %scan3A_259 : i32 to index
      %get3A_281 = arith.constant 0 : index
      %get3A_282 = arith.constant 0 : index
      %get3A_283 = vector.load %arg2[%get3A_280, %get3A_281, %get3A_282] : memref<40x1x128xf32, #tpu.memory_space<vmem>>, vector<1x1x128xf32>
      %get3A_284 = vector.shape_cast %get3A_283 : vector<1x1x128xf32> to vector<1x128xf32>
      %get3A_285 = arith.index_cast %scan3A_259 : i32 to index
      %get3A_286 = arith.constant 0 : index
      %get3A_287 = arith.constant 0 : index
      %get3A_288 = vector.load %arg3[%get3A_285, %get3A_286, %get3A_287] : memref<40x1x128xf32, #tpu.memory_space<vmem>>, vector<1x1x128xf32>
      %get3A_289 = vector.shape_cast %get3A_288 : vector<1x1x128xf32> to vector<1x128xf32>
      %get3A_290 = arith.index_cast %scan3A_259 : i32 to index
      %get3A_291 = arith.constant 0 : index
      %get3A_292 = arith.constant 0 : index
      %get3A_293 = vector.load %arg4[%get3A_290, %get3A_291, %get3A_292] : memref<40x1x128xf32, #tpu.memory_space<vmem>>, vector<1x1x128xf32>
      %get3A_294 = vector.shape_cast %get3A_293 : vector<1x1x128xf32> to vector<1x128xf32>
      %sub3A_295 = arith.subf %get3A_289, %get3A_279 : vector<1x128xf32>
      %sub3A_296 = arith.subf %get3A_294, %get3A_284 : vector<1x128xf32>
      %mul3A_297 = arith.mulf %sub3A_295, %sub3A_296 : vector<1x128xf32>
      %add3A_298 = arith.constant 9.99999993E-9 : f32
      %add3A_299 = vector.broadcast %add3A_298 : f32 to vector<1x128xf32>
      %add3A_300 = arith.addf %mul3A_297, %add3A_299 : vector<1x128xf32>
      %mul3A_301 = arith.constant 0.411764711 : f32
      %mul3A_302 = vector.broadcast %mul3A_301 : f32 to vector<1x128xf32>
      %mul3A_303 = arith.mulf %add3A_300, %mul3A_302 : vector<1x128xf32>
      %max3A = vector.broadcast %slice3A_265 : vector<128x1xf32> to vector<128x128xf32>
      %max3A_304 = vector.broadcast %get3A_279 : vector<1x128xf32> to vector<128x128xf32>
      %max3A_305 = arith.maximumf %max3A, %max3A_304 : vector<128x128xf32>
      %max3A_306 = vector.broadcast %slice3A_266 : vector<128x1xf32> to vector<128x128xf32>
      %max3A_307 = vector.broadcast %get3A_284 : vector<1x128xf32> to vector<128x128xf32>
      %max3A_308 = arith.maximumf %max3A_306, %max3A_307 : vector<128x128xf32>
      %min3A = vector.broadcast %slice3A_267 : vector<128x1xf32> to vector<128x128xf32>
      %min3A_309 = vector.broadcast %get3A_289 : vector<1x128xf32> to vector<128x128xf32>
      %min3A_310 = arith.minimumf %min3A, %min3A_309 : vector<128x128xf32>
      %min3A_311 = vector.broadcast %slice3A_268 : vector<128x1xf32> to vector<128x128xf32>
      %min3A_312 = vector.broadcast %get3A_294 : vector<1x128xf32> to vector<128x128xf32>
      %min3A_313 = arith.minimumf %min3A_311, %min3A_312 : vector<128x128xf32>
      %sub3A_314 = arith.subf %min3A_310, %max3A_305 : vector<128x128xf32>
      %max3A_315 = arith.constant 0.000000e+00 : f32
      %max3A_316 = vector.broadcast %max3A_315 : f32 to vector<128x128xf32>
      %max3A_317 = arith.maximumf %sub3A_314, %max3A_316 : vector<128x128xf32>
      %sub3A_318 = arith.subf %min3A_313, %max3A_308 : vector<128x128xf32>
      %max3A_319 = arith.constant 0.000000e+00 : f32
      %max3A_320 = vector.broadcast %max3A_319 : f32 to vector<128x128xf32>
      %max3A_321 = arith.maximumf %sub3A_318, %max3A_320 : vector<128x128xf32>
      %mul3A_322 = arith.mulf %max3A_317, %max3A_321 : vector<128x128xf32>
      %add3A_323 = vector.broadcast %mul3A_274 : vector<128x1xf32> to vector<128x128xf32>
      %add3A_324 = vector.broadcast %mul3A_303 : vector<1x128xf32> to vector<128x128xf32>
      %add3A_325 = arith.addf %add3A_323, %add3A_324 : vector<128x128xf32>
      %gt3A_326 = arith.cmpf ogt, %mul3A_322, %add3A_325 : vector<128x128xf32>
      %and3A = arith.andi %gt3A_326, %gt3A : vector<128x128xi1>
      %convert_element_type3A_327 = arith.extui %and3A : vector<128x128xi1> to vector<128x128xi32>
      %convert_element_type3A_328 = arith.sitofp %convert_element_type3A_327 : vector<128x128xi32> to vector<128x128xf32>
      %get3A_329 = arith.index_cast %scan3A_259 : i32 to index
      %get3A_330 = arith.constant 0 : index
      %get3A_331 = arith.constant 0 : index
      %get3A_332 = vector.load %arg10[%get3A_329, %get3A_330, %get3A_331] : memref<40x1x128xf32, #tpu.memory_space<vmem>>, vector<1x1x128xf32>
      %get3A_333 = vector.shape_cast %get3A_332 : vector<1x1x128xf32> to vector<1x128xf32>
      %while3A = arith.constant true
      %while3A_334:2 = scf.while (%while3A_604 = %get3A_333, %while3A_605 = %while3A) : (vector<1x128xf32>, i1) -> (vector<1x128xf32>, i1) {
        scf.condition(%while3A_605) %while3A_604, %while3A_605 : vector<1x128xf32>, i1
      } do {
      ^bb0(%while3A_604: vector<1x128xf32>, %while3A_605: i1):
        %dot_general3A_606 = arith.constant dense<0.000000e+00> : vector<1x128xf32>
        %dot_general3A_607 = tpu.matmul %while3A_604, %convert_element_type3A_328, %dot_general3A_606 {dimension_numbers = #tpu.dot_dimension_numbers<[1], [0], [0], [1], [0, 0, 1, 1], [], []>, transpose_lhs_hint = false} : vector<1x128xf32>, vector<128x128xf32>, vector<1x128xf32> -> vector<1x128xf32>
        %gt3A_608 = arith.constant 0.000000e+00 : f32
        %gt3A_609 = vector.broadcast %gt3A_608 : f32 to vector<1x128xf32>
        %gt3A_610 = arith.cmpf ogt, %dot_general3A_607, %gt3A_609 : vector<1x128xf32>
        %jit3A_611 = arith.constant 0.000000e+00 : f32
        %broadcast_in_dim3A_612 = vector.broadcast %jit3A_611 : f32 to vector<1x128xf32>
        %select_n3A_613 = arith.select %gt3A_610, %broadcast_in_dim3A_612, %get3A_333 : vector<1x128xi1>, vector<1x128xf32>
        %ne3A = arith.cmpf one, %select_n3A_613, %while3A_604 : vector<1x128xf32>
        %reduce_or3A = arith.constant 1.000000e+00 : f32
        %reduce_or3A_614 = arith.constant 0.000000e+00 : f32
        %reduce_or3A_615 = vector.broadcast %reduce_or3A : f32 to vector<1x128xf32>
        %reduce_or3A_616 = vector.broadcast %reduce_or3A_614 : f32 to vector<1x128xf32>
        %reduce_or3A_617 = arith.select %ne3A, %reduce_or3A_615, %reduce_or3A_616 : vector<1x128xi1>, vector<1x128xf32>
        %reduce_or3A_618 = vector.shape_cast %reduce_or3A_617 : vector<1x128xf32> to vector<1x1x128xf32>
        %reduce_or3A_619 = arith.constant dense<0xFF800000> : vector<1xf32>
        %reduce_or3A_620 = vector.multi_reduction <maximumf>, %reduce_or3A_618, %reduce_or3A_619 [1, 2] : vector<1x1x128xf32> to vector<1xf32>
        %reduce_or3A_621 = vector.shape_cast %reduce_or3A_620 : vector<1xf32> to vector<1x1x1xf32>
        %reduce_or3A_622 = vector.extract %reduce_or3A_621[0, 0, 0] : f32 from vector<1x1x1xf32>
        %reduce_or3A_623 = arith.constant 0.000000e+00 : f32
        %reduce_or3A_624 = arith.cmpf ogt, %reduce_or3A_622, %reduce_or3A_623 : f32
        scf.yield %select_n3A_613, %reduce_or3A_624 : vector<1x128xf32>, i1
      }
      %swap3A_335 = arith.index_cast %scan3A_259 : i32 to index
      %swap3A_336 = arith.constant 0 : index
      %swap3A_337 = arith.constant 0 : index
      %swap3A_338 = vector.load %arg10[%swap3A_335, %swap3A_336, %swap3A_337] : memref<40x1x128xf32, #tpu.memory_space<vmem>>, vector<1x1x128xf32>
      %swap3A_339 = vector.shape_cast %swap3A_338 : vector<1x1x128xf32> to vector<1x128xf32>
      %swap3A_340 = vector.shape_cast %while3A_334#0 : vector<1x128xf32> to vector<1x1x128xf32>
      tpu.vector_store %arg10[%swap3A_335, %swap3A_336, %swap3A_337], %swap3A_340 {strides = array<i32>} : memref<40x1x128xf32, #tpu.memory_space<vmem>>, vector<1x1x128xf32>,
      %max3A_341 = vector.broadcast %slice3A_265 : vector<128x1xf32> to vector<128x1920xf32>
      %max3A_342 = vector.broadcast %slice3A_121 : vector<1x1920xf32> to vector<128x1920xf32>
      %max3A_343 = arith.maximumf %max3A_341, %max3A_342 : vector<128x1920xf32>
      %max3A_344 = vector.broadcast %slice3A_266 : vector<128x1xf32> to vector<128x1920xf32>
      %max3A_345 = vector.broadcast %slice3A_122 : vector<1x1920xf32> to vector<128x1920xf32>
      %max3A_346 = arith.maximumf %max3A_344, %max3A_345 : vector<128x1920xf32>
      %min3A_347 = vector.broadcast %slice3A_267 : vector<128x1xf32> to vector<128x1920xf32>
      %min3A_348 = vector.broadcast %slice3A_123 : vector<1x1920xf32> to vector<128x1920xf32>
      %min3A_349 = arith.minimumf %min3A_347, %min3A_348 : vector<128x1920xf32>
      %min3A_350 = vector.broadcast %slice3A_268 : vector<128x1xf32> to vector<128x1920xf32>
      %min3A_351 = vector.broadcast %slice3A_124 : vector<1x1920xf32> to vector<128x1920xf32>
      %min3A_352 = arith.minimumf %min3A_350, %min3A_351 : vector<128x1920xf32>
      %sub3A_353 = arith.subf %min3A_349, %max3A_343 : vector<128x1920xf32>
      %max3A_354 = arith.constant 0.000000e+00 : f32
      %max3A_355 = vector.broadcast %max3A_354 : f32 to vector<128x1920xf32>
      %max3A_356 = arith.maximumf %sub3A_353, %max3A_355 : vector<128x1920xf32>
      %sub3A_357 = arith.subf %min3A_352, %max3A_346 : vector<128x1920xf32>
      %max3A_358 = arith.constant 0.000000e+00 : f32
      %max3A_359 = vector.broadcast %max3A_358 : f32 to vector<128x1920xf32>
      %max3A_360 = arith.maximumf %sub3A_357, %max3A_359 : vector<128x1920xf32>
      %mul3A_361 = arith.mulf %max3A_356, %max3A_360 : vector<128x1920xf32>
      %add3A_362 = vector.broadcast %mul3A_274 : vector<128x1xf32> to vector<128x1920xf32>
      %add3A_363 = vector.broadcast %mul3A_133 : vector<1x1920xf32> to vector<128x1920xf32>
      %add3A_364 = arith.addf %add3A_362, %add3A_363 : vector<128x1920xf32>
      %gt3A_365 = arith.cmpf ogt, %mul3A_361, %add3A_364 : vector<128x1920xf32>
      %convert_element_type3A_366 = arith.extui %gt3A_365 : vector<128x1920xi1> to vector<128x1920xi32>
      %convert_element_type3A_367 = arith.sitofp %convert_element_type3A_366 : vector<128x1920xi32> to vector<128x1920xf32>
      %dot_general3A_368 = arith.constant dense<0.000000e+00> : vector<1x1920xf32>
      %dot_general3A_369 = tpu.matmul %while3A_334#0, %convert_element_type3A_367, %dot_general3A_368 {dimension_numbers = #tpu.dot_dimension_numbers<[1], [0], [0], [1], [0, 0, 1, 1], [], []>, transpose_lhs_hint = false} : vector<1x128xf32>, vector<128x1920xf32>, vector<1x1920xf32> -> vector<1x1920xf32>
      %gt3A_370 = arith.constant 0.000000e+00 : f32
      %gt3A_371 = vector.broadcast %gt3A_370 : f32 to vector<1x1920xf32>
      %gt3A_372 = arith.cmpf ogt, %dot_general3A_369, %gt3A_371 : vector<1x1920xf32>
      %add3A_373 = arith.constant 1 : i32
      %add3A_374 = arith.addi %scan3A_259, %add3A_373 : i32
      %mul3A_375 = arith.constant 128 : i32
      %mul3A_376 = arith.muli %add3A_374, %mul3A_375 : i32
      %ge3A = vector.broadcast %mul3A_376 : i32 to vector<1x1920xi32>
      %ge3A_377 = arith.cmpi sge, %add3A_137, %ge3A : vector<1x1920xi32>
      %and3A_378 = arith.andi %gt3A_372, %ge3A_377 : vector<1x1920xi1>
      %slice3A_379 = vector.extract_strided_slice %and3A_378 {offsets = [0, 0], sizes = [1, 128], strides = [1, 1]} : vector<1x1920xi1> to vector<1x128xi1>
      %get3A_380 = arith.constant 25 : index
      %get3A_381 = arith.constant 0 : index
      %get3A_382 = arith.constant 0 : index
      %get3A_383 = vector.load %arg10[%get3A_380, %get3A_381, %get3A_382] : memref<40x1x128xf32, #tpu.memory_space<vmem>>, vector<1x1x128xf32>
      %get3A_384 = vector.shape_cast %get3A_383 : vector<1x1x128xf32> to vector<1x128xf32>
      %jit3A_385 = arith.constant 0.000000e+00 : f32
      %broadcast_in_dim3A_386 = vector.broadcast %jit3A_385 : f32 to vector<1x128xf32>
      %select_n3A_387 = arith.select %slice3A_379, %broadcast_in_dim3A_386, %get3A_384 : vector<1x128xi1>, vector<1x128xf32>
      %swap3A_388 = arith.constant 25 : index
      %swap3A_389 = arith.constant 0 : index
      %swap3A_390 = arith.constant 0 : index
      %swap3A_391 = vector.load %arg10[%swap3A_388, %swap3A_389, %swap3A_390] : memref<40x1x128xf32, #tpu.memory_space<vmem>>, vector<1x1x128xf32>
      %swap3A_392 = vector.shape_cast %swap3A_391 : vector<1x1x128xf32> to vector<1x128xf32>
      %swap3A_393 = vector.shape_cast %select_n3A_387 : vector<1x128xf32> to vector<1x1x128xf32>
      tpu.vector_store %arg10[%swap3A_388, %swap3A_389, %swap3A_390], %swap3A_393 {strides = array<i32>} : memref<40x1x128xf32, #tpu.memory_space<vmem>>, vector<1x1x128xf32>,
      %slice3A_394 = vector.extract_strided_slice %and3A_378 {offsets = [0, 128], sizes = [1, 128], strides = [1, 1]} : vector<1x1920xi1> to vector<1x128xi1>
      %get3A_395 = arith.constant 26 : index
      %get3A_396 = arith.constant 0 : index
      %get3A_397 = arith.constant 0 : index
      %get3A_398 = vector.load %arg10[%get3A_395, %get3A_396, %get3A_397] : memref<40x1x128xf32, #tpu.memory_space<vmem>>, vector<1x1x128xf32>
      %get3A_399 = vector.shape_cast %get3A_398 : vector<1x1x128xf32> to vector<1x128xf32>
      %jit3A_400 = arith.constant 0.000000e+00 : f32
      %broadcast_in_dim3A_401 = vector.broadcast %jit3A_400 : f32 to vector<1x128xf32>
      %select_n3A_402 = arith.select %slice3A_394, %broadcast_in_dim3A_401, %get3A_399 : vector<1x128xi1>, vector<1x128xf32>
      %swap3A_403 = arith.constant 26 : index
      %swap3A_404 = arith.constant 0 : index
      %swap3A_405 = arith.constant 0 : index
      %swap3A_406 = vector.load %arg10[%swap3A_403, %swap3A_404, %swap3A_405] : memref<40x1x128xf32, #tpu.memory_space<vmem>>, vector<1x1x128xf32>
      %swap3A_407 = vector.shape_cast %swap3A_406 : vector<1x1x128xf32> to vector<1x128xf32>
      %swap3A_408 = vector.shape_cast %select_n3A_402 : vector<1x128xf32> to vector<1x1x128xf32>
      tpu.vector_store %arg10[%swap3A_403, %swap3A_404, %swap3A_405], %swap3A_408 {strides = array<i32>} : memref<40x1x128xf32, #tpu.memory_space<vmem>>, vector<1x1x128xf32>,
      %slice3A_409 = vector.extract_strided_slice %and3A_378 {offsets = [0, 256], sizes = [1, 128], strides = [1, 1]} : vector<1x1920xi1> to vector<1x128xi1>
      %get3A_410 = arith.constant 27 : index
      %get3A_411 = arith.constant 0 : index
      %get3A_412 = arith.constant 0 : index
      %get3A_413 = vector.load %arg10[%get3A_410, %get3A_411, %get3A_412] : memref<40x1x128xf32, #tpu.memory_space<vmem>>, vector<1x1x128xf32>
      %get3A_414 = vector.shape_cast %get3A_413 : vector<1x1x128xf32> to vector<1x128xf32>
      %jit3A_415 = arith.constant 0.000000e+00 : f32
      %broadcast_in_dim3A_416 = vector.broadcast %jit3A_415 : f32 to vector<1x128xf32>
      %select_n3A_417 = arith.select %slice3A_409, %broadcast_in_dim3A_416, %get3A_414 : vector<1x128xi1>, vector<1x128xf32>
      %swap3A_418 = arith.constant 27 : index
      %swap3A_419 = arith.constant 0 : index
      %swap3A_420 = arith.constant 0 : index
      %swap3A_421 = vector.load %arg10[%swap3A_418, %swap3A_419, %swap3A_420] : memref<40x1x128xf32, #tpu.memory_space<vmem>>, vector<1x1x128xf32>
      %swap3A_422 = vector.shape_cast %swap3A_421 : vector<1x1x128xf32> to vector<1x128xf32>
      %swap3A_423 = vector.shape_cast %select_n3A_417 : vector<1x128xf32> to vector<1x1x128xf32>
      tpu.vector_store %arg10[%swap3A_418, %swap3A_419, %swap3A_420], %swap3A_423 {strides = array<i32>} : memref<40x1x128xf32, #tpu.memory_space<vmem>>, vector<1x1x128xf32>,
      %slice3A_424 = vector.extract_strided_slice %and3A_378 {offsets = [0, 384], sizes = [1, 128], strides = [1, 1]} : vector<1x1920xi1> to vector<1x128xi1>
      %get3A_425 = arith.constant 28 : index
      %get3A_426 = arith.constant 0 : index
      %get3A_427 = arith.constant 0 : index
      %get3A_428 = vector.load %arg10[%get3A_425, %get3A_426, %get3A_427] : memref<40x1x128xf32, #tpu.memory_space<vmem>>, vector<1x1x128xf32>
      %get3A_429 = vector.shape_cast %get3A_428 : vector<1x1x128xf32> to vector<1x128xf32>
      %jit3A_430 = arith.constant 0.000000e+00 : f32
      %broadcast_in_dim3A_431 = vector.broadcast %jit3A_430 : f32 to vector<1x128xf32>
      %select_n3A_432 = arith.select %slice3A_424, %broadcast_in_dim3A_431, %get3A_429 : vector<1x128xi1>, vector<1x128xf32>
      %swap3A_433 = arith.constant 28 : index
      %swap3A_434 = arith.constant 0 : index
      %swap3A_435 = arith.constant 0 : index
      %swap3A_436 = vector.load %arg10[%swap3A_433, %swap3A_434, %swap3A_435] : memref<40x1x128xf32, #tpu.memory_space<vmem>>, vector<1x1x128xf32>
      %swap3A_437 = vector.shape_cast %swap3A_436 : vector<1x1x128xf32> to vector<1x128xf32>
      %swap3A_438 = vector.shape_cast %select_n3A_432 : vector<1x128xf32> to vector<1x1x128xf32>
      tpu.vector_store %arg10[%swap3A_433, %swap3A_434, %swap3A_435], %swap3A_438 {strides = array<i32>} : memref<40x1x128xf32, #tpu.memory_space<vmem>>, vector<1x1x128xf32>,
      %slice3A_439 = vector.extract_strided_slice %and3A_378 {offsets = [0, 512], sizes = [1, 128], strides = [1, 1]} : vector<1x1920xi1> to vector<1x128xi1>
      %get3A_440 = arith.constant 29 : index
      %get3A_441 = arith.constant 0 : index
      %get3A_442 = arith.constant 0 : index
      %get3A_443 = vector.load %arg10[%get3A_440, %get3A_441, %get3A_442] : memref<40x1x128xf32, #tpu.memory_space<vmem>>, vector<1x1x128xf32>
      %get3A_444 = vector.shape_cast %get3A_443 : vector<1x1x128xf32> to vector<1x128xf32>
      %jit3A_445 = arith.constant 0.000000e+00 : f32
      %broadcast_in_dim3A_446 = vector.broadcast %jit3A_445 : f32 to vector<1x128xf32>
      %select_n3A_447 = arith.select %slice3A_439, %broadcast_in_dim3A_446, %get3A_444 : vector<1x128xi1>, vector<1x128xf32>
      %swap3A_448 = arith.constant 29 : index
      %swap3A_449 = arith.constant 0 : index
      %swap3A_450 = arith.constant 0 : index
      %swap3A_451 = vector.load %arg10[%swap3A_448, %swap3A_449, %swap3A_450] : memref<40x1x128xf32, #tpu.memory_space<vmem>>, vector<1x1x128xf32>
      %swap3A_452 = vector.shape_cast %swap3A_451 : vector<1x1x128xf32> to vector<1x128xf32>
      %swap3A_453 = vector.shape_cast %select_n3A_447 : vector<1x128xf32> to vector<1x1x128xf32>
      tpu.vector_store %arg10[%swap3A_448, %swap3A_449, %swap3A_450], %swap3A_453 {strides = array<i32>} : memref<40x1x128xf32, #tpu.memory_space<vmem>>, vector<1x1x128xf32>,
      %slice3A_454 = vector.extract_strided_slice %and3A_378 {offsets = [0, 640], sizes = [1, 128], strides = [1, 1]} : vector<1x1920xi1> to vector<1x128xi1>
      %get3A_455 = arith.constant 30 : index
      %get3A_456 = arith.constant 0 : index
      %get3A_457 = arith.constant 0 : index
      %get3A_458 = vector.load %arg10[%get3A_455, %get3A_456, %get3A_457] : memref<40x1x128xf32, #tpu.memory_space<vmem>>, vector<1x1x128xf32>
      %get3A_459 = vector.shape_cast %get3A_458 : vector<1x1x128xf32> to vector<1x128xf32>
      %jit3A_460 = arith.constant 0.000000e+00 : f32
      %broadcast_in_dim3A_461 = vector.broadcast %jit3A_460 : f32 to vector<1x128xf32>
      %select_n3A_462 = arith.select %slice3A_454, %broadcast_in_dim3A_461, %get3A_459 : vector<1x128xi1>, vector<1x128xf32>
      %swap3A_463 = arith.constant 30 : index
      %swap3A_464 = arith.constant 0 : index
      %swap3A_465 = arith.constant 0 : index
      %swap3A_466 = vector.load %arg10[%swap3A_463, %swap3A_464, %swap3A_465] : memref<40x1x128xf32, #tpu.memory_space<vmem>>, vector<1x1x128xf32>
      %swap3A_467 = vector.shape_cast %swap3A_466 : vector<1x1x128xf32> to vector<1x128xf32>
      %swap3A_468 = vector.shape_cast %select_n3A_462 : vector<1x128xf32> to vector<1x1x128xf32>
      tpu.vector_store %arg10[%swap3A_463, %swap3A_464, %swap3A_465], %swap3A_468 {strides = array<i32>} : memref<40x1x128xf32, #tpu.memory_space<vmem>>, vector<1x1x128xf32>,
      %slice3A_469 = vector.extract_strided_slice %and3A_378 {offsets = [0, 768], sizes = [1, 128], strides = [1, 1]} : vector<1x1920xi1> to vector<1x128xi1>
      %get3A_470 = arith.constant 31 : index
      %get3A_471 = arith.constant 0 : index
      %get3A_472 = arith.constant 0 : index
      %get3A_473 = vector.load %arg10[%get3A_470, %get3A_471, %get3A_472] : memref<40x1x128xf32, #tpu.memory_space<vmem>>, vector<1x1x128xf32>
      %get3A_474 = vector.shape_cast %get3A_473 : vector<1x1x128xf32> to vector<1x128xf32>
      %jit3A_475 = arith.constant 0.000000e+00 : f32
      %broadcast_in_dim3A_476 = vector.broadcast %jit3A_475 : f32 to vector<1x128xf32>
      %select_n3A_477 = arith.select %slice3A_469, %broadcast_in_dim3A_476, %get3A_474 : vector<1x128xi1>, vector<1x128xf32>
      %swap3A_478 = arith.constant 31 : index
      %swap3A_479 = arith.constant 0 : index
      %swap3A_480 = arith.constant 0 : index
      %swap3A_481 = vector.load %arg10[%swap3A_478, %swap3A_479, %swap3A_480] : memref<40x1x128xf32, #tpu.memory_space<vmem>>, vector<1x1x128xf32>
      %swap3A_482 = vector.shape_cast %swap3A_481 : vector<1x1x128xf32> to vector<1x128xf32>
      %swap3A_483 = vector.shape_cast %select_n3A_477 : vector<1x128xf32> to vector<1x1x128xf32>
      tpu.vector_store %arg10[%swap3A_478, %swap3A_479, %swap3A_480], %swap3A_483 {strides = array<i32>} : memref<40x1x128xf32, #tpu.memory_space<vmem>>, vector<1x1x128xf32>,
      %slice3A_484 = vector.extract_strided_slice %and3A_378 {offsets = [0, 896], sizes = [1, 128], strides = [1, 1]} : vector<1x1920xi1> to vector<1x128xi1>
      %get3A_485 = arith.constant 32 : index
      %get3A_486 = arith.constant 0 : index
      %get3A_487 = arith.constant 0 : index
      %get3A_488 = vector.load %arg10[%get3A_485, %get3A_486, %get3A_487] : memref<40x1x128xf32, #tpu.memory_space<vmem>>, vector<1x1x128xf32>
      %get3A_489 = vector.shape_cast %get3A_488 : vector<1x1x128xf32> to vector<1x128xf32>
      %jit3A_490 = arith.constant 0.000000e+00 : f32
      %broadcast_in_dim3A_491 = vector.broadcast %jit3A_490 : f32 to vector<1x128xf32>
      %select_n3A_492 = arith.select %slice3A_484, %broadcast_in_dim3A_491, %get3A_489 : vector<1x128xi1>, vector<1x128xf32>
      %swap3A_493 = arith.constant 32 : index
      %swap3A_494 = arith.constant 0 : index
      %swap3A_495 = arith.constant 0 : index
      %swap3A_496 = vector.load %arg10[%swap3A_493, %swap3A_494, %swap3A_495] : memref<40x1x128xf32, #tpu.memory_space<vmem>>, vector<1x1x128xf32>
      %swap3A_497 = vector.shape_cast %swap3A_496 : vector<1x1x128xf32> to vector<1x128xf32>
      %swap3A_498 = vector.shape_cast %select_n3A_492 : vector<1x128xf32> to vector<1x1x128xf32>
      tpu.vector_store %arg10[%swap3A_493, %swap3A_494, %swap3A_495], %swap3A_498 {strides = array<i32>} : memref<40x1x128xf32, #tpu.memory_space<vmem>>, vector<1x1x128xf32>,
      %slice3A_499 = vector.extract_strided_slice %and3A_378 {offsets = [0, 1024], sizes = [1, 128], strides = [1, 1]} : vector<1x1920xi1> to vector<1x128xi1>
      %get3A_500 = arith.constant 33 : index
      %get3A_501 = arith.constant 0 : index
      %get3A_502 = arith.constant 0 : index
      %get3A_503 = vector.load %arg10[%get3A_500, %get3A_501, %get3A_502] : memref<40x1x128xf32, #tpu.memory_space<vmem>>, vector<1x1x128xf32>
      %get3A_504 = vector.shape_cast %get3A_503 : vector<1x1x128xf32> to vector<1x128xf32>
      %jit3A_505 = arith.constant 0.000000e+00 : f32
      %broadcast_in_dim3A_506 = vector.broadcast %jit3A_505 : f32 to vector<1x128xf32>
      %select_n3A_507 = arith.select %slice3A_499, %broadcast_in_dim3A_506, %get3A_504 : vector<1x128xi1>, vector<1x128xf32>
      %swap3A_508 = arith.constant 33 : index
      %swap3A_509 = arith.constant 0 : index
      %swap3A_510 = arith.constant 0 : index
      %swap3A_511 = vector.load %arg10[%swap3A_508, %swap3A_509, %swap3A_510] : memref<40x1x128xf32, #tpu.memory_space<vmem>>, vector<1x1x128xf32>
      %swap3A_512 = vector.shape_cast %swap3A_511 : vector<1x1x128xf32> to vector<1x128xf32>
      %swap3A_513 = vector.shape_cast %select_n3A_507 : vector<1x128xf32> to vector<1x1x128xf32>
      tpu.vector_store %arg10[%swap3A_508, %swap3A_509, %swap3A_510], %swap3A_513 {strides = array<i32>} : memref<40x1x128xf32, #tpu.memory_space<vmem>>, vector<1x1x128xf32>,
      %slice3A_514 = vector.extract_strided_slice %and3A_378 {offsets = [0, 1152], sizes = [1, 128], strides = [1, 1]} : vector<1x1920xi1> to vector<1x128xi1>
      %get3A_515 = arith.constant 34 : index
      %get3A_516 = arith.constant 0 : index
      %get3A_517 = arith.constant 0 : index
      %get3A_518 = vector.load %arg10[%get3A_515, %get3A_516, %get3A_517] : memref<40x1x128xf32, #tpu.memory_space<vmem>>, vector<1x1x128xf32>
      %get3A_519 = vector.shape_cast %get3A_518 : vector<1x1x128xf32> to vector<1x128xf32>
      %jit3A_520 = arith.constant 0.000000e+00 : f32
      %broadcast_in_dim3A_521 = vector.broadcast %jit3A_520 : f32 to vector<1x128xf32>
      %select_n3A_522 = arith.select %slice3A_514, %broadcast_in_dim3A_521, %get3A_519 : vector<1x128xi1>, vector<1x128xf32>
      %swap3A_523 = arith.constant 34 : index
      %swap3A_524 = arith.constant 0 : index
      %swap3A_525 = arith.constant 0 : index
      %swap3A_526 = vector.load %arg10[%swap3A_523, %swap3A_524, %swap3A_525] : memref<40x1x128xf32, #tpu.memory_space<vmem>>, vector<1x1x128xf32>
      %swap3A_527 = vector.shape_cast %swap3A_526 : vector<1x1x128xf32> to vector<1x128xf32>
      %swap3A_528 = vector.shape_cast %select_n3A_522 : vector<1x128xf32> to vector<1x1x128xf32>
      tpu.vector_store %arg10[%swap3A_523, %swap3A_524, %swap3A_525], %swap3A_528 {strides = array<i32>} : memref<40x1x128xf32, #tpu.memory_space<vmem>>, vector<1x1x128xf32>,
      %slice3A_529 = vector.extract_strided_slice %and3A_378 {offsets = [0, 1280], sizes = [1, 128], strides = [1, 1]} : vector<1x1920xi1> to vector<1x128xi1>
      %get3A_530 = arith.constant 35 : index
      %get3A_531 = arith.constant 0 : index
      %get3A_532 = arith.constant 0 : index
      %get3A_533 = vector.load %arg10[%get3A_530, %get3A_531, %get3A_532] : memref<40x1x128xf32, #tpu.memory_space<vmem>>, vector<1x1x128xf32>
      %get3A_534 = vector.shape_cast %get3A_533 : vector<1x1x128xf32> to vector<1x128xf32>
      %jit3A_535 = arith.constant 0.000000e+00 : f32
      %broadcast_in_dim3A_536 = vector.broadcast %jit3A_535 : f32 to vector<1x128xf32>
      %select_n3A_537 = arith.select %slice3A_529, %broadcast_in_dim3A_536, %get3A_534 : vector<1x128xi1>, vector<1x128xf32>
      %swap3A_538 = arith.constant 35 : index
      %swap3A_539 = arith.constant 0 : index
      %swap3A_540 = arith.constant 0 : index
      %swap3A_541 = vector.load %arg10[%swap3A_538, %swap3A_539, %swap3A_540] : memref<40x1x128xf32, #tpu.memory_space<vmem>>, vector<1x1x128xf32>
      %swap3A_542 = vector.shape_cast %swap3A_541 : vector<1x1x128xf32> to vector<1x128xf32>
      %swap3A_543 = vector.shape_cast %select_n3A_537 : vector<1x128xf32> to vector<1x1x128xf32>
      tpu.vector_store %arg10[%swap3A_538, %swap3A_539, %swap3A_540], %swap3A_543 {strides = array<i32>} : memref<40x1x128xf32, #tpu.memory_space<vmem>>, vector<1x1x128xf32>,
      %slice3A_544 = vector.extract_strided_slice %and3A_378 {offsets = [0, 1408], sizes = [1, 128], strides = [1, 1]} : vector<1x1920xi1> to vector<1x128xi1>
      %get3A_545 = arith.constant 36 : index
      %get3A_546 = arith.constant 0 : index
      %get3A_547 = arith.constant 0 : index
      %get3A_548 = vector.load %arg10[%get3A_545, %get3A_546, %get3A_547] : memref<40x1x128xf32, #tpu.memory_space<vmem>>, vector<1x1x128xf32>
      %get3A_549 = vector.shape_cast %get3A_548 : vector<1x1x128xf32> to vector<1x128xf32>
      %jit3A_550 = arith.constant 0.000000e+00 : f32
      %broadcast_in_dim3A_551 = vector.broadcast %jit3A_550 : f32 to vector<1x128xf32>
      %select_n3A_552 = arith.select %slice3A_544, %broadcast_in_dim3A_551, %get3A_549 : vector<1x128xi1>, vector<1x128xf32>
      %swap3A_553 = arith.constant 36 : index
      %swap3A_554 = arith.constant 0 : index
      %swap3A_555 = arith.constant 0 : index
      %swap3A_556 = vector.load %arg10[%swap3A_553, %swap3A_554, %swap3A_555] : memref<40x1x128xf32, #tpu.memory_space<vmem>>, vector<1x1x128xf32>
      %swap3A_557 = vector.shape_cast %swap3A_556 : vector<1x1x128xf32> to vector<1x128xf32>
      %swap3A_558 = vector.shape_cast %select_n3A_552 : vector<1x128xf32> to vector<1x1x128xf32>
      tpu.vector_store %arg10[%swap3A_553, %swap3A_554, %swap3A_555], %swap3A_558 {strides = array<i32>} : memref<40x1x128xf32, #tpu.memory_space<vmem>>, vector<1x1x128xf32>,
      %slice3A_559 = vector.extract_strided_slice %and3A_378 {offsets = [0, 1536], sizes = [1, 128], strides = [1, 1]} : vector<1x1920xi1> to vector<1x128xi1>
      %get3A_560 = arith.constant 37 : index
      %get3A_561 = arith.constant 0 : index
      %get3A_562 = arith.constant 0 : index
      %get3A_563 = vector.load %arg10[%get3A_560, %get3A_561, %get3A_562] : memref<40x1x128xf32, #tpu.memory_space<vmem>>, vector<1x1x128xf32>
      %get3A_564 = vector.shape_cast %get3A_563 : vector<1x1x128xf32> to vector<1x128xf32>
      %jit3A_565 = arith.constant 0.000000e+00 : f32
      %broadcast_in_dim3A_566 = vector.broadcast %jit3A_565 : f32 to vector<1x128xf32>
      %select_n3A_567 = arith.select %slice3A_559, %broadcast_in_dim3A_566, %get3A_564 : vector<1x128xi1>, vector<1x128xf32>
      %swap3A_568 = arith.constant 37 : index
      %swap3A_569 = arith.constant 0 : index
      %swap3A_570 = arith.constant 0 : index
      %swap3A_571 = vector.load %arg10[%swap3A_568, %swap3A_569, %swap3A_570] : memref<40x1x128xf32, #tpu.memory_space<vmem>>, vector<1x1x128xf32>
      %swap3A_572 = vector.shape_cast %swap3A_571 : vector<1x1x128xf32> to vector<1x128xf32>
      %swap3A_573 = vector.shape_cast %select_n3A_567 : vector<1x128xf32> to vector<1x1x128xf32>
      tpu.vector_store %arg10[%swap3A_568, %swap3A_569, %swap3A_570], %swap3A_573 {strides = array<i32>} : memref<40x1x128xf32, #tpu.memory_space<vmem>>, vector<1x1x128xf32>,
      %slice3A_574 = vector.extract_strided_slice %and3A_378 {offsets = [0, 1664], sizes = [1, 128], strides = [1, 1]} : vector<1x1920xi1> to vector<1x128xi1>
      %get3A_575 = arith.constant 38 : index
      %get3A_576 = arith.constant 0 : index
      %get3A_577 = arith.constant 0 : index
      %get3A_578 = vector.load %arg10[%get3A_575, %get3A_576, %get3A_577] : memref<40x1x128xf32, #tpu.memory_space<vmem>>, vector<1x1x128xf32>
      %get3A_579 = vector.shape_cast %get3A_578 : vector<1x1x128xf32> to vector<1x128xf32>
      %jit3A_580 = arith.constant 0.000000e+00 : f32
      %broadcast_in_dim3A_581 = vector.broadcast %jit3A_580 : f32 to vector<1x128xf32>
      %select_n3A_582 = arith.select %slice3A_574, %broadcast_in_dim3A_581, %get3A_579 : vector<1x128xi1>, vector<1x128xf32>
      %swap3A_583 = arith.constant 38 : index
      %swap3A_584 = arith.constant 0 : index
      %swap3A_585 = arith.constant 0 : index
      %swap3A_586 = vector.load %arg10[%swap3A_583, %swap3A_584, %swap3A_585] : memref<40x1x128xf32, #tpu.memory_space<vmem>>, vector<1x1x128xf32>
      %swap3A_587 = vector.shape_cast %swap3A_586 : vector<1x1x128xf32> to vector<1x128xf32>
      %swap3A_588 = vector.shape_cast %select_n3A_582 : vector<1x128xf32> to vector<1x1x128xf32>
      tpu.vector_store %arg10[%swap3A_583, %swap3A_584, %swap3A_585], %swap3A_588 {strides = array<i32>} : memref<40x1x128xf32, #tpu.memory_space<vmem>>, vector<1x1x128xf32>,
      %slice3A_589 = vector.extract_strided_slice %and3A_378 {offsets = [0, 1792], sizes = [1, 128], strides = [1, 1]} : vector<1x1920xi1> to vector<1x128xi1>
      %get3A_590 = arith.constant 39 : index
      %get3A_591 = arith.constant 0 : index
      %get3A_592 = arith.constant 0 : index
      %get3A_593 = vector.load %arg10[%get3A_590, %get3A_591, %get3A_592] : memref<40x1x128xf32, #tpu.memory_space<vmem>>, vector<1x1x128xf32>
      %get3A_594 = vector.shape_cast %get3A_593 : vector<1x1x128xf32> to vector<1x128xf32>
      %jit3A_595 = arith.constant 0.000000e+00 : f32
      %broadcast_in_dim3A_596 = vector.broadcast %jit3A_595 : f32 to vector<1x128xf32>
      %select_n3A_597 = arith.select %slice3A_589, %broadcast_in_dim3A_596, %get3A_594 : vector<1x128xi1>, vector<1x128xf32>
      %swap3A_598 = arith.constant 39 : index
      %swap3A_599 = arith.constant 0 : index
      %swap3A_600 = arith.constant 0 : index
      %swap3A_601 = vector.load %arg10[%swap3A_598, %swap3A_599, %swap3A_600] : memref<40x1x128xf32, #tpu.memory_space<vmem>>, vector<1x1x128xf32>
      %swap3A_602 = vector.shape_cast %swap3A_601 : vector<1x1x128xf32> to vector<1x128xf32>
      %swap3A_603 = vector.shape_cast %select_n3A_597 : vector<1x128xf32> to vector<1x1x128xf32>
      tpu.vector_store %arg10[%swap3A_598, %swap3A_599, %swap3A_600], %swap3A_603 {strides = array<i32>} : memref<40x1x128xf32, #tpu.memory_space<vmem>>, vector<1x1x128xf32>,
    }
    %scan3A_142 = arith.constant 5 : i32
    %slice3A_143 = vector.extract_strided_slice %get3A_6 {offsets = [0, 3840], sizes = [1, 1280], strides = [1, 1]} : vector<1x5120xf32> to vector<1x1280xf32>
    %slice3A_144 = vector.extract_strided_slice %get3A_9 {offsets = [0, 3840], sizes = [1, 1280], strides = [1, 1]} : vector<1x5120xf32> to vector<1x1280xf32>
    %slice3A_145 = vector.extract_strided_slice %get3A_12 {offsets = [0, 3840], sizes = [1, 1280], strides = [1, 1]} : vector<1x5120xf32> to vector<1x1280xf32>
    %slice3A_146 = vector.extract_strided_slice %get3A_15 {offsets = [0, 3840], sizes = [1, 1280], strides = [1, 1]} : vector<1x5120xf32> to vector<1x1280xf32>
    %sub3A_147 = arith.subf %slice3A_145, %slice3A_143 : vector<1x1280xf32>
    %sub3A_148 = arith.subf %slice3A_146, %slice3A_144 : vector<1x1280xf32>
    %mul3A_149 = arith.mulf %sub3A_147, %sub3A_148 : vector<1x1280xf32>
    %add3A_150 = arith.constant 9.99999993E-9 : f32
    %add3A_151 = vector.broadcast %add3A_150 : f32 to vector<1x1280xf32>
    %add3A_152 = arith.addf %mul3A_149, %add3A_151 : vector<1x1280xf32>
    %mul3A_153 = arith.constant 0.411764711 : f32
    %mul3A_154 = vector.broadcast %mul3A_153 : f32 to vector<1x1280xf32>
    %mul3A_155 = arith.mulf %add3A_152, %mul3A_154 : vector<1x1280xf32>
    %iota3A_156 = tpu.iota {dimensions = array<i32: 1>} : vector<1x1280xi32>
    %add3A_157 = arith.constant 3840 : i32
    %add3A_158 = vector.broadcast %add3A_157 : i32 to vector<1x1280xi32>
    %add3A_159 = arith.addi %iota3A_156, %add3A_158 : vector<1x1280xi32>
    %scan3A_160 = arith.constant 30 : i32
    %scan3A_161 = arith.constant 5 : i32
    %scan3A_162 = arith.addi %scan3A_160, %scan3A_161 : i32
    %scan3A_163 = arith.constant 1 : i32
    scf.for %scan3A_259 = %scan3A_160 to %scan3A_162 step %scan3A_163  : i32 {
      %mul3A_260 = arith.constant 128 : i32
      %mul3A_261 = arith.muli %scan3A_259, %mul3A_260 : i32
      %get3A_262 = arith.index_cast %mul3A_261 : i32 to index
      %get3A_263 = arith.constant 0 : index
      %get3A_264 = vector.load %arg0[%get3A_262, %get3A_263] : memref<5120x4xf32, #tpu.memory_space<vmem>>, vector<128x4xf32>
      %slice3A_265 = vector.extract_strided_slice %get3A_264 {offsets = [0, 0], sizes = [128, 1], strides = [1, 1]} : vector<128x4xf32> to vector<128x1xf32>
      %slice3A_266 = vector.extract_strided_slice %get3A_264 {offsets = [0, 1], sizes = [128, 1], strides = [1, 1]} : vector<128x4xf32> to vector<128x1xf32>
      %slice3A_267 = vector.extract_strided_slice %get3A_264 {offsets = [0, 2], sizes = [128, 1], strides = [1, 1]} : vector<128x4xf32> to vector<128x1xf32>
      %slice3A_268 = vector.extract_strided_slice %get3A_264 {offsets = [0, 3], sizes = [128, 1], strides = [1, 1]} : vector<128x4xf32> to vector<128x1xf32>
      %sub3A_269 = arith.subf %slice3A_267, %slice3A_265 : vector<128x1xf32>
      %sub3A_270 = arith.subf %slice3A_268, %slice3A_266 : vector<128x1xf32>
      %mul3A_271 = arith.mulf %sub3A_269, %sub3A_270 : vector<128x1xf32>
      %mul3A_272 = arith.constant 0.411764711 : f32
      %mul3A_273 = vector.broadcast %mul3A_272 : f32 to vector<128x1xf32>
      %mul3A_274 = arith.mulf %mul3A_271, %mul3A_273 : vector<128x1xf32>
      %get3A_275 = arith.index_cast %scan3A_259 : i32 to index
      %get3A_276 = arith.constant 0 : index
      %get3A_277 = arith.constant 0 : index
      %get3A_278 = vector.load %arg1[%get3A_275, %get3A_276, %get3A_277] : memref<40x1x128xf32, #tpu.memory_space<vmem>>, vector<1x1x128xf32>
      %get3A_279 = vector.shape_cast %get3A_278 : vector<1x1x128xf32> to vector<1x128xf32>
      %get3A_280 = arith.index_cast %scan3A_259 : i32 to index
      %get3A_281 = arith.constant 0 : index
      %get3A_282 = arith.constant 0 : index
      %get3A_283 = vector.load %arg2[%get3A_280, %get3A_281, %get3A_282] : memref<40x1x128xf32, #tpu.memory_space<vmem>>, vector<1x1x128xf32>
      %get3A_284 = vector.shape_cast %get3A_283 : vector<1x1x128xf32> to vector<1x128xf32>
      %get3A_285 = arith.index_cast %scan3A_259 : i32 to index
      %get3A_286 = arith.constant 0 : index
      %get3A_287 = arith.constant 0 : index
      %get3A_288 = vector.load %arg3[%get3A_285, %get3A_286, %get3A_287] : memref<40x1x128xf32, #tpu.memory_space<vmem>>, vector<1x1x128xf32>
      %get3A_289 = vector.shape_cast %get3A_288 : vector<1x1x128xf32> to vector<1x128xf32>
      %get3A_290 = arith.index_cast %scan3A_259 : i32 to index
      %get3A_291 = arith.constant 0 : index
      %get3A_292 = arith.constant 0 : index
      %get3A_293 = vector.load %arg4[%get3A_290, %get3A_291, %get3A_292] : memref<40x1x128xf32, #tpu.memory_space<vmem>>, vector<1x1x128xf32>
      %get3A_294 = vector.shape_cast %get3A_293 : vector<1x1x128xf32> to vector<1x128xf32>
      %sub3A_295 = arith.subf %get3A_289, %get3A_279 : vector<1x128xf32>
      %sub3A_296 = arith.subf %get3A_294, %get3A_284 : vector<1x128xf32>
      %mul3A_297 = arith.mulf %sub3A_295, %sub3A_296 : vector<1x128xf32>
      %add3A_298 = arith.constant 9.99999993E-9 : f32
      %add3A_299 = vector.broadcast %add3A_298 : f32 to vector<1x128xf32>
      %add3A_300 = arith.addf %mul3A_297, %add3A_299 : vector<1x128xf32>
      %mul3A_301 = arith.constant 0.411764711 : f32
      %mul3A_302 = vector.broadcast %mul3A_301 : f32 to vector<1x128xf32>
      %mul3A_303 = arith.mulf %add3A_300, %mul3A_302 : vector<1x128xf32>
      %max3A = vector.broadcast %slice3A_265 : vector<128x1xf32> to vector<128x128xf32>
      %max3A_304 = vector.broadcast %get3A_279 : vector<1x128xf32> to vector<128x128xf32>
      %max3A_305 = arith.maximumf %max3A, %max3A_304 : vector<128x128xf32>
      %max3A_306 = vector.broadcast %slice3A_266 : vector<128x1xf32> to vector<128x128xf32>
      %max3A_307 = vector.broadcast %get3A_284 : vector<1x128xf32> to vector<128x128xf32>
      %max3A_308 = arith.maximumf %max3A_306, %max3A_307 : vector<128x128xf32>
      %min3A = vector.broadcast %slice3A_267 : vector<128x1xf32> to vector<128x128xf32>
      %min3A_309 = vector.broadcast %get3A_289 : vector<1x128xf32> to vector<128x128xf32>
      %min3A_310 = arith.minimumf %min3A, %min3A_309 : vector<128x128xf32>
      %min3A_311 = vector.broadcast %slice3A_268 : vector<128x1xf32> to vector<128x128xf32>
      %min3A_312 = vector.broadcast %get3A_294 : vector<1x128xf32> to vector<128x128xf32>
      %min3A_313 = arith.minimumf %min3A_311, %min3A_312 : vector<128x128xf32>
      %sub3A_314 = arith.subf %min3A_310, %max3A_305 : vector<128x128xf32>
      %max3A_315 = arith.constant 0.000000e+00 : f32
      %max3A_316 = vector.broadcast %max3A_315 : f32 to vector<128x128xf32>
      %max3A_317 = arith.maximumf %sub3A_314, %max3A_316 : vector<128x128xf32>
      %sub3A_318 = arith.subf %min3A_313, %max3A_308 : vector<128x128xf32>
      %max3A_319 = arith.constant 0.000000e+00 : f32
      %max3A_320 = vector.broadcast %max3A_319 : f32 to vector<128x128xf32>
      %max3A_321 = arith.maximumf %sub3A_318, %max3A_320 : vector<128x128xf32>
      %mul3A_322 = arith.mulf %max3A_317, %max3A_321 : vector<128x128xf32>
      %add3A_323 = vector.broadcast %mul3A_274 : vector<128x1xf32> to vector<128x128xf32>
      %add3A_324 = vector.broadcast %mul3A_303 : vector<1x128xf32> to vector<128x128xf32>
      %add3A_325 = arith.addf %add3A_323, %add3A_324 : vector<128x128xf32>
      %gt3A_326 = arith.cmpf ogt, %mul3A_322, %add3A_325 : vector<128x128xf32>
      %and3A = arith.andi %gt3A_326, %gt3A : vector<128x128xi1>
      %convert_element_type3A_327 = arith.extui %and3A : vector<128x128xi1> to vector<128x128xi32>
      %convert_element_type3A_328 = arith.sitofp %convert_element_type3A_327 : vector<128x128xi32> to vector<128x128xf32>
      %get3A_329 = arith.index_cast %scan3A_259 : i32 to index
      %get3A_330 = arith.constant 0 : index
      %get3A_331 = arith.constant 0 : index
      %get3A_332 = vector.load %arg10[%get3A_329, %get3A_330, %get3A_331] : memref<40x1x128xf32, #tpu.memory_space<vmem>>, vector<1x1x128xf32>
      %get3A_333 = vector.shape_cast %get3A_332 : vector<1x1x128xf32> to vector<1x128xf32>
      %while3A = arith.constant true
      %while3A_334:2 = scf.while (%while3A_529 = %get3A_333, %while3A_530 = %while3A) : (vector<1x128xf32>, i1) -> (vector<1x128xf32>, i1) {
        scf.condition(%while3A_530) %while3A_529, %while3A_530 : vector<1x128xf32>, i1
      } do {
      ^bb0(%while3A_529: vector<1x128xf32>, %while3A_530: i1):
        %dot_general3A_531 = arith.constant dense<0.000000e+00> : vector<1x128xf32>
        %dot_general3A_532 = tpu.matmul %while3A_529, %convert_element_type3A_328, %dot_general3A_531 {dimension_numbers = #tpu.dot_dimension_numbers<[1], [0], [0], [1], [0, 0, 1, 1], [], []>, transpose_lhs_hint = false} : vector<1x128xf32>, vector<128x128xf32>, vector<1x128xf32> -> vector<1x128xf32>
        %gt3A_533 = arith.constant 0.000000e+00 : f32
        %gt3A_534 = vector.broadcast %gt3A_533 : f32 to vector<1x128xf32>
        %gt3A_535 = arith.cmpf ogt, %dot_general3A_532, %gt3A_534 : vector<1x128xf32>
        %jit3A_536 = arith.constant 0.000000e+00 : f32
        %broadcast_in_dim3A_537 = vector.broadcast %jit3A_536 : f32 to vector<1x128xf32>
        %select_n3A_538 = arith.select %gt3A_535, %broadcast_in_dim3A_537, %get3A_333 : vector<1x128xi1>, vector<1x128xf32>
        %ne3A = arith.cmpf one, %select_n3A_538, %while3A_529 : vector<1x128xf32>
        %reduce_or3A = arith.constant 1.000000e+00 : f32
        %reduce_or3A_539 = arith.constant 0.000000e+00 : f32
        %reduce_or3A_540 = vector.broadcast %reduce_or3A : f32 to vector<1x128xf32>
        %reduce_or3A_541 = vector.broadcast %reduce_or3A_539 : f32 to vector<1x128xf32>
        %reduce_or3A_542 = arith.select %ne3A, %reduce_or3A_540, %reduce_or3A_541 : vector<1x128xi1>, vector<1x128xf32>
        %reduce_or3A_543 = vector.shape_cast %reduce_or3A_542 : vector<1x128xf32> to vector<1x1x128xf32>
        %reduce_or3A_544 = arith.constant dense<0xFF800000> : vector<1xf32>
        %reduce_or3A_545 = vector.multi_reduction <maximumf>, %reduce_or3A_543, %reduce_or3A_544 [1, 2] : vector<1x1x128xf32> to vector<1xf32>
        %reduce_or3A_546 = vector.shape_cast %reduce_or3A_545 : vector<1xf32> to vector<1x1x1xf32>
        %reduce_or3A_547 = vector.extract %reduce_or3A_546[0, 0, 0] : f32 from vector<1x1x1xf32>
        %reduce_or3A_548 = arith.constant 0.000000e+00 : f32
        %reduce_or3A_549 = arith.cmpf ogt, %reduce_or3A_547, %reduce_or3A_548 : f32
        scf.yield %select_n3A_538, %reduce_or3A_549 : vector<1x128xf32>, i1
      }
      %swap3A_335 = arith.index_cast %scan3A_259 : i32 to index
      %swap3A_336 = arith.constant 0 : index
      %swap3A_337 = arith.constant 0 : index
      %swap3A_338 = vector.load %arg10[%swap3A_335, %swap3A_336, %swap3A_337] : memref<40x1x128xf32, #tpu.memory_space<vmem>>, vector<1x1x128xf32>
      %swap3A_339 = vector.shape_cast %swap3A_338 : vector<1x1x128xf32> to vector<1x128xf32>
      %swap3A_340 = vector.shape_cast %while3A_334#0 : vector<1x128xf32> to vector<1x1x128xf32>
      tpu.vector_store %arg10[%swap3A_335, %swap3A_336, %swap3A_337], %swap3A_340 {strides = array<i32>} : memref<40x1x128xf32, #tpu.memory_space<vmem>>, vector<1x1x128xf32>,
      %max3A_341 = vector.broadcast %slice3A_265 : vector<128x1xf32> to vector<128x1280xf32>
      %max3A_342 = vector.broadcast %slice3A_143 : vector<1x1280xf32> to vector<128x1280xf32>
      %max3A_343 = arith.maximumf %max3A_341, %max3A_342 : vector<128x1280xf32>
      %max3A_344 = vector.broadcast %slice3A_266 : vector<128x1xf32> to vector<128x1280xf32>
      %max3A_345 = vector.broadcast %slice3A_144 : vector<1x1280xf32> to vector<128x1280xf32>
      %max3A_346 = arith.maximumf %max3A_344, %max3A_345 : vector<128x1280xf32>
      %min3A_347 = vector.broadcast %slice3A_267 : vector<128x1xf32> to vector<128x1280xf32>
      %min3A_348 = vector.broadcast %slice3A_145 : vector<1x1280xf32> to vector<128x1280xf32>
      %min3A_349 = arith.minimumf %min3A_347, %min3A_348 : vector<128x1280xf32>
      %min3A_350 = vector.broadcast %slice3A_268 : vector<128x1xf32> to vector<128x1280xf32>
      %min3A_351 = vector.broadcast %slice3A_146 : vector<1x1280xf32> to vector<128x1280xf32>
      %min3A_352 = arith.minimumf %min3A_350, %min3A_351 : vector<128x1280xf32>
      %sub3A_353 = arith.subf %min3A_349, %max3A_343 : vector<128x1280xf32>
      %max3A_354 = arith.constant 0.000000e+00 : f32
      %max3A_355 = vector.broadcast %max3A_354 : f32 to vector<128x1280xf32>
      %max3A_356 = arith.maximumf %sub3A_353, %max3A_355 : vector<128x1280xf32>
      %sub3A_357 = arith.subf %min3A_352, %max3A_346 : vector<128x1280xf32>
      %max3A_358 = arith.constant 0.000000e+00 : f32
      %max3A_359 = vector.broadcast %max3A_358 : f32 to vector<128x1280xf32>
      %max3A_360 = arith.maximumf %sub3A_357, %max3A_359 : vector<128x1280xf32>
      %mul3A_361 = arith.mulf %max3A_356, %max3A_360 : vector<128x1280xf32>
      %add3A_362 = vector.broadcast %mul3A_274 : vector<128x1xf32> to vector<128x1280xf32>
      %add3A_363 = vector.broadcast %mul3A_155 : vector<1x1280xf32> to vector<128x1280xf32>
      %add3A_364 = arith.addf %add3A_362, %add3A_363 : vector<128x1280xf32>
      %gt3A_365 = arith.cmpf ogt, %mul3A_361, %add3A_364 : vector<128x1280xf32>
      %convert_element_type3A_366 = arith.extui %gt3A_365 : vector<128x1280xi1> to vector<128x1280xi32>
      %convert_element_type3A_367 = arith.sitofp %convert_element_type3A_366 : vector<128x1280xi32> to vector<128x1280xf32>
      %dot_general3A_368 = arith.constant dense<0.000000e+00> : vector<1x1280xf32>
      %dot_general3A_369 = tpu.matmul %while3A_334#0, %convert_element_type3A_367, %dot_general3A_368 {dimension_numbers = #tpu.dot_dimension_numbers<[1], [0], [0], [1], [0, 0, 1, 1], [], []>, transpose_lhs_hint = false} : vector<1x128xf32>, vector<128x1280xf32>, vector<1x1280xf32> -> vector<1x1280xf32>
      %gt3A_370 = arith.constant 0.000000e+00 : f32
      %gt3A_371 = vector.broadcast %gt3A_370 : f32 to vector<1x1280xf32>
      %gt3A_372 = arith.cmpf ogt, %dot_general3A_369, %gt3A_371 : vector<1x1280xf32>
      %add3A_373 = arith.constant 1 : i32
      %add3A_374 = arith.addi %scan3A_259, %add3A_373 : i32
      %mul3A_375 = arith.constant 128 : i32
      %mul3A_376 = arith.muli %add3A_374, %mul3A_375 : i32
      %ge3A = vector.broadcast %mul3A_376 : i32 to vector<1x1280xi32>
      %ge3A_377 = arith.cmpi sge, %add3A_159, %ge3A : vector<1x1280xi32>
      %and3A_378 = arith.andi %gt3A_372, %ge3A_377 : vector<1x1280xi1>
      %slice3A_379 = vector.extract_strided_slice %and3A_378 {offsets = [0, 0], sizes = [1, 128], strides = [1, 1]} : vector<1x1280xi1> to vector<1x128xi1>
      %get3A_380 = arith.constant 30 : index
      %get3A_381 = arith.constant 0 : index
      %get3A_382 = arith.constant 0 : index
      %get3A_383 = vector.load %arg10[%get3A_380, %get3A_381, %get3A_382] : memref<40x1x128xf32, #tpu.memory_space<vmem>>, vector<1x1x128xf32>
      %get3A_384 = vector.shape_cast %get3A_383 : vector<1x1x128xf32> to vector<1x128xf32>
      %jit3A_385 = arith.constant 0.000000e+00 : f32
      %broadcast_in_dim3A_386 = vector.broadcast %jit3A_385 : f32 to vector<1x128xf32>
      %select_n3A_387 = arith.select %slice3A_379, %broadcast_in_dim3A_386, %get3A_384 : vector<1x128xi1>, vector<1x128xf32>
      %swap3A_388 = arith.constant 30 : index
      %swap3A_389 = arith.constant 0 : index
      %swap3A_390 = arith.constant 0 : index
      %swap3A_391 = vector.load %arg10[%swap3A_388, %swap3A_389, %swap3A_390] : memref<40x1x128xf32, #tpu.memory_space<vmem>>, vector<1x1x128xf32>
      %swap3A_392 = vector.shape_cast %swap3A_391 : vector<1x1x128xf32> to vector<1x128xf32>
      %swap3A_393 = vector.shape_cast %select_n3A_387 : vector<1x128xf32> to vector<1x1x128xf32>
      tpu.vector_store %arg10[%swap3A_388, %swap3A_389, %swap3A_390], %swap3A_393 {strides = array<i32>} : memref<40x1x128xf32, #tpu.memory_space<vmem>>, vector<1x1x128xf32>,
      %slice3A_394 = vector.extract_strided_slice %and3A_378 {offsets = [0, 128], sizes = [1, 128], strides = [1, 1]} : vector<1x1280xi1> to vector<1x128xi1>
      %get3A_395 = arith.constant 31 : index
      %get3A_396 = arith.constant 0 : index
      %get3A_397 = arith.constant 0 : index
      %get3A_398 = vector.load %arg10[%get3A_395, %get3A_396, %get3A_397] : memref<40x1x128xf32, #tpu.memory_space<vmem>>, vector<1x1x128xf32>
      %get3A_399 = vector.shape_cast %get3A_398 : vector<1x1x128xf32> to vector<1x128xf32>
      %jit3A_400 = arith.constant 0.000000e+00 : f32
      %broadcast_in_dim3A_401 = vector.broadcast %jit3A_400 : f32 to vector<1x128xf32>
      %select_n3A_402 = arith.select %slice3A_394, %broadcast_in_dim3A_401, %get3A_399 : vector<1x128xi1>, vector<1x128xf32>
      %swap3A_403 = arith.constant 31 : index
      %swap3A_404 = arith.constant 0 : index
      %swap3A_405 = arith.constant 0 : index
      %swap3A_406 = vector.load %arg10[%swap3A_403, %swap3A_404, %swap3A_405] : memref<40x1x128xf32, #tpu.memory_space<vmem>>, vector<1x1x128xf32>
      %swap3A_407 = vector.shape_cast %swap3A_406 : vector<1x1x128xf32> to vector<1x128xf32>
      %swap3A_408 = vector.shape_cast %select_n3A_402 : vector<1x128xf32> to vector<1x1x128xf32>
      tpu.vector_store %arg10[%swap3A_403, %swap3A_404, %swap3A_405], %swap3A_408 {strides = array<i32>} : memref<40x1x128xf32, #tpu.memory_space<vmem>>, vector<1x1x128xf32>,
      %slice3A_409 = vector.extract_strided_slice %and3A_378 {offsets = [0, 256], sizes = [1, 128], strides = [1, 1]} : vector<1x1280xi1> to vector<1x128xi1>
      %get3A_410 = arith.constant 32 : index
      %get3A_411 = arith.constant 0 : index
      %get3A_412 = arith.constant 0 : index
      %get3A_413 = vector.load %arg10[%get3A_410, %get3A_411, %get3A_412] : memref<40x1x128xf32, #tpu.memory_space<vmem>>, vector<1x1x128xf32>
      %get3A_414 = vector.shape_cast %get3A_413 : vector<1x1x128xf32> to vector<1x128xf32>
      %jit3A_415 = arith.constant 0.000000e+00 : f32
      %broadcast_in_dim3A_416 = vector.broadcast %jit3A_415 : f32 to vector<1x128xf32>
      %select_n3A_417 = arith.select %slice3A_409, %broadcast_in_dim3A_416, %get3A_414 : vector<1x128xi1>, vector<1x128xf32>
      %swap3A_418 = arith.constant 32 : index
      %swap3A_419 = arith.constant 0 : index
      %swap3A_420 = arith.constant 0 : index
      %swap3A_421 = vector.load %arg10[%swap3A_418, %swap3A_419, %swap3A_420] : memref<40x1x128xf32, #tpu.memory_space<vmem>>, vector<1x1x128xf32>
      %swap3A_422 = vector.shape_cast %swap3A_421 : vector<1x1x128xf32> to vector<1x128xf32>
      %swap3A_423 = vector.shape_cast %select_n3A_417 : vector<1x128xf32> to vector<1x1x128xf32>
      tpu.vector_store %arg10[%swap3A_418, %swap3A_419, %swap3A_420], %swap3A_423 {strides = array<i32>} : memref<40x1x128xf32, #tpu.memory_space<vmem>>, vector<1x1x128xf32>,
      %slice3A_424 = vector.extract_strided_slice %and3A_378 {offsets = [0, 384], sizes = [1, 128], strides = [1, 1]} : vector<1x1280xi1> to vector<1x128xi1>
      %get3A_425 = arith.constant 33 : index
      %get3A_426 = arith.constant 0 : index
      %get3A_427 = arith.constant 0 : index
      %get3A_428 = vector.load %arg10[%get3A_425, %get3A_426, %get3A_427] : memref<40x1x128xf32, #tpu.memory_space<vmem>>, vector<1x1x128xf32>
      %get3A_429 = vector.shape_cast %get3A_428 : vector<1x1x128xf32> to vector<1x128xf32>
      %jit3A_430 = arith.constant 0.000000e+00 : f32
      %broadcast_in_dim3A_431 = vector.broadcast %jit3A_430 : f32 to vector<1x128xf32>
      %select_n3A_432 = arith.select %slice3A_424, %broadcast_in_dim3A_431, %get3A_429 : vector<1x128xi1>, vector<1x128xf32>
      %swap3A_433 = arith.constant 33 : index
      %swap3A_434 = arith.constant 0 : index
      %swap3A_435 = arith.constant 0 : index
      %swap3A_436 = vector.load %arg10[%swap3A_433, %swap3A_434, %swap3A_435] : memref<40x1x128xf32, #tpu.memory_space<vmem>>, vector<1x1x128xf32>
      %swap3A_437 = vector.shape_cast %swap3A_436 : vector<1x1x128xf32> to vector<1x128xf32>
      %swap3A_438 = vector.shape_cast %select_n3A_432 : vector<1x128xf32> to vector<1x1x128xf32>
      tpu.vector_store %arg10[%swap3A_433, %swap3A_434, %swap3A_435], %swap3A_438 {strides = array<i32>} : memref<40x1x128xf32, #tpu.memory_space<vmem>>, vector<1x1x128xf32>,
      %slice3A_439 = vector.extract_strided_slice %and3A_378 {offsets = [0, 512], sizes = [1, 128], strides = [1, 1]} : vector<1x1280xi1> to vector<1x128xi1>
      %get3A_440 = arith.constant 34 : index
      %get3A_441 = arith.constant 0 : index
      %get3A_442 = arith.constant 0 : index
      %get3A_443 = vector.load %arg10[%get3A_440, %get3A_441, %get3A_442] : memref<40x1x128xf32, #tpu.memory_space<vmem>>, vector<1x1x128xf32>
      %get3A_444 = vector.shape_cast %get3A_443 : vector<1x1x128xf32> to vector<1x128xf32>
      %jit3A_445 = arith.constant 0.000000e+00 : f32
      %broadcast_in_dim3A_446 = vector.broadcast %jit3A_445 : f32 to vector<1x128xf32>
      %select_n3A_447 = arith.select %slice3A_439, %broadcast_in_dim3A_446, %get3A_444 : vector<1x128xi1>, vector<1x128xf32>
      %swap3A_448 = arith.constant 34 : index
      %swap3A_449 = arith.constant 0 : index
      %swap3A_450 = arith.constant 0 : index
      %swap3A_451 = vector.load %arg10[%swap3A_448, %swap3A_449, %swap3A_450] : memref<40x1x128xf32, #tpu.memory_space<vmem>>, vector<1x1x128xf32>
      %swap3A_452 = vector.shape_cast %swap3A_451 : vector<1x1x128xf32> to vector<1x128xf32>
      %swap3A_453 = vector.shape_cast %select_n3A_447 : vector<1x128xf32> to vector<1x1x128xf32>
      tpu.vector_store %arg10[%swap3A_448, %swap3A_449, %swap3A_450], %swap3A_453 {strides = array<i32>} : memref<40x1x128xf32, #tpu.memory_space<vmem>>, vector<1x1x128xf32>,
      %slice3A_454 = vector.extract_strided_slice %and3A_378 {offsets = [0, 640], sizes = [1, 128], strides = [1, 1]} : vector<1x1280xi1> to vector<1x128xi1>
      %get3A_455 = arith.constant 35 : index
      %get3A_456 = arith.constant 0 : index
      %get3A_457 = arith.constant 0 : index
      %get3A_458 = vector.load %arg10[%get3A_455, %get3A_456, %get3A_457] : memref<40x1x128xf32, #tpu.memory_space<vmem>>, vector<1x1x128xf32>
      %get3A_459 = vector.shape_cast %get3A_458 : vector<1x1x128xf32> to vector<1x128xf32>
      %jit3A_460 = arith.constant 0.000000e+00 : f32
      %broadcast_in_dim3A_461 = vector.broadcast %jit3A_460 : f32 to vector<1x128xf32>
      %select_n3A_462 = arith.select %slice3A_454, %broadcast_in_dim3A_461, %get3A_459 : vector<1x128xi1>, vector<1x128xf32>
      %swap3A_463 = arith.constant 35 : index
      %swap3A_464 = arith.constant 0 : index
      %swap3A_465 = arith.constant 0 : index
      %swap3A_466 = vector.load %arg10[%swap3A_463, %swap3A_464, %swap3A_465] : memref<40x1x128xf32, #tpu.memory_space<vmem>>, vector<1x1x128xf32>
      %swap3A_467 = vector.shape_cast %swap3A_466 : vector<1x1x128xf32> to vector<1x128xf32>
      %swap3A_468 = vector.shape_cast %select_n3A_462 : vector<1x128xf32> to vector<1x1x128xf32>
      tpu.vector_store %arg10[%swap3A_463, %swap3A_464, %swap3A_465], %swap3A_468 {strides = array<i32>} : memref<40x1x128xf32, #tpu.memory_space<vmem>>, vector<1x1x128xf32>,
      %slice3A_469 = vector.extract_strided_slice %and3A_378 {offsets = [0, 768], sizes = [1, 128], strides = [1, 1]} : vector<1x1280xi1> to vector<1x128xi1>
      %get3A_470 = arith.constant 36 : index
      %get3A_471 = arith.constant 0 : index
      %get3A_472 = arith.constant 0 : index
      %get3A_473 = vector.load %arg10[%get3A_470, %get3A_471, %get3A_472] : memref<40x1x128xf32, #tpu.memory_space<vmem>>, vector<1x1x128xf32>
      %get3A_474 = vector.shape_cast %get3A_473 : vector<1x1x128xf32> to vector<1x128xf32>
      %jit3A_475 = arith.constant 0.000000e+00 : f32
      %broadcast_in_dim3A_476 = vector.broadcast %jit3A_475 : f32 to vector<1x128xf32>
      %select_n3A_477 = arith.select %slice3A_469, %broadcast_in_dim3A_476, %get3A_474 : vector<1x128xi1>, vector<1x128xf32>
      %swap3A_478 = arith.constant 36 : index
      %swap3A_479 = arith.constant 0 : index
      %swap3A_480 = arith.constant 0 : index
      %swap3A_481 = vector.load %arg10[%swap3A_478, %swap3A_479, %swap3A_480] : memref<40x1x128xf32, #tpu.memory_space<vmem>>, vector<1x1x128xf32>
      %swap3A_482 = vector.shape_cast %swap3A_481 : vector<1x1x128xf32> to vector<1x128xf32>
      %swap3A_483 = vector.shape_cast %select_n3A_477 : vector<1x128xf32> to vector<1x1x128xf32>
      tpu.vector_store %arg10[%swap3A_478, %swap3A_479, %swap3A_480], %swap3A_483 {strides = array<i32>} : memref<40x1x128xf32, #tpu.memory_space<vmem>>, vector<1x1x128xf32>,
      %slice3A_484 = vector.extract_strided_slice %and3A_378 {offsets = [0, 896], sizes = [1, 128], strides = [1, 1]} : vector<1x1280xi1> to vector<1x128xi1>
      %get3A_485 = arith.constant 37 : index
      %get3A_486 = arith.constant 0 : index
      %get3A_487 = arith.constant 0 : index
      %get3A_488 = vector.load %arg10[%get3A_485, %get3A_486, %get3A_487] : memref<40x1x128xf32, #tpu.memory_space<vmem>>, vector<1x1x128xf32>
      %get3A_489 = vector.shape_cast %get3A_488 : vector<1x1x128xf32> to vector<1x128xf32>
      %jit3A_490 = arith.constant 0.000000e+00 : f32
      %broadcast_in_dim3A_491 = vector.broadcast %jit3A_490 : f32 to vector<1x128xf32>
      %select_n3A_492 = arith.select %slice3A_484, %broadcast_in_dim3A_491, %get3A_489 : vector<1x128xi1>, vector<1x128xf32>
      %swap3A_493 = arith.constant 37 : index
      %swap3A_494 = arith.constant 0 : index
      %swap3A_495 = arith.constant 0 : index
      %swap3A_496 = vector.load %arg10[%swap3A_493, %swap3A_494, %swap3A_495] : memref<40x1x128xf32, #tpu.memory_space<vmem>>, vector<1x1x128xf32>
      %swap3A_497 = vector.shape_cast %swap3A_496 : vector<1x1x128xf32> to vector<1x128xf32>
      %swap3A_498 = vector.shape_cast %select_n3A_492 : vector<1x128xf32> to vector<1x1x128xf32>
      tpu.vector_store %arg10[%swap3A_493, %swap3A_494, %swap3A_495], %swap3A_498 {strides = array<i32>} : memref<40x1x128xf32, #tpu.memory_space<vmem>>, vector<1x1x128xf32>,
      %slice3A_499 = vector.extract_strided_slice %and3A_378 {offsets = [0, 1024], sizes = [1, 128], strides = [1, 1]} : vector<1x1280xi1> to vector<1x128xi1>
      %get3A_500 = arith.constant 38 : index
      %get3A_501 = arith.constant 0 : index
      %get3A_502 = arith.constant 0 : index
      %get3A_503 = vector.load %arg10[%get3A_500, %get3A_501, %get3A_502] : memref<40x1x128xf32, #tpu.memory_space<vmem>>, vector<1x1x128xf32>
      %get3A_504 = vector.shape_cast %get3A_503 : vector<1x1x128xf32> to vector<1x128xf32>
      %jit3A_505 = arith.constant 0.000000e+00 : f32
      %broadcast_in_dim3A_506 = vector.broadcast %jit3A_505 : f32 to vector<1x128xf32>
      %select_n3A_507 = arith.select %slice3A_499, %broadcast_in_dim3A_506, %get3A_504 : vector<1x128xi1>, vector<1x128xf32>
      %swap3A_508 = arith.constant 38 : index
      %swap3A_509 = arith.constant 0 : index
      %swap3A_510 = arith.constant 0 : index
      %swap3A_511 = vector.load %arg10[%swap3A_508, %swap3A_509, %swap3A_510] : memref<40x1x128xf32, #tpu.memory_space<vmem>>, vector<1x1x128xf32>
      %swap3A_512 = vector.shape_cast %swap3A_511 : vector<1x1x128xf32> to vector<1x128xf32>
      %swap3A_513 = vector.shape_cast %select_n3A_507 : vector<1x128xf32> to vector<1x1x128xf32>
      tpu.vector_store %arg10[%swap3A_508, %swap3A_509, %swap3A_510], %swap3A_513 {strides = array<i32>} : memref<40x1x128xf32, #tpu.memory_space<vmem>>, vector<1x1x128xf32>,
      %slice3A_514 = vector.extract_strided_slice %and3A_378 {offsets = [0, 1152], sizes = [1, 128], strides = [1, 1]} : vector<1x1280xi1> to vector<1x128xi1>
      %get3A_515 = arith.constant 39 : index
      %get3A_516 = arith.constant 0 : index
      %get3A_517 = arith.constant 0 : index
      %get3A_518 = vector.load %arg10[%get3A_515, %get3A_516, %get3A_517] : memref<40x1x128xf32, #tpu.memory_space<vmem>>, vector<1x1x128xf32>
      %get3A_519 = vector.shape_cast %get3A_518 : vector<1x1x128xf32> to vector<1x128xf32>
      %jit3A_520 = arith.constant 0.000000e+00 : f32
      %broadcast_in_dim3A_521 = vector.broadcast %jit3A_520 : f32 to vector<1x128xf32>
      %select_n3A_522 = arith.select %slice3A_514, %broadcast_in_dim3A_521, %get3A_519 : vector<1x128xi1>, vector<1x128xf32>
      %swap3A_523 = arith.constant 39 : index
      %swap3A_524 = arith.constant 0 : index
      %swap3A_525 = arith.constant 0 : index
      %swap3A_526 = vector.load %arg10[%swap3A_523, %swap3A_524, %swap3A_525] : memref<40x1x128xf32, #tpu.memory_space<vmem>>, vector<1x1x128xf32>
      %swap3A_527 = vector.shape_cast %swap3A_526 : vector<1x1x128xf32> to vector<1x128xf32>
      %swap3A_528 = vector.shape_cast %select_n3A_522 : vector<1x128xf32> to vector<1x1x128xf32>
      tpu.vector_store %arg10[%swap3A_523, %swap3A_524, %swap3A_525], %swap3A_528 {strides = array<i32>} : memref<40x1x128xf32, #tpu.memory_space<vmem>>, vector<1x1x128xf32>,
    }
    %scan3A_164 = arith.constant 5 : i32
    %slice3A_165 = vector.extract_strided_slice %get3A_6 {offsets = [0, 4480], sizes = [1, 640], strides = [1, 1]} : vector<1x5120xf32> to vector<1x640xf32>
    %slice3A_166 = vector.extract_strided_slice %get3A_9 {offsets = [0, 4480], sizes = [1, 640], strides = [1, 1]} : vector<1x5120xf32> to vector<1x640xf32>
    %slice3A_167 = vector.extract_strided_slice %get3A_12 {offsets = [0, 4480], sizes = [1, 640], strides = [1, 1]} : vector<1x5120xf32> to vector<1x640xf32>
    %slice3A_168 = vector.extract_strided_slice %get3A_15 {offsets = [0, 4480], sizes = [1, 640], strides = [1, 1]} : vector<1x5120xf32> to vector<1x640xf32>
    %sub3A_169 = arith.subf %slice3A_167, %slice3A_165 : vector<1x640xf32>
    %sub3A_170 = arith.subf %slice3A_168, %slice3A_166 : vector<1x640xf32>
    %mul3A_171 = arith.mulf %sub3A_169, %sub3A_170 : vector<1x640xf32>
    %add3A_172 = arith.constant 9.99999993E-9 : f32
    %add3A_173 = vector.broadcast %add3A_172 : f32 to vector<1x640xf32>
    %add3A_174 = arith.addf %mul3A_171, %add3A_173 : vector<1x640xf32>
    %mul3A_175 = arith.constant 0.411764711 : f32
    %mul3A_176 = vector.broadcast %mul3A_175 : f32 to vector<1x640xf32>
    %mul3A_177 = arith.mulf %add3A_174, %mul3A_176 : vector<1x640xf32>
    %iota3A_178 = tpu.iota {dimensions = array<i32: 1>} : vector<1x640xi32>
    %add3A_179 = arith.constant 4480 : i32
    %add3A_180 = vector.broadcast %add3A_179 : i32 to vector<1x640xi32>
    %add3A_181 = arith.addi %iota3A_178, %add3A_180 : vector<1x640xi32>
    %scan3A_182 = arith.constant 35 : i32
    %scan3A_183 = arith.constant 5 : i32
    %scan3A_184 = arith.addi %scan3A_182, %scan3A_183 : i32
    %scan3A_185 = arith.constant 1 : i32
    scf.for %scan3A_259 = %scan3A_182 to %scan3A_184 step %scan3A_185  : i32 {
      %mul3A_260 = arith.constant 128 : i32
      %mul3A_261 = arith.muli %scan3A_259, %mul3A_260 : i32
      %get3A_262 = arith.index_cast %mul3A_261 : i32 to index
      %get3A_263 = arith.constant 0 : index
      %get3A_264 = vector.load %arg0[%get3A_262, %get3A_263] : memref<5120x4xf32, #tpu.memory_space<vmem>>, vector<128x4xf32>
      %slice3A_265 = vector.extract_strided_slice %get3A_264 {offsets = [0, 0], sizes = [128, 1], strides = [1, 1]} : vector<128x4xf32> to vector<128x1xf32>
      %slice3A_266 = vector.extract_strided_slice %get3A_264 {offsets = [0, 1], sizes = [128, 1], strides = [1, 1]} : vector<128x4xf32> to vector<128x1xf32>
      %slice3A_267 = vector.extract_strided_slice %get3A_264 {offsets = [0, 2], sizes = [128, 1], strides = [1, 1]} : vector<128x4xf32> to vector<128x1xf32>
      %slice3A_268 = vector.extract_strided_slice %get3A_264 {offsets = [0, 3], sizes = [128, 1], strides = [1, 1]} : vector<128x4xf32> to vector<128x1xf32>
      %sub3A_269 = arith.subf %slice3A_267, %slice3A_265 : vector<128x1xf32>
      %sub3A_270 = arith.subf %slice3A_268, %slice3A_266 : vector<128x1xf32>
      %mul3A_271 = arith.mulf %sub3A_269, %sub3A_270 : vector<128x1xf32>
      %mul3A_272 = arith.constant 0.411764711 : f32
      %mul3A_273 = vector.broadcast %mul3A_272 : f32 to vector<128x1xf32>
      %mul3A_274 = arith.mulf %mul3A_271, %mul3A_273 : vector<128x1xf32>
      %get3A_275 = arith.index_cast %scan3A_259 : i32 to index
      %get3A_276 = arith.constant 0 : index
      %get3A_277 = arith.constant 0 : index
      %get3A_278 = vector.load %arg1[%get3A_275, %get3A_276, %get3A_277] : memref<40x1x128xf32, #tpu.memory_space<vmem>>, vector<1x1x128xf32>
      %get3A_279 = vector.shape_cast %get3A_278 : vector<1x1x128xf32> to vector<1x128xf32>
      %get3A_280 = arith.index_cast %scan3A_259 : i32 to index
      %get3A_281 = arith.constant 0 : index
      %get3A_282 = arith.constant 0 : index
      %get3A_283 = vector.load %arg2[%get3A_280, %get3A_281, %get3A_282] : memref<40x1x128xf32, #tpu.memory_space<vmem>>, vector<1x1x128xf32>
      %get3A_284 = vector.shape_cast %get3A_283 : vector<1x1x128xf32> to vector<1x128xf32>
      %get3A_285 = arith.index_cast %scan3A_259 : i32 to index
      %get3A_286 = arith.constant 0 : index
      %get3A_287 = arith.constant 0 : index
      %get3A_288 = vector.load %arg3[%get3A_285, %get3A_286, %get3A_287] : memref<40x1x128xf32, #tpu.memory_space<vmem>>, vector<1x1x128xf32>
      %get3A_289 = vector.shape_cast %get3A_288 : vector<1x1x128xf32> to vector<1x128xf32>
      %get3A_290 = arith.index_cast %scan3A_259 : i32 to index
      %get3A_291 = arith.constant 0 : index
      %get3A_292 = arith.constant 0 : index
      %get3A_293 = vector.load %arg4[%get3A_290, %get3A_291, %get3A_292] : memref<40x1x128xf32, #tpu.memory_space<vmem>>, vector<1x1x128xf32>
      %get3A_294 = vector.shape_cast %get3A_293 : vector<1x1x128xf32> to vector<1x128xf32>
      %sub3A_295 = arith.subf %get3A_289, %get3A_279 : vector<1x128xf32>
      %sub3A_296 = arith.subf %get3A_294, %get3A_284 : vector<1x128xf32>
      %mul3A_297 = arith.mulf %sub3A_295, %sub3A_296 : vector<1x128xf32>
      %add3A_298 = arith.constant 9.99999993E-9 : f32
      %add3A_299 = vector.broadcast %add3A_298 : f32 to vector<1x128xf32>
      %add3A_300 = arith.addf %mul3A_297, %add3A_299 : vector<1x128xf32>
      %mul3A_301 = arith.constant 0.411764711 : f32
      %mul3A_302 = vector.broadcast %mul3A_301 : f32 to vector<1x128xf32>
      %mul3A_303 = arith.mulf %add3A_300, %mul3A_302 : vector<1x128xf32>
      %max3A = vector.broadcast %slice3A_265 : vector<128x1xf32> to vector<128x128xf32>
      %max3A_304 = vector.broadcast %get3A_279 : vector<1x128xf32> to vector<128x128xf32>
      %max3A_305 = arith.maximumf %max3A, %max3A_304 : vector<128x128xf32>
      %max3A_306 = vector.broadcast %slice3A_266 : vector<128x1xf32> to vector<128x128xf32>
      %max3A_307 = vector.broadcast %get3A_284 : vector<1x128xf32> to vector<128x128xf32>
      %max3A_308 = arith.maximumf %max3A_306, %max3A_307 : vector<128x128xf32>
      %min3A = vector.broadcast %slice3A_267 : vector<128x1xf32> to vector<128x128xf32>
      %min3A_309 = vector.broadcast %get3A_289 : vector<1x128xf32> to vector<128x128xf32>
      %min3A_310 = arith.minimumf %min3A, %min3A_309 : vector<128x128xf32>
      %min3A_311 = vector.broadcast %slice3A_268 : vector<128x1xf32> to vector<128x128xf32>
      %min3A_312 = vector.broadcast %get3A_294 : vector<1x128xf32> to vector<128x128xf32>
      %min3A_313 = arith.minimumf %min3A_311, %min3A_312 : vector<128x128xf32>
      %sub3A_314 = arith.subf %min3A_310, %max3A_305 : vector<128x128xf32>
      %max3A_315 = arith.constant 0.000000e+00 : f32
      %max3A_316 = vector.broadcast %max3A_315 : f32 to vector<128x128xf32>
      %max3A_317 = arith.maximumf %sub3A_314, %max3A_316 : vector<128x128xf32>
      %sub3A_318 = arith.subf %min3A_313, %max3A_308 : vector<128x128xf32>
      %max3A_319 = arith.constant 0.000000e+00 : f32
      %max3A_320 = vector.broadcast %max3A_319 : f32 to vector<128x128xf32>
      %max3A_321 = arith.maximumf %sub3A_318, %max3A_320 : vector<128x128xf32>
      %mul3A_322 = arith.mulf %max3A_317, %max3A_321 : vector<128x128xf32>
      %add3A_323 = vector.broadcast %mul3A_274 : vector<128x1xf32> to vector<128x128xf32>
      %add3A_324 = vector.broadcast %mul3A_303 : vector<1x128xf32> to vector<128x128xf32>
      %add3A_325 = arith.addf %add3A_323, %add3A_324 : vector<128x128xf32>
      %gt3A_326 = arith.cmpf ogt, %mul3A_322, %add3A_325 : vector<128x128xf32>
      %and3A = arith.andi %gt3A_326, %gt3A : vector<128x128xi1>
      %convert_element_type3A_327 = arith.extui %and3A : vector<128x128xi1> to vector<128x128xi32>
      %convert_element_type3A_328 = arith.sitofp %convert_element_type3A_327 : vector<128x128xi32> to vector<128x128xf32>
      %get3A_329 = arith.index_cast %scan3A_259 : i32 to index
      %get3A_330 = arith.constant 0 : index
      %get3A_331 = arith.constant 0 : index
      %get3A_332 = vector.load %arg10[%get3A_329, %get3A_330, %get3A_331] : memref<40x1x128xf32, #tpu.memory_space<vmem>>, vector<1x1x128xf32>
      %get3A_333 = vector.shape_cast %get3A_332 : vector<1x1x128xf32> to vector<1x128xf32>
      %while3A = arith.constant true
      %while3A_334:2 = scf.while (%while3A_454 = %get3A_333, %while3A_455 = %while3A) : (vector<1x128xf32>, i1) -> (vector<1x128xf32>, i1) {
        scf.condition(%while3A_455) %while3A_454, %while3A_455 : vector<1x128xf32>, i1
      } do {
      ^bb0(%while3A_454: vector<1x128xf32>, %while3A_455: i1):
        %dot_general3A_456 = arith.constant dense<0.000000e+00> : vector<1x128xf32>
        %dot_general3A_457 = tpu.matmul %while3A_454, %convert_element_type3A_328, %dot_general3A_456 {dimension_numbers = #tpu.dot_dimension_numbers<[1], [0], [0], [1], [0, 0, 1, 1], [], []>, transpose_lhs_hint = false} : vector<1x128xf32>, vector<128x128xf32>, vector<1x128xf32> -> vector<1x128xf32>
        %gt3A_458 = arith.constant 0.000000e+00 : f32
        %gt3A_459 = vector.broadcast %gt3A_458 : f32 to vector<1x128xf32>
        %gt3A_460 = arith.cmpf ogt, %dot_general3A_457, %gt3A_459 : vector<1x128xf32>
        %jit3A_461 = arith.constant 0.000000e+00 : f32
        %broadcast_in_dim3A_462 = vector.broadcast %jit3A_461 : f32 to vector<1x128xf32>
        %select_n3A_463 = arith.select %gt3A_460, %broadcast_in_dim3A_462, %get3A_333 : vector<1x128xi1>, vector<1x128xf32>
        %ne3A = arith.cmpf one, %select_n3A_463, %while3A_454 : vector<1x128xf32>
        %reduce_or3A = arith.constant 1.000000e+00 : f32
        %reduce_or3A_464 = arith.constant 0.000000e+00 : f32
        %reduce_or3A_465 = vector.broadcast %reduce_or3A : f32 to vector<1x128xf32>
        %reduce_or3A_466 = vector.broadcast %reduce_or3A_464 : f32 to vector<1x128xf32>
        %reduce_or3A_467 = arith.select %ne3A, %reduce_or3A_465, %reduce_or3A_466 : vector<1x128xi1>, vector<1x128xf32>
        %reduce_or3A_468 = vector.shape_cast %reduce_or3A_467 : vector<1x128xf32> to vector<1x1x128xf32>
        %reduce_or3A_469 = arith.constant dense<0xFF800000> : vector<1xf32>
        %reduce_or3A_470 = vector.multi_reduction <maximumf>, %reduce_or3A_468, %reduce_or3A_469 [1, 2] : vector<1x1x128xf32> to vector<1xf32>
        %reduce_or3A_471 = vector.shape_cast %reduce_or3A_470 : vector<1xf32> to vector<1x1x1xf32>
        %reduce_or3A_472 = vector.extract %reduce_or3A_471[0, 0, 0] : f32 from vector<1x1x1xf32>
        %reduce_or3A_473 = arith.constant 0.000000e+00 : f32
        %reduce_or3A_474 = arith.cmpf ogt, %reduce_or3A_472, %reduce_or3A_473 : f32
        scf.yield %select_n3A_463, %reduce_or3A_474 : vector<1x128xf32>, i1
      }
      %swap3A_335 = arith.index_cast %scan3A_259 : i32 to index
      %swap3A_336 = arith.constant 0 : index
      %swap3A_337 = arith.constant 0 : index
      %swap3A_338 = vector.load %arg10[%swap3A_335, %swap3A_336, %swap3A_337] : memref<40x1x128xf32, #tpu.memory_space<vmem>>, vector<1x1x128xf32>
      %swap3A_339 = vector.shape_cast %swap3A_338 : vector<1x1x128xf32> to vector<1x128xf32>
      %swap3A_340 = vector.shape_cast %while3A_334#0 : vector<1x128xf32> to vector<1x1x128xf32>
      tpu.vector_store %arg10[%swap3A_335, %swap3A_336, %swap3A_337], %swap3A_340 {strides = array<i32>} : memref<40x1x128xf32, #tpu.memory_space<vmem>>, vector<1x1x128xf32>,
      %max3A_341 = vector.broadcast %slice3A_265 : vector<128x1xf32> to vector<128x640xf32>
      %max3A_342 = vector.broadcast %slice3A_165 : vector<1x640xf32> to vector<128x640xf32>
      %max3A_343 = arith.maximumf %max3A_341, %max3A_342 : vector<128x640xf32>
      %max3A_344 = vector.broadcast %slice3A_266 : vector<128x1xf32> to vector<128x640xf32>
      %max3A_345 = vector.broadcast %slice3A_166 : vector<1x640xf32> to vector<128x640xf32>
      %max3A_346 = arith.maximumf %max3A_344, %max3A_345 : vector<128x640xf32>
      %min3A_347 = vector.broadcast %slice3A_267 : vector<128x1xf32> to vector<128x640xf32>
      %min3A_348 = vector.broadcast %slice3A_167 : vector<1x640xf32> to vector<128x640xf32>
      %min3A_349 = arith.minimumf %min3A_347, %min3A_348 : vector<128x640xf32>
      %min3A_350 = vector.broadcast %slice3A_268 : vector<128x1xf32> to vector<128x640xf32>
      %min3A_351 = vector.broadcast %slice3A_168 : vector<1x640xf32> to vector<128x640xf32>
      %min3A_352 = arith.minimumf %min3A_350, %min3A_351 : vector<128x640xf32>
      %sub3A_353 = arith.subf %min3A_349, %max3A_343 : vector<128x640xf32>
      %max3A_354 = arith.constant 0.000000e+00 : f32
      %max3A_355 = vector.broadcast %max3A_354 : f32 to vector<128x640xf32>
      %max3A_356 = arith.maximumf %sub3A_353, %max3A_355 : vector<128x640xf32>
      %sub3A_357 = arith.subf %min3A_352, %max3A_346 : vector<128x640xf32>
      %max3A_358 = arith.constant 0.000000e+00 : f32
      %max3A_359 = vector.broadcast %max3A_358 : f32 to vector<128x640xf32>
      %max3A_360 = arith.maximumf %sub3A_357, %max3A_359 : vector<128x640xf32>
      %mul3A_361 = arith.mulf %max3A_356, %max3A_360 : vector<128x640xf32>
      %add3A_362 = vector.broadcast %mul3A_274 : vector<128x1xf32> to vector<128x640xf32>
      %add3A_363 = vector.broadcast %mul3A_177 : vector<1x640xf32> to vector<128x640xf32>
      %add3A_364 = arith.addf %add3A_362, %add3A_363 : vector<128x640xf32>
      %gt3A_365 = arith.cmpf ogt, %mul3A_361, %add3A_364 : vector<128x640xf32>
      %convert_element_type3A_366 = arith.extui %gt3A_365 : vector<128x640xi1> to vector<128x640xi32>
      %convert_element_type3A_367 = arith.sitofp %convert_element_type3A_366 : vector<128x640xi32> to vector<128x640xf32>
      %dot_general3A_368 = arith.constant dense<0.000000e+00> : vector<1x640xf32>
      %dot_general3A_369 = tpu.matmul %while3A_334#0, %convert_element_type3A_367, %dot_general3A_368 {dimension_numbers = #tpu.dot_dimension_numbers<[1], [0], [0], [1], [0, 0, 1, 1], [], []>, transpose_lhs_hint = false} : vector<1x128xf32>, vector<128x640xf32>, vector<1x640xf32> -> vector<1x640xf32>
      %gt3A_370 = arith.constant 0.000000e+00 : f32
      %gt3A_371 = vector.broadcast %gt3A_370 : f32 to vector<1x640xf32>
      %gt3A_372 = arith.cmpf ogt, %dot_general3A_369, %gt3A_371 : vector<1x640xf32>
      %add3A_373 = arith.constant 1 : i32
      %add3A_374 = arith.addi %scan3A_259, %add3A_373 : i32
      %mul3A_375 = arith.constant 128 : i32
      %mul3A_376 = arith.muli %add3A_374, %mul3A_375 : i32
      %ge3A = vector.broadcast %mul3A_376 : i32 to vector<1x640xi32>
      %ge3A_377 = arith.cmpi sge, %add3A_181, %ge3A : vector<1x640xi32>
      %and3A_378 = arith.andi %gt3A_372, %ge3A_377 : vector<1x640xi1>
      %slice3A_379 = vector.extract_strided_slice %and3A_378 {offsets = [0, 0], sizes = [1, 128], strides = [1, 1]} : vector<1x640xi1> to vector<1x128xi1>
      %get3A_380 = arith.constant 35 : index
      %get3A_381 = arith.constant 0 : index
      %get3A_382 = arith.constant 0 : index
      %get3A_383 = vector.load %arg10[%get3A_380, %get3A_381, %get3A_382] : memref<40x1x128xf32, #tpu.memory_space<vmem>>, vector<1x1x128xf32>
      %get3A_384 = vector.shape_cast %get3A_383 : vector<1x1x128xf32> to vector<1x128xf32>
      %jit3A_385 = arith.constant 0.000000e+00 : f32
      %broadcast_in_dim3A_386 = vector.broadcast %jit3A_385 : f32 to vector<1x128xf32>
      %select_n3A_387 = arith.select %slice3A_379, %broadcast_in_dim3A_386, %get3A_384 : vector<1x128xi1>, vector<1x128xf32>
      %swap3A_388 = arith.constant 35 : index
      %swap3A_389 = arith.constant 0 : index
      %swap3A_390 = arith.constant 0 : index
      %swap3A_391 = vector.load %arg10[%swap3A_388, %swap3A_389, %swap3A_390] : memref<40x1x128xf32, #tpu.memory_space<vmem>>, vector<1x1x128xf32>
      %swap3A_392 = vector.shape_cast %swap3A_391 : vector<1x1x128xf32> to vector<1x128xf32>
      %swap3A_393 = vector.shape_cast %select_n3A_387 : vector<1x128xf32> to vector<1x1x128xf32>
      tpu.vector_store %arg10[%swap3A_388, %swap3A_389, %swap3A_390], %swap3A_393 {strides = array<i32>} : memref<40x1x128xf32, #tpu.memory_space<vmem>>, vector<1x1x128xf32>,
      %slice3A_394 = vector.extract_strided_slice %and3A_378 {offsets = [0, 128], sizes = [1, 128], strides = [1, 1]} : vector<1x640xi1> to vector<1x128xi1>
      %get3A_395 = arith.constant 36 : index
      %get3A_396 = arith.constant 0 : index
      %get3A_397 = arith.constant 0 : index
      %get3A_398 = vector.load %arg10[%get3A_395, %get3A_396, %get3A_397] : memref<40x1x128xf32, #tpu.memory_space<vmem>>, vector<1x1x128xf32>
      %get3A_399 = vector.shape_cast %get3A_398 : vector<1x1x128xf32> to vector<1x128xf32>
      %jit3A_400 = arith.constant 0.000000e+00 : f32
      %broadcast_in_dim3A_401 = vector.broadcast %jit3A_400 : f32 to vector<1x128xf32>
      %select_n3A_402 = arith.select %slice3A_394, %broadcast_in_dim3A_401, %get3A_399 : vector<1x128xi1>, vector<1x128xf32>
      %swap3A_403 = arith.constant 36 : index
      %swap3A_404 = arith.constant 0 : index
      %swap3A_405 = arith.constant 0 : index
      %swap3A_406 = vector.load %arg10[%swap3A_403, %swap3A_404, %swap3A_405] : memref<40x1x128xf32, #tpu.memory_space<vmem>>, vector<1x1x128xf32>
      %swap3A_407 = vector.shape_cast %swap3A_406 : vector<1x1x128xf32> to vector<1x128xf32>
      %swap3A_408 = vector.shape_cast %select_n3A_402 : vector<1x128xf32> to vector<1x1x128xf32>
      tpu.vector_store %arg10[%swap3A_403, %swap3A_404, %swap3A_405], %swap3A_408 {strides = array<i32>} : memref<40x1x128xf32, #tpu.memory_space<vmem>>, vector<1x1x128xf32>,
      %slice3A_409 = vector.extract_strided_slice %and3A_378 {offsets = [0, 256], sizes = [1, 128], strides = [1, 1]} : vector<1x640xi1> to vector<1x128xi1>
      %get3A_410 = arith.constant 37 : index
      %get3A_411 = arith.constant 0 : index
      %get3A_412 = arith.constant 0 : index
      %get3A_413 = vector.load %arg10[%get3A_410, %get3A_411, %get3A_412] : memref<40x1x128xf32, #tpu.memory_space<vmem>>, vector<1x1x128xf32>
      %get3A_414 = vector.shape_cast %get3A_413 : vector<1x1x128xf32> to vector<1x128xf32>
      %jit3A_415 = arith.constant 0.000000e+00 : f32
      %broadcast_in_dim3A_416 = vector.broadcast %jit3A_415 : f32 to vector<1x128xf32>
      %select_n3A_417 = arith.select %slice3A_409, %broadcast_in_dim3A_416, %get3A_414 : vector<1x128xi1>, vector<1x128xf32>
      %swap3A_418 = arith.constant 37 : index
      %swap3A_419 = arith.constant 0 : index
      %swap3A_420 = arith.constant 0 : index
      %swap3A_421 = vector.load %arg10[%swap3A_418, %swap3A_419, %swap3A_420] : memref<40x1x128xf32, #tpu.memory_space<vmem>>, vector<1x1x128xf32>
      %swap3A_422 = vector.shape_cast %swap3A_421 : vector<1x1x128xf32> to vector<1x128xf32>
      %swap3A_423 = vector.shape_cast %select_n3A_417 : vector<1x128xf32> to vector<1x1x128xf32>
      tpu.vector_store %arg10[%swap3A_418, %swap3A_419, %swap3A_420], %swap3A_423 {strides = array<i32>} : memref<40x1x128xf32, #tpu.memory_space<vmem>>, vector<1x1x128xf32>,
      %slice3A_424 = vector.extract_strided_slice %and3A_378 {offsets = [0, 384], sizes = [1, 128], strides = [1, 1]} : vector<1x640xi1> to vector<1x128xi1>
      %get3A_425 = arith.constant 38 : index
      %get3A_426 = arith.constant 0 : index
      %get3A_427 = arith.constant 0 : index
      %get3A_428 = vector.load %arg10[%get3A_425, %get3A_426, %get3A_427] : memref<40x1x128xf32, #tpu.memory_space<vmem>>, vector<1x1x128xf32>
      %get3A_429 = vector.shape_cast %get3A_428 : vector<1x1x128xf32> to vector<1x128xf32>
      %jit3A_430 = arith.constant 0.000000e+00 : f32
      %broadcast_in_dim3A_431 = vector.broadcast %jit3A_430 : f32 to vector<1x128xf32>
      %select_n3A_432 = arith.select %slice3A_424, %broadcast_in_dim3A_431, %get3A_429 : vector<1x128xi1>, vector<1x128xf32>
      %swap3A_433 = arith.constant 38 : index
      %swap3A_434 = arith.constant 0 : index
      %swap3A_435 = arith.constant 0 : index
      %swap3A_436 = vector.load %arg10[%swap3A_433, %swap3A_434, %swap3A_435] : memref<40x1x128xf32, #tpu.memory_space<vmem>>, vector<1x1x128xf32>
      %swap3A_437 = vector.shape_cast %swap3A_436 : vector<1x1x128xf32> to vector<1x128xf32>
      %swap3A_438 = vector.shape_cast %select_n3A_432 : vector<1x128xf32> to vector<1x1x128xf32>
      tpu.vector_store %arg10[%swap3A_433, %swap3A_434, %swap3A_435], %swap3A_438 {strides = array<i32>} : memref<40x1x128xf32, #tpu.memory_space<vmem>>, vector<1x1x128xf32>,
      %slice3A_439 = vector.extract_strided_slice %and3A_378 {offsets = [0, 512], sizes = [1, 128], strides = [1, 1]} : vector<1x640xi1> to vector<1x128xi1>
      %get3A_440 = arith.constant 39 : index
      %get3A_441 = arith.constant 0 : index
      %get3A_442 = arith.constant 0 : index
      %get3A_443 = vector.load %arg10[%get3A_440, %get3A_441, %get3A_442] : memref<40x1x128xf32, #tpu.memory_space<vmem>>, vector<1x1x128xf32>
      %get3A_444 = vector.shape_cast %get3A_443 : vector<1x1x128xf32> to vector<1x128xf32>
      %jit3A_445 = arith.constant 0.000000e+00 : f32
      %broadcast_in_dim3A_446 = vector.broadcast %jit3A_445 : f32 to vector<1x128xf32>
      %select_n3A_447 = arith.select %slice3A_439, %broadcast_in_dim3A_446, %get3A_444 : vector<1x128xi1>, vector<1x128xf32>
      %swap3A_448 = arith.constant 39 : index
      %swap3A_449 = arith.constant 0 : index
      %swap3A_450 = arith.constant 0 : index
      %swap3A_451 = vector.load %arg10[%swap3A_448, %swap3A_449, %swap3A_450] : memref<40x1x128xf32, #tpu.memory_space<vmem>>, vector<1x1x128xf32>
      %swap3A_452 = vector.shape_cast %swap3A_451 : vector<1x1x128xf32> to vector<1x128xf32>
      %swap3A_453 = vector.shape_cast %select_n3A_447 : vector<1x128xf32> to vector<1x1x128xf32>
      tpu.vector_store %arg10[%swap3A_448, %swap3A_449, %swap3A_450], %swap3A_453 {strides = array<i32>} : memref<40x1x128xf32, #tpu.memory_space<vmem>>, vector<1x1x128xf32>,
    }
    %scan3A_186 = arith.constant 5 : i32
    %get3A_187 = arith.constant 0 : index
    %get3A_188 = arith.constant 0 : index
    %get3A_189 = arith.constant 0 : index
    %get3A_190 = vector.load %arg10[%get3A_187, %get3A_188, %get3A_189] : memref<40x1x128xf32, #tpu.memory_space<vmem>>, vector<40x1x128xf32>
    %reshape3A = vector.shape_cast %get3A_190 : vector<40x1x128xf32> to vector<40x128xf32>
    %iota3A_191 = tpu.iota {dimensions = array<i32: 0>} : vector<40x128xi32>
    %mul3A_192 = arith.constant 128 : i32
    %mul3A_193 = vector.broadcast %mul3A_192 : i32 to vector<40x128xi32>
    %mul3A_194 = arith.muli %iota3A_191, %mul3A_193 : vector<40x128xi32>
    %iota3A_195 = tpu.iota {dimensions = array<i32: 1>} : vector<40x128xi32>
    %add3A_196 = arith.addi %mul3A_194, %iota3A_195 : vector<40x128xi32>
    %lt3A = arith.constant 5000 : i32
    %lt3A_197 = vector.broadcast %lt3A : i32 to vector<40x128xi32>
    %lt3A_198 = arith.cmpi slt, %add3A_196, %lt3A_197 : vector<40x128xi32>
    %convert_element_type3A = arith.extui %lt3A_198 : vector<40x128xi1> to vector<40x128xi32>
    %convert_element_type3A_199 = arith.sitofp %convert_element_type3A : vector<40x128xi32> to vector<40x128xf32>
    %mul3A_200 = arith.mulf %reshape3A, %convert_element_type3A_199 : vector<40x128xf32>
    %sub3A_201 = arith.constant 1.000000e+00 : f32
    %sub3A_202 = vector.broadcast %sub3A_201 : f32 to vector<40x128xf32>
    %sub3A_203 = arith.subf %sub3A_202, %reshape3A : vector<40x128xf32>
    %mul3A_204 = arith.mulf %sub3A_203, %convert_element_type3A_199 : vector<40x128xf32>
    %iota3A_205 = tpu.iota {dimensions = array<i32: 0>} : vector<128x128xi32>
    %iota3A_206 = tpu.iota {dimensions = array<i32: 1>} : vector<128x128xi32>
    %le3A = arith.cmpi sle, %iota3A_205, %iota3A_206 : vector<128x128xi32>
    %convert_element_type3A_207 = arith.extui %le3A : vector<128x128xi1> to vector<128x128xi32>
    %convert_element_type3A_208 = arith.sitofp %convert_element_type3A_207 : vector<128x128xi32> to vector<128x128xf32>
    %dot_general3A = arith.constant dense<0.000000e+00> : vector<40x128xf32>
    %dot_general3A_209 = tpu.matmul %mul3A_200, %convert_element_type3A_208, %dot_general3A {dimension_numbers = #tpu.dot_dimension_numbers<[1], [0], [0], [1], [0, 0, 1, 1], [], []>, transpose_lhs_hint = false} : vector<40x128xf32>, vector<128x128xf32>, vector<40x128xf32> -> vector<40x128xf32>
    %dot_general3A_210 = arith.constant dense<0.000000e+00> : vector<40x128xf32>
    %dot_general3A_211 = tpu.matmul %mul3A_204, %convert_element_type3A_208, %dot_general3A_210 {dimension_numbers = #tpu.dot_dimension_numbers<[1], [0], [0], [1], [0, 0, 1, 1], [], []>, transpose_lhs_hint = false} : vector<40x128xf32>, vector<128x128xf32>, vector<40x128xf32> -> vector<40x128xf32>
    %slice3A_212 = vector.extract_strided_slice %dot_general3A_209 {offsets = [0, 127], sizes = [40, 1], strides = [1, 1]} : vector<40x128xf32> to vector<40x1xf32>
    %slice3A_213 = vector.extract_strided_slice %dot_general3A_211 {offsets = [0, 127], sizes = [40, 1], strides = [1, 1]} : vector<40x128xf32> to vector<40x1xf32>
    %iota3A_214 = tpu.iota {dimensions = array<i32: 1>} : vector<40x40xi32>
    %iota3A_215 = tpu.iota {dimensions = array<i32: 0>} : vector<40x40xi32>
    %lt3A_216 = arith.cmpi slt, %iota3A_214, %iota3A_215 : vector<40x40xi32>
    %convert_element_type3A_217 = arith.extui %lt3A_216 : vector<40x40xi1> to vector<40x40xi32>
    %convert_element_type3A_218 = arith.sitofp %convert_element_type3A_217 : vector<40x40xi32> to vector<40x40xf32>
    %dot_general3A_219 = arith.constant dense<0.000000e+00> : vector<40x1xf32>
    %dot_general3A_220 = tpu.matmul %convert_element_type3A_218, %slice3A_212, %dot_general3A_219 {dimension_numbers = #tpu.dot_dimension_numbers<[1], [0], [0], [1], [0, 0, 1, 1], [], []>, transpose_lhs_hint = false} : vector<40x40xf32>, vector<40x1xf32>, vector<40x1xf32> -> vector<40x1xf32>
    %dot_general3A_221 = arith.constant dense<0.000000e+00> : vector<40x1xf32>
    %dot_general3A_222 = tpu.matmul %convert_element_type3A_218, %slice3A_213, %dot_general3A_221 {dimension_numbers = #tpu.dot_dimension_numbers<[1], [0], [0], [1], [0, 0, 1, 1], [], []>, transpose_lhs_hint = false} : vector<40x40xf32>, vector<40x1xf32>, vector<40x1xf32> -> vector<40x1xf32>
    %reduce_sum3A = vector.shape_cast %mul3A_200 : vector<40x128xf32> to vector<1x40x128xf32>
    %reduce_sum3A_223 = arith.constant dense<0.000000e+00> : vector<1xf32>
    %reduce_sum3A_224 = vector.multi_reduction <add>, %reduce_sum3A, %reduce_sum3A_223 [1, 2] : vector<1x40x128xf32> to vector<1xf32>
    %reduce_sum3A_225 = vector.shape_cast %reduce_sum3A_224 : vector<1xf32> to vector<1x1x1xf32>
    %reduce_sum3A_226 = vector.extract %reduce_sum3A_225[0, 0, 0] : f32 from vector<1x1x1xf32>
    %sub3A_227 = arith.constant 1.000000e+00 : f32
    %sub3A_228 = vector.broadcast %sub3A_227 : f32 to vector<40x128xf32>
    %sub3A_229 = arith.subf %dot_general3A_209, %sub3A_228 : vector<40x128xf32>
    %add3A_230 = vector.broadcast %dot_general3A_220 : vector<40x1xf32> to vector<40x128xf32>
    %add3A_231 = arith.addf %sub3A_229, %add3A_230 : vector<40x128xf32>
    %sub3A_232 = arith.constant 1.000000e+00 : f32
    %sub3A_233 = vector.broadcast %sub3A_232 : f32 to vector<40x128xf32>
    %sub3A_234 = arith.subf %dot_general3A_211, %sub3A_233 : vector<40x128xf32>
    %add3A_235 = vector.broadcast %dot_general3A_222 : vector<40x1xf32> to vector<40x128xf32>
    %add3A_236 = arith.addf %sub3A_234, %add3A_235 : vector<40x128xf32>
    %add3A_237 = vector.broadcast %reduce_sum3A_226 : f32 to vector<40x128xf32>
    %add3A_238 = arith.addf %add3A_236, %add3A_237 : vector<40x128xf32>
    %gt3A_239 = arith.constant 0.000000e+00 : f32
    %gt3A_240 = vector.broadcast %gt3A_239 : f32 to vector<40x128xf32>
    %gt3A_241 = arith.cmpf ogt, %mul3A_200, %gt3A_240 : vector<40x128xf32>
    %gt3A_242 = arith.constant 0.000000e+00 : f32
    %gt3A_243 = vector.broadcast %gt3A_242 : f32 to vector<40x128xf32>
    %gt3A_244 = arith.cmpf ogt, %mul3A_204, %gt3A_243 : vector<40x128xf32>
    %jit3A = arith.constant 9.999900e+04 : f32
    %broadcast_in_dim3A_245 = vector.broadcast %jit3A : f32 to vector<40x128xf32>
    %select_n3A = arith.select %gt3A_244, %add3A_238, %broadcast_in_dim3A_245 : vector<40x128xi1>, vector<40x128xf32>
    %select_n3A_246 = arith.select %gt3A_241, %add3A_231, %select_n3A : vector<40x128xi1>, vector<40x128xf32>
    %lt3A_247 = arith.constant 2.048000e+03 : f32
    %lt3A_248 = vector.broadcast %lt3A_247 : f32 to vector<40x128xf32>
    %lt3A_249 = arith.cmpf olt, %select_n3A_246, %lt3A_248 : vector<40x128xf32>
    %jit3A_250 = arith.constant 2.048000e+03 : f32
    %broadcast_in_dim3A_251 = vector.broadcast %jit3A_250 : f32 to vector<40x128xf32>
    %select_n3A_252 = arith.select %lt3A_249, %select_n3A_246, %broadcast_in_dim3A_251 : vector<40x128xi1>, vector<40x128xf32>
    %convert_element_type3A_253 = arith.fptosi %select_n3A_252 : vector<40x128xf32> to vector<40x128xi32>
    %reshape3A_254 = vector.shape_cast %convert_element_type3A_253 : vector<40x128xi32> to vector<40x1x128xi32>
    %swap3A_255 = arith.constant 0 : index
    %swap3A_256 = arith.constant 0 : index
    %swap3A_257 = arith.constant 0 : index
    %swap3A_258 = vector.load %arg9[%swap3A_255, %swap3A_256, %swap3A_257] : memref<40x1x128xi32, #tpu.memory_space<vmem>>, vector<40x1x128xi32>
    tpu.vector_store %arg9[%swap3A_255, %swap3A_256, %swap3A_257], %reshape3A_254 {strides = array<i32>} : memref<40x1x128xi32, #tpu.memory_space<vmem>>, vector<40x1x128xi32>,
    return
  }
}

</mosaic_0001>

<sc_bundles>
// kernel: kernel.4.cloned.1.call-start
scs
__scs_entry_jumppad:
0x0: {  	(pc) =	sbr.rel $0x88, $3  }
0x1: {  	(tag) =	ssettag $0x0;
	lr =	simm.s32 $0x1  }
0x2: {  	[smem:$0x3F9F] =	sst lr;
	_ =	strace $0xD0000000  }
0x3: {  	_ = 	snop  }
0x4: {  	_ = 	snop  }
0x5: {  	_ = 	snop  }
0x6: {  	_ = 	snop  }
0x7: {  	_ = 	snop  }
__scs_overlays_trampoline_lowered:
0x8: {  	[smem:$0x3FAE] =	sst s0  }
0x9: {  	[smem:$0x3FAF] =	sst s1  }
0xa: {  	[smem:$0x3FB0] =	sst s2  }
0xb: {  	[smem:$0x3FB1] =	sst s3  }
0xc: {  	[smem:$0x3FB2] =	sst s4  }
0xd: {  	[smem:$0x3FB3] =	sst s5  }
0xe: {  	[smem:$0x3FB4] =	sst s6  }
0xf: {  	[smem:$0x3FB5] =	sst s7  }
0x10: {  	[smem:$0x3FB6] =	sst s8  }
0x11: {  	[smem:$0x3FB7] =	sst s9;
	s0 =	simm.s32 @!p0 $0x0  }
0x12: {  	s1 =	sld [smem:$0x3F9D];
	s0 =	simm.s32 @p0 $0x1  }
0x13: {  	[smem:$0x3FB8] =	sst s0;
	s0 =	simm.s32 @!p1 $0x0  }
0x14: {  	s2 =	sld [smem:$0x3F9C];
	s0 =	simm.s32 @p1 $0x1  }
0x15: {  	[smem:$0x3FB9] =	sst s0;
	s0 =	simm.s32 @!p2 $0x0  }
0x16: {  	s3 =	sld [smem:$0x3FDB];
	s0 =	simm.s32 @p2 $0x1  }
0x17: {  	s4 =	simm.s32 $0x1BF5;
	[smem:$0x3FBB] =	sst s0  }
0x18: {  	s0 =	sld [smem:$0x3F9E];
	_ =	swait.ge [sflag:s4], $0x0  }
0x19: {  	s7 =	sld [smem:$0x3F9F]  }
0x1a: {  	s8 =	sadd.s32 $0xFFFFE003, lr  }
0x1b: {  	s9 =	sadd.s32 $0xFFFFFEF7, lr;
	s5 =	simm.s32 $0xFFFFFFFF;
	p2 =	slt.u32 s8, $0xFFFFF086  }
0x1c: {  	p1 =	slt.u32 s9, $0xF7A;
	s5 =	simm.s32 @!p2 $0x0  }
0x1d: {  	s5 =	simm.s32 @p1 $0x1;
	p0 =	seq.s32 s7, s2  }
0x1e: {  	s7 =	smul.u32 @!p0 $0xF7A, s2;
	p2 =	seq.s32 @!p0 s5, $0x0  }
0x1f: {  	s9 =	smul.u32 $0xF7A, s1;
	s8 =	simm.s32 @!p0 $0x1BF5;
	p2 =	por !p2, p0  }
0x20: {  	[sflag:s8] =	ssyncset.s32 @!p0 $0xFFFFF086;
	s6 =	sadd.s32 @!p0 s3, s7;
	s7 =	simm.s32 @!p0 $0x108  }
0x21: {  	s3 =	sadd.s32 s3, s9;
	s6 =	sadd.s32 @!p0 $0x88, s6;
	s7 =	simm.s32 @p2 $0x1082  }
0x22: {  	[simem:s7], [sflag:s8] =	dma.local @!p0 [hbm:s6], $0xF7A  }
0x23: {  	s9 =	sor.u32 $0xD0000000, s2;
	s6 =	simm.s32 $0x108;
	_ =	swait.ge @!p0 [sflag:s8], $0x0  }
0x24: {  	s3 =	sadd.s32 $0x88, s3;
	s6 =	simm.s32 @!p1 $0x1082;
	[sflag:s4] =	ssyncset.s32 $0xFFFFF086  }
0x25: {  	[simem:s6], [sflag:s4] =	dma.local [hbm:s3], $0xF7A  }
0x26: {  	[smem:$0x3F9F] =	sst s1;
	(tag) =	ssettag s2;
	_ =	strace s9  }
0x27: {  	s1 =	sld [smem:$0x3FAF]  }
0x28: {  	s2 =	sld [smem:$0x3FB0]  }
0x29: {  	s4 =	sld [smem:$0x3FB2]  }
0x2a: {  	p0 =	seq.s32 s5, $0x0;
	s5 =	sld [smem:$0x3FB3]  }
0x2b: {  	s6 =	sld [smem:$0x3FB4]  }
0x2c: {  	s7 =	sld [smem:$0x3FB5]  }
0x2d: {  	s3 =	simm.s32 $0x108;
	s8 =	sld [smem:$0x3FB6]  }
0x2e: {  	s3 =	simm.s32 @!p0 $0x1082;
	s9 =	sld [smem:$0x3FB7]  }
0x2f: {  	lr =	sadd.s32 s0, s3;
	s0 =	sld [smem:$0x3FAE]  }
0x30: {  	s3 =	sld [smem:$0x3FB1]  }
0x31: {  	[smem:$0x3FBA] =	sst s10  }
0x32: {  	s10 =	sld [smem:$0x3FB8];
	_ =	sdelay $0x3  }
0x33: {  	p0 =	seq.s32 s10, $0x1;
	s10 =	sld [smem:$0x3FBA];
	_ =	sdelay $0x3  }
0x34: {  	[smem:$0x3FBA] =	sst s10  }
0x35: {  	s10 =	sld [smem:$0x3FB9];
	_ =	sdelay $0x3  }
0x36: {  	p1 =	seq.s32 s10, $0x1;
	s10 =	sld [smem:$0x3FBA];
	_ =	sdelay $0x3  }
0x37: {  	[smem:$0x3FBA] =	sst s10  }
0x38: {  	s10 =	sld [smem:$0x3FBB]  }
0x39: {  	_ = 	snop;
	(pc) =	sbr.ind lr, $3  }
0x3a: {  	_ = 	snop  }
0x3b: {  	_ = 	snop  }
0x3c: {  	p2 =	seq.s32 s10, $0x1;
	s10 =	sld [smem:$0x3FBA]  }
0x3d: {  	_ =	shalt  }
0x3e: {  	_ =	shalt  }
0x3f: {  	_ =	shalt  }
0x40: {  	_ =	shalt  }
0x41: {  	_ =	shalt  }
0x42: {  	_ =	shalt  }
0x43: {  	_ =	shalt  }
0x44: {  	_ =	shalt  }
0x45: {  	_ =	shalt  }
0x46: {  	_ =	shalt  }
0x47: {  	_ =	shalt  }
0x48: {  	_ =	shalt  }
0x49: {  	_ =	shalt  }
0x4a: {  	_ =	shalt  }
0x4b: {  	_ =	shalt  }
0x4c: {  	_ =	shalt  }
0x4d: {  	_ =	shalt  }
0x4e: {  	_ =	shalt  }
0x4f: {  	_ =	shalt  }
0x50: {  	_ =	shalt  }
0x51: {  	_ =	shalt  }
0x52: {  	_ =	shalt  }
0x53: {  	_ =	shalt  }
0x54: {  	_ =	shalt  }
0x55: {  	_ =	shalt  }
0x56: {  	_ =	shalt  }
0x57: {  	_ =	shalt  }
0x58: {  	_ =	shalt  }
0x59: {  	_ =	shalt  }
0x5a: {  	_ =	shalt  }
0x5b: {  	_ =	shalt  }
0x5c: {  	_ =	shalt  }
0x5d: {  	_ =	shalt  }
0x5e: {  	_ =	shalt  }
0x5f: {  	_ =	shalt  }
0x60: {  	_ =	shalt  }
0x61: {  	_ =	shalt  }
0x62: {  	_ =	shalt  }
0x63: {  	_ =	shalt  }
0x64: {  	_ =	shalt  }
0x65: {  	_ =	shalt  }
0x66: {  	_ =	shalt  }
0x67: {  	_ =	shalt  }
0x68: {  	_ =	shalt  }
0x69: {  	_ =	shalt  }
0x6a: {  	_ =	shalt  }
0x6b: {  	_ =	shalt  }
0x6c: {  	_ =	shalt  }
0x6d: {  	_ =	shalt  }
0x6e: {  	_ =	shalt  }
0x6f: {  	_ =	shalt  }
0x70: {  	_ =	shalt  }
0x71: {  	_ =	shalt  }
0x72: {  	_ =	shalt  }
0x73: {  	_ =	shalt  }
0x74: {  	_ =	shalt  }
0x75: {  	_ =	shalt  }
0x76: {  	_ =	shalt  }
0x77: {  	_ =	shalt  }
0x78: {  	_ =	shalt  }
0x79: {  	_ =	shalt  }
0x7a: {  	_ =	shalt  }
0x7b: {  	_ =	shalt  }
0x7c: {  	_ =	shalt  }
0x7d: {  	_ =	shalt  }
0x7e: {  	_ =	shalt  }
0x7f: {  	_ =	shalt  }
0x80: {  	_ =	shalt  }
0x81: {  	_ =	shalt  }
0x82: {  	_ =	shalt  }
0x83: {  	_ =	shalt  }
0x84: {  	_ =	shalt  }
0x85: {  	_ =	shalt  }
0x86: {  	_ =	shalt  }
0x87: {  	_ =	shalt  }
.Lfunc_end0:
.L_simem_size_0:
called_computation_lowered:
.L_overlay_start_0:
0x88: {  	s2 =	sld [smem:$0x3FD9]  }
0x89: {  	s3 =	sld [smem:$0x3FFE];
	_ =	sdelay $0x1  }
0x8a: {  	s1 =	srdreg.scid  }
0x8b: {  	s0 =	sand.u32 $0x1, s1  }
0x8c: {  	s17 =	sshll.u32 s0, $0xA;
	s2 =	sadd.s32 s3, s2  }
0x8d: {  	s2 =	sadd.s32 s2, s17  }
0x8e: {  	[smem:$0x3FC6] =	sst s2  }
0x8f: {  	_ = 	snop  }
0x90: {  	s2 =	sld [smem:$0x3FD0];
	(tm) =	ssettm $0x1  }
0x91: {  	s18 =	sld [smem:$0x3FFB];
	_ =	sdelay $0x3  }
0x92: {  	_ =	strace s18  }
0x93: {  	s3 =	sld [smem:$0x3FFC];
	_ =	sdelay $0x3  }
0x94: {  	_ =	strace s3  }
0x95: {  	s3 =	sld [smem:$0x3FFD];
	_ =	sdelay $0x3  }
0x96: {  	_ =	strace s3  }
0x97: {  	_ =	strace $0x8FFFFFFF  }
0x98: {  	s19 =	sld [smem:$0x3FDB];
	_ =	sdelay $0x1  }
0x99: {  	s4 =	simm.s32 $_scs_section_size  }
0x9a: {  	s5 =	simm.s32 $_size__tile_overlayer_lowered;
	s6 =	simm.s32 $_tile_overlayer_lowered  }
0x9b: {  	s22 =	simm.s32 $0x1BFF;
	s21 =	sshll.u32 s6, $0x1;
	s3 =	sadd.s32 s4, s19  }
0x9c: {  	s7 =	simm.s32 $0x0;
	s20 =	sshll.u32 s5, $0x1;
	s5 =	sadd.s32 s21, s3  }
0x9d: {  	[timem:s7], [sflag:s22] =	dma.local [hbm:s5], s20  }
0x9e: {  	_ =	swait.ge [sflag:s22], s20  }
0x9f: {  	s4 =	ssub.s32 $0x0, s20;
	[sflag:s22] =	ssyncset.done $0x0  }
0xa0: {  	[sflag:s22] =	ssyncadd.s32 s4;
	_ =	sdelay $0x1  }
0xa1: {  	s23 =	simm.s32 $0x1B8B  }
0xa2: {  	_ =	swait.ge [sflag:s23], $0x1  }
0xa3: {  	[sflag:s23] =	ssyncset.done $0x0  }
0xa4: {  	s25 =	simm.s32 $0x1B8E;
	s24 =	sld [smem:$0x3FFE];
	[sflag:s23] =	ssyncadd.s32 $0xFFFFFFFF  }
0xa5: {  	s26 =	simm.s32 $execute0_lowered;
	[smem:$0x3FD2] =	sst s25  }
0xa6: {  	s5 =	sshll.u32 s26, $0x1;
	_ =	strace $0x80000046;
	[dreg:$0x1] =	wrdreg $0xFFFFFFFF  }
0xa7: {  	s28 =	simm.s32 $_size_execute0_lowered;
	s3 =	sadd.s32 s3, s5;
	[dreg:$0x0] =	wrdreg $0x0  }
0xa8: {  	s5 =	sshll.u32 s28, $0x1;
	[dreg:$0x2] =	wrdreg s3  }
0xa9: {  	[dreg:$0x3] =	wrdreg s5  }
0xaa: {  	[dreg:$0x4] =	wrdreg $0xC0  }
0xab: {  	_ =	task [dreg:s7], $0x5FFFF  }
0xac: {  	[dreg:$0x1] =	wrdreg $0xFFFFFFFF  }
0xad: {  	[dreg:$0x0] =	wrdreg $0x60  }
0xae: {  	[dreg:$0x2] =	wrdreg s24  }
0xaf: {  	[dreg:$0x3] =	wrdreg s2  }
0xb0: {  	[dreg:$0x4] =	wrdreg $0x9  }
0xb1: {  	_ =	task.clear_ibuf [dreg:s7], $0x5FFFF;
	_ =	strace $0x90000046  }
0xb2: {  	s29 =	simm.s32 $0x9;
	_ =	strace $0x80000048  }
0xb3: {  	_ =	swait.ge [sflag:s29], $0x1  }
0xb4: {  	[sflag:s29] =	ssyncadd.s32 $0xFFFFFFFF  }
0xb5: {  	_ =	strace $0x90000048  }
0xb6: {  	_ =	sfence  }
0xb7: {  	s30 =	sld [smem:$0x0];
	_ =	sdelay $0x2  }
0xb8: {  	s31 =	sshll.u32 s1, $0xD;
	s1 =	sshrl.u32 s1, $0x2  }
0xb9: {  	s3 =	sand.u32 $0x4000, s31;
	s1 =	sadd.s32 s1, s30  }
0xba: {  	s0 =	sor.u32 s3, s0;
	s1 =	sshll.u32 s1, $0x11  }
0xbb: {  	s0 =	sor.u32 s1, s0  }
0xbc: {  	s0 =	sadd.s32 $0x8F2B, s0  }
0xbd: {  	[sflag:s0] =	ssyncadd.remote.s32 $0x1  }
0xbe: {  	_ =	sfence.sel $0xFFFF  }
0xbf: {  	[dreg:$0x0] =	wrdreg $0xFFFFFFFF;
	(pc) =	sbr.abs _section_cstart, $3  }
0xc0: {  	[dreg:$0x1] =	wrdreg $0xFFFFFFFF  }
0xc1: {  	_ =	task.clear_ibuf [dreg:s7], $0x2FFFF;
	_ =	strace $0x9FFFFFFF  }
0xc2: {  	(tm) =	ssettm $0x7FFFFFFF  }
0xc3: {  	_ =	shalt  }
tec
execute0_lowered:
.L_overlay_start_1:
0x0: {  	(tag) =	ssettag $0x1  }
0x1: {  	s1 =	srdreg.scid;
	s0 =	stileid.u32  }
0x2: {  	s15 =	sand.u32 $0x1, s1;
	s29 =	sshll.u32 s0, $0x1  }
0x3: {  	s12 =	rddreg [dreg:$0x0];
	s5 =	sor.u32 s15, s29  }
0x4: {  	s4 =	rddreg [dreg:$0x1];
	s3 =	smul.u32 $0xA0, s5  }
0x5: {  	s2 =	simm.s32 $0x0;
	s1 =	rddreg [dreg:$0x2]  }
0x6: {  	[smem:$0x7FF] =	sst s2;
	s6 =	sshrl.u32 s3, $0x3;
	s7 =	sadd.s32 $0x80, s3  }
0x7: {  	_ =	strace $0x80000047;
	s3 =	sadd.s32 s4, s6;
	s30 =	sshrl.u32 s7, $0x3  }
0x8: {  	[tilespmem:s2], [sflag:$0x1] =	stream.linear.gather [hbm4b:s3+s2], $0x80, $0x38;
	[tilespmem:$0xAA0] =	vst v63  }
0x9: {  	s31 =	smul.u32 $0x140, s5;
	s5 =	simm.s32 $0x80;
	s4 =	sadd.s32 s4, s30  }
0xa: {  	[tilespmem:s5], [sflag:$0x2] =	stream.linear.gather [hbm4b:s4+s2], $0x20, $0x38;
	[tilespmem:$0xAA0] =	vst v63  }
0xb: {  	s6 =	sadd.s32 s12, s31;
	s8 =	sshll.u32 s7, $0x1;
	s7 =	simm.s32 $0xA0  }
0xc: {  	[tilespmem:s7], [sflag:$0x3] =	stream.linear.gather [hbm4b:s6+s2], $0x800, $0x38;
	[tilespmem:$0xAA0] =	vst v63  }
0xd: {  	s9 =	simm.s32 $0x8A0;
	s10 =	simm.s32 $0x1;
	s8 =	sadd.s32 s12, s8  }
0xe: {  	[tilespmem:s9], [sflag:$0x4] =	stream.linear.gather [hbm4b:s8+s2], $0x200, $0x38;
	[tilespmem:$0xAA0] =	vst v63  }
0xf: {  	_ =	swait.ge [sflag:s10], $0x80  }
0x10: {  	[sflag:s10] =	ssyncset.done $0x0  }
0x11: {  	s11 =	simm.s32 $0x3;
	[sflag:s10] =	ssyncadd.s32 $0xFFFFFF80  }
0x12: {  	_ =	swait.ge [sflag:s11], $0x800  }
0x13: {  	[sflag:s11] =	ssyncset.done $0x0  }
0x14: {  	s13 =	sadd.s32 $0x2800, s12;
	s12 =	simm.s32 $0x2;
	[sflag:s11] =	ssyncadd.s32 $0xFFFFF800  }
0x15: {  	[hbm4b:s13+s5] =	stream.indirect.scatter [tilespmem:s7], [sflag:$0x1], $0x10, s2, s5, $0xb8;
	[tilespmem:$0xAA0] =	vst v63  }
0x16: {  	_ =	swait.ge [sflag:s12], $0x20  }
0x17: {  	s16 =	ssub.s32 $0x2, s15;
	[sflag:s12] =	ssyncset.done $0x0  }
0x18: {  	s14 =	simm.s32 $0x4;
	s17 =	sshrl.u32 s16, $0x1;
	[sflag:s12] =	ssyncadd.s32 $0xFFFFFFE0  }
0x19: {  	s16 =	ssub.s32 s16, s17;
	_ =	swait.ge [sflag:s14], $0x200  }
0x1a: {  	s16 =	smax.u32 s16, $0x1;
	[sflag:s14] =	ssyncset.done $0x0  }
0x1b: {  	s15 =	simm.s32 $0x20;
	p0 =	sne.s32 s16, $0x1;
	[sflag:s14] =	ssyncadd.s32 $0xFFFFFE00  }
0x1c: {  	[hbm4b:s13+s15] =	stream.indirect.scatter [tilespmem:s9], [sflag:$0x2], $0x10, s5, s15, $0xb8;
	[tilespmem:$0xAA0] =	vst v63  }
.Ltmp0:
0x1d: {  	_ =	swait.ge [sflag:s10], $0x800;
	(pc) =	sbr.rel @!p0 .LBB2_2-.Ltmp0, $4  }
0x1e: {  	[sflag:s10] =	ssyncset.done $0x0  }
0x1f: {  	[sflag:s10] =	ssyncadd.s32 $0xFFFFF800  }
0x20: {  	_ =	swait.ge [sflag:s12], $0x200  }
0x21: {  	s16 =	sadd.s32 $0xFFFFFFFF, s16;
	[sflag:s12] =	ssyncset.done $0x0  }
.LBB2_1:
0x22: {  	p0 =	sne.s32 s16, $0x1;
	s16 =	sadd.s32 $0xFFFFFFFF, s16;
	[sflag:s12] =	ssyncadd.s32 $0xFFFFFE00  }
0x23: {  	[tilespmem:s2], [sflag:$0x1] =	stream.linear.gather [hbm4b:s3+s2], $0x80, $0x38;
	[tilespmem:$0xAA0] =	vst v63  }
0x24: {  	_ = 	snop  }
0x25: {  	[tilespmem:s5], [sflag:$0x2] =	stream.linear.gather [hbm4b:s4+s2], $0x20, $0x38;
	[tilespmem:$0xAA0] =	vst v63  }
0x26: {  	_ = 	snop  }
0x27: {  	[tilespmem:s7], [sflag:$0x3] =	stream.linear.gather [hbm4b:s6+s2], $0x800, $0x38;
	[tilespmem:$0xAA0] =	vst v63  }
0x28: {  	_ = 	snop  }
0x29: {  	[tilespmem:s9], [sflag:$0x4] =	stream.linear.gather [hbm4b:s8+s2], $0x200, $0x38;
	[tilespmem:$0xAA0] =	vst v63  }
0x2a: {  	_ =	swait.ge [sflag:s10], $0x80  }
0x2b: {  	[sflag:s10] =	ssyncset.done $0x0  }
0x2c: {  	[sflag:s10] =	ssyncadd.s32 $0xFFFFFF80  }
0x2d: {  	_ =	swait.ge [sflag:s11], $0x800  }
0x2e: {  	[sflag:s11] =	ssyncset.done $0x0  }
0x2f: {  	[sflag:s11] =	ssyncadd.s32 $0xFFFFF800  }
0x30: {  	[hbm4b:s13+s5] =	stream.indirect.scatter [tilespmem:s7], [sflag:$0x1], $0x10, s2, s5, $0xb8;
	[tilespmem:$0xAA0] =	vst v63  }
0x31: {  	_ =	swait.ge [sflag:s12], $0x20  }
0x32: {  	[sflag:s12] =	ssyncset.done $0x0  }
0x33: {  	[sflag:s12] =	ssyncadd.s32 $0xFFFFFFE0  }
0x34: {  	_ =	swait.ge [sflag:s14], $0x200  }
0x35: {  	[sflag:s14] =	ssyncset.done $0x0  }
0x36: {  	[sflag:s14] =	ssyncadd.s32 $0xFFFFFE00  }
0x37: {  	[hbm4b:s13+s15] =	stream.indirect.scatter [tilespmem:s9], [sflag:$0x2], $0x10, s5, s15, $0xb8;
	[tilespmem:$0xAA0] =	vst v63  }
.Ltmp1:
0x38: {  	_ =	swait.ge [sflag:s10], $0x800;
	(pc) =	sbr.rel @p0 .LBB2_1-.Ltmp1, $4  }
0x39: {  	[sflag:s10] =	ssyncset.done $0x0  }
0x3a: {  	[sflag:s10] =	ssyncadd.s32 $0xFFFFF800  }
0x3b: {  	_ =	swait.ge [sflag:s12], $0x200  }
0x3c: {  	[sflag:s12] =	ssyncset.done $0x0  }
.LBB2_2:
0x3d: {  	[sflag:s12] =	ssyncadd.s32 $0xFFFFFE00  }
0x3e: {  	_ =	sfence.sel $0x180000  }
0x3f: {  	[bflag:$0x0] =	sbarrier.arrive $0xFFFF  }
0x40: {  	p0 =	sne.s32 s0, $0x0;
	_ =	strace $0x90000047  }
0x41: {  	s0 =	sadd.s32 @!p0 $0x100000, s1;
	[bflag:$0x2] =	sbarrier.arrive $0xFFFF  }
0x42: {  	[sflag:s0] =	ssyncadd.tile.s32 @!p0 $0x1;
	_ =	shalt  }
.Lfunc_end2:
_tile_overlayer_lowered:
.L_overlay_start_2:
0x43: {  	(tag) =	ssettag $0x2  }
0x44: {  	s0 =	rddreg [dreg:$0x0];
	s2 =	stileid.u32  }
0x45: {  	s1 =	rddreg [dreg:$0x1];
	p0 =	sne.s32 s2, $0x0  }
0x46: {  	s3 =	rddreg [dreg:$0x2];
	[bflag:$0x3] =	sbarrier.arrive $0xFFFF;
	s2 =	simm.s32 @!p0 $0x1C05  }
0x47: {  	[timem:s3], [sflag:s2] =	dma.local @!p0 [hbm:s0], s1  }
0x48: {  	s0 =	simm.s32 @!p0 $0x5  }
0x49: {  	_ =	swait.ge @!p0 [sflag:s0], s1  }
0x4a: {  	s1 =	ssub.s32 @!p0 $0x0, s1;
	[sflag:s0] =	ssyncset.done @!p0 $0x0  }
0x4b: {  	[sflag:s0] =	ssyncadd.s32 @!p0 s1  }
0x4c: {  	[bflag:$0x3] =	sbarrier.arrive $0xFFFF  }
0x4d: {  	_ =	shalt  }

</sc_bundles>
